<compile_context>
chip_gen: v7x
topology: tpu7x:2x2x1
jax: 0.10.2.dev20260603
libtpu: 0.0.44.dev20260713+nightly
codegen_flags: <defaults>
</compile_context>

<pallas_src>
import functools

import jax
import jax.numpy as jnp
import numpy as np
from jax import lax
from jax.experimental import pallas as pl
from jax.experimental.pallas import tpu as pltpu
from jax.experimental.pallas import tpu_sc as plsc

_FREQS = np.asarray([1.0, 2.0, 4.0, 8.0], dtype=np.float32)
_HI = lax.Precision.DEFAULT
_INTERP = False


def _dot(x, w):
    return jnp.dot(x, w, preferred_element_type=jnp.float32, precision=_HI)


def _dot_t(xt, w):
    return lax.dot_general(xt, w, (((0,), (0,)), ((), ())),
                           preferred_element_type=jnp.float32, precision=_HI)


def _conv_block(a128, g128, w1bd, b1t, w2s, b2k, rpn):
    m = a128.shape[0]
    g3 = g128.reshape(m, rpn, 128)
    h0 = jnp.maximum(g3 + a128[:, None, :], 0.0)
    h0b = h0.reshape(m * rpn, 128).astype(jnp.bfloat16)
    h1 = jnp.maximum(
        jnp.dot(h0b, w1bd, preferred_element_type=jnp.float32) + b1t, 0.0)
    s128 = h1.reshape(m, rpn, 128).sum(axis=1)
    return _dot(s128, w2s) + b2k


def _tc1_body(sp4_ref, data_ref, t_ref, f8c_ref, ph8c_ref, wa_ref, wda_ref,
              wb_ref, wdb_ref, b0_ref, a_ref, bt_ref, enc_ref):
    sp4 = sp4_ref[...]
    x = data_ref[...]
    a_ref[...] = _dot(sp4, wa_ref[...]) + _dot(x, wda_ref[...]) + b0_ref[...]
    bt_ref[...] = _dot(sp4, wb_ref[...]) + _dot(x, wdb_ref[...])
    enc_ref[...] = jnp.sin(f8c_ref[...] * t_ref[0] + ph8c_ref[...])


def _tc2_body(a_ref, g_ref, data_ref, enc_ref,
              tile4_ref, w1_ref, b1_ref, w2_ref, b2k_ref,
              wtae_ref, wtad_ref, wtan_ref, wtbe_ref, wtbd_ref, wtbn_ref,
              bt0_ref, nei_ref, at_ref, btab_ref):
    a128 = _dot(a_ref[...], tile4_ref[...])
    nei = _conv_block(a128, g_ref[...], w1_ref[...], b1_ref[...],
                      w2_ref[...], b2k_ref[...], rpn=4)
    nei_ref[...] = nei
    x = data_ref[...]
    enc_t = enc_ref[...]
    at_ref[...] = (_dot_t(enc_t, wtae_ref[...]) + _dot(x, wtad_ref[...])
                   + _dot(nei, wtan_ref[...]) + bt0_ref[...])
    btab_ref[...] = (_dot_t(enc_t, wtbe_ref[...]) + _dot(x, wtbd_ref[...])
                     + _dot(nei, wtbn_ref[...]))


def _tc3_body(a_ref, g_ref, data_ref, snei_ref, enc_ref,
              tile4_ref, w1_ref, b1_ref, w2_ref, b2k_ref,
              wc0d_ref, wc0s_ref, wc0t_ref, bc0_ref, wc1_ref, bc1_ref,
              wqbe_ref, wqbk_ref, xq_ref):
    a128 = _dot(a_ref[...], tile4_ref[...])
    tnei = _conv_block(a128, g_ref[...], w1_ref[...], b1_ref[...],
                       w2_ref[...], b2k_ref[...], rpn=2)
    x = data_ref[...]
    h = jnp.maximum(_dot(x, wc0d_ref[...]) + _dot(snei_ref[...], wc0s_ref[...])
                    + _dot(tnei, wc0t_ref[...]) + bc0_ref[...], 0.0)
    key = _dot(h, wc1_ref[...]) + bc1_ref[...]
    xq_ref[...] = _dot_t(enc_ref[...], wqbe_ref[...]) + _dot(key, wqbk_ref[...])


def _tc4_body(q_ref, g_ref, f8c_ref, ph8c_ref, wqa_ref, bq0_ref, tile2_ref,
              w1_ref, b1_ref, w2_ref, b2k_ref, out_ref):
    enc_t = jnp.sin(f8c_ref[...] * q_ref[0] + ph8c_ref[...])
    a_q = _dot_t(enc_t, wqa_ref[...]) + bq0_ref[...]
    a128 = _dot(a_q, tile2_ref[...])
    out_ref[...] = _conv_block(a128, g_ref[...], w1_ref[...], b1_ref[...],
                               w2_ref[...], b2k_ref[...], rpn=4)


def _gather_rows(table, idx, chunk, e_off=0, e_count=None):
    e_total = e_count if e_count is not None else idx.shape[0]
    d = table.shape[1]
    nc, ns = 2, 16
    nw = nc * ns
    per_w = e_total // nw
    nch = per_w // chunk
    mesh = plsc.VectorSubcoreMesh(core_axis_name="c", subcore_axis_name="s")

    @functools.partial(
        pl.kernel, mesh=mesh,
        out_type=jax.ShapeDtypeStruct((e_total, d), jnp.float32),
        scratch_types=[pltpu.VMEM((chunk,), jnp.int32),
                       pltpu.VMEM((chunk,), jnp.int32),
                       pltpu.VMEM((chunk, d), jnp.float32),
                       pltpu.VMEM((chunk, d), jnp.float32),
                       pltpu.SemaphoreType.DMA,
                       pltpu.SemaphoreType.DMA,
                       pltpu.SemaphoreType.DMA,
                       pltpu.SemaphoreType.DMA,
                       pltpu.SemaphoreType.DMA],
        compiler_params=pltpu.CompilerParams(use_tc_tiling_on_sc=False),
    )
    def gk(idx_hbm, tab_hbm, out_hbm, i0, i1, r0, r1, si0, si1, sg, sw0, sw1):
        wid = lax.axis_index("s") * nc + lax.axis_index("c")
        base = wid * per_w
        src_base = e_off + base
        idx_v = (i0, i1)
        rows_v = (r0, r1)
        s_i = (si0, si1)
        s_w = (sw0, sw1)

        ih = [None] * nch
        wh = [None] * nch
        ih[0] = pltpu.async_copy(idx_hbm.at[pl.ds(src_base, chunk)],
                                 idx_v[0], s_i[0])
        for j in range(nch):
            b = j % 2
            if j + 1 < nch:
                ih[j + 1] = pltpu.async_copy(
                    idx_hbm.at[pl.ds(src_base + (j + 1) * chunk, chunk)],
                    idx_v[(j + 1) % 2], s_i[(j + 1) % 2])
            ih[j].wait()
            if j >= 2:
                wh[j - 2].wait()
            pltpu.async_copy(tab_hbm.at[idx_v[b]], rows_v[b], sg).wait()
            wh[j] = pltpu.async_copy(
                rows_v[b], out_hbm.at[pl.ds(base + j * chunk, chunk)], s_w[b])
        for j in range(max(0, nch - 2), nch):
            wh[j].wait()

    return gk(idx, table)


def _full(shape):
    return pl.BlockSpec(shape, lambda i: (0,) * len(shape))


def kernel(data, ids, space_pts, time_pts, query_pts, space_nidx, space_rel, space_valid, time_nidx, time_rel, time_valid, target_nidx, target_rel, target_valid, Ws0, bs0, Ws1, bs1, Ws2, bs2, Wt0, bt0, Wt1, bt1, Wt2, bt2, Wc0, bc0, Wc1, bc1, Wq0, bq0, Wq1, bq1, Wq2, bq2):
    B, N, F = data.shape
    Q = query_pts.shape[1]
    K = space_nidx.shape[2]
    T = time_nidx.shape[2]
    BN = B * N
    BQ = B * Q
    f32 = jnp.float32

    dataf = data.reshape(BN, F)
    spf = space_pts.reshape(BN, 3)
    offs = (jnp.arange(B, dtype=jnp.int32) * N)[:, None, None]
    idx_s = (space_nidx + offs).reshape(BN * K)
    idx_t = (time_nidx + offs).reshape(BN * T)
    idx_q = (target_nidx + offs).reshape(BQ * T)

    eye4 = jnp.eye(4, dtype=f32)
    eye2 = jnp.eye(2, dtype=f32)
    tile4 = jnp.tile(jnp.eye(32, dtype=f32), (1, 4))
    tile2 = jnp.tile(jnp.eye(64, dtype=f32), (1, 2))
    f8c = jnp.asarray(np.tile(_FREQS, 2))[:, None]
    ph8c = jnp.asarray(np.asarray([0.0] * 4 + [np.pi / 2] * 4,
                                  dtype=np.float32))[:, None]
    WsA, WsB = Ws0[:35], Ws0[35:]
    WsA4 = jnp.concatenate([WsA[0:3], jnp.zeros((1, 32), f32)], axis=0)
    WsB4 = jnp.concatenate([WsB[0:3], jnp.zeros((1, 32), f32)], axis=0)
    WdA, WdB = WsA[3:35], WsB[3:35]
    WtA, WtB = Wt0[:72], Wt0[72:]
    Ws1bd = jnp.kron(eye4, Ws1).astype(jnp.bfloat16)
    bs1t = jnp.tile(bs1, 4)[None, :]
    Ws2s = jnp.tile(Ws2, (4, 1))
    bs2k = (K * bs2)[None, :]
    Wt1bd = jnp.kron(eye4, Wt1).astype(jnp.bfloat16)
    bt1t = jnp.tile(bt1, 4)[None, :]
    Wt2s = jnp.tile(Wt2, (4, 1))
    bt2k = (T * bt2)[None, :]
    Wq1bd = jnp.kron(eye2, Wq1).astype(jnp.bfloat16)
    bq1t = jnp.tile(bq1, 2)[None, :]
    Wq2s = jnp.tile(Wq2, (2, 1))
    bq2k = (T * bq2)[None, :]
    bs0r = bs0[None, :]
    bt0r = bt0[None, :]
    bc0r, bc1r = bc0[None, :], bc1[None, :]
    bq0r = bq0[None, :]
    WtAe, WtAd, WtAn = WtA[0:8], WtA[8:40], WtA[40:72]
    WtBe, WtBd, WtBn = WtB[0:8], WtB[8:40], WtB[40:72]
    Wc0d, Wc0s, Wc0t = Wc0[0:32], Wc0[32:64], Wc0[64:96]
    WqA = Wq0[:8]
    WqBe, WqBk = Wq0[8:16], Wq0[16:80]

    M1 = 4096
    g1 = BN // M1
    sp4 = jnp.concatenate([spf, time_pts.reshape(BN, 1)], axis=1)
    tp1 = time_pts.reshape(g1, 1, M1)
    a_s, b_s, enc = pl.pallas_call(
        _tc1_body,
        grid=(g1,),
        in_specs=[
            pl.BlockSpec((M1, 4), lambda i: (i, 0)),
            pl.BlockSpec((M1, F), lambda i: (i, 0)),
            pl.BlockSpec((1, 1, M1), lambda i: (i, 0, 0)),
            _full((8, 1)), _full((8, 1)),
            _full((4, 32)), _full((32, 32)),
            _full((4, 32)), _full((32, 32)), _full((1, 32)),
        ],
        out_specs=[pl.BlockSpec((M1, 32), lambda i: (i, 0)),
                   pl.BlockSpec((M1, 32), lambda i: (i, 0)),
                   pl.BlockSpec((8, M1), lambda i: (0, i))],
        out_shape=[jax.ShapeDtypeStruct((BN, 32), f32),
                   jax.ShapeDtypeStruct((BN, 32), f32),
                   jax.ShapeDtypeStruct((8, BN), f32)],
        interpret=_INTERP,
    )(sp4, dataf, tp1, f8c, ph8c, WsA4, WdA, WsB4, WdB, bs0r)

    M2 = 2048
    NH = 2
    BNH = BN // NH
    g2h = BNH // M2
    eh_s = BNH * K
    g_s = [_gather_rows(b_s, idx_s, 1024, e_off=h * eh_s, e_count=eh_s)
           .reshape(eh_s * 32 // 128, 128) for h in range(NH)]
    snei, a_t, b_t = [], [], []
    for h in range(NH):
        o = h * g2h
        sn_h, at_h, bt_h = pl.pallas_call(
            _tc2_body,
            grid=(g2h,),
            in_specs=[
                pl.BlockSpec((M2, 32), lambda i, o=o: (i + o, 0)),
                pl.BlockSpec((4 * M2, 128), lambda i: (i, 0)),
                pl.BlockSpec((M2, F), lambda i, o=o: (i + o, 0)),
                pl.BlockSpec((8, M2), lambda i, o=o: (0, i + o)),
                _full((32, 128)), _full((128, 128)), _full((1, 128)),
                _full((128, 32)), _full((1, 32)),
                _full((8, 32)), _full((32, 32)), _full((32, 32)),
                _full((8, 32)), _full((32, 32)), _full((32, 32)),
                _full((1, 32)),
            ],
            out_specs=[pl.BlockSpec((M2, 32), lambda i: (i, 0)),
                       pl.BlockSpec((M2, 32), lambda i: (i, 0)),
                       pl.BlockSpec((M2, 32), lambda i: (i, 0))],
            out_shape=[jax.ShapeDtypeStruct((BNH, 32), f32),
                       jax.ShapeDtypeStruct((BNH, 32), f32),
                       jax.ShapeDtypeStruct((BNH, 32), f32)],
            interpret=_INTERP,
        )(a_s, g_s[h], dataf, enc, tile4, Ws1bd, bs1t, Ws2s, bs2k,
          WtAe, WtAd, WtAn, WtBe, WtBd, WtBn, bt0r)
        snei.append(sn_h)
        a_t.append(at_h)
        b_t.append(bt_h)
    b_t_full = jnp.concatenate(b_t, axis=0)

    eh_t = BNH * T
    g_t = [_gather_rows(b_t_full, idx_t, 1024, e_off=h * eh_t, e_count=eh_t)
           .reshape(eh_t * 32 // 128, 128) for h in range(NH)]
    xq = []
    for h in range(NH):
        o = h * g2h
        xq_h = pl.pallas_call(
            _tc3_body,
            grid=(g2h,),
            in_specs=[
                pl.BlockSpec((M2, 32), lambda i: (i, 0)),
                pl.BlockSpec((2 * M2, 128), lambda i: (i, 0)),
                pl.BlockSpec((M2, F), lambda i, o=o: (i + o, 0)),
                pl.BlockSpec((M2, 32), lambda i: (i, 0)),
                pl.BlockSpec((8, M2), lambda i, o=o: (0, i + o)),
                _full((32, 128)), _full((128, 128)), _full((1, 128)),
                _full((128, 32)), _full((1, 32)),
                _full((32, 64)), _full((32, 64)), _full((32, 64)),
                _full((1, 64)), _full((64, 64)), _full((1, 64)),
                _full((8, 64)), _full((64, 64)),
            ],
            out_specs=pl.BlockSpec((M2, 64), lambda i: (i, 0)),
            out_shape=jax.ShapeDtypeStruct((BNH, 64), f32),
            interpret=_INTERP,
        )(a_t[h], g_t[h], dataf, snei[h], enc, tile4, Wt1bd, bt1t, Wt2s,
          bt2k, Wc0d, Wc0s, Wc0t, bc0r, Wc1, bc1r, WqBe, WqBk)
        xq.append(xq_h)
    xq = jnp.concatenate(xq, axis=0)

    g_q = _gather_rows(xq, idx_q, 512).reshape(BQ * T * 64 // 128, 128)

    M4 = 1024
    g4 = BQ // M4
    qp3 = query_pts.reshape(g4, 1, M4)
    out = pl.pallas_call(
        _tc4_body,
        grid=(g4,),
        in_specs=[
            pl.BlockSpec((1, 1, M4), lambda i: (i, 0, 0)),
            pl.BlockSpec((4 * M4, 128), lambda i: (i, 0)),
            _full((8, 1)), _full((8, 1)), _full((8, 64)), _full((1, 64)),
            _full((64, 128)), _full((128, 128)), _full((1, 128)),
            _full((128, 32)), _full((1, 32)),
        ],
        out_specs=pl.BlockSpec((M4, 32), lambda i: (i, 0)),
        out_shape=jax.ShapeDtypeStruct((BQ, 32), f32),
        interpret=_INTERP,
    )(qp3, g_q, f8c, ph8c, WqA, bq0r, tile2, Wq1bd, bq1t, Wq2s, bq2k)

    return out.reshape(B, Q, 32)

# --- scband reference (transcript-rebuilt; emitter-appended) ---
"""Pipeline reference for scband-temporal-interaction-23158463660309 (READ-ONLY COPY).

The authoritative reference and input builder live on the scoring server;
editing this copy changes nothing except your own understanding.
"""

import jax, jax.numpy as jnp
import numpy as np

FREQS = np.asarray([1.0, 2.0, 4.0, 8.0], dtype=np.float32)

def time_encode(t):
    # t: [..., 1, 1] -> [..., 1, 8] sinusoidal time encoder (out_dim=8)
    ang = t * jnp.asarray(FREQS)
    return jnp.concatenate([jnp.sin(ang), jnp.cos(ang)], axis=-1)

def mlp3(x, W0, b0, W1, b1, W2, b2):
    h = jax.nn.relu(x @ W0 + b0)
    h = jax.nn.relu(h @ W1 + b1)
    return h @ W2 + b2

def mlp2(x, W0, b0, W1, b1):
    h = jax.nn.relu(x @ W0 + b0)
    return h @ W1 + b1

def gather_nbrs(feats, idx):
    bb = jnp.arange(idx.shape[0])[:, None, None]
    return feats[bb, idx]

def interaction_self(feats, nidx, valid, Ws):
    nf = gather_nbrs(feats, nidx)
    exp = jnp.broadcast_to(feats[:, :, None, :], nf.shape)
    pairs = jnp.concatenate([exp, nf], axis=-1)
    edges = mlp3(pairs, *Ws)
    return (edges * valid[..., None]).sum(axis=2)

def temporal_interaction(data, space_pts, time_pts, query_pts, space_valid, time_valid, target_valid, space_nidx, time_nidx, target_nidx, params):
    (Ws0, bs0, Ws1, bs1, Ws2, bs2, Wt0, bt0, Wt1, bt1, Wt2, bt2, Wc0, bc0, Wc1, bc1, Wq0, bq0, Wq1, bq1, Wq2, bq2) = params
    key_feats = data
    # space conv ('self' key_feats)
    space_in = jnp.concatenate([space_pts, key_feats], axis=-1)
    space_nei = interaction_self(space_in, space_nidx, space_valid, (Ws0, bs0, Ws1, bs1, Ws2, bs2))
    # time conv ('self' key_feats)
    enc_time = time_encode(time_pts[..., None, None])[..., 0, :]
    time_in = jnp.concatenate([enc_time, key_feats, space_nei], axis=-1)
    time_nei = interaction_self(time_in, time_nidx, time_valid, (Wt0, bt0, Wt1, bt1, Wt2, bt2))
    # combine MLP
    combined = jnp.concatenate([key_feats, space_nei, time_nei], axis=-1)
    key_feats = mlp2(combined, Wc0, bc0, Wc1, bc1)
    # encode queries (query_type='time', 'query' key_feats with pos_encoder)
    enc_ts = time_encode(time_pts[..., None, None])[..., 0, :]
    target_in = jnp.concatenate([enc_ts, key_feats], axis=-1)
    nf = gather_nbrs(target_in, target_nidx)
    enc_keys = time_encode(query_pts[..., None, None])
    exp = jnp.broadcast_to(enc_keys, nf.shape[:-1] + (enc_keys.shape[-1],))
    pairs = jnp.concatenate([exp, nf], axis=-1)
    edges = mlp3(pairs, Wq0, bq0, Wq1, bq1, Wq2, bq2)
    return (edges * target_valid[..., None]).sum(axis=2)

def setup_inputs(seed: int = 0):
    key = jax.random.key(seed)
    ks = [jax.random.fold_in(key, i) for i in range(40)]
    B, N, Q, K, T = 4, 8192, 1024, 16, 8
    def glorot(k, di, do):
        return (jax.random.normal(k, (di, do), jnp.float32) / np.sqrt(di)).astype(jnp.float32)
    inp = {}
    inp["data"] = jax.random.normal(ks[0], (B, N, 32), jnp.float32)
    inp["ids"] = jax.random.randint(ks[1], (B, N), 0, N)
    inp["space_pts"] = jax.random.uniform(ks[2], (B, N, 3), jnp.float32)
    inp["time_pts"] = jax.random.uniform(ks[3], (B, N), jnp.float32)
    inp["query_pts"] = jax.random.uniform(ks[4], (B, Q), jnp.float32)
    inp["space_nidx"] = jax.random.randint(ks[5], (B, N, K), 0, N)
    inp["space_rel"] = jax.random.normal(ks[6], (B, N, K, 3), jnp.float32)
    inp["space_valid"] = jnp.ones((B, N, K), jnp.float32)
    inp["time_nidx"] = jax.random.randint(ks[7], (B, N, T), 0, N)
    inp["time_rel"] = jax.random.normal(ks[8], (B, N, T, 8), jnp.float32)
    inp["time_valid"] = jnp.ones((B, N, T), jnp.float32)
    inp["target_nidx"] = jax.random.randint(ks[9], (B, Q, T), 0, N)
    inp["target_rel"] = jax.random.normal(ks[10], (B, Q, T, 8), jnp.float32)
    inp["target_valid"] = jnp.ones((B, Q, T), jnp.float32)
    inp["Ws0"] = glorot(ks[11], 70, 32); inp["bs0"] = jnp.zeros((32,), jnp.float32)
    inp["Ws1"] = glorot(ks[12], 32, 32); inp["bs1"] = jnp.zeros((32,), jnp.float32)
    inp["Ws2"] = glorot(ks[13], 32, 32); inp["bs2"] = jnp.zeros((32,), jnp.float32)
    inp["Wt0"] = glorot(ks[14], 144, 32); inp["bt0"] = jnp.zeros((32,), jnp.float32)
    inp["Wt1"] = glorot(ks[15], 32, 32); inp["bt1"] = jnp.zeros((32,), jnp.float32)
    inp["Wt2"] = glorot(ks[16], 32, 32); inp["bt2"] = jnp.zeros((32,), jnp.float32)
    inp["Wc0"] = glorot(ks[17], 96, 64); inp["bc0"] = jnp.zeros((64,), jnp.float32)
    inp["Wc1"] = glorot(ks[18], 64, 64); inp["bc1"] = jnp.zeros((64,), jnp.float32)
    inp["Wq0"] = glorot(ks[19], 80, 64); inp["bq0"] = jnp.zeros((64,), jnp.float32)
    inp["Wq1"] = glorot(ks[20], 64, 64); inp["bq1"] = jnp.zeros((64,), jnp.float32)
    inp["Wq2"] = glorot(ks[21], 64, 32); inp["bq2"] = jnp.zeros((32,), jnp.float32)
    return inp

def reference(data, ids, space_pts, time_pts, query_pts, space_nidx, space_rel, space_valid, time_nidx, time_rel, time_valid, target_nidx, target_rel, target_valid, Ws0, bs0, Ws1, bs1, Ws2, bs2, Wt0, bt0, Wt1, bt1, Wt2, bt2, Wc0, bc0, Wc1, bc1, Wq0, bq0, Wq1, bq1, Wq2, bq2):
    params = (Ws0, bs0, Ws1, bs1, Ws2, bs2, Wt0, bt0, Wt1, bt1, Wt2, bt2, Wc0, bc0, Wc1, bc1, Wq0, bq0, Wq1, bq1, Wq2, bq2)
    return temporal_interaction(data, space_pts, time_pts, query_pts, space_valid, time_valid, target_valid, space_nidx, time_nidx, target_nidx, params)

if __name__ == "__main__":
    import jax
    _d = setup_inputs()
    print(jax.jit(kernel)(*tuple(_d.values())))

</pallas_src>

<mosaic_0001>
#map = affine_map<(d0, d1) -> (0)>
#map1 = affine_map<(d0, d1) -> (0, 0)>
module attributes {stable_mosaic.version = 14 : i64} {
  func.func @gk(%arg0: i32, %arg1: i32, %arg2: memref<524288xi32, #tpu.memory_space<hbm>>, %arg3: memref<32768x32xf32, #tpu.memory_space<hbm>>, %arg4: memref<262144x32xf32, #tpu.memory_space<hbm>>, %arg5: memref<1024xi32, #tpu.memory_space<vmem>>, %arg6: memref<1024xi32, #tpu.memory_space<vmem>>, %arg7: memref<1024x32xf32, #tpu.memory_space<vmem>>, %arg8: memref<1024x32xf32, #tpu.memory_space<vmem>>, %arg9: memref<!tpu.dma_semaphore, #tpu.memory_space<semaphore_mem>>, %arg10: memref<!tpu.dma_semaphore, #tpu.memory_space<semaphore_mem>>, %arg11: memref<!tpu.dma_semaphore, #tpu.memory_space<semaphore_mem>>, %arg12: memref<!tpu.dma_semaphore, #tpu.memory_space<semaphore_mem>>, %arg13: memref<!tpu.dma_semaphore, #tpu.memory_space<semaphore_mem>>) attributes {dimension_semantics = [#tpu.dimension_semantics<core_parallel>, #tpu.dimension_semantics<subcore_parallel>], iteration_bounds = array<i64: 2, 16>, scalar_prefetch = 0 : i64, scratch_operands = 9 : i64, tpu.core_type = #tpu.core_type<sc_vector_subcore>, window_params = [{transform_indices = #map}, {transform_indices = #map1}, {transform_indices = #map1}]} {
    %mul3A = arith.constant 2 : i32
    %mul3A_0 = arith.muli %arg1, %mul3A : i32
    %add3A = arith.addi %mul3A_0, %arg0 : i32
    %mul3A_1 = arith.constant 8192 : i32
    %mul3A_2 = arith.muli %add3A, %mul3A_1 : i32
    %add3A_3 = arith.constant 262144 : i32
    %add3A_4 = arith.addi %add3A_3, %mul3A_2 : i32
    %dma_start3A = tpu.memref_slice %arg2[%add3A_4] : memref<524288xi32, #tpu.memory_space<hbm>> -> memref<1024xi32, #tpu.memory_space<hbm>>
    %dma_start3A_5 = tpu.memref_slice %arg2[%add3A_4] : memref<524288xi32, #tpu.memory_space<hbm>> -> memref<1024xi32, #tpu.memory_space<hbm>>
    tpu.enqueue_dma source(%dma_start3A_5 : memref<1024xi32, #tpu.memory_space<hbm>>) target(%arg5 : memref<1024xi32, #tpu.memory_space<vmem>>) target_semaphore(%arg9 : memref<!tpu.dma_semaphore, #tpu.memory_space<semaphore_mem>>)
    %add3A_6 = arith.constant 1024 : i32
    %add3A_7 = arith.addi %add3A_4, %add3A_6 : i32
    %dma_start3A_8 = tpu.memref_slice %arg2[%add3A_7] : memref<524288xi32, #tpu.memory_space<hbm>> -> memref<1024xi32, #tpu.memory_space<hbm>>
    %dma_start3A_9 = tpu.memref_slice %arg2[%add3A_7] : memref<524288xi32, #tpu.memory_space<hbm>> -> memref<1024xi32, #tpu.memory_space<hbm>>
    tpu.enqueue_dma source(%dma_start3A_9 : memref<1024xi32, #tpu.memory_space<hbm>>) target(%arg6 : memref<1024xi32, #tpu.memory_space<vmem>>) target_semaphore(%arg10 : memref<!tpu.dma_semaphore, #tpu.memory_space<semaphore_mem>>)
    %dma_wait3A = tpu.memref_slice %arg2[%add3A_4] : memref<524288xi32, #tpu.memory_space<hbm>> -> memref<1024xi32, #tpu.memory_space<hbm>>
    %dma_wait3A_10 = tpu.memref_slice %arg2[%add3A_4] : memref<524288xi32, #tpu.memory_space<hbm>> -> memref<1024xi32, #tpu.memory_space<hbm>>
    tpu.wait_dma2 semaphore(%arg9 : memref<!tpu.dma_semaphore, #tpu.memory_space<semaphore_mem>>) src(%dma_wait3A_10 : memref<1024xi32, #tpu.memory_space<hbm>>) dst(%arg5 : memref<1024xi32, #tpu.memory_space<vmem>>)
    %dma_start3A_11 = arith.constant 0 : i32
    %dma_start3A_12 = arith.constant 0 : i32
    %dma_start3A_13 = tpu.memref_slice %arg3[%dma_start3A_11, %dma_start3A_12] : memref<32768x32xf32, #tpu.memory_space<hbm>> -> memref<32768x32xf32, #tpu.memory_space<hbm>>
    tpu.enqueue_indirect_dma source(%dma_start3A_13 : memref<32768x32xf32, #tpu.memory_space<hbm>>) target(%arg7 : memref<1024x32xf32, #tpu.memory_space<vmem>>) offsets(%arg5 : memref<1024xi32, #tpu.memory_space<vmem>>) semaphore(%arg11 : memref<!tpu.dma_semaphore, #tpu.memory_space<semaphore_mem>>)
    %dma_wait3A_14 = arith.constant 0 : i32
    %dma_wait3A_15 = arith.constant 0 : i32
    %dma_wait3A_16 = tpu.memref_slice %arg3[%dma_wait3A_14, %dma_wait3A_15] : memref<32768x32xf32, #tpu.memory_space<hbm>> -> memref<32768x32xf32, #tpu.memory_space<hbm>>
    tpu.wait_indirect_dma semaphore(%arg11 : memref<!tpu.dma_semaphore, #tpu.memory_space<semaphore_mem>>) src(%dma_wait3A_16 : memref<32768x32xf32, #tpu.memory_space<hbm>>) dst(%arg7 : memref<1024x32xf32, #tpu.memory_space<vmem>>)
    %add3A_17 = arith.constant 0 : i32
    %add3A_18 = arith.addi %mul3A_2, %add3A_17 : i32
    %dma_start3A_19 = arith.constant 0 : i32
    %dma_start3A_20 = tpu.memref_slice %arg4[%add3A_18, %dma_start3A_19] : memref<262144x32xf32, #tpu.memory_space<hbm>> -> memref<1024x32xf32, #tpu.memory_space<hbm>>
    %dma_start3A_21 = arith.constant 0 : i32
    %dma_start3A_22 = tpu.memref_slice %arg4[%add3A_18, %dma_start3A_21] : memref<262144x32xf32, #tpu.memory_space<hbm>> -> memref<1024x32xf32, #tpu.memory_space<hbm>>
    tpu.enqueue_dma source(%arg7 : memref<1024x32xf32, #tpu.memory_space<vmem>>) target(%dma_start3A_22 : memref<1024x32xf32, #tpu.memory_space<hbm>>) target_semaphore(%arg12 : memref<!tpu.dma_semaphore, #tpu.memory_space<semaphore_mem>>)
    %add3A_23 = arith.constant 2048 : i32
    %add3A_24 = arith.addi %add3A_4, %add3A_23 : i32
    %dma_start3A_25 = tpu.memref_slice %arg2[%add3A_24] : memref<524288xi32, #tpu.memory_space<hbm>> -> memref<1024xi32, #tpu.memory_space<hbm>>
    %dma_start3A_26 = tpu.memref_slice %arg2[%add3A_24] : memref<524288xi32, #tpu.memory_space<hbm>> -> memref<1024xi32, #tpu.memory_space<hbm>>
    tpu.enqueue_dma source(%dma_start3A_26 : memref<1024xi32, #tpu.memory_space<hbm>>) target(%arg5 : memref<1024xi32, #tpu.memory_space<vmem>>) target_semaphore(%arg9 : memref<!tpu.dma_semaphore, #tpu.memory_space<semaphore_mem>>)
    %dma_wait3A_27 = tpu.memref_slice %arg2[%add3A_7] : memref<524288xi32, #tpu.memory_space<hbm>> -> memref<1024xi32, #tpu.memory_space<hbm>>
    %dma_wait3A_28 = tpu.memref_slice %arg2[%add3A_7] : memref<524288xi32, #tpu.memory_space<hbm>> -> memref<1024xi32, #tpu.memory_space<hbm>>
    tpu.wait_dma2 semaphore(%arg10 : memref<!tpu.dma_semaphore, #tpu.memory_space<semaphore_mem>>) src(%dma_wait3A_28 : memref<1024xi32, #tpu.memory_space<hbm>>) dst(%arg6 : memref<1024xi32, #tpu.memory_space<vmem>>)
    %dma_start3A_29 = arith.constant 0 : i32
    %dma_start3A_30 = arith.constant 0 : i32
    %dma_start3A_31 = tpu.memref_slice %arg3[%dma_start3A_29, %dma_start3A_30] : memref<32768x32xf32, #tpu.memory_space<hbm>> -> memref<32768x32xf32, #tpu.memory_space<hbm>>
    tpu.enqueue_indirect_dma source(%dma_start3A_31 : memref<32768x32xf32, #tpu.memory_space<hbm>>) target(%arg8 : memref<1024x32xf32, #tpu.memory_space<vmem>>) offsets(%arg6 : memref<1024xi32, #tpu.memory_space<vmem>>) semaphore(%arg11 : memref<!tpu.dma_semaphore, #tpu.memory_space<semaphore_mem>>)
    %dma_wait3A_32 = arith.constant 0 : i32
    %dma_wait3A_33 = arith.constant 0 : i32
    %dma_wait3A_34 = tpu.memref_slice %arg3[%dma_wait3A_32, %dma_wait3A_33] : memref<32768x32xf32, #tpu.memory_space<hbm>> -> memref<32768x32xf32, #tpu.memory_space<hbm>>
    tpu.wait_indirect_dma semaphore(%arg11 : memref<!tpu.dma_semaphore, #tpu.memory_space<semaphore_mem>>) src(%dma_wait3A_34 : memref<32768x32xf32, #tpu.memory_space<hbm>>) dst(%arg8 : memref<1024x32xf32, #tpu.memory_space<vmem>>)
    %add3A_35 = arith.constant 1024 : i32
    %add3A_36 = arith.addi %mul3A_2, %add3A_35 : i32
    %dma_start3A_37 = arith.constant 0 : i32
    %dma_start3A_38 = tpu.memref_slice %arg4[%add3A_36, %dma_start3A_37] : memref<262144x32xf32, #tpu.memory_space<hbm>> -> memref<1024x32xf32, #tpu.memory_space<hbm>>
    %dma_start3A_39 = arith.constant 0 : i32
    %dma_start3A_40 = tpu.memref_slice %arg4[%add3A_36, %dma_start3A_39] : memref<262144x32xf32, #tpu.memory_space<hbm>> -> memref<1024x32xf32, #tpu.memory_space<hbm>>
    tpu.enqueue_dma source(%arg8 : memref<1024x32xf32, #tpu.memory_space<vmem>>) target(%dma_start3A_40 : memref<1024x32xf32, #tpu.memory_space<hbm>>) target_semaphore(%arg13 : memref<!tpu.dma_semaphore, #tpu.memory_space<semaphore_mem>>)
    %add3A_41 = arith.constant 3072 : i32
    %add3A_42 = arith.addi %add3A_4, %add3A_41 : i32
    %dma_start3A_43 = tpu.memref_slice %arg2[%add3A_42] : memref<524288xi32, #tpu.memory_space<hbm>> -> memref<1024xi32, #tpu.memory_space<hbm>>
    %dma_start3A_44 = tpu.memref_slice %arg2[%add3A_42] : memref<524288xi32, #tpu.memory_space<hbm>> -> memref<1024xi32, #tpu.memory_space<hbm>>
    tpu.enqueue_dma source(%dma_start3A_44 : memref<1024xi32, #tpu.memory_space<hbm>>) target(%arg6 : memref<1024xi32, #tpu.memory_space<vmem>>) target_semaphore(%arg10 : memref<!tpu.dma_semaphore, #tpu.memory_space<semaphore_mem>>)
    %dma_wait3A_45 = tpu.memref_slice %arg2[%add3A_24] : memref<524288xi32, #tpu.memory_space<hbm>> -> memref<1024xi32, #tpu.memory_space<hbm>>
    %dma_wait3A_46 = tpu.memref_slice %arg2[%add3A_24] : memref<524288xi32, #tpu.memory_space<hbm>> -> memref<1024xi32, #tpu.memory_space<hbm>>
    tpu.wait_dma2 semaphore(%arg9 : memref<!tpu.dma_semaphore, #tpu.memory_space<semaphore_mem>>) src(%dma_wait3A_46 : memref<1024xi32, #tpu.memory_space<hbm>>) dst(%arg5 : memref<1024xi32, #tpu.memory_space<vmem>>)
    %dma_wait3A_47 = arith.constant 0 : i32
    %dma_wait3A_48 = tpu.memref_slice %arg4[%add3A_18, %dma_wait3A_47] : memref<262144x32xf32, #tpu.memory_space<hbm>> -> memref<1024x32xf32, #tpu.memory_space<hbm>>
    %dma_wait3A_49 = arith.constant 0 : i32
    %dma_wait3A_50 = tpu.memref_slice %arg4[%add3A_18, %dma_wait3A_49] : memref<262144x32xf32, #tpu.memory_space<hbm>> -> memref<1024x32xf32, #tpu.memory_space<hbm>>
    tpu.wait_dma2 semaphore(%arg12 : memref<!tpu.dma_semaphore, #tpu.memory_space<semaphore_mem>>) src(%arg7 : memref<1024x32xf32, #tpu.memory_space<vmem>>) dst(%dma_wait3A_50 : memref<1024x32xf32, #tpu.memory_space<hbm>>)
    %dma_start3A_51 = arith.constant 0 : i32
    %dma_start3A_52 = arith.constant 0 : i32
    %dma_start3A_53 = tpu.memref_slice %arg3[%dma_start3A_51, %dma_start3A_52] : memref<32768x32xf32, #tpu.memory_space<hbm>> -> memref<32768x32xf32, #tpu.memory_space<hbm>>
    tpu.enqueue_indirect_dma source(%dma_start3A_53 : memref<32768x32xf32, #tpu.memory_space<hbm>>) target(%arg7 : memref<1024x32xf32, #tpu.memory_space<vmem>>) offsets(%arg5 : memref<1024xi32, #tpu.memory_space<vmem>>) semaphore(%arg11 : memref<!tpu.dma_semaphore, #tpu.memory_space<semaphore_mem>>)
    %dma_wait3A_54 = arith.constant 0 : i32
    %dma_wait3A_55 = arith.constant 0 : i32
    %dma_wait3A_56 = tpu.memref_slice %arg3[%dma_wait3A_54, %dma_wait3A_55] : memref<32768x32xf32, #tpu.memory_space<hbm>> -> memref<32768x32xf32, #tpu.memory_space<hbm>>
    tpu.wait_indirect_dma semaphore(%arg11 : memref<!tpu.dma_semaphore, #tpu.memory_space<semaphore_mem>>) src(%dma_wait3A_56 : memref<32768x32xf32, #tpu.memory_space<hbm>>) dst(%arg7 : memref<1024x32xf32, #tpu.memory_space<vmem>>)
    %add3A_57 = arith.constant 2048 : i32
    %add3A_58 = arith.addi %mul3A_2, %add3A_57 : i32
    %dma_start3A_59 = arith.constant 0 : i32
    %dma_start3A_60 = tpu.memref_slice %arg4[%add3A_58, %dma_start3A_59] : memref<262144x32xf32, #tpu.memory_space<hbm>> -> memref<1024x32xf32, #tpu.memory_space<hbm>>
    %dma_start3A_61 = arith.constant 0 : i32
    %dma_start3A_62 = tpu.memref_slice %arg4[%add3A_58, %dma_start3A_61] : memref<262144x32xf32, #tpu.memory_space<hbm>> -> memref<1024x32xf32, #tpu.memory_space<hbm>>
    tpu.enqueue_dma source(%arg7 : memref<1024x32xf32, #tpu.memory_space<vmem>>) target(%dma_start3A_62 : memref<1024x32xf32, #tpu.memory_space<hbm>>) target_semaphore(%arg12 : memref<!tpu.dma_semaphore, #tpu.memory_space<semaphore_mem>>)
    %add3A_63 = arith.constant 4096 : i32
    %add3A_64 = arith.addi %add3A_4, %add3A_63 : i32
    %dma_start3A_65 = tpu.memref_slice %arg2[%add3A_64] : memref<524288xi32, #tpu.memory_space<hbm>> -> memref<1024xi32, #tpu.memory_space<hbm>>
    %dma_start3A_66 = tpu.memref_slice %arg2[%add3A_64] : memref<524288xi32, #tpu.memory_space<hbm>> -> memref<1024xi32, #tpu.memory_space<hbm>>
    tpu.enqueue_dma source(%dma_start3A_66 : memref<1024xi32, #tpu.memory_space<hbm>>) target(%arg5 : memref<1024xi32, #tpu.memory_space<vmem>>) target_semaphore(%arg9 : memref<!tpu.dma_semaphore, #tpu.memory_space<semaphore_mem>>)
    %dma_wait3A_67 = tpu.memref_slice %arg2[%add3A_42] : memref<524288xi32, #tpu.memory_space<hbm>> -> memref<1024xi32, #tpu.memory_space<hbm>>
    %dma_wait3A_68 = tpu.memref_slice %arg2[%add3A_42] : memref<524288xi32, #tpu.memory_space<hbm>> -> memref<1024xi32, #tpu.memory_space<hbm>>
    tpu.wait_dma2 semaphore(%arg10 : memref<!tpu.dma_semaphore, #tpu.memory_space<semaphore_mem>>) src(%dma_wait3A_68 : memref<1024xi32, #tpu.memory_space<hbm>>) dst(%arg6 : memref<1024xi32, #tpu.memory_space<vmem>>)
    %dma_wait3A_69 = arith.constant 0 : i32
    %dma_wait3A_70 = tpu.memref_slice %arg4[%add3A_36, %dma_wait3A_69] : memref<262144x32xf32, #tpu.memory_space<hbm>> -> memref<1024x32xf32, #tpu.memory_space<hbm>>
    %dma_wait3A_71 = arith.constant 0 : i32
    %dma_wait3A_72 = tpu.memref_slice %arg4[%add3A_36, %dma_wait3A_71] : memref<262144x32xf32, #tpu.memory_space<hbm>> -> memref<1024x32xf32, #tpu.memory_space<hbm>>
    tpu.wait_dma2 semaphore(%arg13 : memref<!tpu.dma_semaphore, #tpu.memory_space<semaphore_mem>>) src(%arg8 : memref<1024x32xf32, #tpu.memory_space<vmem>>) dst(%dma_wait3A_72 : memref<1024x32xf32, #tpu.memory_space<hbm>>)
    %dma_start3A_73 = arith.constant 0 : i32
    %dma_start3A_74 = arith.constant 0 : i32
    %dma_start3A_75 = tpu.memref_slice %arg3[%dma_start3A_73, %dma_start3A_74] : memref<32768x32xf32, #tpu.memory_space<hbm>> -> memref<32768x32xf32, #tpu.memory_space<hbm>>
    tpu.enqueue_indirect_dma source(%dma_start3A_75 : memref<32768x32xf32, #tpu.memory_space<hbm>>) target(%arg8 : memref<1024x32xf32, #tpu.memory_space<vmem>>) offsets(%arg6 : memref<1024xi32, #tpu.memory_space<vmem>>) semaphore(%arg11 : memref<!tpu.dma_semaphore, #tpu.memory_space<semaphore_mem>>)
    %dma_wait3A_76 = arith.constant 0 : i32
    %dma_wait3A_77 = arith.constant 0 : i32
    %dma_wait3A_78 = tpu.memref_slice %arg3[%dma_wait3A_76, %dma_wait3A_77] : memref<32768x32xf32, #tpu.memory_space<hbm>> -> memref<32768x32xf32, #tpu.memory_space<hbm>>
    tpu.wait_indirect_dma semaphore(%arg11 : memref<!tpu.dma_semaphore, #tpu.memory_space<semaphore_mem>>) src(%dma_wait3A_78 : memref<32768x32xf32, #tpu.memory_space<hbm>>) dst(%arg8 : memref<1024x32xf32, #tpu.memory_space<vmem>>)
    %add3A_79 = arith.constant 3072 : i32
    %add3A_80 = arith.addi %mul3A_2, %add3A_79 : i32
    %dma_start3A_81 = arith.constant 0 : i32
    %dma_start3A_82 = tpu.memref_slice %arg4[%add3A_80, %dma_start3A_81] : memref<262144x32xf32, #tpu.memory_space<hbm>> -> memref<1024x32xf32, #tpu.memory_space<hbm>>
    %dma_start3A_83 = arith.constant 0 : i32
    %dma_start3A_84 = tpu.memref_slice %arg4[%add3A_80, %dma_start3A_83] : memref<262144x32xf32, #tpu.memory_space<hbm>> -> memref<1024x32xf32, #tpu.memory_space<hbm>>
    tpu.enqueue_dma source(%arg8 : memref<1024x32xf32, #tpu.memory_space<vmem>>) target(%dma_start3A_84 : memref<1024x32xf32, #tpu.memory_space<hbm>>) target_semaphore(%arg13 : memref<!tpu.dma_semaphore, #tpu.memory_space<semaphore_mem>>)
    %add3A_85 = arith.constant 5120 : i32
    %add3A_86 = arith.addi %add3A_4, %add3A_85 : i32
    %dma_start3A_87 = tpu.memref_slice %arg2[%add3A_86] : memref<524288xi32, #tpu.memory_space<hbm>> -> memref<1024xi32, #tpu.memory_space<hbm>>
    %dma_start3A_88 = tpu.memref_slice %arg2[%add3A_86] : memref<524288xi32, #tpu.memory_space<hbm>> -> memref<1024xi32, #tpu.memory_space<hbm>>
    tpu.enqueue_dma source(%dma_start3A_88 : memref<1024xi32, #tpu.memory_space<hbm>>) target(%arg6 : memref<1024xi32, #tpu.memory_space<vmem>>) target_semaphore(%arg10 : memref<!tpu.dma_semaphore, #tpu.memory_space<semaphore_mem>>)
    %dma_wait3A_89 = tpu.memref_slice %arg2[%add3A_64] : memref<524288xi32, #tpu.memory_space<hbm>> -> memref<1024xi32, #tpu.memory_space<hbm>>
    %dma_wait3A_90 = tpu.memref_slice %arg2[%add3A_64] : memref<524288xi32, #tpu.memory_space<hbm>> -> memref<1024xi32, #tpu.memory_space<hbm>>
    tpu.wait_dma2 semaphore(%arg9 : memref<!tpu.dma_semaphore, #tpu.memory_space<semaphore_mem>>) src(%dma_wait3A_90 : memref<1024xi32, #tpu.memory_space<hbm>>) dst(%arg5 : memref<1024xi32, #tpu.memory_space<vmem>>)
    %dma_wait3A_91 = arith.constant 0 : i32
    %dma_wait3A_92 = tpu.memref_slice %arg4[%add3A_58, %dma_wait3A_91] : memref<262144x32xf32, #tpu.memory_space<hbm>> -> memref<1024x32xf32, #tpu.memory_space<hbm>>
    %dma_wait3A_93 = arith.constant 0 : i32
    %dma_wait3A_94 = tpu.memref_slice %arg4[%add3A_58, %dma_wait3A_93] : memref<262144x32xf32, #tpu.memory_space<hbm>> -> memref<1024x32xf32, #tpu.memory_space<hbm>>
    tpu.wait_dma2 semaphore(%arg12 : memref<!tpu.dma_semaphore, #tpu.memory_space<semaphore_mem>>) src(%arg7 : memref<1024x32xf32, #tpu.memory_space<vmem>>) dst(%dma_wait3A_94 : memref<1024x32xf32, #tpu.memory_space<hbm>>)
    %dma_start3A_95 = arith.constant 0 : i32
    %dma_start3A_96 = arith.constant 0 : i32
    %dma_start3A_97 = tpu.memref_slice %arg3[%dma_start3A_95, %dma_start3A_96] : memref<32768x32xf32, #tpu.memory_space<hbm>> -> memref<32768x32xf32, #tpu.memory_space<hbm>>
    tpu.enqueue_indirect_dma source(%dma_start3A_97 : memref<32768x32xf32, #tpu.memory_space<hbm>>) target(%arg7 : memref<1024x32xf32, #tpu.memory_space<vmem>>) offsets(%arg5 : memref<1024xi32, #tpu.memory_space<vmem>>) semaphore(%arg11 : memref<!tpu.dma_semaphore, #tpu.memory_space<semaphore_mem>>)
    %dma_wait3A_98 = arith.constant 0 : i32
    %dma_wait3A_99 = arith.constant 0 : i32
    %dma_wait3A_100 = tpu.memref_slice %arg3[%dma_wait3A_98, %dma_wait3A_99] : memref<32768x32xf32, #tpu.memory_space<hbm>> -> memref<32768x32xf32, #tpu.memory_space<hbm>>
    tpu.wait_indirect_dma semaphore(%arg11 : memref<!tpu.dma_semaphore, #tpu.memory_space<semaphore_mem>>) src(%dma_wait3A_100 : memref<32768x32xf32, #tpu.memory_space<hbm>>) dst(%arg7 : memref<1024x32xf32, #tpu.memory_space<vmem>>)
    %add3A_101 = arith.constant 4096 : i32
    %add3A_102 = arith.addi %mul3A_2, %add3A_101 : i32
    %dma_start3A_103 = arith.constant 0 : i32
    %dma_start3A_104 = tpu.memref_slice %arg4[%add3A_102, %dma_start3A_103] : memref<262144x32xf32, #tpu.memory_space<hbm>> -> memref<1024x32xf32, #tpu.memory_space<hbm>>
    %dma_start3A_105 = arith.constant 0 : i32
    %dma_start3A_106 = tpu.memref_slice %arg4[%add3A_102, %dma_start3A_105] : memref<262144x32xf32, #tpu.memory_space<hbm>> -> memref<1024x32xf32, #tpu.memory_space<hbm>>
    tpu.enqueue_dma source(%arg7 : memref<1024x32xf32, #tpu.memory_space<vmem>>) target(%dma_start3A_106 : memref<1024x32xf32, #tpu.memory_space<hbm>>) target_semaphore(%arg12 : memref<!tpu.dma_semaphore, #tpu.memory_space<semaphore_mem>>)
    %add3A_107 = arith.constant 6144 : i32
    %add3A_108 = arith.addi %add3A_4, %add3A_107 : i32
    %dma_start3A_109 = tpu.memref_slice %arg2[%add3A_108] : memref<524288xi32, #tpu.memory_space<hbm>> -> memref<1024xi32, #tpu.memory_space<hbm>>
    %dma_start3A_110 = tpu.memref_slice %arg2[%add3A_108] : memref<524288xi32, #tpu.memory_space<hbm>> -> memref<1024xi32, #tpu.memory_space<hbm>>
    tpu.enqueue_dma source(%dma_start3A_110 : memref<1024xi32, #tpu.memory_space<hbm>>) target(%arg5 : memref<1024xi32, #tpu.memory_space<vmem>>) target_semaphore(%arg9 : memref<!tpu.dma_semaphore, #tpu.memory_space<semaphore_mem>>)
    %dma_wait3A_111 = tpu.memref_slice %arg2[%add3A_86] : memref<524288xi32, #tpu.memory_space<hbm>> -> memref<1024xi32, #tpu.memory_space<hbm>>
    %dma_wait3A_112 = tpu.memref_slice %arg2[%add3A_86] : memref<524288xi32, #tpu.memory_space<hbm>> -> memref<1024xi32, #tpu.memory_space<hbm>>
    tpu.wait_dma2 semaphore(%arg10 : memref<!tpu.dma_semaphore, #tpu.memory_space<semaphore_mem>>) src(%dma_wait3A_112 : memref<1024xi32, #tpu.memory_space<hbm>>) dst(%arg6 : memref<1024xi32, #tpu.memory_space<vmem>>)
    %dma_wait3A_113 = arith.constant 0 : i32
    %dma_wait3A_114 = tpu.memref_slice %arg4[%add3A_80, %dma_wait3A_113] : memref<262144x32xf32, #tpu.memory_space<hbm>> -> memref<1024x32xf32, #tpu.memory_space<hbm>>
    %dma_wait3A_115 = arith.constant 0 : i32
    %dma_wait3A_116 = tpu.memref_slice %arg4[%add3A_80, %dma_wait3A_115] : memref<262144x32xf32, #tpu.memory_space<hbm>> -> memref<1024x32xf32, #tpu.memory_space<hbm>>
    tpu.wait_dma2 semaphore(%arg13 : memref<!tpu.dma_semaphore, #tpu.memory_space<semaphore_mem>>) src(%arg8 : memref<1024x32xf32, #tpu.memory_space<vmem>>) dst(%dma_wait3A_116 : memref<1024x32xf32, #tpu.memory_space<hbm>>)
    %dma_start3A_117 = arith.constant 0 : i32
    %dma_start3A_118 = arith.constant 0 : i32
    %dma_start3A_119 = tpu.memref_slice %arg3[%dma_start3A_117, %dma_start3A_118] : memref<32768x32xf32, #tpu.memory_space<hbm>> -> memref<32768x32xf32, #tpu.memory_space<hbm>>
    tpu.enqueue_indirect_dma source(%dma_start3A_119 : memref<32768x32xf32, #tpu.memory_space<hbm>>) target(%arg8 : memref<1024x32xf32, #tpu.memory_space<vmem>>) offsets(%arg6 : memref<1024xi32, #tpu.memory_space<vmem>>) semaphore(%arg11 : memref<!tpu.dma_semaphore, #tpu.memory_space<semaphore_mem>>)
    %dma_wait3A_120 = arith.constant 0 : i32
    %dma_wait3A_121 = arith.constant 0 : i32
    %dma_wait3A_122 = tpu.memref_slice %arg3[%dma_wait3A_120, %dma_wait3A_121] : memref<32768x32xf32, #tpu.memory_space<hbm>> -> memref<32768x32xf32, #tpu.memory_space<hbm>>
    tpu.wait_indirect_dma semaphore(%arg11 : memref<!tpu.dma_semaphore, #tpu.memory_space<semaphore_mem>>) src(%dma_wait3A_122 : memref<32768x32xf32, #tpu.memory_space<hbm>>) dst(%arg8 : memref<1024x32xf32, #tpu.memory_space<vmem>>)
    %add3A_123 = arith.constant 5120 : i32
    %add3A_124 = arith.addi %mul3A_2, %add3A_123 : i32
    %dma_start3A_125 = arith.constant 0 : i32
    %dma_start3A_126 = tpu.memref_slice %arg4[%add3A_124, %dma_start3A_125] : memref<262144x32xf32, #tpu.memory_space<hbm>> -> memref<1024x32xf32, #tpu.memory_space<hbm>>
    %dma_start3A_127 = arith.constant 0 : i32
    %dma_start3A_128 = tpu.memref_slice %arg4[%add3A_124, %dma_start3A_127] : memref<262144x32xf32, #tpu.memory_space<hbm>> -> memref<1024x32xf32, #tpu.memory_space<hbm>>
    tpu.enqueue_dma source(%arg8 : memref<1024x32xf32, #tpu.memory_space<vmem>>) target(%dma_start3A_128 : memref<1024x32xf32, #tpu.memory_space<hbm>>) target_semaphore(%arg13 : memref<!tpu.dma_semaphore, #tpu.memory_space<semaphore_mem>>)
    %add3A_129 = arith.constant 7168 : i32
    %add3A_130 = arith.addi %add3A_4, %add3A_129 : i32
    %dma_start3A_131 = tpu.memref_slice %arg2[%add3A_130] : memref<524288xi32, #tpu.memory_space<hbm>> -> memref<1024xi32, #tpu.memory_space<hbm>>
    %dma_start3A_132 = tpu.memref_slice %arg2[%add3A_130] : memref<524288xi32, #tpu.memory_space<hbm>> -> memref<1024xi32, #tpu.memory_space<hbm>>
    tpu.enqueue_dma source(%dma_start3A_132 : memref<1024xi32, #tpu.memory_space<hbm>>) target(%arg6 : memref<1024xi32, #tpu.memory_space<vmem>>) target_semaphore(%arg10 : memref<!tpu.dma_semaphore, #tpu.memory_space<semaphore_mem>>)
    %dma_wait3A_133 = tpu.memref_slice %arg2[%add3A_108] : memref<524288xi32, #tpu.memory_space<hbm>> -> memref<1024xi32, #tpu.memory_space<hbm>>
    %dma_wait3A_134 = tpu.memref_slice %arg2[%add3A_108] : memref<524288xi32, #tpu.memory_space<hbm>> -> memref<1024xi32, #tpu.memory_space<hbm>>
    tpu.wait_dma2 semaphore(%arg9 : memref<!tpu.dma_semaphore, #tpu.memory_space<semaphore_mem>>) src(%dma_wait3A_134 : memref<1024xi32, #tpu.memory_space<hbm>>) dst(%arg5 : memref<1024xi32, #tpu.memory_space<vmem>>)
    %dma_wait3A_135 = arith.constant 0 : i32
    %dma_wait3A_136 = tpu.memref_slice %arg4[%add3A_102, %dma_wait3A_135] : memref<262144x32xf32, #tpu.memory_space<hbm>> -> memref<1024x32xf32, #tpu.memory_space<hbm>>
    %dma_wait3A_137 = arith.constant 0 : i32
    %dma_wait3A_138 = tpu.memref_slice %arg4[%add3A_102, %dma_wait3A_137] : memref<262144x32xf32, #tpu.memory_space<hbm>> -> memref<1024x32xf32, #tpu.memory_space<hbm>>
    tpu.wait_dma2 semaphore(%arg12 : memref<!tpu.dma_semaphore, #tpu.memory_space<semaphore_mem>>) src(%arg7 : memref<1024x32xf32, #tpu.memory_space<vmem>>) dst(%dma_wait3A_138 : memref<1024x32xf32, #tpu.memory_space<hbm>>)
    %dma_start3A_139 = arith.constant 0 : i32
    %dma_start3A_140 = arith.constant 0 : i32
    %dma_start3A_141 = tpu.memref_slice %arg3[%dma_start3A_139, %dma_start3A_140] : memref<32768x32xf32, #tpu.memory_space<hbm>> -> memref<32768x32xf32, #tpu.memory_space<hbm>>
    tpu.enqueue_indirect_dma source(%dma_start3A_141 : memref<32768x32xf32, #tpu.memory_space<hbm>>) target(%arg7 : memref<1024x32xf32, #tpu.memory_space<vmem>>) offsets(%arg5 : memref<1024xi32, #tpu.memory_space<vmem>>) semaphore(%arg11 : memref<!tpu.dma_semaphore, #tpu.memory_space<semaphore_mem>>)
    %dma_wait3A_142 = arith.constant 0 : i32
    %dma_wait3A_143 = arith.constant 0 : i32
    %dma_wait3A_144 = tpu.memref_slice %arg3[%dma_wait3A_142, %dma_wait3A_143] : memref<32768x32xf32, #tpu.memory_space<hbm>> -> memref<32768x32xf32, #tpu.memory_space<hbm>>
    tpu.wait_indirect_dma semaphore(%arg11 : memref<!tpu.dma_semaphore, #tpu.memory_space<semaphore_mem>>) src(%dma_wait3A_144 : memref<32768x32xf32, #tpu.memory_space<hbm>>) dst(%arg7 : memref<1024x32xf32, #tpu.memory_space<vmem>>)
    %add3A_145 = arith.constant 6144 : i32
    %add3A_146 = arith.addi %mul3A_2, %add3A_145 : i32
    %dma_start3A_147 = arith.constant 0 : i32
    %dma_start3A_148 = tpu.memref_slice %arg4[%add3A_146, %dma_start3A_147] : memref<262144x32xf32, #tpu.memory_space<hbm>> -> memref<1024x32xf32, #tpu.memory_space<hbm>>
    %dma_start3A_149 = arith.constant 0 : i32
    %dma_start3A_150 = tpu.memref_slice %arg4[%add3A_146, %dma_start3A_149] : memref<262144x32xf32, #tpu.memory_space<hbm>> -> memref<1024x32xf32, #tpu.memory_space<hbm>>
    tpu.enqueue_dma source(%arg7 : memref<1024x32xf32, #tpu.memory_space<vmem>>) target(%dma_start3A_150 : memref<1024x32xf32, #tpu.memory_space<hbm>>) target_semaphore(%arg12 : memref<!tpu.dma_semaphore, #tpu.memory_space<semaphore_mem>>)
    %dma_wait3A_151 = tpu.memref_slice %arg2[%add3A_130] : memref<524288xi32, #tpu.memory_space<hbm>> -> memref<1024xi32, #tpu.memory_space<hbm>>
    %dma_wait3A_152 = tpu.memref_slice %arg2[%add3A_130] : memref<524288xi32, #tpu.memory_space<hbm>> -> memref<1024xi32, #tpu.memory_space<hbm>>
    tpu.wait_dma2 semaphore(%arg10 : memref<!tpu.dma_semaphore, #tpu.memory_space<semaphore_mem>>) src(%dma_wait3A_152 : memref<1024xi32, #tpu.memory_space<hbm>>) dst(%arg6 : memref<1024xi32, #tpu.memory_space<vmem>>)
    %dma_wait3A_153 = arith.constant 0 : i32
    %dma_wait3A_154 = tpu.memref_slice %arg4[%add3A_124, %dma_wait3A_153] : memref<262144x32xf32, #tpu.memory_space<hbm>> -> memref<1024x32xf32, #tpu.memory_space<hbm>>
    %dma_wait3A_155 = arith.constant 0 : i32
    %dma_wait3A_156 = tpu.memref_slice %arg4[%add3A_124, %dma_wait3A_155] : memref<262144x32xf32, #tpu.memory_space<hbm>> -> memref<1024x32xf32, #tpu.memory_space<hbm>>
    tpu.wait_dma2 semaphore(%arg13 : memref<!tpu.dma_semaphore, #tpu.memory_space<semaphore_mem>>) src(%arg8 : memref<1024x32xf32, #tpu.memory_space<vmem>>) dst(%dma_wait3A_156 : memref<1024x32xf32, #tpu.memory_space<hbm>>)
    %dma_start3A_157 = arith.constant 0 : i32
    %dma_start3A_158 = arith.constant 0 : i32
    %dma_start3A_159 = tpu.memref_slice %arg3[%dma_start3A_157, %dma_start3A_158] : memref<32768x32xf32, #tpu.memory_space<hbm>> -> memref<32768x32xf32, #tpu.memory_space<hbm>>
    tpu.enqueue_indirect_dma source(%dma_start3A_159 : memref<32768x32xf32, #tpu.memory_space<hbm>>) target(%arg8 : memref<1024x32xf32, #tpu.memory_space<vmem>>) offsets(%arg6 : memref<1024xi32, #tpu.memory_space<vmem>>) semaphore(%arg11 : memref<!tpu.dma_semaphore, #tpu.memory_space<semaphore_mem>>)
    %dma_wait3A_160 = arith.constant 0 : i32
    %dma_wait3A_161 = arith.constant 0 : i32
    %dma_wait3A_162 = tpu.memref_slice %arg3[%dma_wait3A_160, %dma_wait3A_161] : memref<32768x32xf32, #tpu.memory_space<hbm>> -> memref<32768x32xf32, #tpu.memory_space<hbm>>
    tpu.wait_indirect_dma semaphore(%arg11 : memref<!tpu.dma_semaphore, #tpu.memory_space<semaphore_mem>>) src(%dma_wait3A_162 : memref<32768x32xf32, #tpu.memory_space<hbm>>) dst(%arg8 : memref<1024x32xf32, #tpu.memory_space<vmem>>)
    %add3A_163 = arith.constant 7168 : i32
    %add3A_164 = arith.addi %mul3A_2, %add3A_163 : i32
    %dma_start3A_165 = arith.constant 0 : i32
    %dma_start3A_166 = tpu.memref_slice %arg4[%add3A_164, %dma_start3A_165] : memref<262144x32xf32, #tpu.memory_space<hbm>> -> memref<1024x32xf32, #tpu.memory_space<hbm>>
    %dma_start3A_167 = arith.constant 0 : i32
    %dma_start3A_168 = tpu.memref_slice %arg4[%add3A_164, %dma_start3A_167] : memref<262144x32xf32, #tpu.memory_space<hbm>> -> memref<1024x32xf32, #tpu.memory_space<hbm>>
    tpu.enqueue_dma source(%arg8 : memref<1024x32xf32, #tpu.memory_space<vmem>>) target(%dma_start3A_168 : memref<1024x32xf32, #tpu.memory_space<hbm>>) target_semaphore(%arg13 : memref<!tpu.dma_semaphore, #tpu.memory_space<semaphore_mem>>)
    %dma_wait3A_169 = arith.constant 0 : i32
    %dma_wait3A_170 = tpu.memref_slice %arg4[%add3A_146, %dma_wait3A_169] : memref<262144x32xf32, #tpu.memory_space<hbm>> -> memref<1024x32xf32, #tpu.memory_space<hbm>>
    %dma_wait3A_171 = arith.constant 0 : i32
    %dma_wait3A_172 = tpu.memref_slice %arg4[%add3A_146, %dma_wait3A_171] : memref<262144x32xf32, #tpu.memory_space<hbm>> -> memref<1024x32xf32, #tpu.memory_space<hbm>>
    tpu.wait_dma2 semaphore(%arg12 : memref<!tpu.dma_semaphore, #tpu.memory_space<semaphore_mem>>) src(%arg7 : memref<1024x32xf32, #tpu.memory_space<vmem>>) dst(%dma_wait3A_172 : memref<1024x32xf32, #tpu.memory_space<hbm>>)
    %dma_wait3A_173 = arith.constant 0 : i32
    %dma_wait3A_174 = tpu.memref_slice %arg4[%add3A_164, %dma_wait3A_173] : memref<262144x32xf32, #tpu.memory_space<hbm>> -> memref<1024x32xf32, #tpu.memory_space<hbm>>
    %dma_wait3A_175 = arith.constant 0 : i32
    %dma_wait3A_176 = tpu.memref_slice %arg4[%add3A_164, %dma_wait3A_175] : memref<262144x32xf32, #tpu.memory_space<hbm>> -> memref<1024x32xf32, #tpu.memory_space<hbm>>
    tpu.wait_dma2 semaphore(%arg13 : memref<!tpu.dma_semaphore, #tpu.memory_space<semaphore_mem>>) src(%arg8 : memref<1024x32xf32, #tpu.memory_space<vmem>>) dst(%dma_wait3A_176 : memref<1024x32xf32, #tpu.memory_space<hbm>>)
    return
  }
}

#map = affine_map<(d0, d1) -> (0)>
#map1 = affine_map<(d0, d1) -> (0, 0)>
module attributes {stable_mosaic.version = 14 : i64} {
  func.func @gk(%arg0: i32, %arg1: i32, %arg2: memref<524288xi32, #tpu.memory_space<hbm>>, %arg3: memref<32768x32xf32, #tpu.memory_space<hbm>>, %arg4: memref<262144x32xf32, #tpu.memory_space<hbm>>, %arg5: memref<1024xi32, #tpu.memory_space<vmem>>, %arg6: memref<1024xi32, #tpu.memory_space<vmem>>, %arg7: memref<1024x32xf32, #tpu.memory_space<vmem>>, %arg8: memref<1024x32xf32, #tpu.memory_space<vmem>>, %arg9: memref<!tpu.dma_semaphore, #tpu.memory_space<semaphore_mem>>, %arg10: memref<!tpu.dma_semaphore, #tpu.memory_space<semaphore_mem>>, %arg11: memref<!tpu.dma_semaphore, #tpu.memory_space<semaphore_mem>>, %arg12: memref<!tpu.dma_semaphore, #tpu.memory_space<semaphore_mem>>, %arg13: memref<!tpu.dma_semaphore, #tpu.memory_space<semaphore_mem>>) attributes {dimension_semantics = [#tpu.dimension_semantics<core_parallel>, #tpu.dimension_semantics<subcore_parallel>], iteration_bounds = array<i64: 2, 16>, scalar_prefetch = 0 : i64, scratch_operands = 9 : i64, tpu.core_type = #tpu.core_type<sc_vector_subcore>, window_params = [{transform_indices = #map}, {transform_indices = #map1}, {transform_indices = #map1}]} {
    %mul3A = arith.constant 2 : i32
    %mul3A_0 = arith.muli %arg1, %mul3A : i32
    %add3A = arith.addi %mul3A_0, %arg0 : i32
    %mul3A_1 = arith.constant 8192 : i32
    %mul3A_2 = arith.muli %add3A, %mul3A_1 : i32
    %add3A_3 = arith.constant 0 : i32
    %add3A_4 = arith.addi %add3A_3, %mul3A_2 : i32
    %dma_start3A = tpu.memref_slice %arg2[%add3A_4] : memref<524288xi32, #tpu.memory_space<hbm>> -> memref<1024xi32, #tpu.memory_space<hbm>>
    %dma_start3A_5 = tpu.memref_slice %arg2[%add3A_4] : memref<524288xi32, #tpu.memory_space<hbm>> -> memref<1024xi32, #tpu.memory_space<hbm>>
    tpu.enqueue_dma source(%dma_start3A_5 : memref<1024xi32, #tpu.memory_space<hbm>>) target(%arg5 : memref<1024xi32, #tpu.memory_space<vmem>>) target_semaphore(%arg9 : memref<!tpu.dma_semaphore, #tpu.memory_space<semaphore_mem>>)
    %add3A_6 = arith.constant 1024 : i32
    %add3A_7 = arith.addi %add3A_4, %add3A_6 : i32
    %dma_start3A_8 = tpu.memref_slice %arg2[%add3A_7] : memref<524288xi32, #tpu.memory_space<hbm>> -> memref<1024xi32, #tpu.memory_space<hbm>>
    %dma_start3A_9 = tpu.memref_slice %arg2[%add3A_7] : memref<524288xi32, #tpu.memory_space<hbm>> -> memref<1024xi32, #tpu.memory_space<hbm>>
    tpu.enqueue_dma source(%dma_start3A_9 : memref<1024xi32, #tpu.memory_space<hbm>>) target(%arg6 : memref<1024xi32, #tpu.memory_space<vmem>>) target_semaphore(%arg10 : memref<!tpu.dma_semaphore, #tpu.memory_space<semaphore_mem>>)
    %dma_wait3A = tpu.memref_slice %arg2[%add3A_4] : memref<524288xi32, #tpu.memory_space<hbm>> -> memref<1024xi32, #tpu.memory_space<hbm>>
    %dma_wait3A_10 = tpu.memref_slice %arg2[%add3A_4] : memref<524288xi32, #tpu.memory_space<hbm>> -> memref<1024xi32, #tpu.memory_space<hbm>>
    tpu.wait_dma2 semaphore(%arg9 : memref<!tpu.dma_semaphore, #tpu.memory_space<semaphore_mem>>) src(%dma_wait3A_10 : memref<1024xi32, #tpu.memory_space<hbm>>) dst(%arg5 : memref<1024xi32, #tpu.memory_space<vmem>>)
    %dma_start3A_11 = arith.constant 0 : i32
    %dma_start3A_12 = arith.constant 0 : i32
    %dma_start3A_13 = tpu.memref_slice %arg3[%dma_start3A_11, %dma_start3A_12] : memref<32768x32xf32, #tpu.memory_space<hbm>> -> memref<32768x32xf32, #tpu.memory_space<hbm>>
    tpu.enqueue_indirect_dma source(%dma_start3A_13 : memref<32768x32xf32, #tpu.memory_space<hbm>>) target(%arg7 : memref<1024x32xf32, #tpu.memory_space<vmem>>) offsets(%arg5 : memref<1024xi32, #tpu.memory_space<vmem>>) semaphore(%arg11 : memref<!tpu.dma_semaphore, #tpu.memory_space<semaphore_mem>>)
    %dma_wait3A_14 = arith.constant 0 : i32
    %dma_wait3A_15 = arith.constant 0 : i32
    %dma_wait3A_16 = tpu.memref_slice %arg3[%dma_wait3A_14, %dma_wait3A_15] : memref<32768x32xf32, #tpu.memory_space<hbm>> -> memref<32768x32xf32, #tpu.memory_space<hbm>>
    tpu.wait_indirect_dma semaphore(%arg11 : memref<!tpu.dma_semaphore, #tpu.memory_space<semaphore_mem>>) src(%dma_wait3A_16 : memref<32768x32xf32, #tpu.memory_space<hbm>>) dst(%arg7 : memref<1024x32xf32, #tpu.memory_space<vmem>>)
    %add3A_17 = arith.constant 0 : i32
    %add3A_18 = arith.addi %mul3A_2, %add3A_17 : i32
    %dma_start3A_19 = arith.constant 0 : i32
    %dma_start3A_20 = tpu.memref_slice %arg4[%add3A_18, %dma_start3A_19] : memref<262144x32xf32, #tpu.memory_space<hbm>> -> memref<1024x32xf32, #tpu.memory_space<hbm>>
    %dma_start3A_21 = arith.constant 0 : i32
    %dma_start3A_22 = tpu.memref_slice %arg4[%add3A_18, %dma_start3A_21] : memref<262144x32xf32, #tpu.memory_space<hbm>> -> memref<1024x32xf32, #tpu.memory_space<hbm>>
    tpu.enqueue_dma source(%arg7 : memref<1024x32xf32, #tpu.memory_space<vmem>>) target(%dma_start3A_22 : memref<1024x32xf32, #tpu.memory_space<hbm>>) target_semaphore(%arg12 : memref<!tpu.dma_semaphore, #tpu.memory_space<semaphore_mem>>)
    %add3A_23 = arith.constant 2048 : i32
    %add3A_24 = arith.addi %add3A_4, %add3A_23 : i32
    %dma_start3A_25 = tpu.memref_slice %arg2[%add3A_24] : memref<524288xi32, #tpu.memory_space<hbm>> -> memref<1024xi32, #tpu.memory_space<hbm>>
    %dma_start3A_26 = tpu.memref_slice %arg2[%add3A_24] : memref<524288xi32, #tpu.memory_space<hbm>> -> memref<1024xi32, #tpu.memory_space<hbm>>
    tpu.enqueue_dma source(%dma_start3A_26 : memref<1024xi32, #tpu.memory_space<hbm>>) target(%arg5 : memref<1024xi32, #tpu.memory_space<vmem>>) target_semaphore(%arg9 : memref<!tpu.dma_semaphore, #tpu.memory_space<semaphore_mem>>)
    %dma_wait3A_27 = tpu.memref_slice %arg2[%add3A_7] : memref<524288xi32, #tpu.memory_space<hbm>> -> memref<1024xi32, #tpu.memory_space<hbm>>
    %dma_wait3A_28 = tpu.memref_slice %arg2[%add3A_7] : memref<524288xi32, #tpu.memory_space<hbm>> -> memref<1024xi32, #tpu.memory_space<hbm>>
    tpu.wait_dma2 semaphore(%arg10 : memref<!tpu.dma_semaphore, #tpu.memory_space<semaphore_mem>>) src(%dma_wait3A_28 : memref<1024xi32, #tpu.memory_space<hbm>>) dst(%arg6 : memref<1024xi32, #tpu.memory_space<vmem>>)
    %dma_start3A_29 = arith.constant 0 : i32
    %dma_start3A_30 = arith.constant 0 : i32
    %dma_start3A_31 = tpu.memref_slice %arg3[%dma_start3A_29, %dma_start3A_30] : memref<32768x32xf32, #tpu.memory_space<hbm>> -> memref<32768x32xf32, #tpu.memory_space<hbm>>
    tpu.enqueue_indirect_dma source(%dma_start3A_31 : memref<32768x32xf32, #tpu.memory_space<hbm>>) target(%arg8 : memref<1024x32xf32, #tpu.memory_space<vmem>>) offsets(%arg6 : memref<1024xi32, #tpu.memory_space<vmem>>) semaphore(%arg11 : memref<!tpu.dma_semaphore, #tpu.memory_space<semaphore_mem>>)
    %dma_wait3A_32 = arith.constant 0 : i32
    %dma_wait3A_33 = arith.constant 0 : i32
    %dma_wait3A_34 = tpu.memref_slice %arg3[%dma_wait3A_32, %dma_wait3A_33] : memref<32768x32xf32, #tpu.memory_space<hbm>> -> memref<32768x32xf32, #tpu.memory_space<hbm>>
    tpu.wait_indirect_dma semaphore(%arg11 : memref<!tpu.dma_semaphore, #tpu.memory_space<semaphore_mem>>) src(%dma_wait3A_34 : memref<32768x32xf32, #tpu.memory_space<hbm>>) dst(%arg8 : memref<1024x32xf32, #tpu.memory_space<vmem>>)
    %add3A_35 = arith.constant 1024 : i32
    %add3A_36 = arith.addi %mul3A_2, %add3A_35 : i32
    %dma_start3A_37 = arith.constant 0 : i32
    %dma_start3A_38 = tpu.memref_slice %arg4[%add3A_36, %dma_start3A_37] : memref<262144x32xf32, #tpu.memory_space<hbm>> -> memref<1024x32xf32, #tpu.memory_space<hbm>>
    %dma_start3A_39 = arith.constant 0 : i32
    %dma_start3A_40 = tpu.memref_slice %arg4[%add3A_36, %dma_start3A_39] : memref<262144x32xf32, #tpu.memory_space<hbm>> -> memref<1024x32xf32, #tpu.memory_space<hbm>>
    tpu.enqueue_dma source(%arg8 : memref<1024x32xf32, #tpu.memory_space<vmem>>) target(%dma_start3A_40 : memref<1024x32xf32, #tpu.memory_space<hbm>>) target_semaphore(%arg13 : memref<!tpu.dma_semaphore, #tpu.memory_space<semaphore_mem>>)
    %add3A_41 = arith.constant 3072 : i32
    %add3A_42 = arith.addi %add3A_4, %add3A_41 : i32
    %dma_start3A_43 = tpu.memref_slice %arg2[%add3A_42] : memref<524288xi32, #tpu.memory_space<hbm>> -> memref<1024xi32, #tpu.memory_space<hbm>>
    %dma_start3A_44 = tpu.memref_slice %arg2[%add3A_42] : memref<524288xi32, #tpu.memory_space<hbm>> -> memref<1024xi32, #tpu.memory_space<hbm>>
    tpu.enqueue_dma source(%dma_start3A_44 : memref<1024xi32, #tpu.memory_space<hbm>>) target(%arg6 : memref<1024xi32, #tpu.memory_space<vmem>>) target_semaphore(%arg10 : memref<!tpu.dma_semaphore, #tpu.memory_space<semaphore_mem>>)
    %dma_wait3A_45 = tpu.memref_slice %arg2[%add3A_24] : memref<524288xi32, #tpu.memory_space<hbm>> -> memref<1024xi32, #tpu.memory_space<hbm>>
    %dma_wait3A_46 = tpu.memref_slice %arg2[%add3A_24] : memref<524288xi32, #tpu.memory_space<hbm>> -> memref<1024xi32, #tpu.memory_space<hbm>>
    tpu.wait_dma2 semaphore(%arg9 : memref<!tpu.dma_semaphore, #tpu.memory_space<semaphore_mem>>) src(%dma_wait3A_46 : memref<1024xi32, #tpu.memory_space<hbm>>) dst(%arg5 : memref<1024xi32, #tpu.memory_space<vmem>>)
    %dma_wait3A_47 = arith.constant 0 : i32
    %dma_wait3A_48 = tpu.memref_slice %arg4[%add3A_18, %dma_wait3A_47] : memref<262144x32xf32, #tpu.memory_space<hbm>> -> memref<1024x32xf32, #tpu.memory_space<hbm>>
    %dma_wait3A_49 = arith.constant 0 : i32
    %dma_wait3A_50 = tpu.memref_slice %arg4[%add3A_18, %dma_wait3A_49] : memref<262144x32xf32, #tpu.memory_space<hbm>> -> memref<1024x32xf32, #tpu.memory_space<hbm>>
    tpu.wait_dma2 semaphore(%arg12 : memref<!tpu.dma_semaphore, #tpu.memory_space<semaphore_mem>>) src(%arg7 : memref<1024x32xf32, #tpu.memory_space<vmem>>) dst(%dma_wait3A_50 : memref<1024x32xf32, #tpu.memory_space<hbm>>)
    %dma_start3A_51 = arith.constant 0 : i32
    %dma_start3A_52 = arith.constant 0 : i32
    %dma_start3A_53 = tpu.memref_slice %arg3[%dma_start3A_51, %dma_start3A_52] : memref<32768x32xf32, #tpu.memory_space<hbm>> -> memref<32768x32xf32, #tpu.memory_space<hbm>>
    tpu.enqueue_indirect_dma source(%dma_start3A_53 : memref<32768x32xf32, #tpu.memory_space<hbm>>) target(%arg7 : memref<1024x32xf32, #tpu.memory_space<vmem>>) offsets(%arg5 : memref<1024xi32, #tpu.memory_space<vmem>>) semaphore(%arg11 : memref<!tpu.dma_semaphore, #tpu.memory_space<semaphore_mem>>)
    %dma_wait3A_54 = arith.constant 0 : i32
    %dma_wait3A_55 = arith.constant 0 : i32
    %dma_wait3A_56 = tpu.memref_slice %arg3[%dma_wait3A_54, %dma_wait3A_55] : memref<32768x32xf32, #tpu.memory_space<hbm>> -> memref<32768x32xf32, #tpu.memory_space<hbm>>
    tpu.wait_indirect_dma semaphore(%arg11 : memref<!tpu.dma_semaphore, #tpu.memory_space<semaphore_mem>>) src(%dma_wait3A_56 : memref<32768x32xf32, #tpu.memory_space<hbm>>) dst(%arg7 : memref<1024x32xf32, #tpu.memory_space<vmem>>)
    %add3A_57 = arith.constant 2048 : i32
    %add3A_58 = arith.addi %mul3A_2, %add3A_57 : i32
    %dma_start3A_59 = arith.constant 0 : i32
    %dma_start3A_60 = tpu.memref_slice %arg4[%add3A_58, %dma_start3A_59] : memref<262144x32xf32, #tpu.memory_space<hbm>> -> memref<1024x32xf32, #tpu.memory_space<hbm>>
    %dma_start3A_61 = arith.constant 0 : i32
    %dma_start3A_62 = tpu.memref_slice %arg4[%add3A_58, %dma_start3A_61] : memref<262144x32xf32, #tpu.memory_space<hbm>> -> memref<1024x32xf32, #tpu.memory_space<hbm>>
    tpu.enqueue_dma source(%arg7 : memref<1024x32xf32, #tpu.memory_space<vmem>>) target(%dma_start3A_62 : memref<1024x32xf32, #tpu.memory_space<hbm>>) target_semaphore(%arg12 : memref<!tpu.dma_semaphore, #tpu.memory_space<semaphore_mem>>)
    %add3A_63 = arith.constant 4096 : i32
    %add3A_64 = arith.addi %add3A_4, %add3A_63 : i32
    %dma_start3A_65 = tpu.memref_slice %arg2[%add3A_64] : memref<524288xi32, #tpu.memory_space<hbm>> -> memref<1024xi32, #tpu.memory_space<hbm>>
    %dma_start3A_66 = tpu.memref_slice %arg2[%add3A_64] : memref<524288xi32, #tpu.memory_space<hbm>> -> memref<1024xi32, #tpu.memory_space<hbm>>
    tpu.enqueue_dma source(%dma_start3A_66 : memref<1024xi32, #tpu.memory_space<hbm>>) target(%arg5 : memref<1024xi32, #tpu.memory_space<vmem>>) target_semaphore(%arg9 : memref<!tpu.dma_semaphore, #tpu.memory_space<semaphore_mem>>)
    %dma_wait3A_67 = tpu.memref_slice %arg2[%add3A_42] : memref<524288xi32, #tpu.memory_space<hbm>> -> memref<1024xi32, #tpu.memory_space<hbm>>
    %dma_wait3A_68 = tpu.memref_slice %arg2[%add3A_42] : memref<524288xi32, #tpu.memory_space<hbm>> -> memref<1024xi32, #tpu.memory_space<hbm>>
    tpu.wait_dma2 semaphore(%arg10 : memref<!tpu.dma_semaphore, #tpu.memory_space<semaphore_mem>>) src(%dma_wait3A_68 : memref<1024xi32, #tpu.memory_space<hbm>>) dst(%arg6 : memref<1024xi32, #tpu.memory_space<vmem>>)
    %dma_wait3A_69 = arith.constant 0 : i32
    %dma_wait3A_70 = tpu.memref_slice %arg4[%add3A_36, %dma_wait3A_69] : memref<262144x32xf32, #tpu.memory_space<hbm>> -> memref<1024x32xf32, #tpu.memory_space<hbm>>
    %dma_wait3A_71 = arith.constant 0 : i32
    %dma_wait3A_72 = tpu.memref_slice %arg4[%add3A_36, %dma_wait3A_71] : memref<262144x32xf32, #tpu.memory_space<hbm>> -> memref<1024x32xf32, #tpu.memory_space<hbm>>
    tpu.wait_dma2 semaphore(%arg13 : memref<!tpu.dma_semaphore, #tpu.memory_space<semaphore_mem>>) src(%arg8 : memref<1024x32xf32, #tpu.memory_space<vmem>>) dst(%dma_wait3A_72 : memref<1024x32xf32, #tpu.memory_space<hbm>>)
    %dma_start3A_73 = arith.constant 0 : i32
    %dma_start3A_74 = arith.constant 0 : i32
    %dma_start3A_75 = tpu.memref_slice %arg3[%dma_start3A_73, %dma_start3A_74] : memref<32768x32xf32, #tpu.memory_space<hbm>> -> memref<32768x32xf32, #tpu.memory_space<hbm>>
    tpu.enqueue_indirect_dma source(%dma_start3A_75 : memref<32768x32xf32, #tpu.memory_space<hbm>>) target(%arg8 : memref<1024x32xf32, #tpu.memory_space<vmem>>) offsets(%arg6 : memref<1024xi32, #tpu.memory_space<vmem>>) semaphore(%arg11 : memref<!tpu.dma_semaphore, #tpu.memory_space<semaphore_mem>>)
    %dma_wait3A_76 = arith.constant 0 : i32
    %dma_wait3A_77 = arith.constant 0 : i32
    %dma_wait3A_78 = tpu.memref_slice %arg3[%dma_wait3A_76, %dma_wait3A_77] : memref<32768x32xf32, #tpu.memory_space<hbm>> -> memref<32768x32xf32, #tpu.memory_space<hbm>>
    tpu.wait_indirect_dma semaphore(%arg11 : memref<!tpu.dma_semaphore, #tpu.memory_space<semaphore_mem>>) src(%dma_wait3A_78 : memref<32768x32xf32, #tpu.memory_space<hbm>>) dst(%arg8 : memref<1024x32xf32, #tpu.memory_space<vmem>>)
    %add3A_79 = arith.constant 3072 : i32
    %add3A_80 = arith.addi %mul3A_2, %add3A_79 : i32
    %dma_start3A_81 = arith.constant 0 : i32
    %dma_start3A_82 = tpu.memref_slice %arg4[%add3A_80, %dma_start3A_81] : memref<262144x32xf32, #tpu.memory_space<hbm>> -> memref<1024x32xf32, #tpu.memory_space<hbm>>
    %dma_start3A_83 = arith.constant 0 : i32
    %dma_start3A_84 = tpu.memref_slice %arg4[%add3A_80, %dma_start3A_83] : memref<262144x32xf32, #tpu.memory_space<hbm>> -> memref<1024x32xf32, #tpu.memory_space<hbm>>
    tpu.enqueue_dma source(%arg8 : memref<1024x32xf32, #tpu.memory_space<vmem>>) target(%dma_start3A_84 : memref<1024x32xf32, #tpu.memory_space<hbm>>) target_semaphore(%arg13 : memref<!tpu.dma_semaphore, #tpu.memory_space<semaphore_mem>>)
    %add3A_85 = arith.constant 5120 : i32
    %add3A_86 = arith.addi %add3A_4, %add3A_85 : i32
    %dma_start3A_87 = tpu.memref_slice %arg2[%add3A_86] : memref<524288xi32, #tpu.memory_space<hbm>> -> memref<1024xi32, #tpu.memory_space<hbm>>
    %dma_start3A_88 = tpu.memref_slice %arg2[%add3A_86] : memref<524288xi32, #tpu.memory_space<hbm>> -> memref<1024xi32, #tpu.memory_space<hbm>>
    tpu.enqueue_dma source(%dma_start3A_88 : memref<1024xi32, #tpu.memory_space<hbm>>) target(%arg6 : memref<1024xi32, #tpu.memory_space<vmem>>) target_semaphore(%arg10 : memref<!tpu.dma_semaphore, #tpu.memory_space<semaphore_mem>>)
    %dma_wait3A_89 = tpu.memref_slice %arg2[%add3A_64] : memref<524288xi32, #tpu.memory_space<hbm>> -> memref<1024xi32, #tpu.memory_space<hbm>>
    %dma_wait3A_90 = tpu.memref_slice %arg2[%add3A_64] : memref<524288xi32, #tpu.memory_space<hbm>> -> memref<1024xi32, #tpu.memory_space<hbm>>
    tpu.wait_dma2 semaphore(%arg9 : memref<!tpu.dma_semaphore, #tpu.memory_space<semaphore_mem>>) src(%dma_wait3A_90 : memref<1024xi32, #tpu.memory_space<hbm>>) dst(%arg5 : memref<1024xi32, #tpu.memory_space<vmem>>)
    %dma_wait3A_91 = arith.constant 0 : i32
    %dma_wait3A_92 = tpu.memref_slice %arg4[%add3A_58, %dma_wait3A_91] : memref<262144x32xf32, #tpu.memory_space<hbm>> -> memref<1024x32xf32, #tpu.memory_space<hbm>>
    %dma_wait3A_93 = arith.constant 0 : i32
    %dma_wait3A_94 = tpu.memref_slice %arg4[%add3A_58, %dma_wait3A_93] : memref<262144x32xf32, #tpu.memory_space<hbm>> -> memref<1024x32xf32, #tpu.memory_space<hbm>>
    tpu.wait_dma2 semaphore(%arg12 : memref<!tpu.dma_semaphore, #tpu.memory_space<semaphore_mem>>) src(%arg7 : memref<1024x32xf32, #tpu.memory_space<vmem>>) dst(%dma_wait3A_94 : memref<1024x32xf32, #tpu.memory_space<hbm>>)
    %dma_start3A_95 = arith.constant 0 : i32
    %dma_start3A_96 = arith.constant 0 : i32
    %dma_start3A_97 = tpu.memref_slice %arg3[%dma_start3A_95, %dma_start3A_96] : memref<32768x32xf32, #tpu.memory_space<hbm>> -> memref<32768x32xf32, #tpu.memory_space<hbm>>
    tpu.enqueue_indirect_dma source(%dma_start3A_97 : memref<32768x32xf32, #tpu.memory_space<hbm>>) target(%arg7 : memref<1024x32xf32, #tpu.memory_space<vmem>>) offsets(%arg5 : memref<1024xi32, #tpu.memory_space<vmem>>) semaphore(%arg11 : memref<!tpu.dma_semaphore, #tpu.memory_space<semaphore_mem>>)
    %dma_wait3A_98 = arith.constant 0 : i32
    %dma_wait3A_99 = arith.constant 0 : i32
    %dma_wait3A_100 = tpu.memref_slice %arg3[%dma_wait3A_98, %dma_wait3A_99] : memref<32768x32xf32, #tpu.memory_space<hbm>> -> memref<32768x32xf32, #tpu.memory_space<hbm>>
    tpu.wait_indirect_dma semaphore(%arg11 : memref<!tpu.dma_semaphore, #tpu.memory_space<semaphore_mem>>) src(%dma_wait3A_100 : memref<32768x32xf32, #tpu.memory_space<hbm>>) dst(%arg7 : memref<1024x32xf32, #tpu.memory_space<vmem>>)
    %add3A_101 = arith.constant 4096 : i32
    %add3A_102 = arith.addi %mul3A_2, %add3A_101 : i32
    %dma_start3A_103 = arith.constant 0 : i32
    %dma_start3A_104 = tpu.memref_slice %arg4[%add3A_102, %dma_start3A_103] : memref<262144x32xf32, #tpu.memory_space<hbm>> -> memref<1024x32xf32, #tpu.memory_space<hbm>>
    %dma_start3A_105 = arith.constant 0 : i32
    %dma_start3A_106 = tpu.memref_slice %arg4[%add3A_102, %dma_start3A_105] : memref<262144x32xf32, #tpu.memory_space<hbm>> -> memref<1024x32xf32, #tpu.memory_space<hbm>>
    tpu.enqueue_dma source(%arg7 : memref<1024x32xf32, #tpu.memory_space<vmem>>) target(%dma_start3A_106 : memref<1024x32xf32, #tpu.memory_space<hbm>>) target_semaphore(%arg12 : memref<!tpu.dma_semaphore, #tpu.memory_space<semaphore_mem>>)
    %add3A_107 = arith.constant 6144 : i32
    %add3A_108 = arith.addi %add3A_4, %add3A_107 : i32
    %dma_start3A_109 = tpu.memref_slice %arg2[%add3A_108] : memref<524288xi32, #tpu.memory_space<hbm>> -> memref<1024xi32, #tpu.memory_space<hbm>>
    %dma_start3A_110 = tpu.memref_slice %arg2[%add3A_108] : memref<524288xi32, #tpu.memory_space<hbm>> -> memref<1024xi32, #tpu.memory_space<hbm>>
    tpu.enqueue_dma source(%dma_start3A_110 : memref<1024xi32, #tpu.memory_space<hbm>>) target(%arg5 : memref<1024xi32, #tpu.memory_space<vmem>>) target_semaphore(%arg9 : memref<!tpu.dma_semaphore, #tpu.memory_space<semaphore_mem>>)
    %dma_wait3A_111 = tpu.memref_slice %arg2[%add3A_86] : memref<524288xi32, #tpu.memory_space<hbm>> -> memref<1024xi32, #tpu.memory_space<hbm>>
    %dma_wait3A_112 = tpu.memref_slice %arg2[%add3A_86] : memref<524288xi32, #tpu.memory_space<hbm>> -> memref<1024xi32, #tpu.memory_space<hbm>>
    tpu.wait_dma2 semaphore(%arg10 : memref<!tpu.dma_semaphore, #tpu.memory_space<semaphore_mem>>) src(%dma_wait3A_112 : memref<1024xi32, #tpu.memory_space<hbm>>) dst(%arg6 : memref<1024xi32, #tpu.memory_space<vmem>>)
    %dma_wait3A_113 = arith.constant 0 : i32
    %dma_wait3A_114 = tpu.memref_slice %arg4[%add3A_80, %dma_wait3A_113] : memref<262144x32xf32, #tpu.memory_space<hbm>> -> memref<1024x32xf32, #tpu.memory_space<hbm>>
    %dma_wait3A_115 = arith.constant 0 : i32
    %dma_wait3A_116 = tpu.memref_slice %arg4[%add3A_80, %dma_wait3A_115] : memref<262144x32xf32, #tpu.memory_space<hbm>> -> memref<1024x32xf32, #tpu.memory_space<hbm>>
    tpu.wait_dma2 semaphore(%arg13 : memref<!tpu.dma_semaphore, #tpu.memory_space<semaphore_mem>>) src(%arg8 : memref<1024x32xf32, #tpu.memory_space<vmem>>) dst(%dma_wait3A_116 : memref<1024x32xf32, #tpu.memory_space<hbm>>)
    %dma_start3A_117 = arith.constant 0 : i32
    %dma_start3A_118 = arith.constant 0 : i32
    %dma_start3A_119 = tpu.memref_slice %arg3[%dma_start3A_117, %dma_start3A_118] : memref<32768x32xf32, #tpu.memory_space<hbm>> -> memref<32768x32xf32, #tpu.memory_space<hbm>>
    tpu.enqueue_indirect_dma source(%dma_start3A_119 : memref<32768x32xf32, #tpu.memory_space<hbm>>) target(%arg8 : memref<1024x32xf32, #tpu.memory_space<vmem>>) offsets(%arg6 : memref<1024xi32, #tpu.memory_space<vmem>>) semaphore(%arg11 : memref<!tpu.dma_semaphore, #tpu.memory_space<semaphore_mem>>)
    %dma_wait3A_120 = arith.constant 0 : i32
    %dma_wait3A_121 = arith.constant 0 : i32
    %dma_wait3A_122 = tpu.memref_slice %arg3[%dma_wait3A_120, %dma_wait3A_121] : memref<32768x32xf32, #tpu.memory_space<hbm>> -> memref<32768x32xf32, #tpu.memory_space<hbm>>
    tpu.wait_indirect_dma semaphore(%arg11 : memref<!tpu.dma_semaphore, #tpu.memory_space<semaphore_mem>>) src(%dma_wait3A_122 : memref<32768x32xf32, #tpu.memory_space<hbm>>) dst(%arg8 : memref<1024x32xf32, #tpu.memory_space<vmem>>)
    %add3A_123 = arith.constant 5120 : i32
    %add3A_124 = arith.addi %mul3A_2, %add3A_123 : i32
    %dma_start3A_125 = arith.constant 0 : i32
    %dma_start3A_126 = tpu.memref_slice %arg4[%add3A_124, %dma_start3A_125] : memref<262144x32xf32, #tpu.memory_space<hbm>> -> memref<1024x32xf32, #tpu.memory_space<hbm>>
    %dma_start3A_127 = arith.constant 0 : i32
    %dma_start3A_128 = tpu.memref_slice %arg4[%add3A_124, %dma_start3A_127] : memref<262144x32xf32, #tpu.memory_space<hbm>> -> memref<1024x32xf32, #tpu.memory_space<hbm>>
    tpu.enqueue_dma source(%arg8 : memref<1024x32xf32, #tpu.memory_space<vmem>>) target(%dma_start3A_128 : memref<1024x32xf32, #tpu.memory_space<hbm>>) target_semaphore(%arg13 : memref<!tpu.dma_semaphore, #tpu.memory_space<semaphore_mem>>)
    %add3A_129 = arith.constant 7168 : i32
    %add3A_130 = arith.addi %add3A_4, %add3A_129 : i32
    %dma_start3A_131 = tpu.memref_slice %arg2[%add3A_130] : memref<524288xi32, #tpu.memory_space<hbm>> -> memref<1024xi32, #tpu.memory_space<hbm>>
    %dma_start3A_132 = tpu.memref_slice %arg2[%add3A_130] : memref<524288xi32, #tpu.memory_space<hbm>> -> memref<1024xi32, #tpu.memory_space<hbm>>
    tpu.enqueue_dma source(%dma_start3A_132 : memref<1024xi32, #tpu.memory_space<hbm>>) target(%arg6 : memref<1024xi32, #tpu.memory_space<vmem>>) target_semaphore(%arg10 : memref<!tpu.dma_semaphore, #tpu.memory_space<semaphore_mem>>)
    %dma_wait3A_133 = tpu.memref_slice %arg2[%add3A_108] : memref<524288xi32, #tpu.memory_space<hbm>> -> memref<1024xi32, #tpu.memory_space<hbm>>
    %dma_wait3A_134 = tpu.memref_slice %arg2[%add3A_108] : memref<524288xi32, #tpu.memory_space<hbm>> -> memref<1024xi32, #tpu.memory_space<hbm>>
    tpu.wait_dma2 semaphore(%arg9 : memref<!tpu.dma_semaphore, #tpu.memory_space<semaphore_mem>>) src(%dma_wait3A_134 : memref<1024xi32, #tpu.memory_space<hbm>>) dst(%arg5 : memref<1024xi32, #tpu.memory_space<vmem>>)
    %dma_wait3A_135 = arith.constant 0 : i32
    %dma_wait3A_136 = tpu.memref_slice %arg4[%add3A_102, %dma_wait3A_135] : memref<262144x32xf32, #tpu.memory_space<hbm>> -> memref<1024x32xf32, #tpu.memory_space<hbm>>
    %dma_wait3A_137 = arith.constant 0 : i32
    %dma_wait3A_138 = tpu.memref_slice %arg4[%add3A_102, %dma_wait3A_137] : memref<262144x32xf32, #tpu.memory_space<hbm>> -> memref<1024x32xf32, #tpu.memory_space<hbm>>
    tpu.wait_dma2 semaphore(%arg12 : memref<!tpu.dma_semaphore, #tpu.memory_space<semaphore_mem>>) src(%arg7 : memref<1024x32xf32, #tpu.memory_space<vmem>>) dst(%dma_wait3A_138 : memref<1024x32xf32, #tpu.memory_space<hbm>>)
    %dma_start3A_139 = arith.constant 0 : i32
    %dma_start3A_140 = arith.constant 0 : i32
    %dma_start3A_141 = tpu.memref_slice %arg3[%dma_start3A_139, %dma_start3A_140] : memref<32768x32xf32, #tpu.memory_space<hbm>> -> memref<32768x32xf32, #tpu.memory_space<hbm>>
    tpu.enqueue_indirect_dma source(%dma_start3A_141 : memref<32768x32xf32, #tpu.memory_space<hbm>>) target(%arg7 : memref<1024x32xf32, #tpu.memory_space<vmem>>) offsets(%arg5 : memref<1024xi32, #tpu.memory_space<vmem>>) semaphore(%arg11 : memref<!tpu.dma_semaphore, #tpu.memory_space<semaphore_mem>>)
    %dma_wait3A_142 = arith.constant 0 : i32
    %dma_wait3A_143 = arith.constant 0 : i32
    %dma_wait3A_144 = tpu.memref_slice %arg3[%dma_wait3A_142, %dma_wait3A_143] : memref<32768x32xf32, #tpu.memory_space<hbm>> -> memref<32768x32xf32, #tpu.memory_space<hbm>>
    tpu.wait_indirect_dma semaphore(%arg11 : memref<!tpu.dma_semaphore, #tpu.memory_space<semaphore_mem>>) src(%dma_wait3A_144 : memref<32768x32xf32, #tpu.memory_space<hbm>>) dst(%arg7 : memref<1024x32xf32, #tpu.memory_space<vmem>>)
    %add3A_145 = arith.constant 6144 : i32
    %add3A_146 = arith.addi %mul3A_2, %add3A_145 : i32
    %dma_start3A_147 = arith.constant 0 : i32
    %dma_start3A_148 = tpu.memref_slice %arg4[%add3A_146, %dma_start3A_147] : memref<262144x32xf32, #tpu.memory_space<hbm>> -> memref<1024x32xf32, #tpu.memory_space<hbm>>
    %dma_start3A_149 = arith.constant 0 : i32
    %dma_start3A_150 = tpu.memref_slice %arg4[%add3A_146, %dma_start3A_149] : memref<262144x32xf32, #tpu.memory_space<hbm>> -> memref<1024x32xf32, #tpu.memory_space<hbm>>
    tpu.enqueue_dma source(%arg7 : memref<1024x32xf32, #tpu.memory_space<vmem>>) target(%dma_start3A_150 : memref<1024x32xf32, #tpu.memory_space<hbm>>) target_semaphore(%arg12 : memref<!tpu.dma_semaphore, #tpu.memory_space<semaphore_mem>>)
    %dma_wait3A_151 = tpu.memref_slice %arg2[%add3A_130] : memref<524288xi32, #tpu.memory_space<hbm>> -> memref<1024xi32, #tpu.memory_space<hbm>>
    %dma_wait3A_152 = tpu.memref_slice %arg2[%add3A_130] : memref<524288xi32, #tpu.memory_space<hbm>> -> memref<1024xi32, #tpu.memory_space<hbm>>
    tpu.wait_dma2 semaphore(%arg10 : memref<!tpu.dma_semaphore, #tpu.memory_space<semaphore_mem>>) src(%dma_wait3A_152 : memref<1024xi32, #tpu.memory_space<hbm>>) dst(%arg6 : memref<1024xi32, #tpu.memory_space<vmem>>)
    %dma_wait3A_153 = arith.constant 0 : i32
    %dma_wait3A_154 = tpu.memref_slice %arg4[%add3A_124, %dma_wait3A_153] : memref<262144x32xf32, #tpu.memory_space<hbm>> -> memref<1024x32xf32, #tpu.memory_space<hbm>>
    %dma_wait3A_155 = arith.constant 0 : i32
    %dma_wait3A_156 = tpu.memref_slice %arg4[%add3A_124, %dma_wait3A_155] : memref<262144x32xf32, #tpu.memory_space<hbm>> -> memref<1024x32xf32, #tpu.memory_space<hbm>>
    tpu.wait_dma2 semaphore(%arg13 : memref<!tpu.dma_semaphore, #tpu.memory_space<semaphore_mem>>) src(%arg8 : memref<1024x32xf32, #tpu.memory_space<vmem>>) dst(%dma_wait3A_156 : memref<1024x32xf32, #tpu.memory_space<hbm>>)
    %dma_start3A_157 = arith.constant 0 : i32
    %dma_start3A_158 = arith.constant 0 : i32
    %dma_start3A_159 = tpu.memref_slice %arg3[%dma_start3A_157, %dma_start3A_158] : memref<32768x32xf32, #tpu.memory_space<hbm>> -> memref<32768x32xf32, #tpu.memory_space<hbm>>
    tpu.enqueue_indirect_dma source(%dma_start3A_159 : memref<32768x32xf32, #tpu.memory_space<hbm>>) target(%arg8 : memref<1024x32xf32, #tpu.memory_space<vmem>>) offsets(%arg6 : memref<1024xi32, #tpu.memory_space<vmem>>) semaphore(%arg11 : memref<!tpu.dma_semaphore, #tpu.memory_space<semaphore_mem>>)
    %dma_wait3A_160 = arith.constant 0 : i32
    %dma_wait3A_161 = arith.constant 0 : i32
    %dma_wait3A_162 = tpu.memref_slice %arg3[%dma_wait3A_160, %dma_wait3A_161] : memref<32768x32xf32, #tpu.memory_space<hbm>> -> memref<32768x32xf32, #tpu.memory_space<hbm>>
    tpu.wait_indirect_dma semaphore(%arg11 : memref<!tpu.dma_semaphore, #tpu.memory_space<semaphore_mem>>) src(%dma_wait3A_162 : memref<32768x32xf32, #tpu.memory_space<hbm>>) dst(%arg8 : memref<1024x32xf32, #tpu.memory_space<vmem>>)
    %add3A_163 = arith.constant 7168 : i32
    %add3A_164 = arith.addi %mul3A_2, %add3A_163 : i32
    %dma_start3A_165 = arith.constant 0 : i32
    %dma_start3A_166 = tpu.memref_slice %arg4[%add3A_164, %dma_start3A_165] : memref<262144x32xf32, #tpu.memory_space<hbm>> -> memref<1024x32xf32, #tpu.memory_space<hbm>>
    %dma_start3A_167 = arith.constant 0 : i32
    %dma_start3A_168 = tpu.memref_slice %arg4[%add3A_164, %dma_start3A_167] : memref<262144x32xf32, #tpu.memory_space<hbm>> -> memref<1024x32xf32, #tpu.memory_space<hbm>>
    tpu.enqueue_dma source(%arg8 : memref<1024x32xf32, #tpu.memory_space<vmem>>) target(%dma_start3A_168 : memref<1024x32xf32, #tpu.memory_space<hbm>>) target_semaphore(%arg13 : memref<!tpu.dma_semaphore, #tpu.memory_space<semaphore_mem>>)
    %dma_wait3A_169 = arith.constant 0 : i32
    %dma_wait3A_170 = tpu.memref_slice %arg4[%add3A_146, %dma_wait3A_169] : memref<262144x32xf32, #tpu.memory_space<hbm>> -> memref<1024x32xf32, #tpu.memory_space<hbm>>
    %dma_wait3A_171 = arith.constant 0 : i32
    %dma_wait3A_172 = tpu.memref_slice %arg4[%add3A_146, %dma_wait3A_171] : memref<262144x32xf32, #tpu.memory_space<hbm>> -> memref<1024x32xf32, #tpu.memory_space<hbm>>
    tpu.wait_dma2 semaphore(%arg12 : memref<!tpu.dma_semaphore, #tpu.memory_space<semaphore_mem>>) src(%arg7 : memref<1024x32xf32, #tpu.memory_space<vmem>>) dst(%dma_wait3A_172 : memref<1024x32xf32, #tpu.memory_space<hbm>>)
    %dma_wait3A_173 = arith.constant 0 : i32
    %dma_wait3A_174 = tpu.memref_slice %arg4[%add3A_164, %dma_wait3A_173] : memref<262144x32xf32, #tpu.memory_space<hbm>> -> memref<1024x32xf32, #tpu.memory_space<hbm>>
    %dma_wait3A_175 = arith.constant 0 : i32
    %dma_wait3A_176 = tpu.memref_slice %arg4[%add3A_164, %dma_wait3A_175] : memref<262144x32xf32, #tpu.memory_space<hbm>> -> memref<1024x32xf32, #tpu.memory_space<hbm>>
    tpu.wait_dma2 semaphore(%arg13 : memref<!tpu.dma_semaphore, #tpu.memory_space<semaphore_mem>>) src(%arg8 : memref<1024x32xf32, #tpu.memory_space<vmem>>) dst(%dma_wait3A_176 : memref<1024x32xf32, #tpu.memory_space<hbm>>)
    return
  }
}

#map = affine_map<(d0, d1) -> (0)>
#map1 = affine_map<(d0, d1) -> (0, 0)>
module attributes {stable_mosaic.version = 14 : i64} {
  func.func @gk(%arg0: i32, %arg1: i32, %arg2: memref<262144xi32, #tpu.memory_space<hbm>>, %arg3: memref<32768x32xf32, #tpu.memory_space<hbm>>, %arg4: memref<131072x32xf32, #tpu.memory_space<hbm>>, %arg5: memref<1024xi32, #tpu.memory_space<vmem>>, %arg6: memref<1024xi32, #tpu.memory_space<vmem>>, %arg7: memref<1024x32xf32, #tpu.memory_space<vmem>>, %arg8: memref<1024x32xf32, #tpu.memory_space<vmem>>, %arg9: memref<!tpu.dma_semaphore, #tpu.memory_space<semaphore_mem>>, %arg10: memref<!tpu.dma_semaphore, #tpu.memory_space<semaphore_mem>>, %arg11: memref<!tpu.dma_semaphore, #tpu.memory_space<semaphore_mem>>, %arg12: memref<!tpu.dma_semaphore, #tpu.memory_space<semaphore_mem>>, %arg13: memref<!tpu.dma_semaphore, #tpu.memory_space<semaphore_mem>>) attributes {dimension_semantics = [#tpu.dimension_semantics<core_parallel>, #tpu.dimension_semantics<subcore_parallel>], iteration_bounds = array<i64: 2, 16>, scalar_prefetch = 0 : i64, scratch_operands = 9 : i64, tpu.core_type = #tpu.core_type<sc_vector_subcore>, window_params = [{transform_indices = #map}, {transform_indices = #map1}, {transform_indices = #map1}]} {
    %mul3A = arith.constant 2 : i32
    %mul3A_0 = arith.muli %arg1, %mul3A : i32
    %add3A = arith.addi %mul3A_0, %arg0 : i32
    %mul3A_1 = arith.constant 4096 : i32
    %mul3A_2 = arith.muli %add3A, %mul3A_1 : i32
    %add3A_3 = arith.constant 131072 : i32
    %add3A_4 = arith.addi %add3A_3, %mul3A_2 : i32
    %dma_start3A = tpu.memref_slice %arg2[%add3A_4] : memref<262144xi32, #tpu.memory_space<hbm>> -> memref<1024xi32, #tpu.memory_space<hbm>>
    %dma_start3A_5 = tpu.memref_slice %arg2[%add3A_4] : memref<262144xi32, #tpu.memory_space<hbm>> -> memref<1024xi32, #tpu.memory_space<hbm>>
    tpu.enqueue_dma source(%dma_start3A_5 : memref<1024xi32, #tpu.memory_space<hbm>>) target(%arg5 : memref<1024xi32, #tpu.memory_space<vmem>>) target_semaphore(%arg9 : memref<!tpu.dma_semaphore, #tpu.memory_space<semaphore_mem>>)
    %add3A_6 = arith.constant 1024 : i32
    %add3A_7 = arith.addi %add3A_4, %add3A_6 : i32
    %dma_start3A_8 = tpu.memref_slice %arg2[%add3A_7] : memref<262144xi32, #tpu.memory_space<hbm>> -> memref<1024xi32, #tpu.memory_space<hbm>>
    %dma_start3A_9 = tpu.memref_slice %arg2[%add3A_7] : memref<262144xi32, #tpu.memory_space<hbm>> -> memref<1024xi32, #tpu.memory_space<hbm>>
    tpu.enqueue_dma source(%dma_start3A_9 : memref<1024xi32, #tpu.memory_space<hbm>>) target(%arg6 : memref<1024xi32, #tpu.memory_space<vmem>>) target_semaphore(%arg10 : memref<!tpu.dma_semaphore, #tpu.memory_space<semaphore_mem>>)
    %dma_wait3A = tpu.memref_slice %arg2[%add3A_4] : memref<262144xi32, #tpu.memory_space<hbm>> -> memref<1024xi32, #tpu.memory_space<hbm>>
    %dma_wait3A_10 = tpu.memref_slice %arg2[%add3A_4] : memref<262144xi32, #tpu.memory_space<hbm>> -> memref<1024xi32, #tpu.memory_space<hbm>>
    tpu.wait_dma2 semaphore(%arg9 : memref<!tpu.dma_semaphore, #tpu.memory_space<semaphore_mem>>) src(%dma_wait3A_10 : memref<1024xi32, #tpu.memory_space<hbm>>) dst(%arg5 : memref<1024xi32, #tpu.memory_space<vmem>>)
    %dma_start3A_11 = arith.constant 0 : i32
    %dma_start3A_12 = arith.constant 0 : i32
    %dma_start3A_13 = tpu.memref_slice %arg3[%dma_start3A_11, %dma_start3A_12] : memref<32768x32xf32, #tpu.memory_space<hbm>> -> memref<32768x32xf32, #tpu.memory_space<hbm>>
    tpu.enqueue_indirect_dma source(%dma_start3A_13 : memref<32768x32xf32, #tpu.memory_space<hbm>>) target(%arg7 : memref<1024x32xf32, #tpu.memory_space<vmem>>) offsets(%arg5 : memref<1024xi32, #tpu.memory_space<vmem>>) semaphore(%arg11 : memref<!tpu.dma_semaphore, #tpu.memory_space<semaphore_mem>>)
    %dma_wait3A_14 = arith.constant 0 : i32
    %dma_wait3A_15 = arith.constant 0 : i32
    %dma_wait3A_16 = tpu.memref_slice %arg3[%dma_wait3A_14, %dma_wait3A_15] : memref<32768x32xf32, #tpu.memory_space<hbm>> -> memref<32768x32xf32, #tpu.memory_space<hbm>>
    tpu.wait_indirect_dma semaphore(%arg11 : memref<!tpu.dma_semaphore, #tpu.memory_space<semaphore_mem>>) src(%dma_wait3A_16 : memref<32768x32xf32, #tpu.memory_space<hbm>>) dst(%arg7 : memref<1024x32xf32, #tpu.memory_space<vmem>>)
    %add3A_17 = arith.constant 0 : i32
    %add3A_18 = arith.addi %mul3A_2, %add3A_17 : i32
    %dma_start3A_19 = arith.constant 0 : i32
    %dma_start3A_20 = tpu.memref_slice %arg4[%add3A_18, %dma_start3A_19] : memref<131072x32xf32, #tpu.memory_space<hbm>> -> memref<1024x32xf32, #tpu.memory_space<hbm>>
    %dma_start3A_21 = arith.constant 0 : i32
    %dma_start3A_22 = tpu.memref_slice %arg4[%add3A_18, %dma_start3A_21] : memref<131072x32xf32, #tpu.memory_space<hbm>> -> memref<1024x32xf32, #tpu.memory_space<hbm>>
    tpu.enqueue_dma source(%arg7 : memref<1024x32xf32, #tpu.memory_space<vmem>>) target(%dma_start3A_22 : memref<1024x32xf32, #tpu.memory_space<hbm>>) target_semaphore(%arg12 : memref<!tpu.dma_semaphore, #tpu.memory_space<semaphore_mem>>)
    %add3A_23 = arith.constant 2048 : i32
    %add3A_24 = arith.addi %add3A_4, %add3A_23 : i32
    %dma_start3A_25 = tpu.memref_slice %arg2[%add3A_24] : memref<262144xi32, #tpu.memory_space<hbm>> -> memref<1024xi32, #tpu.memory_space<hbm>>
    %dma_start3A_26 = tpu.memref_slice %arg2[%add3A_24] : memref<262144xi32, #tpu.memory_space<hbm>> -> memref<1024xi32, #tpu.memory_space<hbm>>
    tpu.enqueue_dma source(%dma_start3A_26 : memref<1024xi32, #tpu.memory_space<hbm>>) target(%arg5 : memref<1024xi32, #tpu.memory_space<vmem>>) target_semaphore(%arg9 : memref<!tpu.dma_semaphore, #tpu.memory_space<semaphore_mem>>)
    %dma_wait3A_27 = tpu.memref_slice %arg2[%add3A_7] : memref<262144xi32, #tpu.memory_space<hbm>> -> memref<1024xi32, #tpu.memory_space<hbm>>
    %dma_wait3A_28 = tpu.memref_slice %arg2[%add3A_7] : memref<262144xi32, #tpu.memory_space<hbm>> -> memref<1024xi32, #tpu.memory_space<hbm>>
    tpu.wait_dma2 semaphore(%arg10 : memref<!tpu.dma_semaphore, #tpu.memory_space<semaphore_mem>>) src(%dma_wait3A_28 : memref<1024xi32, #tpu.memory_space<hbm>>) dst(%arg6 : memref<1024xi32, #tpu.memory_space<vmem>>)
    %dma_start3A_29 = arith.constant 0 : i32
    %dma_start3A_30 = arith.constant 0 : i32
    %dma_start3A_31 = tpu.memref_slice %arg3[%dma_start3A_29, %dma_start3A_30] : memref<32768x32xf32, #tpu.memory_space<hbm>> -> memref<32768x32xf32, #tpu.memory_space<hbm>>
    tpu.enqueue_indirect_dma source(%dma_start3A_31 : memref<32768x32xf32, #tpu.memory_space<hbm>>) target(%arg8 : memref<1024x32xf32, #tpu.memory_space<vmem>>) offsets(%arg6 : memref<1024xi32, #tpu.memory_space<vmem>>) semaphore(%arg11 : memref<!tpu.dma_semaphore, #tpu.memory_space<semaphore_mem>>)
    %dma_wait3A_32 = arith.constant 0 : i32
    %dma_wait3A_33 = arith.constant 0 : i32
    %dma_wait3A_34 = tpu.memref_slice %arg3[%dma_wait3A_32, %dma_wait3A_33] : memref<32768x32xf32, #tpu.memory_space<hbm>> -> memref<32768x32xf32, #tpu.memory_space<hbm>>
    tpu.wait_indirect_dma semaphore(%arg11 : memref<!tpu.dma_semaphore, #tpu.memory_space<semaphore_mem>>) src(%dma_wait3A_34 : memref<32768x32xf32, #tpu.memory_space<hbm>>) dst(%arg8 : memref<1024x32xf32, #tpu.memory_space<vmem>>)
    %add3A_35 = arith.constant 1024 : i32
    %add3A_36 = arith.addi %mul3A_2, %add3A_35 : i32
    %dma_start3A_37 = arith.constant 0 : i32
    %dma_start3A_38 = tpu.memref_slice %arg4[%add3A_36, %dma_start3A_37] : memref<131072x32xf32, #tpu.memory_space<hbm>> -> memref<1024x32xf32, #tpu.memory_space<hbm>>
    %dma_start3A_39 = arith.constant 0 : i32
    %dma_start3A_40 = tpu.memref_slice %arg4[%add3A_36, %dma_start3A_39] : memref<131072x32xf32, #tpu.memory_space<hbm>> -> memref<1024x32xf32, #tpu.memory_space<hbm>>
    tpu.enqueue_dma source(%arg8 : memref<1024x32xf32, #tpu.memory_space<vmem>>) target(%dma_start3A_40 : memref<1024x32xf32, #tpu.memory_space<hbm>>) target_semaphore(%arg13 : memref<!tpu.dma_semaphore, #tpu.memory_space<semaphore_mem>>)
    %add3A_41 = arith.constant 3072 : i32
    %add3A_42 = arith.addi %add3A_4, %add3A_41 : i32
    %dma_start3A_43 = tpu.memref_slice %arg2[%add3A_42] : memref<262144xi32, #tpu.memory_space<hbm>> -> memref<1024xi32, #tpu.memory_space<hbm>>
    %dma_start3A_44 = tpu.memref_slice %arg2[%add3A_42] : memref<262144xi32, #tpu.memory_space<hbm>> -> memref<1024xi32, #tpu.memory_space<hbm>>
    tpu.enqueue_dma source(%dma_start3A_44 : memref<1024xi32, #tpu.memory_space<hbm>>) target(%arg6 : memref<1024xi32, #tpu.memory_space<vmem>>) target_semaphore(%arg10 : memref<!tpu.dma_semaphore, #tpu.memory_space<semaphore_mem>>)
    %dma_wait3A_45 = tpu.memref_slice %arg2[%add3A_24] : memref<262144xi32, #tpu.memory_space<hbm>> -> memref<1024xi32, #tpu.memory_space<hbm>>
    %dma_wait3A_46 = tpu.memref_slice %arg2[%add3A_24] : memref<262144xi32, #tpu.memory_space<hbm>> -> memref<1024xi32, #tpu.memory_space<hbm>>
    tpu.wait_dma2 semaphore(%arg9 : memref<!tpu.dma_semaphore, #tpu.memory_space<semaphore_mem>>) src(%dma_wait3A_46 : memref<1024xi32, #tpu.memory_space<hbm>>) dst(%arg5 : memref<1024xi32, #tpu.memory_space<vmem>>)
    %dma_wait3A_47 = arith.constant 0 : i32
    %dma_wait3A_48 = tpu.memref_slice %arg4[%add3A_18, %dma_wait3A_47] : memref<131072x32xf32, #tpu.memory_space<hbm>> -> memref<1024x32xf32, #tpu.memory_space<hbm>>
    %dma_wait3A_49 = arith.constant 0 : i32
    %dma_wait3A_50 = tpu.memref_slice %arg4[%add3A_18, %dma_wait3A_49] : memref<131072x32xf32, #tpu.memory_space<hbm>> -> memref<1024x32xf32, #tpu.memory_space<hbm>>
    tpu.wait_dma2 semaphore(%arg12 : memref<!tpu.dma_semaphore, #tpu.memory_space<semaphore_mem>>) src(%arg7 : memref<1024x32xf32, #tpu.memory_space<vmem>>) dst(%dma_wait3A_50 : memref<1024x32xf32, #tpu.memory_space<hbm>>)
    %dma_start3A_51 = arith.constant 0 : i32
    %dma_start3A_52 = arith.constant 0 : i32
    %dma_start3A_53 = tpu.memref_slice %arg3[%dma_start3A_51, %dma_start3A_52] : memref<32768x32xf32, #tpu.memory_space<hbm>> -> memref<32768x32xf32, #tpu.memory_space<hbm>>
    tpu.enqueue_indirect_dma source(%dma_start3A_53 : memref<32768x32xf32, #tpu.memory_space<hbm>>) target(%arg7 : memref<1024x32xf32, #tpu.memory_space<vmem>>) offsets(%arg5 : memref<1024xi32, #tpu.memory_space<vmem>>) semaphore(%arg11 : memref<!tpu.dma_semaphore, #tpu.memory_space<semaphore_mem>>)
    %dma_wait3A_54 = arith.constant 0 : i32
    %dma_wait3A_55 = arith.constant 0 : i32
    %dma_wait3A_56 = tpu.memref_slice %arg3[%dma_wait3A_54, %dma_wait3A_55] : memref<32768x32xf32, #tpu.memory_space<hbm>> -> memref<32768x32xf32, #tpu.memory_space<hbm>>
    tpu.wait_indirect_dma semaphore(%arg11 : memref<!tpu.dma_semaphore, #tpu.memory_space<semaphore_mem>>) src(%dma_wait3A_56 : memref<32768x32xf32, #tpu.memory_space<hbm>>) dst(%arg7 : memref<1024x32xf32, #tpu.memory_space<vmem>>)
    %add3A_57 = arith.constant 2048 : i32
    %add3A_58 = arith.addi %mul3A_2, %add3A_57 : i32
    %dma_start3A_59 = arith.constant 0 : i32
    %dma_start3A_60 = tpu.memref_slice %arg4[%add3A_58, %dma_start3A_59] : memref<131072x32xf32, #tpu.memory_space<hbm>> -> memref<1024x32xf32, #tpu.memory_space<hbm>>
    %dma_start3A_61 = arith.constant 0 : i32
    %dma_start3A_62 = tpu.memref_slice %arg4[%add3A_58, %dma_start3A_61] : memref<131072x32xf32, #tpu.memory_space<hbm>> -> memref<1024x32xf32, #tpu.memory_space<hbm>>
    tpu.enqueue_dma source(%arg7 : memref<1024x32xf32, #tpu.memory_space<vmem>>) target(%dma_start3A_62 : memref<1024x32xf32, #tpu.memory_space<hbm>>) target_semaphore(%arg12 : memref<!tpu.dma_semaphore, #tpu.memory_space<semaphore_mem>>)
    %dma_wait3A_63 = tpu.memref_slice %arg2[%add3A_42] : memref<262144xi32, #tpu.memory_space<hbm>> -> memref<1024xi32, #tpu.memory_space<hbm>>
    %dma_wait3A_64 = tpu.memref_slice %arg2[%add3A_42] : memref<262144xi32, #tpu.memory_space<hbm>> -> memref<1024xi32, #tpu.memory_space<hbm>>
    tpu.wait_dma2 semaphore(%arg10 : memref<!tpu.dma_semaphore, #tpu.memory_space<semaphore_mem>>) src(%dma_wait3A_64 : memref<1024xi32, #tpu.memory_space<hbm>>) dst(%arg6 : memref<1024xi32, #tpu.memory_space<vmem>>)
    %dma_wait3A_65 = arith.constant 0 : i32
    %dma_wait3A_66 = tpu.memref_slice %arg4[%add3A_36, %dma_wait3A_65] : memref<131072x32xf32, #tpu.memory_space<hbm>> -> memref<1024x32xf32, #tpu.memory_space<hbm>>
    %dma_wait3A_67 = arith.constant 0 : i32
    %dma_wait3A_68 = tpu.memref_slice %arg4[%add3A_36, %dma_wait3A_67] : memref<131072x32xf32, #tpu.memory_space<hbm>> -> memref<1024x32xf32, #tpu.memory_space<hbm>>
    tpu.wait_dma2 semaphore(%arg13 : memref<!tpu.dma_semaphore, #tpu.memory_space<semaphore_mem>>) src(%arg8 : memref<1024x32xf32, #tpu.memory_space<vmem>>) dst(%dma_wait3A_68 : memref<1024x32xf32, #tpu.memory_space<hbm>>)
    %dma_start3A_69 = arith.constant 0 : i32
    %dma_start3A_70 = arith.constant 0 : i32
    %dma_start3A_71 = tpu.memref_slice %arg3[%dma_start3A_69, %dma_start3A_70] : memref<32768x32xf32, #tpu.memory_space<hbm>> -> memref<32768x32xf32, #tpu.memory_space<hbm>>
    tpu.enqueue_indirect_dma source(%dma_start3A_71 : memref<32768x32xf32, #tpu.memory_space<hbm>>) target(%arg8 : memref<1024x32xf32, #tpu.memory_space<vmem>>) offsets(%arg6 : memref<1024xi32, #tpu.memory_space<vmem>>) semaphore(%arg11 : memref<!tpu.dma_semaphore, #tpu.memory_space<semaphore_mem>>)
    %dma_wait3A_72 = arith.constant 0 : i32
    %dma_wait3A_73 = arith.constant 0 : i32
    %dma_wait3A_74 = tpu.memref_slice %arg3[%dma_wait3A_72, %dma_wait3A_73] : memref<32768x32xf32, #tpu.memory_space<hbm>> -> memref<32768x32xf32, #tpu.memory_space<hbm>>
    tpu.wait_indirect_dma semaphore(%arg11 : memref<!tpu.dma_semaphore, #tpu.memory_space<semaphore_mem>>) src(%dma_wait3A_74 : memref<32768x32xf32, #tpu.memory_space<hbm>>) dst(%arg8 : memref<1024x32xf32, #tpu.memory_space<vmem>>)
    %add3A_75 = arith.constant 3072 : i32
    %add3A_76 = arith.addi %mul3A_2, %add3A_75 : i32
    %dma_start3A_77 = arith.constant 0 : i32
    %dma_start3A_78 = tpu.memref_slice %arg4[%add3A_76, %dma_start3A_77] : memref<131072x32xf32, #tpu.memory_space<hbm>> -> memref<1024x32xf32, #tpu.memory_space<hbm>>
    %dma_start3A_79 = arith.constant 0 : i32
    %dma_start3A_80 = tpu.memref_slice %arg4[%add3A_76, %dma_start3A_79] : memref<131072x32xf32, #tpu.memory_space<hbm>> -> memref<1024x32xf32, #tpu.memory_space<hbm>>
    tpu.enqueue_dma source(%arg8 : memref<1024x32xf32, #tpu.memory_space<vmem>>) target(%dma_start3A_80 : memref<1024x32xf32, #tpu.memory_space<hbm>>) target_semaphore(%arg13 : memref<!tpu.dma_semaphore, #tpu.memory_space<semaphore_mem>>)
    %dma_wait3A_81 = arith.constant 0 : i32
    %dma_wait3A_82 = tpu.memref_slice %arg4[%add3A_58, %dma_wait3A_81] : memref<131072x32xf32, #tpu.memory_space<hbm>> -> memref<1024x32xf32, #tpu.memory_space<hbm>>
    %dma_wait3A_83 = arith.constant 0 : i32
    %dma_wait3A_84 = tpu.memref_slice %arg4[%add3A_58, %dma_wait3A_83] : memref<131072x32xf32, #tpu.memory_space<hbm>> -> memref<1024x32xf32, #tpu.memory_space<hbm>>
    tpu.wait_dma2 semaphore(%arg12 : memref<!tpu.dma_semaphore, #tpu.memory_space<semaphore_mem>>) src(%arg7 : memref<1024x32xf32, #tpu.memory_space<vmem>>) dst(%dma_wait3A_84 : memref<1024x32xf32, #tpu.memory_space<hbm>>)
    %dma_wait3A_85 = arith.constant 0 : i32
    %dma_wait3A_86 = tpu.memref_slice %arg4[%add3A_76, %dma_wait3A_85] : memref<131072x32xf32, #tpu.memory_space<hbm>> -> memref<1024x32xf32, #tpu.memory_space<hbm>>
    %dma_wait3A_87 = arith.constant 0 : i32
    %dma_wait3A_88 = tpu.memref_slice %arg4[%add3A_76, %dma_wait3A_87] : memref<131072x32xf32, #tpu.memory_space<hbm>> -> memref<1024x32xf32, #tpu.memory_space<hbm>>
    tpu.wait_dma2 semaphore(%arg13 : memref<!tpu.dma_semaphore, #tpu.memory_space<semaphore_mem>>) src(%arg8 : memref<1024x32xf32, #tpu.memory_space<vmem>>) dst(%dma_wait3A_88 : memref<1024x32xf32, #tpu.memory_space<hbm>>)
    return
  }
}

#map = affine_map<(d0, d1) -> (0)>
#map1 = affine_map<(d0, d1) -> (0, 0)>
module attributes {stable_mosaic.version = 14 : i64} {
  func.func @gk(%arg0: i32, %arg1: i32, %arg2: memref<262144xi32, #tpu.memory_space<hbm>>, %arg3: memref<32768x32xf32, #tpu.memory_space<hbm>>, %arg4: memref<131072x32xf32, #tpu.memory_space<hbm>>, %arg5: memref<1024xi32, #tpu.memory_space<vmem>>, %arg6: memref<1024xi32, #tpu.memory_space<vmem>>, %arg7: memref<1024x32xf32, #tpu.memory_space<vmem>>, %arg8: memref<1024x32xf32, #tpu.memory_space<vmem>>, %arg9: memref<!tpu.dma_semaphore, #tpu.memory_space<semaphore_mem>>, %arg10: memref<!tpu.dma_semaphore, #tpu.memory_space<semaphore_mem>>, %arg11: memref<!tpu.dma_semaphore, #tpu.memory_space<semaphore_mem>>, %arg12: memref<!tpu.dma_semaphore, #tpu.memory_space<semaphore_mem>>, %arg13: memref<!tpu.dma_semaphore, #tpu.memory_space<semaphore_mem>>) attributes {dimension_semantics = [#tpu.dimension_semantics<core_parallel>, #tpu.dimension_semantics<subcore_parallel>], iteration_bounds = array<i64: 2, 16>, scalar_prefetch = 0 : i64, scratch_operands = 9 : i64, tpu.core_type = #tpu.core_type<sc_vector_subcore>, window_params = [{transform_indices = #map}, {transform_indices = #map1}, {transform_indices = #map1}]} {
    %mul3A = arith.constant 2 : i32
    %mul3A_0 = arith.muli %arg1, %mul3A : i32
    %add3A = arith.addi %mul3A_0, %arg0 : i32
    %mul3A_1 = arith.constant 4096 : i32
    %mul3A_2 = arith.muli %add3A, %mul3A_1 : i32
    %add3A_3 = arith.constant 0 : i32
    %add3A_4 = arith.addi %add3A_3, %mul3A_2 : i32
    %dma_start3A = tpu.memref_slice %arg2[%add3A_4] : memref<262144xi32, #tpu.memory_space<hbm>> -> memref<1024xi32, #tpu.memory_space<hbm>>
    %dma_start3A_5 = tpu.memref_slice %arg2[%add3A_4] : memref<262144xi32, #tpu.memory_space<hbm>> -> memref<1024xi32, #tpu.memory_space<hbm>>
    tpu.enqueue_dma source(%dma_start3A_5 : memref<1024xi32, #tpu.memory_space<hbm>>) target(%arg5 : memref<1024xi32, #tpu.memory_space<vmem>>) target_semaphore(%arg9 : memref<!tpu.dma_semaphore, #tpu.memory_space<semaphore_mem>>)
    %add3A_6 = arith.constant 1024 : i32
    %add3A_7 = arith.addi %add3A_4, %add3A_6 : i32
    %dma_start3A_8 = tpu.memref_slice %arg2[%add3A_7] : memref<262144xi32, #tpu.memory_space<hbm>> -> memref<1024xi32, #tpu.memory_space<hbm>>
    %dma_start3A_9 = tpu.memref_slice %arg2[%add3A_7] : memref<262144xi32, #tpu.memory_space<hbm>> -> memref<1024xi32, #tpu.memory_space<hbm>>
    tpu.enqueue_dma source(%dma_start3A_9 : memref<1024xi32, #tpu.memory_space<hbm>>) target(%arg6 : memref<1024xi32, #tpu.memory_space<vmem>>) target_semaphore(%arg10 : memref<!tpu.dma_semaphore, #tpu.memory_space<semaphore_mem>>)
    %dma_wait3A = tpu.memref_slice %arg2[%add3A_4] : memref<262144xi32, #tpu.memory_space<hbm>> -> memref<1024xi32, #tpu.memory_space<hbm>>
    %dma_wait3A_10 = tpu.memref_slice %arg2[%add3A_4] : memref<262144xi32, #tpu.memory_space<hbm>> -> memref<1024xi32, #tpu.memory_space<hbm>>
    tpu.wait_dma2 semaphore(%arg9 : memref<!tpu.dma_semaphore, #tpu.memory_space<semaphore_mem>>) src(%dma_wait3A_10 : memref<1024xi32, #tpu.memory_space<hbm>>) dst(%arg5 : memref<1024xi32, #tpu.memory_space<vmem>>)
    %dma_start3A_11 = arith.constant 0 : i32
    %dma_start3A_12 = arith.constant 0 : i32
    %dma_start3A_13 = tpu.memref_slice %arg3[%dma_start3A_11, %dma_start3A_12] : memref<32768x32xf32, #tpu.memory_space<hbm>> -> memref<32768x32xf32, #tpu.memory_space<hbm>>
    tpu.enqueue_indirect_dma source(%dma_start3A_13 : memref<32768x32xf32, #tpu.memory_space<hbm>>) target(%arg7 : memref<1024x32xf32, #tpu.memory_space<vmem>>) offsets(%arg5 : memref<1024xi32, #tpu.memory_space<vmem>>) semaphore(%arg11 : memref<!tpu.dma_semaphore, #tpu.memory_space<semaphore_mem>>)
    %dma_wait3A_14 = arith.constant 0 : i32
    %dma_wait3A_15 = arith.constant 0 : i32
    %dma_wait3A_16 = tpu.memref_slice %arg3[%dma_wait3A_14, %dma_wait3A_15] : memref<32768x32xf32, #tpu.memory_space<hbm>> -> memref<32768x32xf32, #tpu.memory_space<hbm>>
    tpu.wait_indirect_dma semaphore(%arg11 : memref<!tpu.dma_semaphore, #tpu.memory_space<semaphore_mem>>) src(%dma_wait3A_16 : memref<32768x32xf32, #tpu.memory_space<hbm>>) dst(%arg7 : memref<1024x32xf32, #tpu.memory_space<vmem>>)
    %add3A_17 = arith.constant 0 : i32
    %add3A_18 = arith.addi %mul3A_2, %add3A_17 : i32
    %dma_start3A_19 = arith.constant 0 : i32
    %dma_start3A_20 = tpu.memref_slice %arg4[%add3A_18, %dma_start3A_19] : memref<131072x32xf32, #tpu.memory_space<hbm>> -> memref<1024x32xf32, #tpu.memory_space<hbm>>
    %dma_start3A_21 = arith.constant 0 : i32
    %dma_start3A_22 = tpu.memref_slice %arg4[%add3A_18, %dma_start3A_21] : memref<131072x32xf32, #tpu.memory_space<hbm>> -> memref<1024x32xf32, #tpu.memory_space<hbm>>
    tpu.enqueue_dma source(%arg7 : memref<1024x32xf32, #tpu.memory_space<vmem>>) target(%dma_start3A_22 : memref<1024x32xf32, #tpu.memory_space<hbm>>) target_semaphore(%arg12 : memref<!tpu.dma_semaphore, #tpu.memory_space<semaphore_mem>>)
    %add3A_23 = arith.constant 2048 : i32
    %add3A_24 = arith.addi %add3A_4, %add3A_23 : i32
    %dma_start3A_25 = tpu.memref_slice %arg2[%add3A_24] : memref<262144xi32, #tpu.memory_space<hbm>> -> memref<1024xi32, #tpu.memory_space<hbm>>
    %dma_start3A_26 = tpu.memref_slice %arg2[%add3A_24] : memref<262144xi32, #tpu.memory_space<hbm>> -> memref<1024xi32, #tpu.memory_space<hbm>>
    tpu.enqueue_dma source(%dma_start3A_26 : memref<1024xi32, #tpu.memory_space<hbm>>) target(%arg5 : memref<1024xi32, #tpu.memory_space<vmem>>) target_semaphore(%arg9 : memref<!tpu.dma_semaphore, #tpu.memory_space<semaphore_mem>>)
    %dma_wait3A_27 = tpu.memref_slice %arg2[%add3A_7] : memref<262144xi32, #tpu.memory_space<hbm>> -> memref<1024xi32, #tpu.memory_space<hbm>>
    %dma_wait3A_28 = tpu.memref_slice %arg2[%add3A_7] : memref<262144xi32, #tpu.memory_space<hbm>> -> memref<1024xi32, #tpu.memory_space<hbm>>
    tpu.wait_dma2 semaphore(%arg10 : memref<!tpu.dma_semaphore, #tpu.memory_space<semaphore_mem>>) src(%dma_wait3A_28 : memref<1024xi32, #tpu.memory_space<hbm>>) dst(%arg6 : memref<1024xi32, #tpu.memory_space<vmem>>)
    %dma_start3A_29 = arith.constant 0 : i32
    %dma_start3A_30 = arith.constant 0 : i32
    %dma_start3A_31 = tpu.memref_slice %arg3[%dma_start3A_29, %dma_start3A_30] : memref<32768x32xf32, #tpu.memory_space<hbm>> -> memref<32768x32xf32, #tpu.memory_space<hbm>>
    tpu.enqueue_indirect_dma source(%dma_start3A_31 : memref<32768x32xf32, #tpu.memory_space<hbm>>) target(%arg8 : memref<1024x32xf32, #tpu.memory_space<vmem>>) offsets(%arg6 : memref<1024xi32, #tpu.memory_space<vmem>>) semaphore(%arg11 : memref<!tpu.dma_semaphore, #tpu.memory_space<semaphore_mem>>)
    %dma_wait3A_32 = arith.constant 0 : i32
    %dma_wait3A_33 = arith.constant 0 : i32
    %dma_wait3A_34 = tpu.memref_slice %arg3[%dma_wait3A_32, %dma_wait3A_33] : memref<32768x32xf32, #tpu.memory_space<hbm>> -> memref<32768x32xf32, #tpu.memory_space<hbm>>
    tpu.wait_indirect_dma semaphore(%arg11 : memref<!tpu.dma_semaphore, #tpu.memory_space<semaphore_mem>>) src(%dma_wait3A_34 : memref<32768x32xf32, #tpu.memory_space<hbm>>) dst(%arg8 : memref<1024x32xf32, #tpu.memory_space<vmem>>)
    %add3A_35 = arith.constant 1024 : i32
    %add3A_36 = arith.addi %mul3A_2, %add3A_35 : i32
    %dma_start3A_37 = arith.constant 0 : i32
    %dma_start3A_38 = tpu.memref_slice %arg4[%add3A_36, %dma_start3A_37] : memref<131072x32xf32, #tpu.memory_space<hbm>> -> memref<1024x32xf32, #tpu.memory_space<hbm>>
    %dma_start3A_39 = arith.constant 0 : i32
    %dma_start3A_40 = tpu.memref_slice %arg4[%add3A_36, %dma_start3A_39] : memref<131072x32xf32, #tpu.memory_space<hbm>> -> memref<1024x32xf32, #tpu.memory_space<hbm>>
    tpu.enqueue_dma source(%arg8 : memref<1024x32xf32, #tpu.memory_space<vmem>>) target(%dma_start3A_40 : memref<1024x32xf32, #tpu.memory_space<hbm>>) target_semaphore(%arg13 : memref<!tpu.dma_semaphore, #tpu.memory_space<semaphore_mem>>)
    %add3A_41 = arith.constant 3072 : i32
    %add3A_42 = arith.addi %add3A_4, %add3A_41 : i32
    %dma_start3A_43 = tpu.memref_slice %arg2[%add3A_42] : memref<262144xi32, #tpu.memory_space<hbm>> -> memref<1024xi32, #tpu.memory_space<hbm>>
    %dma_start3A_44 = tpu.memref_slice %arg2[%add3A_42] : memref<262144xi32, #tpu.memory_space<hbm>> -> memref<1024xi32, #tpu.memory_space<hbm>>
    tpu.enqueue_dma source(%dma_start3A_44 : memref<1024xi32, #tpu.memory_space<hbm>>) target(%arg6 : memref<1024xi32, #tpu.memory_space<vmem>>) target_semaphore(%arg10 : memref<!tpu.dma_semaphore, #tpu.memory_space<semaphore_mem>>)
    %dma_wait3A_45 = tpu.memref_slice %arg2[%add3A_24] : memref<262144xi32, #tpu.memory_space<hbm>> -> memref<1024xi32, #tpu.memory_space<hbm>>
    %dma_wait3A_46 = tpu.memref_slice %arg2[%add3A_24] : memref<262144xi32, #tpu.memory_space<hbm>> -> memref<1024xi32, #tpu.memory_space<hbm>>
    tpu.wait_dma2 semaphore(%arg9 : memref<!tpu.dma_semaphore, #tpu.memory_space<semaphore_mem>>) src(%dma_wait3A_46 : memref<1024xi32, #tpu.memory_space<hbm>>) dst(%arg5 : memref<1024xi32, #tpu.memory_space<vmem>>)
    %dma_wait3A_47 = arith.constant 0 : i32
    %dma_wait3A_48 = tpu.memref_slice %arg4[%add3A_18, %dma_wait3A_47] : memref<131072x32xf32, #tpu.memory_space<hbm>> -> memref<1024x32xf32, #tpu.memory_space<hbm>>
    %dma_wait3A_49 = arith.constant 0 : i32
    %dma_wait3A_50 = tpu.memref_slice %arg4[%add3A_18, %dma_wait3A_49] : memref<131072x32xf32, #tpu.memory_space<hbm>> -> memref<1024x32xf32, #tpu.memory_space<hbm>>
    tpu.wait_dma2 semaphore(%arg12 : memref<!tpu.dma_semaphore, #tpu.memory_space<semaphore_mem>>) src(%arg7 : memref<1024x32xf32, #tpu.memory_space<vmem>>) dst(%dma_wait3A_50 : memref<1024x32xf32, #tpu.memory_space<hbm>>)
    %dma_start3A_51 = arith.constant 0 : i32
    %dma_start3A_52 = arith.constant 0 : i32
    %dma_start3A_53 = tpu.memref_slice %arg3[%dma_start3A_51, %dma_start3A_52] : memref<32768x32xf32, #tpu.memory_space<hbm>> -> memref<32768x32xf32, #tpu.memory_space<hbm>>
    tpu.enqueue_indirect_dma source(%dma_start3A_53 : memref<32768x32xf32, #tpu.memory_space<hbm>>) target(%arg7 : memref<1024x32xf32, #tpu.memory_space<vmem>>) offsets(%arg5 : memref<1024xi32, #tpu.memory_space<vmem>>) semaphore(%arg11 : memref<!tpu.dma_semaphore, #tpu.memory_space<semaphore_mem>>)
    %dma_wait3A_54 = arith.constant 0 : i32
    %dma_wait3A_55 = arith.constant 0 : i32
    %dma_wait3A_56 = tpu.memref_slice %arg3[%dma_wait3A_54, %dma_wait3A_55] : memref<32768x32xf32, #tpu.memory_space<hbm>> -> memref<32768x32xf32, #tpu.memory_space<hbm>>
    tpu.wait_indirect_dma semaphore(%arg11 : memref<!tpu.dma_semaphore, #tpu.memory_space<semaphore_mem>>) src(%dma_wait3A_56 : memref<32768x32xf32, #tpu.memory_space<hbm>>) dst(%arg7 : memref<1024x32xf32, #tpu.memory_space<vmem>>)
    %add3A_57 = arith.constant 2048 : i32
    %add3A_58 = arith.addi %mul3A_2, %add3A_57 : i32
    %dma_start3A_59 = arith.constant 0 : i32
    %dma_start3A_60 = tpu.memref_slice %arg4[%add3A_58, %dma_start3A_59] : memref<131072x32xf32, #tpu.memory_space<hbm>> -> memref<1024x32xf32, #tpu.memory_space<hbm>>
    %dma_start3A_61 = arith.constant 0 : i32
    %dma_start3A_62 = tpu.memref_slice %arg4[%add3A_58, %dma_start3A_61] : memref<131072x32xf32, #tpu.memory_space<hbm>> -> memref<1024x32xf32, #tpu.memory_space<hbm>>
    tpu.enqueue_dma source(%arg7 : memref<1024x32xf32, #tpu.memory_space<vmem>>) target(%dma_start3A_62 : memref<1024x32xf32, #tpu.memory_space<hbm>>) target_semaphore(%arg12 : memref<!tpu.dma_semaphore, #tpu.memory_space<semaphore_mem>>)
    %dma_wait3A_63 = tpu.memref_slice %arg2[%add3A_42] : memref<262144xi32, #tpu.memory_space<hbm>> -> memref<1024xi32, #tpu.memory_space<hbm>>
    %dma_wait3A_64 = tpu.memref_slice %arg2[%add3A_42] : memref<262144xi32, #tpu.memory_space<hbm>> -> memref<1024xi32, #tpu.memory_space<hbm>>
    tpu.wait_dma2 semaphore(%arg10 : memref<!tpu.dma_semaphore, #tpu.memory_space<semaphore_mem>>) src(%dma_wait3A_64 : memref<1024xi32, #tpu.memory_space<hbm>>) dst(%arg6 : memref<1024xi32, #tpu.memory_space<vmem>>)
    %dma_wait3A_65 = arith.constant 0 : i32
    %dma_wait3A_66 = tpu.memref_slice %arg4[%add3A_36, %dma_wait3A_65] : memref<131072x32xf32, #tpu.memory_space<hbm>> -> memref<1024x32xf32, #tpu.memory_space<hbm>>
    %dma_wait3A_67 = arith.constant 0 : i32
    %dma_wait3A_68 = tpu.memref_slice %arg4[%add3A_36, %dma_wait3A_67] : memref<131072x32xf32, #tpu.memory_space<hbm>> -> memref<1024x32xf32, #tpu.memory_space<hbm>>
    tpu.wait_dma2 semaphore(%arg13 : memref<!tpu.dma_semaphore, #tpu.memory_space<semaphore_mem>>) src(%arg8 : memref<1024x32xf32, #tpu.memory_space<vmem>>) dst(%dma_wait3A_68 : memref<1024x32xf32, #tpu.memory_space<hbm>>)
    %dma_start3A_69 = arith.constant 0 : i32
    %dma_start3A_70 = arith.constant 0 : i32
    %dma_start3A_71 = tpu.memref_slice %arg3[%dma_start3A_69, %dma_start3A_70] : memref<32768x32xf32, #tpu.memory_space<hbm>> -> memref<32768x32xf32, #tpu.memory_space<hbm>>
    tpu.enqueue_indirect_dma source(%dma_start3A_71 : memref<32768x32xf32, #tpu.memory_space<hbm>>) target(%arg8 : memref<1024x32xf32, #tpu.memory_space<vmem>>) offsets(%arg6 : memref<1024xi32, #tpu.memory_space<vmem>>) semaphore(%arg11 : memref<!tpu.dma_semaphore, #tpu.memory_space<semaphore_mem>>)
    %dma_wait3A_72 = arith.constant 0 : i32
    %dma_wait3A_73 = arith.constant 0 : i32
    %dma_wait3A_74 = tpu.memref_slice %arg3[%dma_wait3A_72, %dma_wait3A_73] : memref<32768x32xf32, #tpu.memory_space<hbm>> -> memref<32768x32xf32, #tpu.memory_space<hbm>>
    tpu.wait_indirect_dma semaphore(%arg11 : memref<!tpu.dma_semaphore, #tpu.memory_space<semaphore_mem>>) src(%dma_wait3A_74 : memref<32768x32xf32, #tpu.memory_space<hbm>>) dst(%arg8 : memref<1024x32xf32, #tpu.memory_space<vmem>>)
    %add3A_75 = arith.constant 3072 : i32
    %add3A_76 = arith.addi %mul3A_2, %add3A_75 : i32
    %dma_start3A_77 = arith.constant 0 : i32
    %dma_start3A_78 = tpu.memref_slice %arg4[%add3A_76, %dma_start3A_77] : memref<131072x32xf32, #tpu.memory_space<hbm>> -> memref<1024x32xf32, #tpu.memory_space<hbm>>
    %dma_start3A_79 = arith.constant 0 : i32
    %dma_start3A_80 = tpu.memref_slice %arg4[%add3A_76, %dma_start3A_79] : memref<131072x32xf32, #tpu.memory_space<hbm>> -> memref<1024x32xf32, #tpu.memory_space<hbm>>
    tpu.enqueue_dma source(%arg8 : memref<1024x32xf32, #tpu.memory_space<vmem>>) target(%dma_start3A_80 : memref<1024x32xf32, #tpu.memory_space<hbm>>) target_semaphore(%arg13 : memref<!tpu.dma_semaphore, #tpu.memory_space<semaphore_mem>>)
    %dma_wait3A_81 = arith.constant 0 : i32
    %dma_wait3A_82 = tpu.memref_slice %arg4[%add3A_58, %dma_wait3A_81] : memref<131072x32xf32, #tpu.memory_space<hbm>> -> memref<1024x32xf32, #tpu.memory_space<hbm>>
    %dma_wait3A_83 = arith.constant 0 : i32
    %dma_wait3A_84 = tpu.memref_slice %arg4[%add3A_58, %dma_wait3A_83] : memref<131072x32xf32, #tpu.memory_space<hbm>> -> memref<1024x32xf32, #tpu.memory_space<hbm>>
    tpu.wait_dma2 semaphore(%arg12 : memref<!tpu.dma_semaphore, #tpu.memory_space<semaphore_mem>>) src(%arg7 : memref<1024x32xf32, #tpu.memory_space<vmem>>) dst(%dma_wait3A_84 : memref<1024x32xf32, #tpu.memory_space<hbm>>)
    %dma_wait3A_85 = arith.constant 0 : i32
    %dma_wait3A_86 = tpu.memref_slice %arg4[%add3A_76, %dma_wait3A_85] : memref<131072x32xf32, #tpu.memory_space<hbm>> -> memref<1024x32xf32, #tpu.memory_space<hbm>>
    %dma_wait3A_87 = arith.constant 0 : i32
    %dma_wait3A_88 = tpu.memref_slice %arg4[%add3A_76, %dma_wait3A_87] : memref<131072x32xf32, #tpu.memory_space<hbm>> -> memref<1024x32xf32, #tpu.memory_space<hbm>>
    tpu.wait_dma2 semaphore(%arg13 : memref<!tpu.dma_semaphore, #tpu.memory_space<semaphore_mem>>) src(%arg8 : memref<1024x32xf32, #tpu.memory_space<vmem>>) dst(%dma_wait3A_88 : memref<1024x32xf32, #tpu.memory_space<hbm>>)
    return
  }
}

#map = affine_map<(d0, d1) -> (0)>
#map1 = affine_map<(d0, d1) -> (0, 0)>
module attributes {stable_mosaic.version = 14 : i64} {
  func.func @gk(%arg0: i32, %arg1: i32, %arg2: memref<32768xi32, #tpu.memory_space<hbm>>, %arg3: memref<32768x64xf32, #tpu.memory_space<hbm>>, %arg4: memref<32768x64xf32, #tpu.memory_space<hbm>>, %arg5: memref<512xi32, #tpu.memory_space<vmem>>, %arg6: memref<512xi32, #tpu.memory_space<vmem>>, %arg7: memref<512x64xf32, #tpu.memory_space<vmem>>, %arg8: memref<512x64xf32, #tpu.memory_space<vmem>>, %arg9: memref<!tpu.dma_semaphore, #tpu.memory_space<semaphore_mem>>, %arg10: memref<!tpu.dma_semaphore, #tpu.memory_space<semaphore_mem>>, %arg11: memref<!tpu.dma_semaphore, #tpu.memory_space<semaphore_mem>>, %arg12: memref<!tpu.dma_semaphore, #tpu.memory_space<semaphore_mem>>, %arg13: memref<!tpu.dma_semaphore, #tpu.memory_space<semaphore_mem>>) attributes {dimension_semantics = [#tpu.dimension_semantics<core_parallel>, #tpu.dimension_semantics<subcore_parallel>], iteration_bounds = array<i64: 2, 16>, scalar_prefetch = 0 : i64, scratch_operands = 9 : i64, tpu.core_type = #tpu.core_type<sc_vector_subcore>, window_params = [{transform_indices = #map}, {transform_indices = #map1}, {transform_indices = #map1}]} {
    %mul3A = arith.constant 2 : i32
    %mul3A_0 = arith.muli %arg1, %mul3A : i32
    %add3A = arith.addi %mul3A_0, %arg0 : i32
    %mul3A_1 = arith.constant 1024 : i32
    %mul3A_2 = arith.muli %add3A, %mul3A_1 : i32
    %add3A_3 = arith.constant 0 : i32
    %add3A_4 = arith.addi %add3A_3, %mul3A_2 : i32
    %dma_start3A = tpu.memref_slice %arg2[%add3A_4] : memref<32768xi32, #tpu.memory_space<hbm>> -> memref<512xi32, #tpu.memory_space<hbm>>
    %dma_start3A_5 = tpu.memref_slice %arg2[%add3A_4] : memref<32768xi32, #tpu.memory_space<hbm>> -> memref<512xi32, #tpu.memory_space<hbm>>
    tpu.enqueue_dma source(%dma_start3A_5 : memref<512xi32, #tpu.memory_space<hbm>>) target(%arg5 : memref<512xi32, #tpu.memory_space<vmem>>) target_semaphore(%arg9 : memref<!tpu.dma_semaphore, #tpu.memory_space<semaphore_mem>>)
    %add3A_6 = arith.constant 512 : i32
    %add3A_7 = arith.addi %add3A_4, %add3A_6 : i32
    %dma_start3A_8 = tpu.memref_slice %arg2[%add3A_7] : memref<32768xi32, #tpu.memory_space<hbm>> -> memref<512xi32, #tpu.memory_space<hbm>>
    %dma_start3A_9 = tpu.memref_slice %arg2[%add3A_7] : memref<32768xi32, #tpu.memory_space<hbm>> -> memref<512xi32, #tpu.memory_space<hbm>>
    tpu.enqueue_dma source(%dma_start3A_9 : memref<512xi32, #tpu.memory_space<hbm>>) target(%arg6 : memref<512xi32, #tpu.memory_space<vmem>>) target_semaphore(%arg10 : memref<!tpu.dma_semaphore, #tpu.memory_space<semaphore_mem>>)
    %dma_wait3A = tpu.memref_slice %arg2[%add3A_4] : memref<32768xi32, #tpu.memory_space<hbm>> -> memref<512xi32, #tpu.memory_space<hbm>>
    %dma_wait3A_10 = tpu.memref_slice %arg2[%add3A_4] : memref<32768xi32, #tpu.memory_space<hbm>> -> memref<512xi32, #tpu.memory_space<hbm>>
    tpu.wait_dma2 semaphore(%arg9 : memref<!tpu.dma_semaphore, #tpu.memory_space<semaphore_mem>>) src(%dma_wait3A_10 : memref<512xi32, #tpu.memory_space<hbm>>) dst(%arg5 : memref<512xi32, #tpu.memory_space<vmem>>)
    %dma_start3A_11 = arith.constant 0 : i32
    %dma_start3A_12 = arith.constant 0 : i32
    %dma_start3A_13 = tpu.memref_slice %arg3[%dma_start3A_11, %dma_start3A_12] : memref<32768x64xf32, #tpu.memory_space<hbm>> -> memref<32768x64xf32, #tpu.memory_space<hbm>>
    tpu.enqueue_indirect_dma source(%dma_start3A_13 : memref<32768x64xf32, #tpu.memory_space<hbm>>) target(%arg7 : memref<512x64xf32, #tpu.memory_space<vmem>>) offsets(%arg5 : memref<512xi32, #tpu.memory_space<vmem>>) semaphore(%arg11 : memref<!tpu.dma_semaphore, #tpu.memory_space<semaphore_mem>>)
    %dma_wait3A_14 = arith.constant 0 : i32
    %dma_wait3A_15 = arith.constant 0 : i32
    %dma_wait3A_16 = tpu.memref_slice %arg3[%dma_wait3A_14, %dma_wait3A_15] : memref<32768x64xf32, #tpu.memory_space<hbm>> -> memref<32768x64xf32, #tpu.memory_space<hbm>>
    tpu.wait_indirect_dma semaphore(%arg11 : memref<!tpu.dma_semaphore, #tpu.memory_space<semaphore_mem>>) src(%dma_wait3A_16 : memref<32768x64xf32, #tpu.memory_space<hbm>>) dst(%arg7 : memref<512x64xf32, #tpu.memory_space<vmem>>)
    %add3A_17 = arith.constant 0 : i32
    %add3A_18 = arith.addi %mul3A_2, %add3A_17 : i32
    %dma_start3A_19 = arith.constant 0 : i32
    %dma_start3A_20 = tpu.memref_slice %arg4[%add3A_18, %dma_start3A_19] : memref<32768x64xf32, #tpu.memory_space<hbm>> -> memref<512x64xf32, #tpu.memory_space<hbm>>
    %dma_start3A_21 = arith.constant 0 : i32
    %dma_start3A_22 = tpu.memref_slice %arg4[%add3A_18, %dma_start3A_21] : memref<32768x64xf32, #tpu.memory_space<hbm>> -> memref<512x64xf32, #tpu.memory_space<hbm>>
    tpu.enqueue_dma source(%arg7 : memref<512x64xf32, #tpu.memory_space<vmem>>) target(%dma_start3A_22 : memref<512x64xf32, #tpu.memory_space<hbm>>) target_semaphore(%arg12 : memref<!tpu.dma_semaphore, #tpu.memory_space<semaphore_mem>>)
    %dma_wait3A_23 = tpu.memref_slice %arg2[%add3A_7] : memref<32768xi32, #tpu.memory_space<hbm>> -> memref<512xi32, #tpu.memory_space<hbm>>
    %dma_wait3A_24 = tpu.memref_slice %arg2[%add3A_7] : memref<32768xi32, #tpu.memory_space<hbm>> -> memref<512xi32, #tpu.memory_space<hbm>>
    tpu.wait_dma2 semaphore(%arg10 : memref<!tpu.dma_semaphore, #tpu.memory_space<semaphore_mem>>) src(%dma_wait3A_24 : memref<512xi32, #tpu.memory_space<hbm>>) dst(%arg6 : memref<512xi32, #tpu.memory_space<vmem>>)
    %dma_start3A_25 = arith.constant 0 : i32
    %dma_start3A_26 = arith.constant 0 : i32
    %dma_start3A_27 = tpu.memref_slice %arg3[%dma_start3A_25, %dma_start3A_26] : memref<32768x64xf32, #tpu.memory_space<hbm>> -> memref<32768x64xf32, #tpu.memory_space<hbm>>
    tpu.enqueue_indirect_dma source(%dma_start3A_27 : memref<32768x64xf32, #tpu.memory_space<hbm>>) target(%arg8 : memref<512x64xf32, #tpu.memory_space<vmem>>) offsets(%arg6 : memref<512xi32, #tpu.memory_space<vmem>>) semaphore(%arg11 : memref<!tpu.dma_semaphore, #tpu.memory_space<semaphore_mem>>)
    %dma_wait3A_28 = arith.constant 0 : i32
    %dma_wait3A_29 = arith.constant 0 : i32
    %dma_wait3A_30 = tpu.memref_slice %arg3[%dma_wait3A_28, %dma_wait3A_29] : memref<32768x64xf32, #tpu.memory_space<hbm>> -> memref<32768x64xf32, #tpu.memory_space<hbm>>
    tpu.wait_indirect_dma semaphore(%arg11 : memref<!tpu.dma_semaphore, #tpu.memory_space<semaphore_mem>>) src(%dma_wait3A_30 : memref<32768x64xf32, #tpu.memory_space<hbm>>) dst(%arg8 : memref<512x64xf32, #tpu.memory_space<vmem>>)
    %add3A_31 = arith.constant 512 : i32
    %add3A_32 = arith.addi %mul3A_2, %add3A_31 : i32
    %dma_start3A_33 = arith.constant 0 : i32
    %dma_start3A_34 = tpu.memref_slice %arg4[%add3A_32, %dma_start3A_33] : memref<32768x64xf32, #tpu.memory_space<hbm>> -> memref<512x64xf32, #tpu.memory_space<hbm>>
    %dma_start3A_35 = arith.constant 0 : i32
    %dma_start3A_36 = tpu.memref_slice %arg4[%add3A_32, %dma_start3A_35] : memref<32768x64xf32, #tpu.memory_space<hbm>> -> memref<512x64xf32, #tpu.memory_space<hbm>>
    tpu.enqueue_dma source(%arg8 : memref<512x64xf32, #tpu.memory_space<vmem>>) target(%dma_start3A_36 : memref<512x64xf32, #tpu.memory_space<hbm>>) target_semaphore(%arg13 : memref<!tpu.dma_semaphore, #tpu.memory_space<semaphore_mem>>)
    %dma_wait3A_37 = arith.constant 0 : i32
    %dma_wait3A_38 = tpu.memref_slice %arg4[%add3A_18, %dma_wait3A_37] : memref<32768x64xf32, #tpu.memory_space<hbm>> -> memref<512x64xf32, #tpu.memory_space<hbm>>
    %dma_wait3A_39 = arith.constant 0 : i32
    %dma_wait3A_40 = tpu.memref_slice %arg4[%add3A_18, %dma_wait3A_39] : memref<32768x64xf32, #tpu.memory_space<hbm>> -> memref<512x64xf32, #tpu.memory_space<hbm>>
    tpu.wait_dma2 semaphore(%arg12 : memref<!tpu.dma_semaphore, #tpu.memory_space<semaphore_mem>>) src(%arg7 : memref<512x64xf32, #tpu.memory_space<vmem>>) dst(%dma_wait3A_40 : memref<512x64xf32, #tpu.memory_space<hbm>>)
    %dma_wait3A_41 = arith.constant 0 : i32
    %dma_wait3A_42 = tpu.memref_slice %arg4[%add3A_32, %dma_wait3A_41] : memref<32768x64xf32, #tpu.memory_space<hbm>> -> memref<512x64xf32, #tpu.memory_space<hbm>>
    %dma_wait3A_43 = arith.constant 0 : i32
    %dma_wait3A_44 = tpu.memref_slice %arg4[%add3A_32, %dma_wait3A_43] : memref<32768x64xf32, #tpu.memory_space<hbm>> -> memref<512x64xf32, #tpu.memory_space<hbm>>
    tpu.wait_dma2 semaphore(%arg13 : memref<!tpu.dma_semaphore, #tpu.memory_space<semaphore_mem>>) src(%arg8 : memref<512x64xf32, #tpu.memory_space<vmem>>) dst(%dma_wait3A_44 : memref<512x64xf32, #tpu.memory_space<hbm>>)
    return
  }
}

module attributes {stable_mosaic.version = 14 : i64} {
  func.func @_tc1_body(%arg0: i32, %arg1: memref<4096x4xf32, #tpu.memory_space<vmem>>, %arg2: memref<4096x32xf32, #tpu.memory_space<vmem>>, %arg3: memref<1x1x4096xf32, #tpu.memory_space<vmem>>, %arg4: memref<8x1xf32, #tpu.memory_space<vmem>>, %arg5: memref<8x1xf32, #tpu.memory_space<vmem>>, %arg6: memref<4x32xf32, #tpu.memory_space<vmem>>, %arg7: memref<32x32xf32, #tpu.memory_space<vmem>>, %arg8: memref<4x32xf32, #tpu.memory_space<vmem>>, %arg9: memref<32x32xf32, #tpu.memory_space<vmem>>, %arg10: memref<1x32xf32, #tpu.memory_space<vmem>>, %arg11: memref<4096x32xf32, #tpu.memory_space<vmem>>, %arg12: memref<4096x32xf32, #tpu.memory_space<vmem>>, %arg13: memref<8x4096xf32, #tpu.memory_space<vmem>>) attributes {dimension_semantics = [#tpu.dimension_semantics<arbitrary>], iteration_bounds = array<i64: 8>, scalar_prefetch = 0 : i64, scratch_operands = 0 : i64, tpu.core_type = #tpu.core_type<tc>, window_params = [{transform_indices = @transform_0, window_bounds = array<i64: 4096, 4>}, {transform_indices = @transform_1, window_bounds = array<i64: 4096, 32>}, {transform_indices = @transform_2, window_bounds = array<i64: 1, 1, 4096>}, {pipeline_mode = #tpu.pipeline_mode<synchronous>, transform_indices = @transform_3, window_bounds = array<i64: 8, 1>}, {pipeline_mode = #tpu.pipeline_mode<synchronous>, transform_indices = @transform_4, window_bounds = array<i64: 8, 1>}, {pipeline_mode = #tpu.pipeline_mode<synchronous>, transform_indices = @transform_5, window_bounds = array<i64: 4, 32>}, {pipeline_mode = #tpu.pipeline_mode<synchronous>, transform_indices = @transform_6, window_bounds = array<i64: 32, 32>}, {pipeline_mode = #tpu.pipeline_mode<synchronous>, transform_indices = @transform_7, window_bounds = array<i64: 4, 32>}, {pipeline_mode = #tpu.pipeline_mode<synchronous>, transform_indices = @transform_8, window_bounds = array<i64: 32, 32>}, {pipeline_mode = #tpu.pipeline_mode<synchronous>, transform_indices = @transform_9, window_bounds = array<i64: 1, 32>}, {transform_indices = @transform_10, window_bounds = array<i64: 4096, 32>}, {transform_indices = @transform_11, window_bounds = array<i64: 4096, 32>}, {transform_indices = @transform_12, window_bounds = array<i64: 8, 4096>}]} {
    %get3A = arith.constant 0 : index
    %get3A_0 = arith.constant 0 : index
    %get3A_1 = vector.load %arg1[%get3A, %get3A_0] : memref<4096x4xf32, #tpu.memory_space<vmem>>, vector<4096x4xf32>
    %get3A_2 = arith.constant 0 : index
    %get3A_3 = arith.constant 0 : index
    %get3A_4 = vector.load %arg2[%get3A_2, %get3A_3] : memref<4096x32xf32, #tpu.memory_space<vmem>>, vector<4096x32xf32>
    %get3A_5 = arith.constant 0 : index
    %get3A_6 = arith.constant 0 : index
    %get3A_7 = vector.load %arg6[%get3A_5, %get3A_6] : memref<4x32xf32, #tpu.memory_space<vmem>>, vector<4x32xf32>
    %dot_general3A = arith.constant dense<0.000000e+00> : vector<4096x32xf32>
    %dot_general3A_8 = tpu.matmul %get3A_1, %get3A_7, %dot_general3A {dimension_numbers = #tpu.dot_dimension_numbers<[1], [0], [0], [1], [0, 0, 1, 1], [], []>, transpose_lhs_hint = false} : vector<4096x4xf32>, vector<4x32xf32>, vector<4096x32xf32> -> vector<4096x32xf32>
    %get3A_9 = arith.constant 0 : index
    %get3A_10 = arith.constant 0 : index
    %get3A_11 = vector.load %arg7[%get3A_9, %get3A_10] : memref<32x32xf32, #tpu.memory_space<vmem>>, vector<32x32xf32>
    %dot_general3A_12 = arith.constant dense<0.000000e+00> : vector<4096x32xf32>
    %dot_general3A_13 = tpu.matmul %get3A_4, %get3A_11, %dot_general3A_12 {dimension_numbers = #tpu.dot_dimension_numbers<[1], [0], [0], [1], [0, 0, 1, 1], [], []>, transpose_lhs_hint = false} : vector<4096x32xf32>, vector<32x32xf32>, vector<4096x32xf32> -> vector<4096x32xf32>
    %add3A = arith.addf %dot_general3A_8, %dot_general3A_13 : vector<4096x32xf32>
    %get3A_14 = arith.constant 0 : index
    %get3A_15 = arith.constant 0 : index
    %get3A_16 = vector.load %arg10[%get3A_14, %get3A_15] : memref<1x32xf32, #tpu.memory_space<vmem>>, vector<1x32xf32>
    %add3A_17 = vector.broadcast %get3A_16 : vector<1x32xf32> to vector<4096x32xf32>
    %add3A_18 = arith.addf %add3A, %add3A_17 : vector<4096x32xf32>
    %swap3A = arith.constant 0 : index
    %swap3A_19 = arith.constant 0 : index
    %swap3A_20 = vector.load %arg11[%swap3A, %swap3A_19] : memref<4096x32xf32, #tpu.memory_space<vmem>>, vector<4096x32xf32>
    tpu.vector_store %arg11[%swap3A, %swap3A_19], %add3A_18 {strides = array<i32>} : memref<4096x32xf32, #tpu.memory_space<vmem>>, vector<4096x32xf32>,
    %get3A_21 = arith.constant 0 : index
    %get3A_22 = arith.constant 0 : index
    %get3A_23 = vector.load %arg8[%get3A_21, %get3A_22] : memref<4x32xf32, #tpu.memory_space<vmem>>, vector<4x32xf32>
    %dot_general3A_24 = arith.constant dense<0.000000e+00> : vector<4096x32xf32>
    %dot_general3A_25 = tpu.matmul %get3A_1, %get3A_23, %dot_general3A_24 {dimension_numbers = #tpu.dot_dimension_numbers<[1], [0], [0], [1], [0, 0, 1, 1], [], []>, transpose_lhs_hint = false} : vector<4096x4xf32>, vector<4x32xf32>, vector<4096x32xf32> -> vector<4096x32xf32>
    %get3A_26 = arith.constant 0 : index
    %get3A_27 = arith.constant 0 : index
    %get3A_28 = vector.load %arg9[%get3A_26, %get3A_27] : memref<32x32xf32, #tpu.memory_space<vmem>>, vector<32x32xf32>
    %dot_general3A_29 = arith.constant dense<0.000000e+00> : vector<4096x32xf32>
    %dot_general3A_30 = tpu.matmul %get3A_4, %get3A_28, %dot_general3A_29 {dimension_numbers = #tpu.dot_dimension_numbers<[1], [0], [0], [1], [0, 0, 1, 1], [], []>, transpose_lhs_hint = false} : vector<4096x32xf32>, vector<32x32xf32>, vector<4096x32xf32> -> vector<4096x32xf32>
    %add3A_31 = arith.addf %dot_general3A_25, %dot_general3A_30 : vector<4096x32xf32>
    %swap3A_32 = arith.constant 0 : index
    %swap3A_33 = arith.constant 0 : index
    %swap3A_34 = vector.load %arg12[%swap3A_32, %swap3A_33] : memref<4096x32xf32, #tpu.memory_space<vmem>>, vector<4096x32xf32>
    tpu.vector_store %arg12[%swap3A_32, %swap3A_33], %add3A_31 {strides = array<i32>} : memref<4096x32xf32, #tpu.memory_space<vmem>>, vector<4096x32xf32>,
    %get3A_35 = arith.constant 0 : index
    %get3A_36 = arith.constant 0 : index
    %get3A_37 = vector.load %arg4[%get3A_35, %get3A_36] : memref<8x1xf32, #tpu.memory_space<vmem>>, vector<8x1xf32>
    %get3A_38 = arith.constant 0 : index
    %get3A_39 = arith.constant 0 : index
    %get3A_40 = arith.constant 0 : index
    %get3A_41 = vector.load %arg3[%get3A_38, %get3A_39, %get3A_40] : memref<1x1x4096xf32, #tpu.memory_space<vmem>>, vector<1x1x4096xf32>
    %get3A_42 = vector.shape_cast %get3A_41 : vector<1x1x4096xf32> to vector<1x4096xf32>
    %mul3A = vector.broadcast %get3A_37 : vector<8x1xf32> to vector<8x4096xf32>
    %mul3A_43 = vector.broadcast %get3A_42 : vector<1x4096xf32> to vector<8x4096xf32>
    %mul3A_44 = arith.mulf %mul3A, %mul3A_43 : vector<8x4096xf32>
    %get3A_45 = arith.constant 0 : index
    %get3A_46 = arith.constant 0 : index
    %get3A_47 = vector.load %arg5[%get3A_45, %get3A_46] : memref<8x1xf32, #tpu.memory_space<vmem>>, vector<8x1xf32>
    %add3A_48 = vector.broadcast %get3A_47 : vector<8x1xf32> to vector<8x4096xf32>
    %add3A_49 = arith.addf %mul3A_44, %add3A_48 : vector<8x4096xf32>
    %sin3A = math.sin %add3A_49 : vector<8x4096xf32>
    %swap3A_50 = arith.constant 0 : index
    %swap3A_51 = arith.constant 0 : index
    %swap3A_52 = vector.load %arg13[%swap3A_50, %swap3A_51] : memref<8x4096xf32, #tpu.memory_space<vmem>>, vector<8x4096xf32>
    tpu.vector_store %arg13[%swap3A_50, %swap3A_51], %sin3A {strides = array<i32>} : memref<8x4096xf32, #tpu.memory_space<vmem>>, vector<8x4096xf32>,
    return
  }
  func.func @transform_0(%arg0: i32) -> (i32, i32) {
    %c0_i32 = arith.constant 0 : i32
    %c0_i32_0 = arith.constant 0 : i32
    return %arg0, %c0_i32 : i32, i32
  }
  func.func @transform_1(%arg0: i32) -> (i32, i32) {
    %c0_i32 = arith.constant 0 : i32
    %c0_i32_0 = arith.constant 0 : i32
    return %arg0, %c0_i32 : i32, i32
  }
  func.func @transform_2(%arg0: i32) -> (i32, i32, i32) {
    %c0_i32 = arith.constant 0 : i32
    %c0_i32_0 = arith.constant 0 : i32
    %c0_i32_1 = arith.constant 0 : i32
    return %arg0, %c0_i32, %c0_i32_0 : i32, i32, i32
  }
  func.func @transform_3(%arg0: i32) -> (i32, i32) {
    %c0_i32 = arith.constant 0 : i32
    %c0_i32_0 = arith.constant 0 : i32
    %c0_i32_1 = arith.constant 0 : i32
    return %c0_i32, %c0_i32_0 : i32, i32
  }
  func.func @transform_4(%arg0: i32) -> (i32, i32) {
    %c0_i32 = arith.constant 0 : i32
    %c0_i32_0 = arith.constant 0 : i32
    %c0_i32_1 = arith.constant 0 : i32
    return %c0_i32, %c0_i32_0 : i32, i32
  }
  func.func @transform_5(%arg0: i32) -> (i32, i32) {
    %c0_i32 = arith.constant 0 : i32
    %c0_i32_0 = arith.constant 0 : i32
    %c0_i32_1 = arith.constant 0 : i32
    return %c0_i32, %c0_i32_0 : i32, i32
  }
  func.func @transform_6(%arg0: i32) -> (i32, i32) {
    %c0_i32 = arith.constant 0 : i32
    %c0_i32_0 = arith.constant 0 : i32
    %c0_i32_1 = arith.constant 0 : i32
    return %c0_i32, %c0_i32_0 : i32, i32
  }
  func.func @transform_7(%arg0: i32) -> (i32, i32) {
    %c0_i32 = arith.constant 0 : i32
    %c0_i32_0 = arith.constant 0 : i32
    %c0_i32_1 = arith.constant 0 : i32
    return %c0_i32, %c0_i32_0 : i32, i32
  }
  func.func @transform_8(%arg0: i32) -> (i32, i32) {
    %c0_i32 = arith.constant 0 : i32
    %c0_i32_0 = arith.constant 0 : i32
    %c0_i32_1 = arith.constant 0 : i32
    return %c0_i32, %c0_i32_0 : i32, i32
  }
  func.func @transform_9(%arg0: i32) -> (i32, i32) {
    %c0_i32 = arith.constant 0 : i32
    %c0_i32_0 = arith.constant 0 : i32
    %c0_i32_1 = arith.constant 0 : i32
    return %c0_i32, %c0_i32_0 : i32, i32
  }
  func.func @transform_10(%arg0: i32) -> (i32, i32) {
    %c0_i32 = arith.constant 0 : i32
    %c0_i32_0 = arith.constant 0 : i32
    return %arg0, %c0_i32 : i32, i32
  }
  func.func @transform_11(%arg0: i32) -> (i32, i32) {
    %c0_i32 = arith.constant 0 : i32
    %c0_i32_0 = arith.constant 0 : i32
    return %arg0, %c0_i32 : i32, i32
  }
  func.func @transform_12(%arg0: i32) -> (i32, i32) {
    %c0_i32 = arith.constant 0 : i32
    %c0_i32_0 = arith.constant 0 : i32
    return %c0_i32, %arg0 : i32, i32
  }
}

module attributes {stable_mosaic.version = 14 : i64} {
  func.func @_tc2_body(%arg0: i32, %arg1: memref<2048x32xf32, #tpu.memory_space<vmem>>, %arg2: memref<8192x128xf32, #tpu.memory_space<vmem>>, %arg3: memref<2048x32xf32, #tpu.memory_space<vmem>>, %arg4: memref<8x2048xf32, #tpu.memory_space<vmem>>, %arg5: memref<32x128xf32, #tpu.memory_space<vmem>>, %arg6: memref<128x128xbf16, #tpu.memory_space<vmem>>, %arg7: memref<1x128xf32, #tpu.memory_space<vmem>>, %arg8: memref<128x32xf32, #tpu.memory_space<vmem>>, %arg9: memref<1x32xf32, #tpu.memory_space<vmem>>, %arg10: memref<8x32xf32, #tpu.memory_space<vmem>>, %arg11: memref<32x32xf32, #tpu.memory_space<vmem>>, %arg12: memref<32x32xf32, #tpu.memory_space<vmem>>, %arg13: memref<8x32xf32, #tpu.memory_space<vmem>>, %arg14: memref<32x32xf32, #tpu.memory_space<vmem>>, %arg15: memref<32x32xf32, #tpu.memory_space<vmem>>, %arg16: memref<1x32xf32, #tpu.memory_space<vmem>>, %arg17: memref<2048x32xf32, #tpu.memory_space<vmem>>, %arg18: memref<2048x32xf32, #tpu.memory_space<vmem>>, %arg19: memref<2048x32xf32, #tpu.memory_space<vmem>>) attributes {dimension_semantics = [#tpu.dimension_semantics<arbitrary>], iteration_bounds = array<i64: 8>, scalar_prefetch = 0 : i64, scratch_operands = 0 : i64, tpu.core_type = #tpu.core_type<tc>, window_params = [{transform_indices = @transform_0, window_bounds = array<i64: 2048, 32>}, {transform_indices = @transform_1, window_bounds = array<i64: 8192, 128>}, {transform_indices = @transform_2, window_bounds = array<i64: 2048, 32>}, {transform_indices = @transform_3, window_bounds = array<i64: 8, 2048>}, {pipeline_mode = #tpu.pipeline_mode<synchronous>, transform_indices = @transform_4, window_bounds = array<i64: 32, 128>}, {pipeline_mode = #tpu.pipeline_mode<synchronous>, transform_indices = @transform_5, window_bounds = array<i64: 128, 128>}, {pipeline_mode = #tpu.pipeline_mode<synchronous>, transform_indices = @transform_6, window_bounds = array<i64: 1, 128>}, {pipeline_mode = #tpu.pipeline_mode<synchronous>, transform_indices = @transform_7, window_bounds = array<i64: 128, 32>}, {pipeline_mode = #tpu.pipeline_mode<synchronous>, transform_indices = @transform_8, window_bounds = array<i64: 1, 32>}, {pipeline_mode = #tpu.pipeline_mode<synchronous>, transform_indices = @transform_9, window_bounds = array<i64: 8, 32>}, {pipeline_mode = #tpu.pipeline_mode<synchronous>, transform_indices = @transform_10, window_bounds = array<i64: 32, 32>}, {pipeline_mode = #tpu.pipeline_mode<synchronous>, transform_indices = @transform_11, window_bounds = array<i64: 32, 32>}, {pipeline_mode = #tpu.pipeline_mode<synchronous>, transform_indices = @transform_12, window_bounds = array<i64: 8, 32>}, {pipeline_mode = #tpu.pipeline_mode<synchronous>, transform_indices = @transform_13, window_bounds = array<i64: 32, 32>}, {pipeline_mode = #tpu.pipeline_mode<synchronous>, transform_indices = @transform_14, window_bounds = array<i64: 32, 32>}, {pipeline_mode = #tpu.pipeline_mode<synchronous>, transform_indices = @transform_15, window_bounds = array<i64: 1, 32>}, {transform_indices = @transform_16, window_bounds = array<i64: 2048, 32>}, {transform_indices = @transform_17, window_bounds = array<i64: 2048, 32>}, {transform_indices = @transform_18, window_bounds = array<i64: 2048, 32>}]} {
    %get3A = arith.constant 0 : index
    %get3A_0 = arith.constant 0 : index
    %get3A_1 = vector.load %arg1[%get3A, %get3A_0] : memref<2048x32xf32, #tpu.memory_space<vmem>>, vector<2048x32xf32>
    %get3A_2 = arith.constant 0 : index
    %get3A_3 = arith.constant 0 : index
    %get3A_4 = vector.load %arg5[%get3A_2, %get3A_3] : memref<32x128xf32, #tpu.memory_space<vmem>>, vector<32x128xf32>
    %dot_general3A = arith.constant dense<0.000000e+00> : vector<2048x128xf32>
    %dot_general3A_5 = tpu.matmul %get3A_1, %get3A_4, %dot_general3A {dimension_numbers = #tpu.dot_dimension_numbers<[1], [0], [0], [1], [0, 0, 1, 1], [], []>, transpose_lhs_hint = false} : vector<2048x32xf32>, vector<32x128xf32>, vector<2048x128xf32> -> vector<2048x128xf32>
    %get3A_6 = arith.constant 0 : index
    %get3A_7 = arith.constant 0 : index
    %get3A_8 = vector.load %arg2[%get3A_6, %get3A_7] : memref<8192x128xf32, #tpu.memory_space<vmem>>, vector<8192x128xf32>
    %get3A_9 = arith.constant 0 : index
    %get3A_10 = arith.constant 0 : index
    %get3A_11 = vector.load %arg6[%get3A_9, %get3A_10] : memref<128x128xbf16, #tpu.memory_space<vmem>>, vector<128x128xbf16>
    %get3A_12 = arith.constant 0 : index
    %get3A_13 = arith.constant 0 : index
    %get3A_14 = vector.load %arg7[%get3A_12, %get3A_13] : memref<1x128xf32, #tpu.memory_space<vmem>>, vector<1x128xf32>
    %get3A_15 = arith.constant 0 : index
    %get3A_16 = arith.constant 0 : index
    %get3A_17 = vector.load %arg8[%get3A_15, %get3A_16] : memref<128x32xf32, #tpu.memory_space<vmem>>, vector<128x32xf32>
    %get3A_18 = arith.constant 0 : index
    %get3A_19 = arith.constant 0 : index
    %get3A_20 = vector.load %arg9[%get3A_18, %get3A_19] : memref<1x32xf32, #tpu.memory_space<vmem>>, vector<1x32xf32>
    %reshape3A = vector.shape_cast %get3A_8 : vector<8192x128xf32> to vector<2048x4x128xf32>
    %broadcast_in_dim3A = vector.shape_cast %dot_general3A_5 : vector<2048x128xf32> to vector<2048x1x128xf32>
    %add3A = vector.broadcast %broadcast_in_dim3A : vector<2048x1x128xf32> to vector<2048x4x128xf32>
    %add3A_21 = arith.addf %reshape3A, %add3A : vector<2048x4x128xf32>
    %max3A = arith.constant 0.000000e+00 : f32
    %max3A_22 = vector.broadcast %max3A : f32 to vector<2048x4x128xf32>
    %max3A_23 = arith.maximumf %add3A_21, %max3A_22 : vector<2048x4x128xf32>
    %reshape3A_24 = vector.shape_cast %max3A_23 : vector<2048x4x128xf32> to vector<8192x128xf32>
    %convert_element_type3A = arith.truncf %reshape3A_24 : vector<8192x128xf32> to vector<8192x128xbf16>
    %dot_general3A_25 = arith.constant dense<0.000000e+00> : vector<8192x128xf32>
    %dot_general3A_26 = tpu.matmul %convert_element_type3A, %get3A_11, %dot_general3A_25 {dimension_numbers = #tpu.dot_dimension_numbers<[1], [0], [0], [1], [0, 0, 1, 1], [], []>, transpose_lhs_hint = false} : vector<8192x128xbf16>, vector<128x128xbf16>, vector<8192x128xf32> -> vector<8192x128xf32>
    %add3A_27 = vector.broadcast %get3A_14 : vector<1x128xf32> to vector<8192x128xf32>
    %add3A_28 = arith.addf %dot_general3A_26, %add3A_27 : vector<8192x128xf32>
    %max3A_29 = arith.constant 0.000000e+00 : f32
    %max3A_30 = vector.broadcast %max3A_29 : f32 to vector<8192x128xf32>
    %max3A_31 = arith.maximumf %add3A_28, %max3A_30 : vector<8192x128xf32>
    %reshape3A_32 = vector.shape_cast %max3A_31 : vector<8192x128xf32> to vector<2048x4x128xf32>
    %reduce_sum3A = arith.constant dense<0.000000e+00> : vector<2048x128xf32>
    %reduce_sum3A_33 = vector.multi_reduction <add>, %reshape3A_32, %reduce_sum3A [1] : vector<2048x4x128xf32> to vector<2048x128xf32>
    %dot_general3A_34 = arith.constant dense<0.000000e+00> : vector<2048x32xf32>
    %dot_general3A_35 = tpu.matmul %reduce_sum3A_33, %get3A_17, %dot_general3A_34 {dimension_numbers = #tpu.dot_dimension_numbers<[1], [0], [0], [1], [0, 0, 1, 1], [], []>, transpose_lhs_hint = false} : vector<2048x128xf32>, vector<128x32xf32>, vector<2048x32xf32> -> vector<2048x32xf32>
    %add3A_36 = vector.broadcast %get3A_20 : vector<1x32xf32> to vector<2048x32xf32>
    %add3A_37 = arith.addf %dot_general3A_35, %add3A_36 : vector<2048x32xf32>
    %swap3A = arith.constant 0 : index
    %swap3A_38 = arith.constant 0 : index
    %swap3A_39 = vector.load %arg17[%swap3A, %swap3A_38] : memref<2048x32xf32, #tpu.memory_space<vmem>>, vector<2048x32xf32>
    tpu.vector_store %arg17[%swap3A, %swap3A_38], %add3A_37 {strides = array<i32>} : memref<2048x32xf32, #tpu.memory_space<vmem>>, vector<2048x32xf32>,
    %get3A_40 = arith.constant 0 : index
    %get3A_41 = arith.constant 0 : index
    %get3A_42 = vector.load %arg3[%get3A_40, %get3A_41] : memref<2048x32xf32, #tpu.memory_space<vmem>>, vector<2048x32xf32>
    %get3A_43 = arith.constant 0 : index
    %get3A_44 = arith.constant 0 : index
    %get3A_45 = vector.load %arg4[%get3A_43, %get3A_44] : memref<8x2048xf32, #tpu.memory_space<vmem>>, vector<8x2048xf32>
    %get3A_46 = arith.constant 0 : index
    %get3A_47 = arith.constant 0 : index
    %get3A_48 = vector.load %arg10[%get3A_46, %get3A_47] : memref<8x32xf32, #tpu.memory_space<vmem>>, vector<8x32xf32>
    %dot_general3A_49 = arith.constant dense<0.000000e+00> : vector<2048x32xf32>
    %dot_general3A_50 = tpu.matmul %get3A_45, %get3A_48, %dot_general3A_49 {dimension_numbers = #tpu.dot_dimension_numbers<[0], [0], [1], [1], [0, 1, 1, 1], [], []>, transpose_lhs_hint = false} : vector<8x2048xf32>, vector<8x32xf32>, vector<2048x32xf32> -> vector<2048x32xf32>
    %get3A_51 = arith.constant 0 : index
    %get3A_52 = arith.constant 0 : index
    %get3A_53 = vector.load %arg11[%get3A_51, %get3A_52] : memref<32x32xf32, #tpu.memory_space<vmem>>, vector<32x32xf32>
    %dot_general3A_54 = arith.constant dense<0.000000e+00> : vector<2048x32xf32>
    %dot_general3A_55 = tpu.matmul %get3A_42, %get3A_53, %dot_general3A_54 {dimension_numbers = #tpu.dot_dimension_numbers<[1], [0], [0], [1], [0, 0, 1, 1], [], []>, transpose_lhs_hint = false} : vector<2048x32xf32>, vector<32x32xf32>, vector<2048x32xf32> -> vector<2048x32xf32>
    %add3A_56 = arith.addf %dot_general3A_50, %dot_general3A_55 : vector<2048x32xf32>
    %get3A_57 = arith.constant 0 : index
    %get3A_58 = arith.constant 0 : index
    %get3A_59 = vector.load %arg12[%get3A_57, %get3A_58] : memref<32x32xf32, #tpu.memory_space<vmem>>, vector<32x32xf32>
    %dot_general3A_60 = arith.constant dense<0.000000e+00> : vector<2048x32xf32>
    %dot_general3A_61 = tpu.matmul %add3A_37, %get3A_59, %dot_general3A_60 {dimension_numbers = #tpu.dot_dimension_numbers<[1], [0], [0], [1], [0, 0, 1, 1], [], []>, transpose_lhs_hint = false} : vector<2048x32xf32>, vector<32x32xf32>, vector<2048x32xf32> -> vector<2048x32xf32>
    %add3A_62 = arith.addf %add3A_56, %dot_general3A_61 : vector<2048x32xf32>
    %get3A_63 = arith.constant 0 : index
    %get3A_64 = arith.constant 0 : index
    %get3A_65 = vector.load %arg16[%get3A_63, %get3A_64] : memref<1x32xf32, #tpu.memory_space<vmem>>, vector<1x32xf32>
    %add3A_66 = vector.broadcast %get3A_65 : vector<1x32xf32> to vector<2048x32xf32>
    %add3A_67 = arith.addf %add3A_62, %add3A_66 : vector<2048x32xf32>
    %swap3A_68 = arith.constant 0 : index
    %swap3A_69 = arith.constant 0 : index
    %swap3A_70 = vector.load %arg18[%swap3A_68, %swap3A_69] : memref<2048x32xf32, #tpu.memory_space<vmem>>, vector<2048x32xf32>
    tpu.vector_store %arg18[%swap3A_68, %swap3A_69], %add3A_67 {strides = array<i32>} : memref<2048x32xf32, #tpu.memory_space<vmem>>, vector<2048x32xf32>,
    %get3A_71 = arith.constant 0 : index
    %get3A_72 = arith.constant 0 : index
    %get3A_73 = vector.load %arg13[%get3A_71, %get3A_72] : memref<8x32xf32, #tpu.memory_space<vmem>>, vector<8x32xf32>
    %dot_general3A_74 = arith.constant dense<0.000000e+00> : vector<2048x32xf32>
    %dot_general3A_75 = tpu.matmul %get3A_45, %get3A_73, %dot_general3A_74 {dimension_numbers = #tpu.dot_dimension_numbers<[0], [0], [1], [1], [0, 1, 1, 1], [], []>, transpose_lhs_hint = false} : vector<8x2048xf32>, vector<8x32xf32>, vector<2048x32xf32> -> vector<2048x32xf32>
    %get3A_76 = arith.constant 0 : index
    %get3A_77 = arith.constant 0 : index
    %get3A_78 = vector.load %arg14[%get3A_76, %get3A_77] : memref<32x32xf32, #tpu.memory_space<vmem>>, vector<32x32xf32>
    %dot_general3A_79 = arith.constant dense<0.000000e+00> : vector<2048x32xf32>
    %dot_general3A_80 = tpu.matmul %get3A_42, %get3A_78, %dot_general3A_79 {dimension_numbers = #tpu.dot_dimension_numbers<[1], [0], [0], [1], [0, 0, 1, 1], [], []>, transpose_lhs_hint = false} : vector<2048x32xf32>, vector<32x32xf32>, vector<2048x32xf32> -> vector<2048x32xf32>
    %add3A_81 = arith.addf %dot_general3A_75, %dot_general3A_80 : vector<2048x32xf32>
    %get3A_82 = arith.constant 0 : index
    %get3A_83 = arith.constant 0 : index
    %get3A_84 = vector.load %arg15[%get3A_82, %get3A_83] : memref<32x32xf32, #tpu.memory_space<vmem>>, vector<32x32xf32>
    %dot_general3A_85 = arith.constant dense<0.000000e+00> : vector<2048x32xf32>
    %dot_general3A_86 = tpu.matmul %add3A_37, %get3A_84, %dot_general3A_85 {dimension_numbers = #tpu.dot_dimension_numbers<[1], [0], [0], [1], [0, 0, 1, 1], [], []>, transpose_lhs_hint = false} : vector<2048x32xf32>, vector<32x32xf32>, vector<2048x32xf32> -> vector<2048x32xf32>
    %add3A_87 = arith.addf %add3A_81, %dot_general3A_86 : vector<2048x32xf32>
    %swap3A_88 = arith.constant 0 : index
    %swap3A_89 = arith.constant 0 : index
    %swap3A_90 = vector.load %arg19[%swap3A_88, %swap3A_89] : memref<2048x32xf32, #tpu.memory_space<vmem>>, vector<2048x32xf32>
    tpu.vector_store %arg19[%swap3A_88, %swap3A_89], %add3A_87 {strides = array<i32>} : memref<2048x32xf32, #tpu.memory_space<vmem>>, vector<2048x32xf32>,
    return
  }
  func.func @transform_0(%arg0: i32) -> (i32, i32) {
    %add3A = arith.constant 0 : i32
    %add3A_0 = arith.addi %arg0, %add3A : i32
    %c0_i32 = arith.constant 0 : i32
    %c0_i32_1 = arith.constant 0 : i32
    return %add3A_0, %c0_i32 : i32, i32
  }
  func.func @transform_1(%arg0: i32) -> (i32, i32) {
    %c0_i32 = arith.constant 0 : i32
    %c0_i32_0 = arith.constant 0 : i32
    return %arg0, %c0_i32 : i32, i32
  }
  func.func @transform_2(%arg0: i32) -> (i32, i32) {
    %add3A = arith.constant 0 : i32
    %add3A_0 = arith.addi %arg0, %add3A : i32
    %c0_i32 = arith.constant 0 : i32
    %c0_i32_1 = arith.constant 0 : i32
    return %add3A_0, %c0_i32 : i32, i32
  }
  func.func @transform_3(%arg0: i32) -> (i32, i32) {
    %add3A = arith.constant 0 : i32
    %add3A_0 = arith.addi %arg0, %add3A : i32
    %c0_i32 = arith.constant 0 : i32
    %c0_i32_1 = arith.constant 0 : i32
    return %c0_i32, %add3A_0 : i32, i32
  }
  func.func @transform_4(%arg0: i32) -> (i32, i32) {
    %c0_i32 = arith.constant 0 : i32
    %c0_i32_0 = arith.constant 0 : i32
    %c0_i32_1 = arith.constant 0 : i32
    return %c0_i32, %c0_i32_0 : i32, i32
  }
  func.func @transform_5(%arg0: i32) -> (i32, i32) {
    %c0_i32 = arith.constant 0 : i32
    %c0_i32_0 = arith.constant 0 : i32
    %c0_i32_1 = arith.constant 0 : i32
    return %c0_i32, %c0_i32_0 : i32, i32
  }
  func.func @transform_6(%arg0: i32) -> (i32, i32) {
    %c0_i32 = arith.constant 0 : i32
    %c0_i32_0 = arith.constant 0 : i32
    %c0_i32_1 = arith.constant 0 : i32
    return %c0_i32, %c0_i32_0 : i32, i32
  }
  func.func @transform_7(%arg0: i32) -> (i32, i32) {
    %c0_i32 = arith.constant 0 : i32
    %c0_i32_0 = arith.constant 0 : i32
    %c0_i32_1 = arith.constant 0 : i32
    return %c0_i32, %c0_i32_0 : i32, i32
  }
  func.func @transform_8(%arg0: i32) -> (i32, i32) {
    %c0_i32 = arith.constant 0 : i32
    %c0_i32_0 = arith.constant 0 : i32
    %c0_i32_1 = arith.constant 0 : i32
    return %c0_i32, %c0_i32_0 : i32, i32
  }
  func.func @transform_9(%arg0: i32) -> (i32, i32) {
    %c0_i32 = arith.constant 0 : i32
    %c0_i32_0 = arith.constant 0 : i32
    %c0_i32_1 = arith.constant 0 : i32
    return %c0_i32, %c0_i32_0 : i32, i32
  }
  func.func @transform_10(%arg0: i32) -> (i32, i32) {
    %c0_i32 = arith.constant 0 : i32
    %c0_i32_0 = arith.constant 0 : i32
    %c0_i32_1 = arith.constant 0 : i32
    return %c0_i32, %c0_i32_0 : i32, i32
  }
  func.func @transform_11(%arg0: i32) -> (i32, i32) {
    %c0_i32 = arith.constant 0 : i32
    %c0_i32_0 = arith.constant 0 : i32
    %c0_i32_1 = arith.constant 0 : i32
    return %c0_i32, %c0_i32_0 : i32, i32
  }
  func.func @transform_12(%arg0: i32) -> (i32, i32) {
    %c0_i32 = arith.constant 0 : i32
    %c0_i32_0 = arith.constant 0 : i32
    %c0_i32_1 = arith.constant 0 : i32
    return %c0_i32, %c0_i32_0 : i32, i32
  }
  func.func @transform_13(%arg0: i32) -> (i32, i32) {
    %c0_i32 = arith.constant 0 : i32
    %c0_i32_0 = arith.constant 0 : i32
    %c0_i32_1 = arith.constant 0 : i32
    return %c0_i32, %c0_i32_0 : i32, i32
  }
  func.func @transform_14(%arg0: i32) -> (i32, i32) {
    %c0_i32 = arith.constant 0 : i32
    %c0_i32_0 = arith.constant 0 : i32
    %c0_i32_1 = arith.constant 0 : i32
    return %c0_i32, %c0_i32_0 : i32, i32
  }
  func.func @transform_15(%arg0: i32) -> (i32, i32) {
    %c0_i32 = arith.constant 0 : i32
    %c0_i32_0 = arith.constant 0 : i32
    %c0_i32_1 = arith.constant 0 : i32
    return %c0_i32, %c0_i32_0 : i32, i32
  }
  func.func @transform_16(%arg0: i32) -> (i32, i32) {
    %c0_i32 = arith.constant 0 : i32
    %c0_i32_0 = arith.constant 0 : i32
    return %arg0, %c0_i32 : i32, i32
  }
  func.func @transform_17(%arg0: i32) -> (i32, i32) {
    %c0_i32 = arith.constant 0 : i32
    %c0_i32_0 = arith.constant 0 : i32
    return %arg0, %c0_i32 : i32, i32
  }
  func.func @transform_18(%arg0: i32) -> (i32, i32) {
    %c0_i32 = arith.constant 0 : i32
    %c0_i32_0 = arith.constant 0 : i32
    return %arg0, %c0_i32 : i32, i32
  }
}

module attributes {stable_mosaic.version = 14 : i64} {
  func.func @_tc2_body(%arg0: i32, %arg1: memref<2048x32xf32, #tpu.memory_space<vmem>>, %arg2: memref<8192x128xf32, #tpu.memory_space<vmem>>, %arg3: memref<2048x32xf32, #tpu.memory_space<vmem>>, %arg4: memref<8x2048xf32, #tpu.memory_space<vmem>>, %arg5: memref<32x128xf32, #tpu.memory_space<vmem>>, %arg6: memref<128x128xbf16, #tpu.memory_space<vmem>>, %arg7: memref<1x128xf32, #tpu.memory_space<vmem>>, %arg8: memref<128x32xf32, #tpu.memory_space<vmem>>, %arg9: memref<1x32xf32, #tpu.memory_space<vmem>>, %arg10: memref<8x32xf32, #tpu.memory_space<vmem>>, %arg11: memref<32x32xf32, #tpu.memory_space<vmem>>, %arg12: memref<32x32xf32, #tpu.memory_space<vmem>>, %arg13: memref<8x32xf32, #tpu.memory_space<vmem>>, %arg14: memref<32x32xf32, #tpu.memory_space<vmem>>, %arg15: memref<32x32xf32, #tpu.memory_space<vmem>>, %arg16: memref<1x32xf32, #tpu.memory_space<vmem>>, %arg17: memref<2048x32xf32, #tpu.memory_space<vmem>>, %arg18: memref<2048x32xf32, #tpu.memory_space<vmem>>, %arg19: memref<2048x32xf32, #tpu.memory_space<vmem>>) attributes {dimension_semantics = [#tpu.dimension_semantics<arbitrary>], iteration_bounds = array<i64: 8>, scalar_prefetch = 0 : i64, scratch_operands = 0 : i64, tpu.core_type = #tpu.core_type<tc>, window_params = [{transform_indices = @transform_0, window_bounds = array<i64: 2048, 32>}, {transform_indices = @transform_1, window_bounds = array<i64: 8192, 128>}, {transform_indices = @transform_2, window_bounds = array<i64: 2048, 32>}, {transform_indices = @transform_3, window_bounds = array<i64: 8, 2048>}, {pipeline_mode = #tpu.pipeline_mode<synchronous>, transform_indices = @transform_4, window_bounds = array<i64: 32, 128>}, {pipeline_mode = #tpu.pipeline_mode<synchronous>, transform_indices = @transform_5, window_bounds = array<i64: 128, 128>}, {pipeline_mode = #tpu.pipeline_mode<synchronous>, transform_indices = @transform_6, window_bounds = array<i64: 1, 128>}, {pipeline_mode = #tpu.pipeline_mode<synchronous>, transform_indices = @transform_7, window_bounds = array<i64: 128, 32>}, {pipeline_mode = #tpu.pipeline_mode<synchronous>, transform_indices = @transform_8, window_bounds = array<i64: 1, 32>}, {pipeline_mode = #tpu.pipeline_mode<synchronous>, transform_indices = @transform_9, window_bounds = array<i64: 8, 32>}, {pipeline_mode = #tpu.pipeline_mode<synchronous>, transform_indices = @transform_10, window_bounds = array<i64: 32, 32>}, {pipeline_mode = #tpu.pipeline_mode<synchronous>, transform_indices = @transform_11, window_bounds = array<i64: 32, 32>}, {pipeline_mode = #tpu.pipeline_mode<synchronous>, transform_indices = @transform_12, window_bounds = array<i64: 8, 32>}, {pipeline_mode = #tpu.pipeline_mode<synchronous>, transform_indices = @transform_13, window_bounds = array<i64: 32, 32>}, {pipeline_mode = #tpu.pipeline_mode<synchronous>, transform_indices = @transform_14, window_bounds = array<i64: 32, 32>}, {pipeline_mode = #tpu.pipeline_mode<synchronous>, transform_indices = @transform_15, window_bounds = array<i64: 1, 32>}, {transform_indices = @transform_16, window_bounds = array<i64: 2048, 32>}, {transform_indices = @transform_17, window_bounds = array<i64: 2048, 32>}, {transform_indices = @transform_18, window_bounds = array<i64: 2048, 32>}]} {
    %get3A = arith.constant 0 : index
    %get3A_0 = arith.constant 0 : index
    %get3A_1 = vector.load %arg1[%get3A, %get3A_0] : memref<2048x32xf32, #tpu.memory_space<vmem>>, vector<2048x32xf32>
    %get3A_2 = arith.constant 0 : index
    %get3A_3 = arith.constant 0 : index
    %get3A_4 = vector.load %arg5[%get3A_2, %get3A_3] : memref<32x128xf32, #tpu.memory_space<vmem>>, vector<32x128xf32>
    %dot_general3A = arith.constant dense<0.000000e+00> : vector<2048x128xf32>
    %dot_general3A_5 = tpu.matmul %get3A_1, %get3A_4, %dot_general3A {dimension_numbers = #tpu.dot_dimension_numbers<[1], [0], [0], [1], [0, 0, 1, 1], [], []>, transpose_lhs_hint = false} : vector<2048x32xf32>, vector<32x128xf32>, vector<2048x128xf32> -> vector<2048x128xf32>
    %get3A_6 = arith.constant 0 : index
    %get3A_7 = arith.constant 0 : index
    %get3A_8 = vector.load %arg2[%get3A_6, %get3A_7] : memref<8192x128xf32, #tpu.memory_space<vmem>>, vector<8192x128xf32>
    %get3A_9 = arith.constant 0 : index
    %get3A_10 = arith.constant 0 : index
    %get3A_11 = vector.load %arg6[%get3A_9, %get3A_10] : memref<128x128xbf16, #tpu.memory_space<vmem>>, vector<128x128xbf16>
    %get3A_12 = arith.constant 0 : index
    %get3A_13 = arith.constant 0 : index
    %get3A_14 = vector.load %arg7[%get3A_12, %get3A_13] : memref<1x128xf32, #tpu.memory_space<vmem>>, vector<1x128xf32>
    %get3A_15 = arith.constant 0 : index
    %get3A_16 = arith.constant 0 : index
    %get3A_17 = vector.load %arg8[%get3A_15, %get3A_16] : memref<128x32xf32, #tpu.memory_space<vmem>>, vector<128x32xf32>
    %get3A_18 = arith.constant 0 : index
    %get3A_19 = arith.constant 0 : index
    %get3A_20 = vector.load %arg9[%get3A_18, %get3A_19] : memref<1x32xf32, #tpu.memory_space<vmem>>, vector<1x32xf32>
    %reshape3A = vector.shape_cast %get3A_8 : vector<8192x128xf32> to vector<2048x4x128xf32>
    %broadcast_in_dim3A = vector.shape_cast %dot_general3A_5 : vector<2048x128xf32> to vector<2048x1x128xf32>
    %add3A = vector.broadcast %broadcast_in_dim3A : vector<2048x1x128xf32> to vector<2048x4x128xf32>
    %add3A_21 = arith.addf %reshape3A, %add3A : vector<2048x4x128xf32>
    %max3A = arith.constant 0.000000e+00 : f32
    %max3A_22 = vector.broadcast %max3A : f32 to vector<2048x4x128xf32>
    %max3A_23 = arith.maximumf %add3A_21, %max3A_22 : vector<2048x4x128xf32>
    %reshape3A_24 = vector.shape_cast %max3A_23 : vector<2048x4x128xf32> to vector<8192x128xf32>
    %convert_element_type3A = arith.truncf %reshape3A_24 : vector<8192x128xf32> to vector<8192x128xbf16>
    %dot_general3A_25 = arith.constant dense<0.000000e+00> : vector<8192x128xf32>
    %dot_general3A_26 = tpu.matmul %convert_element_type3A, %get3A_11, %dot_general3A_25 {dimension_numbers = #tpu.dot_dimension_numbers<[1], [0], [0], [1], [0, 0, 1, 1], [], []>, transpose_lhs_hint = false} : vector<8192x128xbf16>, vector<128x128xbf16>, vector<8192x128xf32> -> vector<8192x128xf32>
    %add3A_27 = vector.broadcast %get3A_14 : vector<1x128xf32> to vector<8192x128xf32>
    %add3A_28 = arith.addf %dot_general3A_26, %add3A_27 : vector<8192x128xf32>
    %max3A_29 = arith.constant 0.000000e+00 : f32
    %max3A_30 = vector.broadcast %max3A_29 : f32 to vector<8192x128xf32>
    %max3A_31 = arith.maximumf %add3A_28, %max3A_30 : vector<8192x128xf32>
    %reshape3A_32 = vector.shape_cast %max3A_31 : vector<8192x128xf32> to vector<2048x4x128xf32>
    %reduce_sum3A = arith.constant dense<0.000000e+00> : vector<2048x128xf32>
    %reduce_sum3A_33 = vector.multi_reduction <add>, %reshape3A_32, %reduce_sum3A [1] : vector<2048x4x128xf32> to vector<2048x128xf32>
    %dot_general3A_34 = arith.constant dense<0.000000e+00> : vector<2048x32xf32>
    %dot_general3A_35 = tpu.matmul %reduce_sum3A_33, %get3A_17, %dot_general3A_34 {dimension_numbers = #tpu.dot_dimension_numbers<[1], [0], [0], [1], [0, 0, 1, 1], [], []>, transpose_lhs_hint = false} : vector<2048x128xf32>, vector<128x32xf32>, vector<2048x32xf32> -> vector<2048x32xf32>
    %add3A_36 = vector.broadcast %get3A_20 : vector<1x32xf32> to vector<2048x32xf32>
    %add3A_37 = arith.addf %dot_general3A_35, %add3A_36 : vector<2048x32xf32>
    %swap3A = arith.constant 0 : index
    %swap3A_38 = arith.constant 0 : index
    %swap3A_39 = vector.load %arg17[%swap3A, %swap3A_38] : memref<2048x32xf32, #tpu.memory_space<vmem>>, vector<2048x32xf32>
    tpu.vector_store %arg17[%swap3A, %swap3A_38], %add3A_37 {strides = array<i32>} : memref<2048x32xf32, #tpu.memory_space<vmem>>, vector<2048x32xf32>,
    %get3A_40 = arith.constant 0 : index
    %get3A_41 = arith.constant 0 : index
    %get3A_42 = vector.load %arg3[%get3A_40, %get3A_41] : memref<2048x32xf32, #tpu.memory_space<vmem>>, vector<2048x32xf32>
    %get3A_43 = arith.constant 0 : index
    %get3A_44 = arith.constant 0 : index
    %get3A_45 = vector.load %arg4[%get3A_43, %get3A_44] : memref<8x2048xf32, #tpu.memory_space<vmem>>, vector<8x2048xf32>
    %get3A_46 = arith.constant 0 : index
    %get3A_47 = arith.constant 0 : index
    %get3A_48 = vector.load %arg10[%get3A_46, %get3A_47] : memref<8x32xf32, #tpu.memory_space<vmem>>, vector<8x32xf32>
    %dot_general3A_49 = arith.constant dense<0.000000e+00> : vector<2048x32xf32>
    %dot_general3A_50 = tpu.matmul %get3A_45, %get3A_48, %dot_general3A_49 {dimension_numbers = #tpu.dot_dimension_numbers<[0], [0], [1], [1], [0, 1, 1, 1], [], []>, transpose_lhs_hint = false} : vector<8x2048xf32>, vector<8x32xf32>, vector<2048x32xf32> -> vector<2048x32xf32>
    %get3A_51 = arith.constant 0 : index
    %get3A_52 = arith.constant 0 : index
    %get3A_53 = vector.load %arg11[%get3A_51, %get3A_52] : memref<32x32xf32, #tpu.memory_space<vmem>>, vector<32x32xf32>
    %dot_general3A_54 = arith.constant dense<0.000000e+00> : vector<2048x32xf32>
    %dot_general3A_55 = tpu.matmul %get3A_42, %get3A_53, %dot_general3A_54 {dimension_numbers = #tpu.dot_dimension_numbers<[1], [0], [0], [1], [0, 0, 1, 1], [], []>, transpose_lhs_hint = false} : vector<2048x32xf32>, vector<32x32xf32>, vector<2048x32xf32> -> vector<2048x32xf32>
    %add3A_56 = arith.addf %dot_general3A_50, %dot_general3A_55 : vector<2048x32xf32>
    %get3A_57 = arith.constant 0 : index
    %get3A_58 = arith.constant 0 : index
    %get3A_59 = vector.load %arg12[%get3A_57, %get3A_58] : memref<32x32xf32, #tpu.memory_space<vmem>>, vector<32x32xf32>
    %dot_general3A_60 = arith.constant dense<0.000000e+00> : vector<2048x32xf32>
    %dot_general3A_61 = tpu.matmul %add3A_37, %get3A_59, %dot_general3A_60 {dimension_numbers = #tpu.dot_dimension_numbers<[1], [0], [0], [1], [0, 0, 1, 1], [], []>, transpose_lhs_hint = false} : vector<2048x32xf32>, vector<32x32xf32>, vector<2048x32xf32> -> vector<2048x32xf32>
    %add3A_62 = arith.addf %add3A_56, %dot_general3A_61 : vector<2048x32xf32>
    %get3A_63 = arith.constant 0 : index
    %get3A_64 = arith.constant 0 : index
    %get3A_65 = vector.load %arg16[%get3A_63, %get3A_64] : memref<1x32xf32, #tpu.memory_space<vmem>>, vector<1x32xf32>
    %add3A_66 = vector.broadcast %get3A_65 : vector<1x32xf32> to vector<2048x32xf32>
    %add3A_67 = arith.addf %add3A_62, %add3A_66 : vector<2048x32xf32>
    %swap3A_68 = arith.constant 0 : index
    %swap3A_69 = arith.constant 0 : index
    %swap3A_70 = vector.load %arg18[%swap3A_68, %swap3A_69] : memref<2048x32xf32, #tpu.memory_space<vmem>>, vector<2048x32xf32>
    tpu.vector_store %arg18[%swap3A_68, %swap3A_69], %add3A_67 {strides = array<i32>} : memref<2048x32xf32, #tpu.memory_space<vmem>>, vector<2048x32xf32>,
    %get3A_71 = arith.constant 0 : index
    %get3A_72 = arith.constant 0 : index
    %get3A_73 = vector.load %arg13[%get3A_71, %get3A_72] : memref<8x32xf32, #tpu.memory_space<vmem>>, vector<8x32xf32>
    %dot_general3A_74 = arith.constant dense<0.000000e+00> : vector<2048x32xf32>
    %dot_general3A_75 = tpu.matmul %get3A_45, %get3A_73, %dot_general3A_74 {dimension_numbers = #tpu.dot_dimension_numbers<[0], [0], [1], [1], [0, 1, 1, 1], [], []>, transpose_lhs_hint = false} : vector<8x2048xf32>, vector<8x32xf32>, vector<2048x32xf32> -> vector<2048x32xf32>
    %get3A_76 = arith.constant 0 : index
    %get3A_77 = arith.constant 0 : index
    %get3A_78 = vector.load %arg14[%get3A_76, %get3A_77] : memref<32x32xf32, #tpu.memory_space<vmem>>, vector<32x32xf32>
    %dot_general3A_79 = arith.constant dense<0.000000e+00> : vector<2048x32xf32>
    %dot_general3A_80 = tpu.matmul %get3A_42, %get3A_78, %dot_general3A_79 {dimension_numbers = #tpu.dot_dimension_numbers<[1], [0], [0], [1], [0, 0, 1, 1], [], []>, transpose_lhs_hint = false} : vector<2048x32xf32>, vector<32x32xf32>, vector<2048x32xf32> -> vector<2048x32xf32>
    %add3A_81 = arith.addf %dot_general3A_75, %dot_general3A_80 : vector<2048x32xf32>
    %get3A_82 = arith.constant 0 : index
    %get3A_83 = arith.constant 0 : index
    %get3A_84 = vector.load %arg15[%get3A_82, %get3A_83] : memref<32x32xf32, #tpu.memory_space<vmem>>, vector<32x32xf32>
    %dot_general3A_85 = arith.constant dense<0.000000e+00> : vector<2048x32xf32>
    %dot_general3A_86 = tpu.matmul %add3A_37, %get3A_84, %dot_general3A_85 {dimension_numbers = #tpu.dot_dimension_numbers<[1], [0], [0], [1], [0, 0, 1, 1], [], []>, transpose_lhs_hint = false} : vector<2048x32xf32>, vector<32x32xf32>, vector<2048x32xf32> -> vector<2048x32xf32>
    %add3A_87 = arith.addf %add3A_81, %dot_general3A_86 : vector<2048x32xf32>
    %swap3A_88 = arith.constant 0 : index
    %swap3A_89 = arith.constant 0 : index
    %swap3A_90 = vector.load %arg19[%swap3A_88, %swap3A_89] : memref<2048x32xf32, #tpu.memory_space<vmem>>, vector<2048x32xf32>
    tpu.vector_store %arg19[%swap3A_88, %swap3A_89], %add3A_87 {strides = array<i32>} : memref<2048x32xf32, #tpu.memory_space<vmem>>, vector<2048x32xf32>,
    return
  }
  func.func @transform_0(%arg0: i32) -> (i32, i32) {
    %add3A = arith.constant 8 : i32
    %add3A_0 = arith.addi %arg0, %add3A : i32
    %c0_i32 = arith.constant 0 : i32
    %c0_i32_1 = arith.constant 0 : i32
    return %add3A_0, %c0_i32 : i32, i32
  }
  func.func @transform_1(%arg0: i32) -> (i32, i32) {
    %c0_i32 = arith.constant 0 : i32
    %c0_i32_0 = arith.constant 0 : i32
    return %arg0, %c0_i32 : i32, i32
  }
  func.func @transform_2(%arg0: i32) -> (i32, i32) {
    %add3A = arith.constant 8 : i32
    %add3A_0 = arith.addi %arg0, %add3A : i32
    %c0_i32 = arith.constant 0 : i32
    %c0_i32_1 = arith.constant 0 : i32
    return %add3A_0, %c0_i32 : i32, i32
  }
  func.func @transform_3(%arg0: i32) -> (i32, i32) {
    %add3A = arith.constant 8 : i32
    %add3A_0 = arith.addi %arg0, %add3A : i32
    %c0_i32 = arith.constant 0 : i32
    %c0_i32_1 = arith.constant 0 : i32
    return %c0_i32, %add3A_0 : i32, i32
  }
  func.func @transform_4(%arg0: i32) -> (i32, i32) {
    %c0_i32 = arith.constant 0 : i32
    %c0_i32_0 = arith.constant 0 : i32
    %c0_i32_1 = arith.constant 0 : i32
    return %c0_i32, %c0_i32_0 : i32, i32
  }
  func.func @transform_5(%arg0: i32) -> (i32, i32) {
    %c0_i32 = arith.constant 0 : i32
    %c0_i32_0 = arith.constant 0 : i32
    %c0_i32_1 = arith.constant 0 : i32
    return %c0_i32, %c0_i32_0 : i32, i32
  }
  func.func @transform_6(%arg0: i32) -> (i32, i32) {
    %c0_i32 = arith.constant 0 : i32
    %c0_i32_0 = arith.constant 0 : i32
    %c0_i32_1 = arith.constant 0 : i32
    return %c0_i32, %c0_i32_0 : i32, i32
  }
  func.func @transform_7(%arg0: i32) -> (i32, i32) {
    %c0_i32 = arith.constant 0 : i32
    %c0_i32_0 = arith.constant 0 : i32
    %c0_i32_1 = arith.constant 0 : i32
    return %c0_i32, %c0_i32_0 : i32, i32
  }
  func.func @transform_8(%arg0: i32) -> (i32, i32) {
    %c0_i32 = arith.constant 0 : i32
    %c0_i32_0 = arith.constant 0 : i32
    %c0_i32_1 = arith.constant 0 : i32
    return %c0_i32, %c0_i32_0 : i32, i32
  }
  func.func @transform_9(%arg0: i32) -> (i32, i32) {
    %c0_i32 = arith.constant 0 : i32
    %c0_i32_0 = arith.constant 0 : i32
    %c0_i32_1 = arith.constant 0 : i32
    return %c0_i32, %c0_i32_0 : i32, i32
  }
  func.func @transform_10(%arg0: i32) -> (i32, i32) {
    %c0_i32 = arith.constant 0 : i32
    %c0_i32_0 = arith.constant 0 : i32
    %c0_i32_1 = arith.constant 0 : i32
    return %c0_i32, %c0_i32_0 : i32, i32
  }
  func.func @transform_11(%arg0: i32) -> (i32, i32) {
    %c0_i32 = arith.constant 0 : i32
    %c0_i32_0 = arith.constant 0 : i32
    %c0_i32_1 = arith.constant 0 : i32
    return %c0_i32, %c0_i32_0 : i32, i32
  }
  func.func @transform_12(%arg0: i32) -> (i32, i32) {
    %c0_i32 = arith.constant 0 : i32
    %c0_i32_0 = arith.constant 0 : i32
    %c0_i32_1 = arith.constant 0 : i32
    return %c0_i32, %c0_i32_0 : i32, i32
  }
  func.func @transform_13(%arg0: i32) -> (i32, i32) {
    %c0_i32 = arith.constant 0 : i32
    %c0_i32_0 = arith.constant 0 : i32
    %c0_i32_1 = arith.constant 0 : i32
    return %c0_i32, %c0_i32_0 : i32, i32
  }
  func.func @transform_14(%arg0: i32) -> (i32, i32) {
    %c0_i32 = arith.constant 0 : i32
    %c0_i32_0 = arith.constant 0 : i32
    %c0_i32_1 = arith.constant 0 : i32
    return %c0_i32, %c0_i32_0 : i32, i32
  }
  func.func @transform_15(%arg0: i32) -> (i32, i32) {
    %c0_i32 = arith.constant 0 : i32
    %c0_i32_0 = arith.constant 0 : i32
    %c0_i32_1 = arith.constant 0 : i32
    return %c0_i32, %c0_i32_0 : i32, i32
  }
  func.func @transform_16(%arg0: i32) -> (i32, i32) {
    %c0_i32 = arith.constant 0 : i32
    %c0_i32_0 = arith.constant 0 : i32
    return %arg0, %c0_i32 : i32, i32
  }
  func.func @transform_17(%arg0: i32) -> (i32, i32) {
    %c0_i32 = arith.constant 0 : i32
    %c0_i32_0 = arith.constant 0 : i32
    return %arg0, %c0_i32 : i32, i32
  }
  func.func @transform_18(%arg0: i32) -> (i32, i32) {
    %c0_i32 = arith.constant 0 : i32
    %c0_i32_0 = arith.constant 0 : i32
    return %arg0, %c0_i32 : i32, i32
  }
}

module attributes {stable_mosaic.version = 14 : i64} {
  func.func @_tc3_body(%arg0: i32, %arg1: memref<2048x32xf32, #tpu.memory_space<vmem>>, %arg2: memref<4096x128xf32, #tpu.memory_space<vmem>>, %arg3: memref<2048x32xf32, #tpu.memory_space<vmem>>, %arg4: memref<2048x32xf32, #tpu.memory_space<vmem>>, %arg5: memref<8x2048xf32, #tpu.memory_space<vmem>>, %arg6: memref<32x128xf32, #tpu.memory_space<vmem>>, %arg7: memref<128x128xbf16, #tpu.memory_space<vmem>>, %arg8: memref<1x128xf32, #tpu.memory_space<vmem>>, %arg9: memref<128x32xf32, #tpu.memory_space<vmem>>, %arg10: memref<1x32xf32, #tpu.memory_space<vmem>>, %arg11: memref<32x64xf32, #tpu.memory_space<vmem>>, %arg12: memref<32x64xf32, #tpu.memory_space<vmem>>, %arg13: memref<32x64xf32, #tpu.memory_space<vmem>>, %arg14: memref<1x64xf32, #tpu.memory_space<vmem>>, %arg15: memref<64x64xf32, #tpu.memory_space<vmem>>, %arg16: memref<1x64xf32, #tpu.memory_space<vmem>>, %arg17: memref<8x64xf32, #tpu.memory_space<vmem>>, %arg18: memref<64x64xf32, #tpu.memory_space<vmem>>, %arg19: memref<2048x64xf32, #tpu.memory_space<vmem>>) attributes {dimension_semantics = [#tpu.dimension_semantics<arbitrary>], iteration_bounds = array<i64: 8>, scalar_prefetch = 0 : i64, scratch_operands = 0 : i64, tpu.core_type = #tpu.core_type<tc>, window_params = [{transform_indices = @transform_0, window_bounds = array<i64: 2048, 32>}, {transform_indices = @transform_1, window_bounds = array<i64: 4096, 128>}, {transform_indices = @transform_2, window_bounds = array<i64: 2048, 32>}, {transform_indices = @transform_3, window_bounds = array<i64: 2048, 32>}, {transform_indices = @transform_4, window_bounds = array<i64: 8, 2048>}, {pipeline_mode = #tpu.pipeline_mode<synchronous>, transform_indices = @transform_5, window_bounds = array<i64: 32, 128>}, {pipeline_mode = #tpu.pipeline_mode<synchronous>, transform_indices = @transform_6, window_bounds = array<i64: 128, 128>}, {pipeline_mode = #tpu.pipeline_mode<synchronous>, transform_indices = @transform_7, window_bounds = array<i64: 1, 128>}, {pipeline_mode = #tpu.pipeline_mode<synchronous>, transform_indices = @transform_8, window_bounds = array<i64: 128, 32>}, {pipeline_mode = #tpu.pipeline_mode<synchronous>, transform_indices = @transform_9, window_bounds = array<i64: 1, 32>}, {pipeline_mode = #tpu.pipeline_mode<synchronous>, transform_indices = @transform_10, window_bounds = array<i64: 32, 64>}, {pipeline_mode = #tpu.pipeline_mode<synchronous>, transform_indices = @transform_11, window_bounds = array<i64: 32, 64>}, {pipeline_mode = #tpu.pipeline_mode<synchronous>, transform_indices = @transform_12, window_bounds = array<i64: 32, 64>}, {pipeline_mode = #tpu.pipeline_mode<synchronous>, transform_indices = @transform_13, window_bounds = array<i64: 1, 64>}, {pipeline_mode = #tpu.pipeline_mode<synchronous>, transform_indices = @transform_14, window_bounds = array<i64: 64, 64>}, {pipeline_mode = #tpu.pipeline_mode<synchronous>, transform_indices = @transform_15, window_bounds = array<i64: 1, 64>}, {pipeline_mode = #tpu.pipeline_mode<synchronous>, transform_indices = @transform_16, window_bounds = array<i64: 8, 64>}, {pipeline_mode = #tpu.pipeline_mode<synchronous>, transform_indices = @transform_17, window_bounds = array<i64: 64, 64>}, {transform_indices = @transform_18, window_bounds = array<i64: 2048, 64>}]} {
    %get3A = arith.constant 0 : index
    %get3A_0 = arith.constant 0 : index
    %get3A_1 = vector.load %arg1[%get3A, %get3A_0] : memref<2048x32xf32, #tpu.memory_space<vmem>>, vector<2048x32xf32>
    %get3A_2 = arith.constant 0 : index
    %get3A_3 = arith.constant 0 : index
    %get3A_4 = vector.load %arg6[%get3A_2, %get3A_3] : memref<32x128xf32, #tpu.memory_space<vmem>>, vector<32x128xf32>
    %dot_general3A = arith.constant dense<0.000000e+00> : vector<2048x128xf32>
    %dot_general3A_5 = tpu.matmul %get3A_1, %get3A_4, %dot_general3A {dimension_numbers = #tpu.dot_dimension_numbers<[1], [0], [0], [1], [0, 0, 1, 1], [], []>, transpose_lhs_hint = false} : vector<2048x32xf32>, vector<32x128xf32>, vector<2048x128xf32> -> vector<2048x128xf32>
    %get3A_6 = arith.constant 0 : index
    %get3A_7 = arith.constant 0 : index
    %get3A_8 = vector.load %arg2[%get3A_6, %get3A_7] : memref<4096x128xf32, #tpu.memory_space<vmem>>, vector<4096x128xf32>
    %get3A_9 = arith.constant 0 : index
    %get3A_10 = arith.constant 0 : index
    %get3A_11 = vector.load %arg7[%get3A_9, %get3A_10] : memref<128x128xbf16, #tpu.memory_space<vmem>>, vector<128x128xbf16>
    %get3A_12 = arith.constant 0 : index
    %get3A_13 = arith.constant 0 : index
    %get3A_14 = vector.load %arg8[%get3A_12, %get3A_13] : memref<1x128xf32, #tpu.memory_space<vmem>>, vector<1x128xf32>
    %get3A_15 = arith.constant 0 : index
    %get3A_16 = arith.constant 0 : index
    %get3A_17 = vector.load %arg9[%get3A_15, %get3A_16] : memref<128x32xf32, #tpu.memory_space<vmem>>, vector<128x32xf32>
    %get3A_18 = arith.constant 0 : index
    %get3A_19 = arith.constant 0 : index
    %get3A_20 = vector.load %arg10[%get3A_18, %get3A_19] : memref<1x32xf32, #tpu.memory_space<vmem>>, vector<1x32xf32>
    %reshape3A = vector.shape_cast %get3A_8 : vector<4096x128xf32> to vector<2048x2x128xf32>
    %broadcast_in_dim3A = vector.shape_cast %dot_general3A_5 : vector<2048x128xf32> to vector<2048x1x128xf32>
    %add3A = vector.broadcast %broadcast_in_dim3A : vector<2048x1x128xf32> to vector<2048x2x128xf32>
    %add3A_21 = arith.addf %reshape3A, %add3A : vector<2048x2x128xf32>
    %max3A = arith.constant 0.000000e+00 : f32
    %max3A_22 = vector.broadcast %max3A : f32 to vector<2048x2x128xf32>
    %max3A_23 = arith.maximumf %add3A_21, %max3A_22 : vector<2048x2x128xf32>
    %reshape3A_24 = vector.shape_cast %max3A_23 : vector<2048x2x128xf32> to vector<4096x128xf32>
    %convert_element_type3A = arith.truncf %reshape3A_24 : vector<4096x128xf32> to vector<4096x128xbf16>
    %dot_general3A_25 = arith.constant dense<0.000000e+00> : vector<4096x128xf32>
    %dot_general3A_26 = tpu.matmul %convert_element_type3A, %get3A_11, %dot_general3A_25 {dimension_numbers = #tpu.dot_dimension_numbers<[1], [0], [0], [1], [0, 0, 1, 1], [], []>, transpose_lhs_hint = false} : vector<4096x128xbf16>, vector<128x128xbf16>, vector<4096x128xf32> -> vector<4096x128xf32>
    %add3A_27 = vector.broadcast %get3A_14 : vector<1x128xf32> to vector<4096x128xf32>
    %add3A_28 = arith.addf %dot_general3A_26, %add3A_27 : vector<4096x128xf32>
    %max3A_29 = arith.constant 0.000000e+00 : f32
    %max3A_30 = vector.broadcast %max3A_29 : f32 to vector<4096x128xf32>
    %max3A_31 = arith.maximumf %add3A_28, %max3A_30 : vector<4096x128xf32>
    %reshape3A_32 = vector.shape_cast %max3A_31 : vector<4096x128xf32> to vector<2048x2x128xf32>
    %reduce_sum3A = arith.constant dense<0.000000e+00> : vector<2048x128xf32>
    %reduce_sum3A_33 = vector.multi_reduction <add>, %reshape3A_32, %reduce_sum3A [1] : vector<2048x2x128xf32> to vector<2048x128xf32>
    %dot_general3A_34 = arith.constant dense<0.000000e+00> : vector<2048x32xf32>
    %dot_general3A_35 = tpu.matmul %reduce_sum3A_33, %get3A_17, %dot_general3A_34 {dimension_numbers = #tpu.dot_dimension_numbers<[1], [0], [0], [1], [0, 0, 1, 1], [], []>, transpose_lhs_hint = false} : vector<2048x128xf32>, vector<128x32xf32>, vector<2048x32xf32> -> vector<2048x32xf32>
    %add3A_36 = vector.broadcast %get3A_20 : vector<1x32xf32> to vector<2048x32xf32>
    %add3A_37 = arith.addf %dot_general3A_35, %add3A_36 : vector<2048x32xf32>
    %get3A_38 = arith.constant 0 : index
    %get3A_39 = arith.constant 0 : index
    %get3A_40 = vector.load %arg3[%get3A_38, %get3A_39] : memref<2048x32xf32, #tpu.memory_space<vmem>>, vector<2048x32xf32>
    %get3A_41 = arith.constant 0 : index
    %get3A_42 = arith.constant 0 : index
    %get3A_43 = vector.load %arg11[%get3A_41, %get3A_42] : memref<32x64xf32, #tpu.memory_space<vmem>>, vector<32x64xf32>
    %dot_general3A_44 = arith.constant dense<0.000000e+00> : vector<2048x64xf32>
    %dot_general3A_45 = tpu.matmul %get3A_40, %get3A_43, %dot_general3A_44 {dimension_numbers = #tpu.dot_dimension_numbers<[1], [0], [0], [1], [0, 0, 1, 1], [], []>, transpose_lhs_hint = false} : vector<2048x32xf32>, vector<32x64xf32>, vector<2048x64xf32> -> vector<2048x64xf32>
    %get3A_46 = arith.constant 0 : index
    %get3A_47 = arith.constant 0 : index
    %get3A_48 = vector.load %arg4[%get3A_46, %get3A_47] : memref<2048x32xf32, #tpu.memory_space<vmem>>, vector<2048x32xf32>
    %get3A_49 = arith.constant 0 : index
    %get3A_50 = arith.constant 0 : index
    %get3A_51 = vector.load %arg12[%get3A_49, %get3A_50] : memref<32x64xf32, #tpu.memory_space<vmem>>, vector<32x64xf32>
    %dot_general3A_52 = arith.constant dense<0.000000e+00> : vector<2048x64xf32>
    %dot_general3A_53 = tpu.matmul %get3A_48, %get3A_51, %dot_general3A_52 {dimension_numbers = #tpu.dot_dimension_numbers<[1], [0], [0], [1], [0, 0, 1, 1], [], []>, transpose_lhs_hint = false} : vector<2048x32xf32>, vector<32x64xf32>, vector<2048x64xf32> -> vector<2048x64xf32>
    %add3A_54 = arith.addf %dot_general3A_45, %dot_general3A_53 : vector<2048x64xf32>
    %get3A_55 = arith.constant 0 : index
    %get3A_56 = arith.constant 0 : index
    %get3A_57 = vector.load %arg13[%get3A_55, %get3A_56] : memref<32x64xf32, #tpu.memory_space<vmem>>, vector<32x64xf32>
    %dot_general3A_58 = arith.constant dense<0.000000e+00> : vector<2048x64xf32>
    %dot_general3A_59 = tpu.matmul %add3A_37, %get3A_57, %dot_general3A_58 {dimension_numbers = #tpu.dot_dimension_numbers<[1], [0], [0], [1], [0, 0, 1, 1], [], []>, transpose_lhs_hint = false} : vector<2048x32xf32>, vector<32x64xf32>, vector<2048x64xf32> -> vector<2048x64xf32>
    %add3A_60 = arith.addf %add3A_54, %dot_general3A_59 : vector<2048x64xf32>
    %get3A_61 = arith.constant 0 : index
    %get3A_62 = arith.constant 0 : index
    %get3A_63 = vector.load %arg14[%get3A_61, %get3A_62] : memref<1x64xf32, #tpu.memory_space<vmem>>, vector<1x64xf32>
    %add3A_64 = vector.broadcast %get3A_63 : vector<1x64xf32> to vector<2048x64xf32>
    %add3A_65 = arith.addf %add3A_60, %add3A_64 : vector<2048x64xf32>
    %max3A_66 = arith.constant 0.000000e+00 : f32
    %max3A_67 = vector.broadcast %max3A_66 : f32 to vector<2048x64xf32>
    %max3A_68 = arith.maximumf %add3A_65, %max3A_67 : vector<2048x64xf32>
    %get3A_69 = arith.constant 0 : index
    %get3A_70 = arith.constant 0 : index
    %get3A_71 = vector.load %arg15[%get3A_69, %get3A_70] : memref<64x64xf32, #tpu.memory_space<vmem>>, vector<64x64xf32>
    %dot_general3A_72 = arith.constant dense<0.000000e+00> : vector<2048x64xf32>
    %dot_general3A_73 = tpu.matmul %max3A_68, %get3A_71, %dot_general3A_72 {dimension_numbers = #tpu.dot_dimension_numbers<[1], [0], [0], [1], [0, 0, 1, 1], [], []>, transpose_lhs_hint = false} : vector<2048x64xf32>, vector<64x64xf32>, vector<2048x64xf32> -> vector<2048x64xf32>
    %get3A_74 = arith.constant 0 : index
    %get3A_75 = arith.constant 0 : index
    %get3A_76 = vector.load %arg16[%get3A_74, %get3A_75] : memref<1x64xf32, #tpu.memory_space<vmem>>, vector<1x64xf32>
    %add3A_77 = vector.broadcast %get3A_76 : vector<1x64xf32> to vector<2048x64xf32>
    %add3A_78 = arith.addf %dot_general3A_73, %add3A_77 : vector<2048x64xf32>
    %get3A_79 = arith.constant 0 : index
    %get3A_80 = arith.constant 0 : index
    %get3A_81 = vector.load %arg5[%get3A_79, %get3A_80] : memref<8x2048xf32, #tpu.memory_space<vmem>>, vector<8x2048xf32>
    %get3A_82 = arith.constant 0 : index
    %get3A_83 = arith.constant 0 : index
    %get3A_84 = vector.load %arg17[%get3A_82, %get3A_83] : memref<8x64xf32, #tpu.memory_space<vmem>>, vector<8x64xf32>
    %dot_general3A_85 = arith.constant dense<0.000000e+00> : vector<2048x64xf32>
    %dot_general3A_86 = tpu.matmul %get3A_81, %get3A_84, %dot_general3A_85 {dimension_numbers = #tpu.dot_dimension_numbers<[0], [0], [1], [1], [0, 1, 1, 1], [], []>, transpose_lhs_hint = false} : vector<8x2048xf32>, vector<8x64xf32>, vector<2048x64xf32> -> vector<2048x64xf32>
    %get3A_87 = arith.constant 0 : index
    %get3A_88 = arith.constant 0 : index
    %get3A_89 = vector.load %arg18[%get3A_87, %get3A_88] : memref<64x64xf32, #tpu.memory_space<vmem>>, vector<64x64xf32>
    %dot_general3A_90 = arith.constant dense<0.000000e+00> : vector<2048x64xf32>
    %dot_general3A_91 = tpu.matmul %add3A_78, %get3A_89, %dot_general3A_90 {dimension_numbers = #tpu.dot_dimension_numbers<[1], [0], [0], [1], [0, 0, 1, 1], [], []>, transpose_lhs_hint = false} : vector<2048x64xf32>, vector<64x64xf32>, vector<2048x64xf32> -> vector<2048x64xf32>
    %add3A_92 = arith.addf %dot_general3A_86, %dot_general3A_91 : vector<2048x64xf32>
    %swap3A = arith.constant 0 : index
    %swap3A_93 = arith.constant 0 : index
    %swap3A_94 = vector.load %arg19[%swap3A, %swap3A_93] : memref<2048x64xf32, #tpu.memory_space<vmem>>, vector<2048x64xf32>
    tpu.vector_store %arg19[%swap3A, %swap3A_93], %add3A_92 {strides = array<i32>} : memref<2048x64xf32, #tpu.memory_space<vmem>>, vector<2048x64xf32>,
    return
  }
  func.func @transform_0(%arg0: i32) -> (i32, i32) {
    %c0_i32 = arith.constant 0 : i32
    %c0_i32_0 = arith.constant 0 : i32
    return %arg0, %c0_i32 : i32, i32
  }
  func.func @transform_1(%arg0: i32) -> (i32, i32) {
    %c0_i32 = arith.constant 0 : i32
    %c0_i32_0 = arith.constant 0 : i32
    return %arg0, %c0_i32 : i32, i32
  }
  func.func @transform_2(%arg0: i32) -> (i32, i32) {
    %add3A = arith.constant 0 : i32
    %add3A_0 = arith.addi %arg0, %add3A : i32
    %c0_i32 = arith.constant 0 : i32
    %c0_i32_1 = arith.constant 0 : i32
    return %add3A_0, %c0_i32 : i32, i32
  }
  func.func @transform_3(%arg0: i32) -> (i32, i32) {
    %c0_i32 = arith.constant 0 : i32
    %c0_i32_0 = arith.constant 0 : i32
    return %arg0, %c0_i32 : i32, i32
  }
  func.func @transform_4(%arg0: i32) -> (i32, i32) {
    %add3A = arith.constant 0 : i32
    %add3A_0 = arith.addi %arg0, %add3A : i32
    %c0_i32 = arith.constant 0 : i32
    %c0_i32_1 = arith.constant 0 : i32
    return %c0_i32, %add3A_0 : i32, i32
  }
  func.func @transform_5(%arg0: i32) -> (i32, i32) {
    %c0_i32 = arith.constant 0 : i32
    %c0_i32_0 = arith.constant 0 : i32
    %c0_i32_1 = arith.constant 0 : i32
    return %c0_i32, %c0_i32_0 : i32, i32
  }
  func.func @transform_6(%arg0: i32) -> (i32, i32) {
    %c0_i32 = arith.constant 0 : i32
    %c0_i32_0 = arith.constant 0 : i32
    %c0_i32_1 = arith.constant 0 : i32
    return %c0_i32, %c0_i32_0 : i32, i32
  }
  func.func @transform_7(%arg0: i32) -> (i32, i32) {
    %c0_i32 = arith.constant 0 : i32
    %c0_i32_0 = arith.constant 0 : i32
    %c0_i32_1 = arith.constant 0 : i32
    return %c0_i32, %c0_i32_0 : i32, i32
  }
  func.func @transform_8(%arg0: i32) -> (i32, i32) {
    %c0_i32 = arith.constant 0 : i32
    %c0_i32_0 = arith.constant 0 : i32
    %c0_i32_1 = arith.constant 0 : i32
    return %c0_i32, %c0_i32_0 : i32, i32
  }
  func.func @transform_9(%arg0: i32) -> (i32, i32) {
    %c0_i32 = arith.constant 0 : i32
    %c0_i32_0 = arith.constant 0 : i32
    %c0_i32_1 = arith.constant 0 : i32
    return %c0_i32, %c0_i32_0 : i32, i32
  }
  func.func @transform_10(%arg0: i32) -> (i32, i32) {
    %c0_i32 = arith.constant 0 : i32
    %c0_i32_0 = arith.constant 0 : i32
    %c0_i32_1 = arith.constant 0 : i32
    return %c0_i32, %c0_i32_0 : i32, i32
  }
  func.func @transform_11(%arg0: i32) -> (i32, i32) {
    %c0_i32 = arith.constant 0 : i32
    %c0_i32_0 = arith.constant 0 : i32
    %c0_i32_1 = arith.constant 0 : i32
    return %c0_i32, %c0_i32_0 : i32, i32
  }
  func.func @transform_12(%arg0: i32) -> (i32, i32) {
    %c0_i32 = arith.constant 0 : i32
    %c0_i32_0 = arith.constant 0 : i32
    %c0_i32_1 = arith.constant 0 : i32
    return %c0_i32, %c0_i32_0 : i32, i32
  }
  func.func @transform_13(%arg0: i32) -> (i32, i32) {
    %c0_i32 = arith.constant 0 : i32
    %c0_i32_0 = arith.constant 0 : i32
    %c0_i32_1 = arith.constant 0 : i32
    return %c0_i32, %c0_i32_0 : i32, i32
  }
  func.func @transform_14(%arg0: i32) -> (i32, i32) {
    %c0_i32 = arith.constant 0 : i32
    %c0_i32_0 = arith.constant 0 : i32
    %c0_i32_1 = arith.constant 0 : i32
    return %c0_i32, %c0_i32_0 : i32, i32
  }
  func.func @transform_15(%arg0: i32) -> (i32, i32) {
    %c0_i32 = arith.constant 0 : i32
    %c0_i32_0 = arith.constant 0 : i32
    %c0_i32_1 = arith.constant 0 : i32
    return %c0_i32, %c0_i32_0 : i32, i32
  }
  func.func @transform_16(%arg0: i32) -> (i32, i32) {
    %c0_i32 = arith.constant 0 : i32
    %c0_i32_0 = arith.constant 0 : i32
    %c0_i32_1 = arith.constant 0 : i32
    return %c0_i32, %c0_i32_0 : i32, i32
  }
  func.func @transform_17(%arg0: i32) -> (i32, i32) {
    %c0_i32 = arith.constant 0 : i32
    %c0_i32_0 = arith.constant 0 : i32
    %c0_i32_1 = arith.constant 0 : i32
    return %c0_i32, %c0_i32_0 : i32, i32
  }
  func.func @transform_18(%arg0: i32) -> (i32, i32) {
    %c0_i32 = arith.constant 0 : i32
    %c0_i32_0 = arith.constant 0 : i32
    return %arg0, %c0_i32 : i32, i32
  }
}

module attributes {stable_mosaic.version = 14 : i64} {
  func.func @_tc3_body(%arg0: i32, %arg1: memref<2048x32xf32, #tpu.memory_space<vmem>>, %arg2: memref<4096x128xf32, #tpu.memory_space<vmem>>, %arg3: memref<2048x32xf32, #tpu.memory_space<vmem>>, %arg4: memref<2048x32xf32, #tpu.memory_space<vmem>>, %arg5: memref<8x2048xf32, #tpu.memory_space<vmem>>, %arg6: memref<32x128xf32, #tpu.memory_space<vmem>>, %arg7: memref<128x128xbf16, #tpu.memory_space<vmem>>, %arg8: memref<1x128xf32, #tpu.memory_space<vmem>>, %arg9: memref<128x32xf32, #tpu.memory_space<vmem>>, %arg10: memref<1x32xf32, #tpu.memory_space<vmem>>, %arg11: memref<32x64xf32, #tpu.memory_space<vmem>>, %arg12: memref<32x64xf32, #tpu.memory_space<vmem>>, %arg13: memref<32x64xf32, #tpu.memory_space<vmem>>, %arg14: memref<1x64xf32, #tpu.memory_space<vmem>>, %arg15: memref<64x64xf32, #tpu.memory_space<vmem>>, %arg16: memref<1x64xf32, #tpu.memory_space<vmem>>, %arg17: memref<8x64xf32, #tpu.memory_space<vmem>>, %arg18: memref<64x64xf32, #tpu.memory_space<vmem>>, %arg19: memref<2048x64xf32, #tpu.memory_space<vmem>>) attributes {dimension_semantics = [#tpu.dimension_semantics<arbitrary>], iteration_bounds = array<i64: 8>, scalar_prefetch = 0 : i64, scratch_operands = 0 : i64, tpu.core_type = #tpu.core_type<tc>, window_params = [{transform_indices = @transform_0, window_bounds = array<i64: 2048, 32>}, {transform_indices = @transform_1, window_bounds = array<i64: 4096, 128>}, {transform_indices = @transform_2, window_bounds = array<i64: 2048, 32>}, {transform_indices = @transform_3, window_bounds = array<i64: 2048, 32>}, {transform_indices = @transform_4, window_bounds = array<i64: 8, 2048>}, {pipeline_mode = #tpu.pipeline_mode<synchronous>, transform_indices = @transform_5, window_bounds = array<i64: 32, 128>}, {pipeline_mode = #tpu.pipeline_mode<synchronous>, transform_indices = @transform_6, window_bounds = array<i64: 128, 128>}, {pipeline_mode = #tpu.pipeline_mode<synchronous>, transform_indices = @transform_7, window_bounds = array<i64: 1, 128>}, {pipeline_mode = #tpu.pipeline_mode<synchronous>, transform_indices = @transform_8, window_bounds = array<i64: 128, 32>}, {pipeline_mode = #tpu.pipeline_mode<synchronous>, transform_indices = @transform_9, window_bounds = array<i64: 1, 32>}, {pipeline_mode = #tpu.pipeline_mode<synchronous>, transform_indices = @transform_10, window_bounds = array<i64: 32, 64>}, {pipeline_mode = #tpu.pipeline_mode<synchronous>, transform_indices = @transform_11, window_bounds = array<i64: 32, 64>}, {pipeline_mode = #tpu.pipeline_mode<synchronous>, transform_indices = @transform_12, window_bounds = array<i64: 32, 64>}, {pipeline_mode = #tpu.pipeline_mode<synchronous>, transform_indices = @transform_13, window_bounds = array<i64: 1, 64>}, {pipeline_mode = #tpu.pipeline_mode<synchronous>, transform_indices = @transform_14, window_bounds = array<i64: 64, 64>}, {pipeline_mode = #tpu.pipeline_mode<synchronous>, transform_indices = @transform_15, window_bounds = array<i64: 1, 64>}, {pipeline_mode = #tpu.pipeline_mode<synchronous>, transform_indices = @transform_16, window_bounds = array<i64: 8, 64>}, {pipeline_mode = #tpu.pipeline_mode<synchronous>, transform_indices = @transform_17, window_bounds = array<i64: 64, 64>}, {transform_indices = @transform_18, window_bounds = array<i64: 2048, 64>}]} {
    %get3A = arith.constant 0 : index
    %get3A_0 = arith.constant 0 : index
    %get3A_1 = vector.load %arg1[%get3A, %get3A_0] : memref<2048x32xf32, #tpu.memory_space<vmem>>, vector<2048x32xf32>
    %get3A_2 = arith.constant 0 : index
    %get3A_3 = arith.constant 0 : index
    %get3A_4 = vector.load %arg6[%get3A_2, %get3A_3] : memref<32x128xf32, #tpu.memory_space<vmem>>, vector<32x128xf32>
    %dot_general3A = arith.constant dense<0.000000e+00> : vector<2048x128xf32>
    %dot_general3A_5 = tpu.matmul %get3A_1, %get3A_4, %dot_general3A {dimension_numbers = #tpu.dot_dimension_numbers<[1], [0], [0], [1], [0, 0, 1, 1], [], []>, transpose_lhs_hint = false} : vector<2048x32xf32>, vector<32x128xf32>, vector<2048x128xf32> -> vector<2048x128xf32>
    %get3A_6 = arith.constant 0 : index
    %get3A_7 = arith.constant 0 : index
    %get3A_8 = vector.load %arg2[%get3A_6, %get3A_7] : memref<4096x128xf32, #tpu.memory_space<vmem>>, vector<4096x128xf32>
    %get3A_9 = arith.constant 0 : index
    %get3A_10 = arith.constant 0 : index
    %get3A_11 = vector.load %arg7[%get3A_9, %get3A_10] : memref<128x128xbf16, #tpu.memory_space<vmem>>, vector<128x128xbf16>
    %get3A_12 = arith.constant 0 : index
    %get3A_13 = arith.constant 0 : index
    %get3A_14 = vector.load %arg8[%get3A_12, %get3A_13] : memref<1x128xf32, #tpu.memory_space<vmem>>, vector<1x128xf32>
    %get3A_15 = arith.constant 0 : index
    %get3A_16 = arith.constant 0 : index
    %get3A_17 = vector.load %arg9[%get3A_15, %get3A_16] : memref<128x32xf32, #tpu.memory_space<vmem>>, vector<128x32xf32>
    %get3A_18 = arith.constant 0 : index
    %get3A_19 = arith.constant 0 : index
    %get3A_20 = vector.load %arg10[%get3A_18, %get3A_19] : memref<1x32xf32, #tpu.memory_space<vmem>>, vector<1x32xf32>
    %reshape3A = vector.shape_cast %get3A_8 : vector<4096x128xf32> to vector<2048x2x128xf32>
    %broadcast_in_dim3A = vector.shape_cast %dot_general3A_5 : vector<2048x128xf32> to vector<2048x1x128xf32>
    %add3A = vector.broadcast %broadcast_in_dim3A : vector<2048x1x128xf32> to vector<2048x2x128xf32>
    %add3A_21 = arith.addf %reshape3A, %add3A : vector<2048x2x128xf32>
    %max3A = arith.constant 0.000000e+00 : f32
    %max3A_22 = vector.broadcast %max3A : f32 to vector<2048x2x128xf32>
    %max3A_23 = arith.maximumf %add3A_21, %max3A_22 : vector<2048x2x128xf32>
    %reshape3A_24 = vector.shape_cast %max3A_23 : vector<2048x2x128xf32> to vector<4096x128xf32>
    %convert_element_type3A = arith.truncf %reshape3A_24 : vector<4096x128xf32> to vector<4096x128xbf16>
    %dot_general3A_25 = arith.constant dense<0.000000e+00> : vector<4096x128xf32>
    %dot_general3A_26 = tpu.matmul %convert_element_type3A, %get3A_11, %dot_general3A_25 {dimension_numbers = #tpu.dot_dimension_numbers<[1], [0], [0], [1], [0, 0, 1, 1], [], []>, transpose_lhs_hint = false} : vector<4096x128xbf16>, vector<128x128xbf16>, vector<4096x128xf32> -> vector<4096x128xf32>
    %add3A_27 = vector.broadcast %get3A_14 : vector<1x128xf32> to vector<4096x128xf32>
    %add3A_28 = arith.addf %dot_general3A_26, %add3A_27 : vector<4096x128xf32>
    %max3A_29 = arith.constant 0.000000e+00 : f32
    %max3A_30 = vector.broadcast %max3A_29 : f32 to vector<4096x128xf32>
    %max3A_31 = arith.maximumf %add3A_28, %max3A_30 : vector<4096x128xf32>
    %reshape3A_32 = vector.shape_cast %max3A_31 : vector<4096x128xf32> to vector<2048x2x128xf32>
    %reduce_sum3A = arith.constant dense<0.000000e+00> : vector<2048x128xf32>
    %reduce_sum3A_33 = vector.multi_reduction <add>, %reshape3A_32, %reduce_sum3A [1] : vector<2048x2x128xf32> to vector<2048x128xf32>
    %dot_general3A_34 = arith.constant dense<0.000000e+00> : vector<2048x32xf32>
    %dot_general3A_35 = tpu.matmul %reduce_sum3A_33, %get3A_17, %dot_general3A_34 {dimension_numbers = #tpu.dot_dimension_numbers<[1], [0], [0], [1], [0, 0, 1, 1], [], []>, transpose_lhs_hint = false} : vector<2048x128xf32>, vector<128x32xf32>, vector<2048x32xf32> -> vector<2048x32xf32>
    %add3A_36 = vector.broadcast %get3A_20 : vector<1x32xf32> to vector<2048x32xf32>
    %add3A_37 = arith.addf %dot_general3A_35, %add3A_36 : vector<2048x32xf32>
    %get3A_38 = arith.constant 0 : index
    %get3A_39 = arith.constant 0 : index
    %get3A_40 = vector.load %arg3[%get3A_38, %get3A_39] : memref<2048x32xf32, #tpu.memory_space<vmem>>, vector<2048x32xf32>
    %get3A_41 = arith.constant 0 : index
    %get3A_42 = arith.constant 0 : index
    %get3A_43 = vector.load %arg11[%get3A_41, %get3A_42] : memref<32x64xf32, #tpu.memory_space<vmem>>, vector<32x64xf32>
    %dot_general3A_44 = arith.constant dense<0.000000e+00> : vector<2048x64xf32>
    %dot_general3A_45 = tpu.matmul %get3A_40, %get3A_43, %dot_general3A_44 {dimension_numbers = #tpu.dot_dimension_numbers<[1], [0], [0], [1], [0, 0, 1, 1], [], []>, transpose_lhs_hint = false} : vector<2048x32xf32>, vector<32x64xf32>, vector<2048x64xf32> -> vector<2048x64xf32>
    %get3A_46 = arith.constant 0 : index
    %get3A_47 = arith.constant 0 : index
    %get3A_48 = vector.load %arg4[%get3A_46, %get3A_47] : memref<2048x32xf32, #tpu.memory_space<vmem>>, vector<2048x32xf32>
    %get3A_49 = arith.constant 0 : index
    %get3A_50 = arith.constant 0 : index
    %get3A_51 = vector.load %arg12[%get3A_49, %get3A_50] : memref<32x64xf32, #tpu.memory_space<vmem>>, vector<32x64xf32>
    %dot_general3A_52 = arith.constant dense<0.000000e+00> : vector<2048x64xf32>
    %dot_general3A_53 = tpu.matmul %get3A_48, %get3A_51, %dot_general3A_52 {dimension_numbers = #tpu.dot_dimension_numbers<[1], [0], [0], [1], [0, 0, 1, 1], [], []>, transpose_lhs_hint = false} : vector<2048x32xf32>, vector<32x64xf32>, vector<2048x64xf32> -> vector<2048x64xf32>
    %add3A_54 = arith.addf %dot_general3A_45, %dot_general3A_53 : vector<2048x64xf32>
    %get3A_55 = arith.constant 0 : index
    %get3A_56 = arith.constant 0 : index
    %get3A_57 = vector.load %arg13[%get3A_55, %get3A_56] : memref<32x64xf32, #tpu.memory_space<vmem>>, vector<32x64xf32>
    %dot_general3A_58 = arith.constant dense<0.000000e+00> : vector<2048x64xf32>
    %dot_general3A_59 = tpu.matmul %add3A_37, %get3A_57, %dot_general3A_58 {dimension_numbers = #tpu.dot_dimension_numbers<[1], [0], [0], [1], [0, 0, 1, 1], [], []>, transpose_lhs_hint = false} : vector<2048x32xf32>, vector<32x64xf32>, vector<2048x64xf32> -> vector<2048x64xf32>
    %add3A_60 = arith.addf %add3A_54, %dot_general3A_59 : vector<2048x64xf32>
    %get3A_61 = arith.constant 0 : index
    %get3A_62 = arith.constant 0 : index
    %get3A_63 = vector.load %arg14[%get3A_61, %get3A_62] : memref<1x64xf32, #tpu.memory_space<vmem>>, vector<1x64xf32>
    %add3A_64 = vector.broadcast %get3A_63 : vector<1x64xf32> to vector<2048x64xf32>
    %add3A_65 = arith.addf %add3A_60, %add3A_64 : vector<2048x64xf32>
    %max3A_66 = arith.constant 0.000000e+00 : f32
    %max3A_67 = vector.broadcast %max3A_66 : f32 to vector<2048x64xf32>
    %max3A_68 = arith.maximumf %add3A_65, %max3A_67 : vector<2048x64xf32>
    %get3A_69 = arith.constant 0 : index
    %get3A_70 = arith.constant 0 : index
    %get3A_71 = vector.load %arg15[%get3A_69, %get3A_70] : memref<64x64xf32, #tpu.memory_space<vmem>>, vector<64x64xf32>
    %dot_general3A_72 = arith.constant dense<0.000000e+00> : vector<2048x64xf32>
    %dot_general3A_73 = tpu.matmul %max3A_68, %get3A_71, %dot_general3A_72 {dimension_numbers = #tpu.dot_dimension_numbers<[1], [0], [0], [1], [0, 0, 1, 1], [], []>, transpose_lhs_hint = false} : vector<2048x64xf32>, vector<64x64xf32>, vector<2048x64xf32> -> vector<2048x64xf32>
    %get3A_74 = arith.constant 0 : index
    %get3A_75 = arith.constant 0 : index
    %get3A_76 = vector.load %arg16[%get3A_74, %get3A_75] : memref<1x64xf32, #tpu.memory_space<vmem>>, vector<1x64xf32>
    %add3A_77 = vector.broadcast %get3A_76 : vector<1x64xf32> to vector<2048x64xf32>
    %add3A_78 = arith.addf %dot_general3A_73, %add3A_77 : vector<2048x64xf32>
    %get3A_79 = arith.constant 0 : index
    %get3A_80 = arith.constant 0 : index
    %get3A_81 = vector.load %arg5[%get3A_79, %get3A_80] : memref<8x2048xf32, #tpu.memory_space<vmem>>, vector<8x2048xf32>
    %get3A_82 = arith.constant 0 : index
    %get3A_83 = arith.constant 0 : index
    %get3A_84 = vector.load %arg17[%get3A_82, %get3A_83] : memref<8x64xf32, #tpu.memory_space<vmem>>, vector<8x64xf32>
    %dot_general3A_85 = arith.constant dense<0.000000e+00> : vector<2048x64xf32>
    %dot_general3A_86 = tpu.matmul %get3A_81, %get3A_84, %dot_general3A_85 {dimension_numbers = #tpu.dot_dimension_numbers<[0], [0], [1], [1], [0, 1, 1, 1], [], []>, transpose_lhs_hint = false} : vector<8x2048xf32>, vector<8x64xf32>, vector<2048x64xf32> -> vector<2048x64xf32>
    %get3A_87 = arith.constant 0 : index
    %get3A_88 = arith.constant 0 : index
    %get3A_89 = vector.load %arg18[%get3A_87, %get3A_88] : memref<64x64xf32, #tpu.memory_space<vmem>>, vector<64x64xf32>
    %dot_general3A_90 = arith.constant dense<0.000000e+00> : vector<2048x64xf32>
    %dot_general3A_91 = tpu.matmul %add3A_78, %get3A_89, %dot_general3A_90 {dimension_numbers = #tpu.dot_dimension_numbers<[1], [0], [0], [1], [0, 0, 1, 1], [], []>, transpose_lhs_hint = false} : vector<2048x64xf32>, vector<64x64xf32>, vector<2048x64xf32> -> vector<2048x64xf32>
    %add3A_92 = arith.addf %dot_general3A_86, %dot_general3A_91 : vector<2048x64xf32>
    %swap3A = arith.constant 0 : index
    %swap3A_93 = arith.constant 0 : index
    %swap3A_94 = vector.load %arg19[%swap3A, %swap3A_93] : memref<2048x64xf32, #tpu.memory_space<vmem>>, vector<2048x64xf32>
    tpu.vector_store %arg19[%swap3A, %swap3A_93], %add3A_92 {strides = array<i32>} : memref<2048x64xf32, #tpu.memory_space<vmem>>, vector<2048x64xf32>,
    return
  }
  func.func @transform_0(%arg0: i32) -> (i32, i32) {
    %c0_i32 = arith.constant 0 : i32
    %c0_i32_0 = arith.constant 0 : i32
    return %arg0, %c0_i32 : i32, i32
  }
  func.func @transform_1(%arg0: i32) -> (i32, i32) {
    %c0_i32 = arith.constant 0 : i32
    %c0_i32_0 = arith.constant 0 : i32
    return %arg0, %c0_i32 : i32, i32
  }
  func.func @transform_2(%arg0: i32) -> (i32, i32) {
    %add3A = arith.constant 8 : i32
    %add3A_0 = arith.addi %arg0, %add3A : i32
    %c0_i32 = arith.constant 0 : i32
    %c0_i32_1 = arith.constant 0 : i32
    return %add3A_0, %c0_i32 : i32, i32
  }
  func.func @transform_3(%arg0: i32) -> (i32, i32) {
    %c0_i32 = arith.constant 0 : i32
    %c0_i32_0 = arith.constant 0 : i32
    return %arg0, %c0_i32 : i32, i32
  }
  func.func @transform_4(%arg0: i32) -> (i32, i32) {
    %add3A = arith.constant 8 : i32
    %add3A_0 = arith.addi %arg0, %add3A : i32
    %c0_i32 = arith.constant 0 : i32
    %c0_i32_1 = arith.constant 0 : i32
    return %c0_i32, %add3A_0 : i32, i32
  }
  func.func @transform_5(%arg0: i32) -> (i32, i32) {
    %c0_i32 = arith.constant 0 : i32
    %c0_i32_0 = arith.constant 0 : i32
    %c0_i32_1 = arith.constant 0 : i32
    return %c0_i32, %c0_i32_0 : i32, i32
  }
  func.func @transform_6(%arg0: i32) -> (i32, i32) {
    %c0_i32 = arith.constant 0 : i32
    %c0_i32_0 = arith.constant 0 : i32
    %c0_i32_1 = arith.constant 0 : i32
    return %c0_i32, %c0_i32_0 : i32, i32
  }
  func.func @transform_7(%arg0: i32) -> (i32, i32) {
    %c0_i32 = arith.constant 0 : i32
    %c0_i32_0 = arith.constant 0 : i32
    %c0_i32_1 = arith.constant 0 : i32
    return %c0_i32, %c0_i32_0 : i32, i32
  }
  func.func @transform_8(%arg0: i32) -> (i32, i32) {
    %c0_i32 = arith.constant 0 : i32
    %c0_i32_0 = arith.constant 0 : i32
    %c0_i32_1 = arith.constant 0 : i32
    return %c0_i32, %c0_i32_0 : i32, i32
  }
  func.func @transform_9(%arg0: i32) -> (i32, i32) {
    %c0_i32 = arith.constant 0 : i32
    %c0_i32_0 = arith.constant 0 : i32
    %c0_i32_1 = arith.constant 0 : i32
    return %c0_i32, %c0_i32_0 : i32, i32
  }
  func.func @transform_10(%arg0: i32) -> (i32, i32) {
    %c0_i32 = arith.constant 0 : i32
    %c0_i32_0 = arith.constant 0 : i32
    %c0_i32_1 = arith.constant 0 : i32
    return %c0_i32, %c0_i32_0 : i32, i32
  }
  func.func @transform_11(%arg0: i32) -> (i32, i32) {
    %c0_i32 = arith.constant 0 : i32
    %c0_i32_0 = arith.constant 0 : i32
    %c0_i32_1 = arith.constant 0 : i32
    return %c0_i32, %c0_i32_0 : i32, i32
  }
  func.func @transform_12(%arg0: i32) -> (i32, i32) {
    %c0_i32 = arith.constant 0 : i32
    %c0_i32_0 = arith.constant 0 : i32
    %c0_i32_1 = arith.constant 0 : i32
    return %c0_i32, %c0_i32_0 : i32, i32
  }
  func.func @transform_13(%arg0: i32) -> (i32, i32) {
    %c0_i32 = arith.constant 0 : i32
    %c0_i32_0 = arith.constant 0 : i32
    %c0_i32_1 = arith.constant 0 : i32
    return %c0_i32, %c0_i32_0 : i32, i32
  }
  func.func @transform_14(%arg0: i32) -> (i32, i32) {
    %c0_i32 = arith.constant 0 : i32
    %c0_i32_0 = arith.constant 0 : i32
    %c0_i32_1 = arith.constant 0 : i32
    return %c0_i32, %c0_i32_0 : i32, i32
  }
  func.func @transform_15(%arg0: i32) -> (i32, i32) {
    %c0_i32 = arith.constant 0 : i32
    %c0_i32_0 = arith.constant 0 : i32
    %c0_i32_1 = arith.constant 0 : i32
    return %c0_i32, %c0_i32_0 : i32, i32
  }
  func.func @transform_16(%arg0: i32) -> (i32, i32) {
    %c0_i32 = arith.constant 0 : i32
    %c0_i32_0 = arith.constant 0 : i32
    %c0_i32_1 = arith.constant 0 : i32
    return %c0_i32, %c0_i32_0 : i32, i32
  }
  func.func @transform_17(%arg0: i32) -> (i32, i32) {
    %c0_i32 = arith.constant 0 : i32
    %c0_i32_0 = arith.constant 0 : i32
    %c0_i32_1 = arith.constant 0 : i32
    return %c0_i32, %c0_i32_0 : i32, i32
  }
  func.func @transform_18(%arg0: i32) -> (i32, i32) {
    %c0_i32 = arith.constant 0 : i32
    %c0_i32_0 = arith.constant 0 : i32
    return %arg0, %c0_i32 : i32, i32
  }
}

module attributes {stable_mosaic.version = 14 : i64} {
  func.func @_tc4_body(%arg0: i32, %arg1: memref<1x1x1024xf32, #tpu.memory_space<vmem>>, %arg2: memref<4096x128xf32, #tpu.memory_space<vmem>>, %arg3: memref<8x1xf32, #tpu.memory_space<vmem>>, %arg4: memref<8x1xf32, #tpu.memory_space<vmem>>, %arg5: memref<8x64xf32, #tpu.memory_space<vmem>>, %arg6: memref<1x64xf32, #tpu.memory_space<vmem>>, %arg7: memref<64x128xf32, #tpu.memory_space<vmem>>, %arg8: memref<128x128xbf16, #tpu.memory_space<vmem>>, %arg9: memref<1x128xf32, #tpu.memory_space<vmem>>, %arg10: memref<128x32xf32, #tpu.memory_space<vmem>>, %arg11: memref<1x32xf32, #tpu.memory_space<vmem>>, %arg12: memref<1024x32xf32, #tpu.memory_space<vmem>>) attributes {dimension_semantics = [#tpu.dimension_semantics<arbitrary>], iteration_bounds = array<i64: 4>, scalar_prefetch = 0 : i64, scratch_operands = 0 : i64, tpu.core_type = #tpu.core_type<tc>, window_params = [{transform_indices = @transform_0, window_bounds = array<i64: 1, 1, 1024>}, {transform_indices = @transform_1, window_bounds = array<i64: 4096, 128>}, {pipeline_mode = #tpu.pipeline_mode<synchronous>, transform_indices = @transform_2, window_bounds = array<i64: 8, 1>}, {pipeline_mode = #tpu.pipeline_mode<synchronous>, transform_indices = @transform_3, window_bounds = array<i64: 8, 1>}, {pipeline_mode = #tpu.pipeline_mode<synchronous>, transform_indices = @transform_4, window_bounds = array<i64: 8, 64>}, {pipeline_mode = #tpu.pipeline_mode<synchronous>, transform_indices = @transform_5, window_bounds = array<i64: 1, 64>}, {pipeline_mode = #tpu.pipeline_mode<synchronous>, transform_indices = @transform_6, window_bounds = array<i64: 64, 128>}, {pipeline_mode = #tpu.pipeline_mode<synchronous>, transform_indices = @transform_7, window_bounds = array<i64: 128, 128>}, {pipeline_mode = #tpu.pipeline_mode<synchronous>, transform_indices = @transform_8, window_bounds = array<i64: 1, 128>}, {pipeline_mode = #tpu.pipeline_mode<synchronous>, transform_indices = @transform_9, window_bounds = array<i64: 128, 32>}, {pipeline_mode = #tpu.pipeline_mode<synchronous>, transform_indices = @transform_10, window_bounds = array<i64: 1, 32>}, {transform_indices = @transform_11, window_bounds = array<i64: 1024, 32>}]} {
    %get3A = arith.constant 0 : index
    %get3A_0 = arith.constant 0 : index
    %get3A_1 = vector.load %arg3[%get3A, %get3A_0] : memref<8x1xf32, #tpu.memory_space<vmem>>, vector<8x1xf32>
    %get3A_2 = arith.constant 0 : index
    %get3A_3 = arith.constant 0 : index
    %get3A_4 = arith.constant 0 : index
    %get3A_5 = vector.load %arg1[%get3A_2, %get3A_3, %get3A_4] : memref<1x1x1024xf32, #tpu.memory_space<vmem>>, vector<1x1x1024xf32>
    %get3A_6 = vector.shape_cast %get3A_5 : vector<1x1x1024xf32> to vector<1x1024xf32>
    %mul3A = vector.broadcast %get3A_1 : vector<8x1xf32> to vector<8x1024xf32>
    %mul3A_7 = vector.broadcast %get3A_6 : vector<1x1024xf32> to vector<8x1024xf32>
    %mul3A_8 = arith.mulf %mul3A, %mul3A_7 : vector<8x1024xf32>
    %get3A_9 = arith.constant 0 : index
    %get3A_10 = arith.constant 0 : index
    %get3A_11 = vector.load %arg4[%get3A_9, %get3A_10] : memref<8x1xf32, #tpu.memory_space<vmem>>, vector<8x1xf32>
    %add3A = vector.broadcast %get3A_11 : vector<8x1xf32> to vector<8x1024xf32>
    %add3A_12 = arith.addf %mul3A_8, %add3A : vector<8x1024xf32>
    %sin3A = math.sin %add3A_12 : vector<8x1024xf32>
    %get3A_13 = arith.constant 0 : index
    %get3A_14 = arith.constant 0 : index
    %get3A_15 = vector.load %arg5[%get3A_13, %get3A_14] : memref<8x64xf32, #tpu.memory_space<vmem>>, vector<8x64xf32>
    %dot_general3A = arith.constant dense<0.000000e+00> : vector<1024x64xf32>
    %dot_general3A_16 = tpu.matmul %sin3A, %get3A_15, %dot_general3A {dimension_numbers = #tpu.dot_dimension_numbers<[0], [0], [1], [1], [0, 1, 1, 1], [], []>, transpose_lhs_hint = false} : vector<8x1024xf32>, vector<8x64xf32>, vector<1024x64xf32> -> vector<1024x64xf32>
    %get3A_17 = arith.constant 0 : index
    %get3A_18 = arith.constant 0 : index
    %get3A_19 = vector.load %arg6[%get3A_17, %get3A_18] : memref<1x64xf32, #tpu.memory_space<vmem>>, vector<1x64xf32>
    %add3A_20 = vector.broadcast %get3A_19 : vector<1x64xf32> to vector<1024x64xf32>
    %add3A_21 = arith.addf %dot_general3A_16, %add3A_20 : vector<1024x64xf32>
    %get3A_22 = arith.constant 0 : index
    %get3A_23 = arith.constant 0 : index
    %get3A_24 = vector.load %arg7[%get3A_22, %get3A_23] : memref<64x128xf32, #tpu.memory_space<vmem>>, vector<64x128xf32>
    %dot_general3A_25 = arith.constant dense<0.000000e+00> : vector<1024x128xf32>
    %dot_general3A_26 = tpu.matmul %add3A_21, %get3A_24, %dot_general3A_25 {dimension_numbers = #tpu.dot_dimension_numbers<[1], [0], [0], [1], [0, 0, 1, 1], [], []>, transpose_lhs_hint = false} : vector<1024x64xf32>, vector<64x128xf32>, vector<1024x128xf32> -> vector<1024x128xf32>
    %get3A_27 = arith.constant 0 : index
    %get3A_28 = arith.constant 0 : index
    %get3A_29 = vector.load %arg2[%get3A_27, %get3A_28] : memref<4096x128xf32, #tpu.memory_space<vmem>>, vector<4096x128xf32>
    %get3A_30 = arith.constant 0 : index
    %get3A_31 = arith.constant 0 : index
    %get3A_32 = vector.load %arg8[%get3A_30, %get3A_31] : memref<128x128xbf16, #tpu.memory_space<vmem>>, vector<128x128xbf16>
    %get3A_33 = arith.constant 0 : index
    %get3A_34 = arith.constant 0 : index
    %get3A_35 = vector.load %arg9[%get3A_33, %get3A_34] : memref<1x128xf32, #tpu.memory_space<vmem>>, vector<1x128xf32>
    %get3A_36 = arith.constant 0 : index
    %get3A_37 = arith.constant 0 : index
    %get3A_38 = vector.load %arg10[%get3A_36, %get3A_37] : memref<128x32xf32, #tpu.memory_space<vmem>>, vector<128x32xf32>
    %get3A_39 = arith.constant 0 : index
    %get3A_40 = arith.constant 0 : index
    %get3A_41 = vector.load %arg11[%get3A_39, %get3A_40] : memref<1x32xf32, #tpu.memory_space<vmem>>, vector<1x32xf32>
    %reshape3A = vector.shape_cast %get3A_29 : vector<4096x128xf32> to vector<1024x4x128xf32>
    %broadcast_in_dim3A = vector.shape_cast %dot_general3A_26 : vector<1024x128xf32> to vector<1024x1x128xf32>
    %add3A_42 = vector.broadcast %broadcast_in_dim3A : vector<1024x1x128xf32> to vector<1024x4x128xf32>
    %add3A_43 = arith.addf %reshape3A, %add3A_42 : vector<1024x4x128xf32>
    %max3A = arith.constant 0.000000e+00 : f32
    %max3A_44 = vector.broadcast %max3A : f32 to vector<1024x4x128xf32>
    %max3A_45 = arith.maximumf %add3A_43, %max3A_44 : vector<1024x4x128xf32>
    %reshape3A_46 = vector.shape_cast %max3A_45 : vector<1024x4x128xf32> to vector<4096x128xf32>
    %convert_element_type3A = arith.truncf %reshape3A_46 : vector<4096x128xf32> to vector<4096x128xbf16>
    %dot_general3A_47 = arith.constant dense<0.000000e+00> : vector<4096x128xf32>
    %dot_general3A_48 = tpu.matmul %convert_element_type3A, %get3A_32, %dot_general3A_47 {dimension_numbers = #tpu.dot_dimension_numbers<[1], [0], [0], [1], [0, 0, 1, 1], [], []>, transpose_lhs_hint = false} : vector<4096x128xbf16>, vector<128x128xbf16>, vector<4096x128xf32> -> vector<4096x128xf32>
    %add3A_49 = vector.broadcast %get3A_35 : vector<1x128xf32> to vector<4096x128xf32>
    %add3A_50 = arith.addf %dot_general3A_48, %add3A_49 : vector<4096x128xf32>
    %max3A_51 = arith.constant 0.000000e+00 : f32
    %max3A_52 = vector.broadcast %max3A_51 : f32 to vector<4096x128xf32>
    %max3A_53 = arith.maximumf %add3A_50, %max3A_52 : vector<4096x128xf32>
    %reshape3A_54 = vector.shape_cast %max3A_53 : vector<4096x128xf32> to vector<1024x4x128xf32>
    %reduce_sum3A = arith.constant dense<0.000000e+00> : vector<1024x128xf32>
    %reduce_sum3A_55 = vector.multi_reduction <add>, %reshape3A_54, %reduce_sum3A [1] : vector<1024x4x128xf32> to vector<1024x128xf32>
    %dot_general3A_56 = arith.constant dense<0.000000e+00> : vector<1024x32xf32>
    %dot_general3A_57 = tpu.matmul %reduce_sum3A_55, %get3A_38, %dot_general3A_56 {dimension_numbers = #tpu.dot_dimension_numbers<[1], [0], [0], [1], [0, 0, 1, 1], [], []>, transpose_lhs_hint = false} : vector<1024x128xf32>, vector<128x32xf32>, vector<1024x32xf32> -> vector<1024x32xf32>
    %add3A_58 = vector.broadcast %get3A_41 : vector<1x32xf32> to vector<1024x32xf32>
    %add3A_59 = arith.addf %dot_general3A_57, %add3A_58 : vector<1024x32xf32>
    %swap3A = arith.constant 0 : index
    %swap3A_60 = arith.constant 0 : index
    %swap3A_61 = vector.load %arg12[%swap3A, %swap3A_60] : memref<1024x32xf32, #tpu.memory_space<vmem>>, vector<1024x32xf32>
    tpu.vector_store %arg12[%swap3A, %swap3A_60], %add3A_59 {strides = array<i32>} : memref<1024x32xf32, #tpu.memory_space<vmem>>, vector<1024x32xf32>,
    return
  }
  func.func @transform_0(%arg0: i32) -> (i32, i32, i32) {
    %c0_i32 = arith.constant 0 : i32
    %c0_i32_0 = arith.constant 0 : i32
    %c0_i32_1 = arith.constant 0 : i32
    return %arg0, %c0_i32, %c0_i32_0 : i32, i32, i32
  }
  func.func @transform_1(%arg0: i32) -> (i32, i32) {
    %c0_i32 = arith.constant 0 : i32
    %c0_i32_0 = arith.constant 0 : i32
    return %arg0, %c0_i32 : i32, i32
  }
  func.func @transform_2(%arg0: i32) -> (i32, i32) {
    %c0_i32 = arith.constant 0 : i32
    %c0_i32_0 = arith.constant 0 : i32
    %c0_i32_1 = arith.constant 0 : i32
    return %c0_i32, %c0_i32_0 : i32, i32
  }
  func.func @transform_3(%arg0: i32) -> (i32, i32) {
    %c0_i32 = arith.constant 0 : i32
    %c0_i32_0 = arith.constant 0 : i32
    %c0_i32_1 = arith.constant 0 : i32
    return %c0_i32, %c0_i32_0 : i32, i32
  }
  func.func @transform_4(%arg0: i32) -> (i32, i32) {
    %c0_i32 = arith.constant 0 : i32
    %c0_i32_0 = arith.constant 0 : i32
    %c0_i32_1 = arith.constant 0 : i32
    return %c0_i32, %c0_i32_0 : i32, i32
  }
  func.func @transform_5(%arg0: i32) -> (i32, i32) {
    %c0_i32 = arith.constant 0 : i32
    %c0_i32_0 = arith.constant 0 : i32
    %c0_i32_1 = arith.constant 0 : i32
    return %c0_i32, %c0_i32_0 : i32, i32
  }
  func.func @transform_6(%arg0: i32) -> (i32, i32) {
    %c0_i32 = arith.constant 0 : i32
    %c0_i32_0 = arith.constant 0 : i32
    %c0_i32_1 = arith.constant 0 : i32
    return %c0_i32, %c0_i32_0 : i32, i32
  }
  func.func @transform_7(%arg0: i32) -> (i32, i32) {
    %c0_i32 = arith.constant 0 : i32
    %c0_i32_0 = arith.constant 0 : i32
    %c0_i32_1 = arith.constant 0 : i32
    return %c0_i32, %c0_i32_0 : i32, i32
  }
  func.func @transform_8(%arg0: i32) -> (i32, i32) {
    %c0_i32 = arith.constant 0 : i32
    %c0_i32_0 = arith.constant 0 : i32
    %c0_i32_1 = arith.constant 0 : i32
    return %c0_i32, %c0_i32_0 : i32, i32
  }
  func.func @transform_9(%arg0: i32) -> (i32, i32) {
    %c0_i32 = arith.constant 0 : i32
    %c0_i32_0 = arith.constant 0 : i32
    %c0_i32_1 = arith.constant 0 : i32
    return %c0_i32, %c0_i32_0 : i32, i32
  }
  func.func @transform_10(%arg0: i32) -> (i32, i32) {
    %c0_i32 = arith.constant 0 : i32
    %c0_i32_0 = arith.constant 0 : i32
    %c0_i32_1 = arith.constant 0 : i32
    return %c0_i32, %c0_i32_0 : i32, i32
  }
  func.func @transform_11(%arg0: i32) -> (i32, i32) {
    %c0_i32 = arith.constant 0 : i32
    %c0_i32_0 = arith.constant 0 : i32
    return %arg0, %c0_i32 : i32, i32
  }
}

</mosaic_0001>

<sc_bundles>
// kernel: kernel.13.cloned.1.call-start
scs
__scs_entry_jumppad:
0x0: {  	(pc) =	sbr.rel $0x88, $3  }
0x1: {  	(tag) =	ssettag $0x0;
	lr =	simm.s32 $0x1  }
0x2: {  	[smem:$0x3F84] =	sst lr;
	_ =	strace $0xD0000000  }
0x3: {  	_ = 	snop  }
0x4: {  	_ = 	snop  }
0x5: {  	_ = 	snop  }
0x6: {  	_ = 	snop  }
0x7: {  	_ = 	snop  }
__scs_overlays_trampoline_lowered:
0x8: {  	[smem:$0x3F93] =	sst s0  }
0x9: {  	[smem:$0x3F94] =	sst s1  }
0xa: {  	[smem:$0x3F95] =	sst s2  }
0xb: {  	[smem:$0x3F96] =	sst s3  }
0xc: {  	[smem:$0x3F97] =	sst s4  }
0xd: {  	[smem:$0x3F98] =	sst s5  }
0xe: {  	[smem:$0x3F99] =	sst s6  }
0xf: {  	[smem:$0x3F9A] =	sst s7  }
0x10: {  	[smem:$0x3F9B] =	sst s8  }
0x11: {  	[smem:$0x3F9C] =	sst s9;
	s0 =	simm.s32 @!p0 $0x0  }
0x12: {  	s1 =	sld [smem:$0x3F82];
	s0 =	simm.s32 @p0 $0x1  }
0x13: {  	[smem:$0x3F9D] =	sst s0;
	s0 =	simm.s32 @!p1 $0x0  }
0x14: {  	s2 =	sld [smem:$0x3F81];
	s0 =	simm.s32 @p1 $0x1  }
0x15: {  	[smem:$0x3F9E] =	sst s0;
	s0 =	simm.s32 @!p2 $0x0  }
0x16: {  	s3 =	sld [smem:$0x3FDB];
	s0 =	simm.s32 @p2 $0x1  }
0x17: {  	s4 =	simm.s32 $0x1BF5;
	[smem:$0x3FA0] =	sst s0  }
0x18: {  	s0 =	sld [smem:$0x3F83];
	_ =	swait.ge [sflag:s4], $0x0  }
0x19: {  	s7 =	sld [smem:$0x3F84]  }
0x1a: {  	s8 =	sadd.s32 $0xFFFFE003, lr  }
0x1b: {  	s9 =	sadd.s32 $0xFFFFFEF7, lr;
	s5 =	simm.s32 $0xFFFFFFFF;
	p2 =	slt.u32 s8, $0xFFFFF086  }
0x1c: {  	p1 =	slt.u32 s9, $0xF7A;
	s5 =	simm.s32 @!p2 $0x0  }
0x1d: {  	s5 =	simm.s32 @p1 $0x1;
	p0 =	seq.s32 s7, s2  }
0x1e: {  	s7 =	smul.u32 @!p0 $0xF7A, s2;
	p2 =	seq.s32 @!p0 s5, $0x0  }
0x1f: {  	s9 =	smul.u32 $0xF7A, s1;
	s8 =	simm.s32 @!p0 $0x1BF5;
	p2 =	por !p2, p0  }
0x20: {  	[sflag:s8] =	ssyncset.s32 @!p0 $0xFFFFF086;
	s6 =	sadd.s32 @!p0 s3, s7;
	s7 =	simm.s32 @!p0 $0x108  }
0x21: {  	s3 =	sadd.s32 s3, s9;
	s6 =	sadd.s32 @!p0 $0x88, s6;
	s7 =	simm.s32 @p2 $0x1082  }
0x22: {  	[simem:s7], [sflag:s8] =	dma.local @!p0 [hbm:s6], $0xF7A  }
0x23: {  	s9 =	sor.u32 $0xD0000000, s2;
	s6 =	simm.s32 $0x108;
	_ =	swait.ge @!p0 [sflag:s8], $0x0  }
0x24: {  	s3 =	sadd.s32 $0x88, s3;
	s6 =	simm.s32 @!p1 $0x1082;
	[sflag:s4] =	ssyncset.s32 $0xFFFFF086  }
0x25: {  	[simem:s6], [sflag:s4] =	dma.local [hbm:s3], $0xF7A  }
0x26: {  	[smem:$0x3F84] =	sst s1;
	(tag) =	ssettag s2;
	_ =	strace s9  }
0x27: {  	s1 =	sld [smem:$0x3F94]  }
0x28: {  	s2 =	sld [smem:$0x3F95]  }
0x29: {  	s4 =	sld [smem:$0x3F97]  }
0x2a: {  	p0 =	seq.s32 s5, $0x0;
	s5 =	sld [smem:$0x3F98]  }
0x2b: {  	s6 =	sld [smem:$0x3F99]  }
0x2c: {  	s7 =	sld [smem:$0x3F9A]  }
0x2d: {  	s3 =	simm.s32 $0x108;
	s8 =	sld [smem:$0x3F9B]  }
0x2e: {  	s3 =	simm.s32 @!p0 $0x1082;
	s9 =	sld [smem:$0x3F9C]  }
0x2f: {  	lr =	sadd.s32 s0, s3;
	s0 =	sld [smem:$0x3F93]  }
0x30: {  	s3 =	sld [smem:$0x3F96]  }
0x31: {  	[smem:$0x3F9F] =	sst s10  }
0x32: {  	s10 =	sld [smem:$0x3F9D];
	_ =	sdelay $0x3  }
0x33: {  	p0 =	seq.s32 s10, $0x1;
	s10 =	sld [smem:$0x3F9F];
	_ =	sdelay $0x3  }
0x34: {  	[smem:$0x3F9F] =	sst s10  }
0x35: {  	s10 =	sld [smem:$0x3F9E];
	_ =	sdelay $0x3  }
0x36: {  	p1 =	seq.s32 s10, $0x1;
	s10 =	sld [smem:$0x3F9F];
	_ =	sdelay $0x3  }
0x37: {  	[smem:$0x3F9F] =	sst s10  }
0x38: {  	s10 =	sld [smem:$0x3FA0]  }
0x39: {  	_ = 	snop;
	(pc) =	sbr.ind lr, $3  }
0x3a: {  	_ = 	snop  }
0x3b: {  	_ = 	snop  }
0x3c: {  	p2 =	seq.s32 s10, $0x1;
	s10 =	sld [smem:$0x3F9F]  }
0x3d: {  	_ =	shalt  }
0x3e: {  	_ =	shalt  }
0x3f: {  	_ =	shalt  }
0x40: {  	_ =	shalt  }
0x41: {  	_ =	shalt  }
0x42: {  	_ =	shalt  }
0x43: {  	_ =	shalt  }
0x44: {  	_ =	shalt  }
0x45: {  	_ =	shalt  }
0x46: {  	_ =	shalt  }
0x47: {  	_ =	shalt  }
0x48: {  	_ =	shalt  }
0x49: {  	_ =	shalt  }
0x4a: {  	_ =	shalt  }
0x4b: {  	_ =	shalt  }
0x4c: {  	_ =	shalt  }
0x4d: {  	_ =	shalt  }
0x4e: {  	_ =	shalt  }
0x4f: {  	_ =	shalt  }
0x50: {  	_ =	shalt  }
0x51: {  	_ =	shalt  }
0x52: {  	_ =	shalt  }
0x53: {  	_ =	shalt  }
0x54: {  	_ =	shalt  }
0x55: {  	_ =	shalt  }
0x56: {  	_ =	shalt  }
0x57: {  	_ =	shalt  }
0x58: {  	_ =	shalt  }
0x59: {  	_ =	shalt  }
0x5a: {  	_ =	shalt  }
0x5b: {  	_ =	shalt  }
0x5c: {  	_ =	shalt  }
0x5d: {  	_ =	shalt  }
0x5e: {  	_ =	shalt  }
0x5f: {  	_ =	shalt  }
0x60: {  	_ =	shalt  }
0x61: {  	_ =	shalt  }
0x62: {  	_ =	shalt  }
0x63: {  	_ =	shalt  }
0x64: {  	_ =	shalt  }
0x65: {  	_ =	shalt  }
0x66: {  	_ =	shalt  }
0x67: {  	_ =	shalt  }
0x68: {  	_ =	shalt  }
0x69: {  	_ =	shalt  }
0x6a: {  	_ =	shalt  }
0x6b: {  	_ =	shalt  }
0x6c: {  	_ =	shalt  }
0x6d: {  	_ =	shalt  }
0x6e: {  	_ =	shalt  }
0x6f: {  	_ =	shalt  }
0x70: {  	_ =	shalt  }
0x71: {  	_ =	shalt  }
0x72: {  	_ =	shalt  }
0x73: {  	_ =	shalt  }
0x74: {  	_ =	shalt  }
0x75: {  	_ =	shalt  }
0x76: {  	_ =	shalt  }
0x77: {  	_ =	shalt  }
0x78: {  	_ =	shalt  }
0x79: {  	_ =	shalt  }
0x7a: {  	_ =	shalt  }
0x7b: {  	_ =	shalt  }
0x7c: {  	_ =	shalt  }
0x7d: {  	_ =	shalt  }
0x7e: {  	_ =	shalt  }
0x7f: {  	_ =	shalt  }
0x80: {  	_ =	shalt  }
0x81: {  	_ =	shalt  }
0x82: {  	_ =	shalt  }
0x83: {  	_ =	shalt  }
0x84: {  	_ =	shalt  }
0x85: {  	_ =	shalt  }
0x86: {  	_ =	shalt  }
0x87: {  	_ =	shalt  }
.Lfunc_end0:
.L_simem_size_0:
called_computation_lowered:
.L_overlay_start_0:
0x88: {  	s2 =	sld [smem:$0x3FD9]  }
0x89: {  	s3 =	sld [smem:$0x3FFE];
	_ =	sdelay $0x1  }
0x8a: {  	s1 =	srdreg.scid  }
0x8b: {  	s0 =	sand.u32 $0x1, s1  }
0x8c: {  	s16 =	sshll.u32 s0, $0xA;
	s2 =	sadd.s32 s3, s2  }
0x8d: {  	s2 =	sadd.s32 s2, s16  }
0x8e: {  	[smem:$0x3FAB] =	sst s2  }
0x8f: {  	_ = 	snop  }
0x90: {  	(tm) =	ssettm $0x1  }
0x91: {  	s17 =	sld [smem:$0x3FFB];
	_ =	sdelay $0x3  }
0x92: {  	_ =	strace s17  }
0x93: {  	s2 =	sld [smem:$0x3FFC];
	_ =	sdelay $0x3  }
0x94: {  	_ =	strace s2  }
0x95: {  	s2 =	sld [smem:$0x3FFD];
	_ =	sdelay $0x3  }
0x96: {  	_ =	strace s2  }
0x97: {  	_ =	strace $0x8FFFFFFF  }
0x98: {  	s18 =	sld [smem:$0x3FDB];
	_ =	sdelay $0x1  }
0x99: {  	s19 =	simm.s32 $_scs_section_size  }
0x9a: {  	s4 =	simm.s32 $_size__tile_overlayer_lowered;
	s5 =	simm.s32 $_tile_overlayer_lowered  }
0x9b: {  	s22 =	simm.s32 $0x1BFF;
	s21 =	sshll.u32 s5, $0x1;
	s2 =	sadd.s32 s19, s18  }
0x9c: {  	s6 =	simm.s32 $0x0;
	s20 =	sshll.u32 s4, $0x1;
	s4 =	sadd.s32 s21, s2  }
0x9d: {  	[timem:s6], [sflag:s22] =	dma.local [hbm:s4], s20  }
0x9e: {  	_ =	swait.ge [sflag:s22], s20  }
0x9f: {  	s3 =	ssub.s32 $0x0, s20;
	[sflag:s22] =	ssyncset.done $0x0  }
0xa0: {  	[sflag:s22] =	ssyncadd.s32 s3;
	_ =	sdelay $0x1  }
0xa1: {  	s23 =	simm.s32 $0x1B8B  }
0xa2: {  	_ =	swait.ge [sflag:s23], $0x1  }
0xa3: {  	[sflag:s23] =	ssyncset.done $0x0  }
0xa4: {  	s25 =	simm.s32 $0x1B8E;
	s24 =	sld [smem:$0x3FFE];
	[sflag:s23] =	ssyncadd.s32 $0xFFFFFFFF  }
0xa5: {  	s26 =	simm.s32 $execute0_lowered;
	[smem:$0x3FD2] =	sst s25  }
0xa6: {  	s4 =	sshll.u32 s26, $0x1;
	_ =	strace $0x80000046;
	[dreg:$0x1] =	wrdreg $0xFFFFFFFF  }
0xa7: {  	s28 =	simm.s32 $_size_execute0_lowered;
	s2 =	sadd.s32 s2, s4;
	[dreg:$0x0] =	wrdreg $0x0  }
0xa8: {  	s4 =	sshll.u32 s28, $0x1;
	[dreg:$0x2] =	wrdreg s2  }
0xa9: {  	[dreg:$0x3] =	wrdreg s4  }
0xaa: {  	[dreg:$0x4] =	wrdreg $0xC0  }
0xab: {  	_ =	task [dreg:s6], $0x5FFFF  }
0xac: {  	[dreg:$0x1] =	wrdreg $0xFFFFFFFF  }
0xad: {  	[dreg:$0x0] =	wrdreg $0x60  }
0xae: {  	[dreg:$0x2] =	wrdreg s24  }
0xaf: {  	[dreg:$0x3] =	wrdreg $0x9  }
0xb0: {  	_ =	task.clear_ibuf [dreg:s6], $0x4FFFF;
	_ =	strace $0x90000046  }
0xb1: {  	s29 =	simm.s32 $0x9;
	_ =	strace $0x80000048  }
0xb2: {  	_ =	swait.ge [sflag:s29], $0x1  }
0xb3: {  	[sflag:s29] =	ssyncadd.s32 $0xFFFFFFFF  }
0xb4: {  	_ =	strace $0x90000048  }
0xb5: {  	_ =	sfence  }
0xb6: {  	s30 =	sld [smem:$0x0];
	_ =	sdelay $0x2  }
0xb7: {  	s31 =	sshll.u32 s1, $0xD;
	s1 =	sshrl.u32 s1, $0x2  }
0xb8: {  	s3 =	sand.u32 $0x4000, s31;
	s1 =	sadd.s32 s1, s30  }
0xb9: {  	s0 =	sor.u32 s3, s0;
	s1 =	sshll.u32 s1, $0x11  }
0xba: {  	s0 =	sor.u32 s1, s0  }
0xbb: {  	s0 =	sadd.s32 $0x8F2B, s0  }
0xbc: {  	[sflag:s0] =	ssyncadd.remote.s32 $0x1  }
0xbd: {  	_ =	sfence.sel $0xFFFF  }
0xbe: {  	[dreg:$0x0] =	wrdreg $0xFFFFFFFF;
	(pc) =	sbr.abs _section_cstart, $3  }
0xbf: {  	[dreg:$0x1] =	wrdreg $0xFFFFFFFF  }
0xc0: {  	_ =	task.clear_ibuf [dreg:s6], $0x2FFFF;
	_ =	strace $0x9FFFFFFF  }
0xc1: {  	(tm) =	ssettm $0x7FFFFFFF  }
tec
execute0_lowered:
.L_overlay_start_1:
0x0: {  	(tag) =	ssettag $0x1  }
0x1: {  	s2 =	srdreg.scid  }
0x2: {  	s10 =	rddreg [dreg:$0x0];
	s1 =	stileid.u32;
	s29 =	sand.u32 $0x1, s2  }
0x3: {  	s0 =	rddreg [dreg:$0x1];
	s3 =	sshll.u32 s1, $0xE;
	s4 =	sshll.u32 s29, $0xD  }
0x4: {  	s2 =	simm.s32 $0x0;
	s25 =	sadd.s32 $0x107E00, s10;
	s26 =	sor.u32 s4, s3  }
0x5: {  	[smem:$0x7FF] =	sst s2;
	s3 =	sshrl.u32 s26, $0x3;
	s14 =	sor.u32 $0x400, s26  }
0x6: {  	_ =	strace $0x80000047;
	s3 =	sadd.s32 s25, s3;
	s23 =	sshrl.u32 s14, $0x3  }
0x7: {  	[tilespmem:s2], [sflag:$0x1] =	stream.linear.gather [hbm4b:s3+s2], $0x400, $0x38;
	[tilespmem:$0x10800] =	vst v63  }
0x8: {  	s5 =	simm.s32 $0x400;
	s6 =	simm.s32 $0x1;
	s4 =	sadd.s32 s25, s23  }
0x9: {  	[tilespmem:s5], [sflag:$0x2] =	stream.linear.gather [hbm4b:s4+s2], $0x400, $0x38;
	[tilespmem:$0x10800] =	vst v63  }
0xa: {  	_ =	swait.ge [sflag:s6], $0x400  }
0xb: {  	s8 =	simm.s32 $0x800;
	[sflag:s6] =	ssyncset.done $0x0  }
0xc: {  	s9 =	simm.s32 $0x3;
	s7 =	sadd.s32 $0x187E00, s10;
	[sflag:s6] =	ssyncadd.s32 $0xFFFFFC00  }
0xd: {  	[tilespmem:s8], [sflag:$0x3] =	stream.indirect.gather [hbm4b:s7+s5], $0x20, s2, s5, $0xb8;
	[tilespmem:$0x10800] =	vst v63  }
0xe: {  	s28 =	sadd.s32 $0x1A7E00, s10;
	_ =	swait.ge [sflag:s9], $0x8000  }
0xf: {  	s24 =	sshll.u32 s26, $0x2;
	s17 =	sor.u32 $0x800, s26;
	[sflag:s9] =	ssyncset.done $0x0  }
0x10: {  	s10 =	sadd.s32 s28, s24;
	s11 =	sshrl.u32 s17, $0x3;
	[sflag:s9] =	ssyncadd.s32 $0xFFFF8000  }
0x11: {  	[hbm4b:s10+s2] =	stream.linear.scatter [tilespmem:s8], [sflag:$0x4], $0x8000, $0x38;
	[tilespmem:$0x10800] =	vst v63  }
0x12: {  	s12 =	simm.s32 $0x2;
	s11 =	sadd.s32 s25, s11  }
0x13: {  	[tilespmem:s2], [sflag:$0x1] =	stream.linear.gather [hbm4b:s11+s2], $0x400, $0x38;
	[tilespmem:$0x10800] =	vst v63  }
0x14: {  	_ =	swait.ge [sflag:s12], $0x400  }
0x15: {  	[sflag:s12] =	ssyncset.done $0x0  }
0x16: {  	s13 =	simm.s32 $0x8800;
	[sflag:s12] =	ssyncadd.s32 $0xFFFFFC00  }
0x17: {  	[tilespmem:s13], [sflag:$0x3] =	stream.indirect.gather [hbm4b:s7+s5], $0x20, s5, s5, $0xb8;
	[tilespmem:$0x10800] =	vst v63  }
0x18: {  	_ =	swait.ge [sflag:s9], $0x8000  }
0x19: {  	s20 =	sor.u32 $0xC00, s26;
	s14 =	sshll.u32 s14, $0x2;
	[sflag:s9] =	ssyncset.done $0x0  }
0x1a: {  	s15 =	sshrl.u32 s20, $0x3;
	s14 =	sadd.s32 s28, s14;
	[sflag:s9] =	ssyncadd.s32 $0xFFFF8000  }
0x1b: {  	[hbm4b:s14+s2] =	stream.linear.scatter [tilespmem:s13], [sflag:$0x5], $0x8000, $0x38;
	[tilespmem:$0x10800] =	vst v63  }
0x1c: {  	s15 =	sadd.s32 s25, s15  }
0x1d: {  	[tilespmem:s5], [sflag:$0x2] =	stream.linear.gather [hbm4b:s15+s2], $0x400, $0x38;
	[tilespmem:$0x10800] =	vst v63  }
0x1e: {  	_ =	swait.ge [sflag:s6], $0x400  }
0x1f: {  	[sflag:s6] =	ssyncset.done $0x0  }
0x20: {  	s16 =	simm.s32 $0x4;
	[sflag:s6] =	ssyncadd.s32 $0xFFFFFC00  }
0x21: {  	_ =	swait.ge [sflag:s16], $0x8000  }
0x22: {  	[sflag:s16] =	ssyncset.done $0x0  }
0x23: {  	[sflag:s16] =	ssyncadd.s32 $0xFFFF8000  }
0x24: {  	[tilespmem:s8], [sflag:$0x3] =	stream.indirect.gather [hbm4b:s7+s5], $0x20, s2, s5, $0xb8;
	[tilespmem:$0x10800] =	vst v63  }
0x25: {  	_ =	swait.ge [sflag:s9], $0x8000  }
0x26: {  	s22 =	sor.u32 $0x1000, s26;
	s17 =	sshll.u32 s17, $0x2;
	[sflag:s9] =	ssyncset.done $0x0  }
0x27: {  	s18 =	sshrl.u32 s22, $0x3;
	s17 =	sadd.s32 s28, s17;
	[sflag:s9] =	ssyncadd.s32 $0xFFFF8000  }
0x28: {  	[hbm4b:s17+s2] =	stream.linear.scatter [tilespmem:s8], [sflag:$0x4], $0x8000, $0x38;
	[tilespmem:$0x10800] =	vst v63  }
0x29: {  	s18 =	sadd.s32 s25, s18  }
0x2a: {  	[tilespmem:s2], [sflag:$0x1] =	stream.linear.gather [hbm4b:s18+s2], $0x400, $0x38;
	[tilespmem:$0x10800] =	vst v63  }
0x2b: {  	_ =	swait.ge [sflag:s12], $0x400  }
0x2c: {  	[sflag:s12] =	ssyncset.done $0x0  }
0x2d: {  	s19 =	simm.s32 $0x5;
	[sflag:s12] =	ssyncadd.s32 $0xFFFFFC00  }
0x2e: {  	_ =	swait.ge [sflag:s19], $0x8000  }
0x2f: {  	[sflag:s19] =	ssyncset.done $0x0  }
0x30: {  	[sflag:s19] =	ssyncadd.s32 $0xFFFF8000  }
0x31: {  	[tilespmem:s13], [sflag:$0x3] =	stream.indirect.gather [hbm4b:s7+s5], $0x20, s5, s5, $0xb8;
	[tilespmem:$0x10800] =	vst v63  }
0x32: {  	_ =	swait.ge [sflag:s9], $0x8000  }
0x33: {  	s20 =	sshll.u32 s20, $0x2;
	s24 =	sor.u32 $0x1400, s26;
	[sflag:s9] =	ssyncset.done $0x0  }
0x34: {  	s20 =	sadd.s32 s28, s20;
	s21 =	sshrl.u32 s24, $0x3;
	[sflag:s9] =	ssyncadd.s32 $0xFFFF8000  }
0x35: {  	[hbm4b:s20+s2] =	stream.linear.scatter [tilespmem:s13], [sflag:$0x5], $0x8000, $0x38;
	[tilespmem:$0x10800] =	vst v63  }
0x36: {  	s21 =	sadd.s32 s25, s21  }
0x37: {  	[tilespmem:s5], [sflag:$0x2] =	stream.linear.gather [hbm4b:s21+s2], $0x400, $0x38;
	[tilespmem:$0x10800] =	vst v63  }
0x38: {  	_ =	swait.ge [sflag:s6], $0x400  }
0x39: {  	[sflag:s6] =	ssyncset.done $0x0  }
0x3a: {  	[sflag:s6] =	ssyncadd.s32 $0xFFFFFC00  }
0x3b: {  	_ =	swait.ge [sflag:s16], $0x8000  }
0x3c: {  	[sflag:s16] =	ssyncset.done $0x0  }
0x3d: {  	[sflag:s16] =	ssyncadd.s32 $0xFFFF8000  }
0x3e: {  	[tilespmem:s8], [sflag:$0x3] =	stream.indirect.gather [hbm4b:s7+s5], $0x20, s2, s5, $0xb8;
	[tilespmem:$0x10800] =	vst v63  }
0x3f: {  	_ =	swait.ge [sflag:s9], $0x8000  }
0x40: {  	s30 =	sor.u32 $0x1800, s26;
	s22 =	sshll.u32 s22, $0x2;
	[sflag:s9] =	ssyncset.done $0x0  }
0x41: {  	s22 =	sadd.s32 s28, s22;
	s23 =	sshrl.u32 s30, $0x3;
	[sflag:s9] =	ssyncadd.s32 $0xFFFF8000  }
0x42: {  	[hbm4b:s22+s2] =	stream.linear.scatter [tilespmem:s8], [sflag:$0x4], $0x8000, $0x38;
	[tilespmem:$0x10800] =	vst v63  }
0x43: {  	s23 =	sadd.s32 s25, s23  }
0x44: {  	[tilespmem:s2], [sflag:$0x1] =	stream.linear.gather [hbm4b:s23+s2], $0x400, $0x38;
	[tilespmem:$0x10800] =	vst v63  }
0x45: {  	_ =	swait.ge [sflag:s12], $0x400  }
0x46: {  	[sflag:s12] =	ssyncset.done $0x0  }
0x47: {  	[sflag:s12] =	ssyncadd.s32 $0xFFFFFC00  }
0x48: {  	_ =	swait.ge [sflag:s19], $0x8000  }
0x49: {  	[sflag:s19] =	ssyncset.done $0x0  }
0x4a: {  	[sflag:s19] =	ssyncadd.s32 $0xFFFF8000  }
0x4b: {  	[tilespmem:s13], [sflag:$0x3] =	stream.indirect.gather [hbm4b:s7+s5], $0x20, s5, s5, $0xb8;
	[tilespmem:$0x10800] =	vst v63  }
0x4c: {  	_ =	swait.ge [sflag:s9], $0x8000  }
0x4d: {  	s31 =	sor.u32 $0x1C00, s26;
	s24 =	sshll.u32 s24, $0x2;
	[sflag:s9] =	ssyncset.done $0x0  }
0x4e: {  	s26 =	sshrl.u32 s31, $0x3;
	s24 =	sadd.s32 s28, s24;
	[sflag:s9] =	ssyncadd.s32 $0xFFFF8000  }
0x4f: {  	[hbm4b:s24+s2] =	stream.linear.scatter [tilespmem:s13], [sflag:$0x5], $0x8000, $0x38;
	[tilespmem:$0x10800] =	vst v63  }
0x50: {  	s25 =	sadd.s32 s25, s26  }
0x51: {  	[tilespmem:s5], [sflag:$0x2] =	stream.linear.gather [hbm4b:s25+s2], $0x400, $0x38;
	[tilespmem:$0x10800] =	vst v63  }
0x52: {  	_ =	swait.ge [sflag:s6], $0x400  }
0x53: {  	[sflag:s6] =	ssyncset.done $0x0  }
0x54: {  	[sflag:s6] =	ssyncadd.s32 $0xFFFFFC00  }
0x55: {  	_ =	swait.ge [sflag:s16], $0x8000  }
0x56: {  	[sflag:s16] =	ssyncset.done $0x0  }
0x57: {  	[sflag:s16] =	ssyncadd.s32 $0xFFFF8000  }
0x58: {  	[tilespmem:s8], [sflag:$0x3] =	stream.indirect.gather [hbm4b:s7+s5], $0x20, s2, s5, $0xb8;
	[tilespmem:$0x10800] =	vst v63  }
0x59: {  	_ =	swait.ge [sflag:s9], $0x8000  }
0x5a: {  	s30 =	sshll.u32 s30, $0x2;
	[sflag:s9] =	ssyncset.done $0x0  }
0x5b: {  	s26 =	sadd.s32 s28, s30;
	[sflag:s9] =	ssyncadd.s32 $0xFFFF8000  }
0x5c: {  	[hbm4b:s26+s2] =	stream.linear.scatter [tilespmem:s8], [sflag:$0x4], $0x8000, $0x38;
	[tilespmem:$0x10800] =	vst v63  }
0x5d: {  	_ =	swait.ge [sflag:s12], $0x400  }
0x5e: {  	[sflag:s12] =	ssyncset.done $0x0  }
0x5f: {  	[sflag:s12] =	ssyncadd.s32 $0xFFFFFC00  }
0x60: {  	_ =	swait.ge [sflag:s19], $0x8000  }
0x61: {  	s29 =	ssub.s32 $0x2, s29;
	s31 =	sshll.u32 s31, $0x2;
	[sflag:s19] =	ssyncset.done $0x0  }
0x62: {  	s28 =	sadd.s32 s28, s31;
	s31 =	sshrl.u32 s29, $0x1;
	[sflag:s19] =	ssyncadd.s32 $0xFFFF8000  }
0x63: {  	[tilespmem:s13], [sflag:$0x3] =	stream.indirect.gather [hbm4b:s7+s5], $0x20, s5, s5, $0xb8;
	[tilespmem:$0x10800] =	vst v63  }
0x64: {  	s29 =	ssub.s32 s29, s31;
	_ =	swait.ge [sflag:s9], $0x8000  }
0x65: {  	s29 =	smax.u32 s29, $0x1;
	[sflag:s9] =	ssyncset.done $0x0  }
0x66: {  	p0 =	sne.s32 s29, $0x1;
	[sflag:s9] =	ssyncadd.s32 $0xFFFF8000  }
0x67: {  	[hbm4b:s28+s2] =	stream.linear.scatter [tilespmem:s13], [sflag:$0x5], $0x8000, $0x38;
	[tilespmem:$0x10800] =	vst v63  }
.Ltmp0:
0x68: {  	_ =	swait.ge [sflag:s16], $0x8000;
	(pc) =	sbr.rel @!p0 .LBB2_2-.Ltmp0, $4  }
0x69: {  	[sflag:s16] =	ssyncset.done $0x0  }
0x6a: {  	[sflag:s16] =	ssyncadd.s32 $0xFFFF8000  }
0x6b: {  	_ =	swait.ge [sflag:s19], $0x8000  }
0x6c: {  	s29 =	sadd.s32 $0xFFFFFFFF, s29;
	[sflag:s19] =	ssyncset.done $0x0  }
.LBB2_1:
0x6d: {  	p0 =	sne.s32 s29, $0x1;
	s29 =	sadd.s32 $0xFFFFFFFF, s29;
	[sflag:s19] =	ssyncadd.s32 $0xFFFF8000  }
0x6e: {  	[tilespmem:s2], [sflag:$0x1] =	stream.linear.gather [hbm4b:s3+s2], $0x400, $0x38;
	[tilespmem:$0x10800] =	vst v63  }
0x6f: {  	_ = 	snop  }
0x70: {  	[tilespmem:s5], [sflag:$0x2] =	stream.linear.gather [hbm4b:s4+s2], $0x400, $0x38;
	[tilespmem:$0x10800] =	vst v63  }
0x71: {  	_ =	swait.ge [sflag:s6], $0x400  }
0x72: {  	[sflag:s6] =	ssyncset.done $0x0  }
0x73: {  	[sflag:s6] =	ssyncadd.s32 $0xFFFFFC00  }
0x74: {  	[tilespmem:s8], [sflag:$0x3] =	stream.indirect.gather [hbm4b:s7+s5], $0x20, s2, s5, $0xb8;
	[tilespmem:$0x10800] =	vst v63  }
0x75: {  	_ =	swait.ge [sflag:s9], $0x8000  }
0x76: {  	[sflag:s9] =	ssyncset.done $0x0  }
0x77: {  	[sflag:s9] =	ssyncadd.s32 $0xFFFF8000  }
0x78: {  	[hbm4b:s10+s2] =	stream.linear.scatter [tilespmem:s8], [sflag:$0x4], $0x8000, $0x38;
	[tilespmem:$0x10800] =	vst v63  }
0x79: {  	_ = 	snop  }
0x7a: {  	[tilespmem:s2], [sflag:$0x1] =	stream.linear.gather [hbm4b:s11+s2], $0x400, $0x38;
	[tilespmem:$0x10800] =	vst v63  }
0x7b: {  	_ =	swait.ge [sflag:s12], $0x400  }
0x7c: {  	[sflag:s12] =	ssyncset.done $0x0  }
0x7d: {  	[sflag:s12] =	ssyncadd.s32 $0xFFFFFC00  }
0x7e: {  	[tilespmem:s13], [sflag:$0x3] =	stream.indirect.gather [hbm4b:s7+s5], $0x20, s5, s5, $0xb8;
	[tilespmem:$0x10800] =	vst v63  }
0x7f: {  	_ =	swait.ge [sflag:s9], $0x8000  }
0x80: {  	[sflag:s9] =	ssyncset.done $0x0  }
0x81: {  	[sflag:s9] =	ssyncadd.s32 $0xFFFF8000  }
0x82: {  	[hbm4b:s14+s2] =	stream.linear.scatter [tilespmem:s13], [sflag:$0x5], $0x8000, $0x38;
	[tilespmem:$0x10800] =	vst v63  }
0x83: {  	_ = 	snop  }
0x84: {  	[tilespmem:s5], [sflag:$0x2] =	stream.linear.gather [hbm4b:s15+s2], $0x400, $0x38;
	[tilespmem:$0x10800] =	vst v63  }
0x85: {  	_ =	swait.ge [sflag:s6], $0x400  }
0x86: {  	[sflag:s6] =	ssyncset.done $0x0  }
0x87: {  	[sflag:s6] =	ssyncadd.s32 $0xFFFFFC00  }
0x88: {  	_ =	swait.ge [sflag:s16], $0x8000  }
0x89: {  	[sflag:s16] =	ssyncset.done $0x0  }
0x8a: {  	[sflag:s16] =	ssyncadd.s32 $0xFFFF8000  }
0x8b: {  	[tilespmem:s8], [sflag:$0x3] =	stream.indirect.gather [hbm4b:s7+s5], $0x20, s2, s5, $0xb8;
	[tilespmem:$0x10800] =	vst v63  }
0x8c: {  	_ =	swait.ge [sflag:s9], $0x8000  }
0x8d: {  	[sflag:s9] =	ssyncset.done $0x0  }
0x8e: {  	[sflag:s9] =	ssyncadd.s32 $0xFFFF8000  }
0x8f: {  	[hbm4b:s17+s2] =	stream.linear.scatter [tilespmem:s8], [sflag:$0x4], $0x8000, $0x38;
	[tilespmem:$0x10800] =	vst v63  }
0x90: {  	_ = 	snop  }
0x91: {  	[tilespmem:s2], [sflag:$0x1] =	stream.linear.gather [hbm4b:s18+s2], $0x400, $0x38;
	[tilespmem:$0x10800] =	vst v63  }
0x92: {  	_ =	swait.ge [sflag:s12], $0x400  }
0x93: {  	[sflag:s12] =	ssyncset.done $0x0  }
0x94: {  	[sflag:s12] =	ssyncadd.s32 $0xFFFFFC00  }
0x95: {  	_ =	swait.ge [sflag:s19], $0x8000  }
0x96: {  	[sflag:s19] =	ssyncset.done $0x0  }
0x97: {  	[sflag:s19] =	ssyncadd.s32 $0xFFFF8000  }
0x98: {  	[tilespmem:s13], [sflag:$0x3] =	stream.indirect.gather [hbm4b:s7+s5], $0x20, s5, s5, $0xb8;
	[tilespmem:$0x10800] =	vst v63  }
0x99: {  	_ =	swait.ge [sflag:s9], $0x8000  }
0x9a: {  	[sflag:s9] =	ssyncset.done $0x0  }
0x9b: {  	[sflag:s9] =	ssyncadd.s32 $0xFFFF8000  }
0x9c: {  	[hbm4b:s20+s2] =	stream.linear.scatter [tilespmem:s13], [sflag:$0x5], $0x8000, $0x38;
	[tilespmem:$0x10800] =	vst v63  }
0x9d: {  	_ = 	snop  }
0x9e: {  	[tilespmem:s5], [sflag:$0x2] =	stream.linear.gather [hbm4b:s21+s2], $0x400, $0x38;
	[tilespmem:$0x10800] =	vst v63  }
0x9f: {  	_ =	swait.ge [sflag:s6], $0x400  }
0xa0: {  	[sflag:s6] =	ssyncset.done $0x0  }
0xa1: {  	[sflag:s6] =	ssyncadd.s32 $0xFFFFFC00  }
0xa2: {  	_ =	swait.ge [sflag:s16], $0x8000  }
0xa3: {  	[sflag:s16] =	ssyncset.done $0x0  }
0xa4: {  	[sflag:s16] =	ssyncadd.s32 $0xFFFF8000  }
0xa5: {  	[tilespmem:s8], [sflag:$0x3] =	stream.indirect.gather [hbm4b:s7+s5], $0x20, s2, s5, $0xb8;
	[tilespmem:$0x10800] =	vst v63  }
0xa6: {  	_ =	swait.ge [sflag:s9], $0x8000  }
0xa7: {  	[sflag:s9] =	ssyncset.done $0x0  }
0xa8: {  	[sflag:s9] =	ssyncadd.s32 $0xFFFF8000  }
0xa9: {  	[hbm4b:s22+s2] =	stream.linear.scatter [tilespmem:s8], [sflag:$0x4], $0x8000, $0x38;
	[tilespmem:$0x10800] =	vst v63  }
0xaa: {  	_ = 	snop  }
0xab: {  	[tilespmem:s2], [sflag:$0x1] =	stream.linear.gather [hbm4b:s23+s2], $0x400, $0x38;
	[tilespmem:$0x10800] =	vst v63  }
0xac: {  	_ =	swait.ge [sflag:s12], $0x400  }
0xad: {  	[sflag:s12] =	ssyncset.done $0x0  }
0xae: {  	[sflag:s12] =	ssyncadd.s32 $0xFFFFFC00  }
0xaf: {  	_ =	swait.ge [sflag:s19], $0x8000  }
0xb0: {  	[sflag:s19] =	ssyncset.done $0x0  }
0xb1: {  	[sflag:s19] =	ssyncadd.s32 $0xFFFF8000  }
0xb2: {  	[tilespmem:s13], [sflag:$0x3] =	stream.indirect.gather [hbm4b:s7+s5], $0x20, s5, s5, $0xb8;
	[tilespmem:$0x10800] =	vst v63  }
0xb3: {  	_ =	swait.ge [sflag:s9], $0x8000  }
0xb4: {  	[sflag:s9] =	ssyncset.done $0x0  }
0xb5: {  	[sflag:s9] =	ssyncadd.s32 $0xFFFF8000  }
0xb6: {  	[hbm4b:s24+s2] =	stream.linear.scatter [tilespmem:s13], [sflag:$0x5], $0x8000, $0x38;
	[tilespmem:$0x10800] =	vst v63  }
0xb7: {  	_ = 	snop  }
0xb8: {  	[tilespmem:s5], [sflag:$0x2] =	stream.linear.gather [hbm4b:s25+s2], $0x400, $0x38;
	[tilespmem:$0x10800] =	vst v63  }
0xb9: {  	_ =	swait.ge [sflag:s6], $0x400  }
0xba: {  	[sflag:s6] =	ssyncset.done $0x0  }
0xbb: {  	[sflag:s6] =	ssyncadd.s32 $0xFFFFFC00  }
0xbc: {  	_ =	swait.ge [sflag:s16], $0x8000  }
0xbd: {  	[sflag:s16] =	ssyncset.done $0x0  }
0xbe: {  	[sflag:s16] =	ssyncadd.s32 $0xFFFF8000  }
0xbf: {  	[tilespmem:s8], [sflag:$0x3] =	stream.indirect.gather [hbm4b:s7+s5], $0x20, s2, s5, $0xb8;
	[tilespmem:$0x10800] =	vst v63  }
0xc0: {  	_ =	swait.ge [sflag:s9], $0x8000  }
0xc1: {  	[sflag:s9] =	ssyncset.done $0x0  }
0xc2: {  	[sflag:s9] =	ssyncadd.s32 $0xFFFF8000  }
0xc3: {  	[hbm4b:s26+s2] =	stream.linear.scatter [tilespmem:s8], [sflag:$0x4], $0x8000, $0x38;
	[tilespmem:$0x10800] =	vst v63  }
0xc4: {  	_ =	swait.ge [sflag:s12], $0x400  }
0xc5: {  	[sflag:s12] =	ssyncset.done $0x0  }
0xc6: {  	[sflag:s12] =	ssyncadd.s32 $0xFFFFFC00  }
0xc7: {  	_ =	swait.ge [sflag:s19], $0x8000  }
0xc8: {  	[sflag:s19] =	ssyncset.done $0x0  }
0xc9: {  	[sflag:s19] =	ssyncadd.s32 $0xFFFF8000  }
0xca: {  	[tilespmem:s13], [sflag:$0x3] =	stream.indirect.gather [hbm4b:s7+s5], $0x20, s5, s5, $0xb8;
	[tilespmem:$0x10800] =	vst v63  }
0xcb: {  	_ =	swait.ge [sflag:s9], $0x8000  }
0xcc: {  	[sflag:s9] =	ssyncset.done $0x0  }
0xcd: {  	[sflag:s9] =	ssyncadd.s32 $0xFFFF8000  }
0xce: {  	[hbm4b:s28+s2] =	stream.linear.scatter [tilespmem:s13], [sflag:$0x5], $0x8000, $0x38;
	[tilespmem:$0x10800] =	vst v63  }
.Ltmp1:
0xcf: {  	_ =	swait.ge [sflag:s16], $0x8000;
	(pc) =	sbr.rel @p0 .LBB2_1-.Ltmp1, $4  }
0xd0: {  	[sflag:s16] =	ssyncset.done $0x0  }
0xd1: {  	[sflag:s16] =	ssyncadd.s32 $0xFFFF8000  }
0xd2: {  	_ =	swait.ge [sflag:s19], $0x8000  }
0xd3: {  	[sflag:s19] =	ssyncset.done $0x0  }
.LBB2_2:
0xd4: {  	[sflag:s19] =	ssyncadd.s32 $0xFFFF8000  }
0xd5: {  	_ =	sfence.sel $0x180000  }
0xd6: {  	[bflag:$0x0] =	sbarrier.arrive $0xFFFF  }
0xd7: {  	p0 =	sne.s32 s1, $0x0;
	_ =	strace $0x90000047  }
0xd8: {  	s0 =	sadd.s32 @!p0 $0x100000, s0;
	[bflag:$0x2] =	sbarrier.arrive $0xFFFF  }
0xd9: {  	[sflag:s0] =	ssyncadd.tile.s32 @!p0 $0x1;
	_ =	shalt  }
.Lfunc_end2:
_tile_overlayer_lowered:
.L_overlay_start_2:
0xda: {  	(tag) =	ssettag $0x2  }
0xdb: {  	s0 =	rddreg [dreg:$0x0];
	s2 =	stileid.u32  }
0xdc: {  	s1 =	rddreg [dreg:$0x1];
	p0 =	sne.s32 s2, $0x0  }
0xdd: {  	s3 =	rddreg [dreg:$0x2];
	[bflag:$0x3] =	sbarrier.arrive $0xFFFF;
	s2 =	simm.s32 @!p0 $0x1C06  }
0xde: {  	[timem:s3], [sflag:s2] =	dma.local @!p0 [hbm:s0], s1  }
0xdf: {  	s0 =	simm.s32 @!p0 $0x6  }
0xe0: {  	_ =	swait.ge @!p0 [sflag:s0], s1  }
0xe1: {  	s1 =	ssub.s32 @!p0 $0x0, s1;
	[sflag:s0] =	ssyncset.done @!p0 $0x0  }
0xe2: {  	[sflag:s0] =	ssyncadd.s32 @!p0 s1  }
0xe3: {  	[bflag:$0x3] =	sbarrier.arrive $0xFFFF  }
0xe4: {  	_ =	shalt  }

// kernel: kernel.16.cloned.1.call-start
scs
__scs_entry_jumppad:
0x0: {  	(pc) =	sbr.rel $0x88, $3  }
0x1: {  	(tag) =	ssettag $0x0;
	lr =	simm.s32 $0x1  }
0x2: {  	[smem:$0x3F84] =	sst lr;
	_ =	strace $0xD0000000  }
0x3: {  	_ = 	snop  }
0x4: {  	_ = 	snop  }
0x5: {  	_ = 	snop  }
0x6: {  	_ = 	snop  }
0x7: {  	_ = 	snop  }
__scs_overlays_trampoline_lowered:
0x8: {  	[smem:$0x3F93] =	sst s0  }
0x9: {  	[smem:$0x3F94] =	sst s1  }
0xa: {  	[smem:$0x3F95] =	sst s2  }
0xb: {  	[smem:$0x3F96] =	sst s3  }
0xc: {  	[smem:$0x3F97] =	sst s4  }
0xd: {  	[smem:$0x3F98] =	sst s5  }
0xe: {  	[smem:$0x3F99] =	sst s6  }
0xf: {  	[smem:$0x3F9A] =	sst s7  }
0x10: {  	[smem:$0x3F9B] =	sst s8  }
0x11: {  	[smem:$0x3F9C] =	sst s9;
	s0 =	simm.s32 @!p0 $0x0  }
0x12: {  	s1 =	sld [smem:$0x3F82];
	s0 =	simm.s32 @p0 $0x1  }
0x13: {  	[smem:$0x3F9D] =	sst s0;
	s0 =	simm.s32 @!p1 $0x0  }
0x14: {  	s2 =	sld [smem:$0x3F81];
	s0 =	simm.s32 @p1 $0x1  }
0x15: {  	[smem:$0x3F9E] =	sst s0;
	s0 =	simm.s32 @!p2 $0x0  }
0x16: {  	s3 =	sld [smem:$0x3FDB];
	s0 =	simm.s32 @p2 $0x1  }
0x17: {  	s4 =	simm.s32 $0x1BF5;
	[smem:$0x3FA0] =	sst s0  }
0x18: {  	s0 =	sld [smem:$0x3F83];
	_ =	swait.ge [sflag:s4], $0x0  }
0x19: {  	s7 =	sld [smem:$0x3F84]  }
0x1a: {  	s8 =	sadd.s32 $0xFFFFE003, lr  }
0x1b: {  	s9 =	sadd.s32 $0xFFFFFEF7, lr;
	s5 =	simm.s32 $0xFFFFFFFF;
	p2 =	slt.u32 s8, $0xFFFFF086  }
0x1c: {  	p1 =	slt.u32 s9, $0xF7A;
	s5 =	simm.s32 @!p2 $0x0  }
0x1d: {  	s5 =	simm.s32 @p1 $0x1;
	p0 =	seq.s32 s7, s2  }
0x1e: {  	s7 =	smul.u32 @!p0 $0xF7A, s2;
	p2 =	seq.s32 @!p0 s5, $0x0  }
0x1f: {  	s9 =	smul.u32 $0xF7A, s1;
	s8 =	simm.s32 @!p0 $0x1BF5;
	p2 =	por !p2, p0  }
0x20: {  	[sflag:s8] =	ssyncset.s32 @!p0 $0xFFFFF086;
	s6 =	sadd.s32 @!p0 s3, s7;
	s7 =	simm.s32 @!p0 $0x108  }
0x21: {  	s3 =	sadd.s32 s3, s9;
	s6 =	sadd.s32 @!p0 $0x88, s6;
	s7 =	simm.s32 @p2 $0x1082  }
0x22: {  	[simem:s7], [sflag:s8] =	dma.local @!p0 [hbm:s6], $0xF7A  }
0x23: {  	s9 =	sor.u32 $0xD0000000, s2;
	s6 =	simm.s32 $0x108;
	_ =	swait.ge @!p0 [sflag:s8], $0x0  }
0x24: {  	s3 =	sadd.s32 $0x88, s3;
	s6 =	simm.s32 @!p1 $0x1082;
	[sflag:s4] =	ssyncset.s32 $0xFFFFF086  }
0x25: {  	[simem:s6], [sflag:s4] =	dma.local [hbm:s3], $0xF7A  }
0x26: {  	[smem:$0x3F84] =	sst s1;
	(tag) =	ssettag s2;
	_ =	strace s9  }
0x27: {  	s1 =	sld [smem:$0x3F94]  }
0x28: {  	s2 =	sld [smem:$0x3F95]  }
0x29: {  	s4 =	sld [smem:$0x3F97]  }
0x2a: {  	p0 =	seq.s32 s5, $0x0;
	s5 =	sld [smem:$0x3F98]  }
0x2b: {  	s6 =	sld [smem:$0x3F99]  }
0x2c: {  	s7 =	sld [smem:$0x3F9A]  }
0x2d: {  	s3 =	simm.s32 $0x108;
	s8 =	sld [smem:$0x3F9B]  }
0x2e: {  	s3 =	simm.s32 @!p0 $0x1082;
	s9 =	sld [smem:$0x3F9C]  }
0x2f: {  	lr =	sadd.s32 s0, s3;
	s0 =	sld [smem:$0x3F93]  }
0x30: {  	s3 =	sld [smem:$0x3F96]  }
0x31: {  	[smem:$0x3F9F] =	sst s10  }
0x32: {  	s10 =	sld [smem:$0x3F9D];
	_ =	sdelay $0x3  }
0x33: {  	p0 =	seq.s32 s10, $0x1;
	s10 =	sld [smem:$0x3F9F];
	_ =	sdelay $0x3  }
0x34: {  	[smem:$0x3F9F] =	sst s10  }
0x35: {  	s10 =	sld [smem:$0x3F9E];
	_ =	sdelay $0x3  }
0x36: {  	p1 =	seq.s32 s10, $0x1;
	s10 =	sld [smem:$0x3F9F];
	_ =	sdelay $0x3  }
0x37: {  	[smem:$0x3F9F] =	sst s10  }
0x38: {  	s10 =	sld [smem:$0x3FA0]  }
0x39: {  	_ = 	snop;
	(pc) =	sbr.ind lr, $3  }
0x3a: {  	_ = 	snop  }
0x3b: {  	_ = 	snop  }
0x3c: {  	p2 =	seq.s32 s10, $0x1;
	s10 =	sld [smem:$0x3F9F]  }
0x3d: {  	_ =	shalt  }
0x3e: {  	_ =	shalt  }
0x3f: {  	_ =	shalt  }
0x40: {  	_ =	shalt  }
0x41: {  	_ =	shalt  }
0x42: {  	_ =	shalt  }
0x43: {  	_ =	shalt  }
0x44: {  	_ =	shalt  }
0x45: {  	_ =	shalt  }
0x46: {  	_ =	shalt  }
0x47: {  	_ =	shalt  }
0x48: {  	_ =	shalt  }
0x49: {  	_ =	shalt  }
0x4a: {  	_ =	shalt  }
0x4b: {  	_ =	shalt  }
0x4c: {  	_ =	shalt  }
0x4d: {  	_ =	shalt  }
0x4e: {  	_ =	shalt  }
0x4f: {  	_ =	shalt  }
0x50: {  	_ =	shalt  }
0x51: {  	_ =	shalt  }
0x52: {  	_ =	shalt  }
0x53: {  	_ =	shalt  }
0x54: {  	_ =	shalt  }
0x55: {  	_ =	shalt  }
0x56: {  	_ =	shalt  }
0x57: {  	_ =	shalt  }
0x58: {  	_ =	shalt  }
0x59: {  	_ =	shalt  }
0x5a: {  	_ =	shalt  }
0x5b: {  	_ =	shalt  }
0x5c: {  	_ =	shalt  }
0x5d: {  	_ =	shalt  }
0x5e: {  	_ =	shalt  }
0x5f: {  	_ =	shalt  }
0x60: {  	_ =	shalt  }
0x61: {  	_ =	shalt  }
0x62: {  	_ =	shalt  }
0x63: {  	_ =	shalt  }
0x64: {  	_ =	shalt  }
0x65: {  	_ =	shalt  }
0x66: {  	_ =	shalt  }
0x67: {  	_ =	shalt  }
0x68: {  	_ =	shalt  }
0x69: {  	_ =	shalt  }
0x6a: {  	_ =	shalt  }
0x6b: {  	_ =	shalt  }
0x6c: {  	_ =	shalt  }
0x6d: {  	_ =	shalt  }
0x6e: {  	_ =	shalt  }
0x6f: {  	_ =	shalt  }
0x70: {  	_ =	shalt  }
0x71: {  	_ =	shalt  }
0x72: {  	_ =	shalt  }
0x73: {  	_ =	shalt  }
0x74: {  	_ =	shalt  }
0x75: {  	_ =	shalt  }
0x76: {  	_ =	shalt  }
0x77: {  	_ =	shalt  }
0x78: {  	_ =	shalt  }
0x79: {  	_ =	shalt  }
0x7a: {  	_ =	shalt  }
0x7b: {  	_ =	shalt  }
0x7c: {  	_ =	shalt  }
0x7d: {  	_ =	shalt  }
0x7e: {  	_ =	shalt  }
0x7f: {  	_ =	shalt  }
0x80: {  	_ =	shalt  }
0x81: {  	_ =	shalt  }
0x82: {  	_ =	shalt  }
0x83: {  	_ =	shalt  }
0x84: {  	_ =	shalt  }
0x85: {  	_ =	shalt  }
0x86: {  	_ =	shalt  }
0x87: {  	_ =	shalt  }
.Lfunc_end0:
.L_simem_size_0:
called_computation.1_lowered:
.L_overlay_start_0:
0x88: {  	s2 =	sld [smem:$0x3FD9]  }
0x89: {  	s3 =	sld [smem:$0x3FFE];
	_ =	sdelay $0x1  }
0x8a: {  	s1 =	srdreg.scid  }
0x8b: {  	s0 =	sand.u32 $0x1, s1  }
0x8c: {  	s17 =	sshll.u32 s0, $0xA;
	s2 =	sadd.s32 s3, s2  }
0x8d: {  	s2 =	sadd.s32 s2, s17  }
0x8e: {  	[smem:$0x3FAB] =	sst s2  }
0x8f: {  	_ = 	snop  }
0x90: {  	(tm) =	ssettm $0x1  }
0x91: {  	s18 =	sld [smem:$0x3FFB];
	_ =	sdelay $0x3  }
0x92: {  	_ =	strace s18  }
0x93: {  	s2 =	sld [smem:$0x3FFC];
	_ =	sdelay $0x3  }
0x94: {  	_ =	strace s2  }
0x95: {  	s2 =	sld [smem:$0x3FFD];
	_ =	sdelay $0x3  }
0x96: {  	_ =	strace s2  }
0x97: {  	_ =	strace $0x8FFFFFFF  }
0x98: {  	s19 =	sld [smem:$0x3FDB];
	_ =	sdelay $0x1  }
0x99: {  	s20 =	simm.s32 $_scs_section_size  }
0x9a: {  	s4 =	simm.s32 $_size__tile_overlayer_lowered;
	s5 =	simm.s32 $_tile_overlayer_lowered  }
0x9b: {  	s6 =	simm.s32 $0x1BFF;
	s21 =	sshll.u32 s5, $0x1;
	s3 =	sadd.s32 s20, s19  }
0x9c: {  	s22 =	simm.s32 $0x0;
	s4 =	sshll.u32 s4, $0x1;
	s5 =	sadd.s32 s21, s3  }
0x9d: {  	[timem:s22], [sflag:s6] =	dma.local [hbm:s5], s4  }
0x9e: {  	_ =	swait.ge [sflag:s6], s4  }
0x9f: {  	s4 =	ssub.s32 $0x0, s4;
	[sflag:s6] =	ssyncset.done $0x0  }
0xa0: {  	[sflag:s6] =	ssyncadd.s32 s4;
	_ =	sdelay $0x1  }
0xa1: {  	s23 =	simm.s32 $0x1B8B  }
0xa2: {  	_ =	swait.ge [sflag:s23], $0x1  }
0xa3: {  	[sflag:s23] =	ssyncset.done $0x0  }
0xa4: {  	[sflag:s23] =	ssyncadd.s32 $0xFFFFFFFF  }
0xa5: {  	s4 =	sld [smem:$0x0]  }
0xa6: {  	s5 =	sand.u32 $0xFFFFFFFE, s1  }
0xa7: {  	p0 =	sne.s32 s1, s5  }
0xa8: {  	s5 =	sshll.u32 @p0 s5, $0xE  }
0xa9: {  	s5 =	sadd.s32 @p0 $0x11B8D, s5;
	s6 =	sshll.u32 @p0 s4, $0x11  }
0xaa: {  	s5 =	sor.u32 @p0 s6, s5  }
0xab: {  	[sflag:s5] =	ssyncadd.remote.s32 @p0 $0x1;
	_ =	sdelay $0x1  }
0xac: {  	s5 =	simm.s32 @p0 $0x1B8D  }
0xad: {  	_ =	swait.eq @p0 [sflag:s5], $0x1  }
0xae: {  	[sflag:s5] =	ssyncadd.s32 @p0 $0xFFFFFFFF  }
0xaf: {  	s6 =	sshll.u32 @!p0 s1, $0xE  }
0xb0: {  	s6 =	sor.u32 @!p0 $0x4000, s6;
	s5 =	simm.s32 @!p0 $0x1B8D  }
0xb1: {  	s4 =	sshll.u32 @!p0 s4, $0x11;
	s6 =	sadd.s32 @!p0 $0x11B8D, s6;
	_ =	swait.eq @!p0 [sflag:s5], $0x1  }
0xb2: {  	s4 =	sor.u32 @!p0 s4, s6;
	[sflag:s5] =	ssyncadd.s32 @!p0 $0xFFFFFFFF  }
0xb3: {  	s25 =	simm.s32 $0x1B8E;
	s24 =	sld [smem:$0x3FFE];
	[sflag:s4] =	ssyncadd.remote.s32 @!p0 $0x1  }
0xb4: {  	s26 =	simm.s32 $execute0_lowered;
	[smem:$0x3FD2] =	sst s25  }
0xb5: {  	s5 =	sshll.u32 s26, $0x1;
	_ =	strace $0x80000049;
	[dreg:$0x1] =	wrdreg $0xFFFFFFFF  }
0xb6: {  	s28 =	simm.s32 $_size_execute0_lowered;
	s3 =	sadd.s32 s3, s5;
	[dreg:$0x0] =	wrdreg $0x0  }
0xb7: {  	s5 =	sshll.u32 s28, $0x1;
	[dreg:$0x2] =	wrdreg s3  }
0xb8: {  	[dreg:$0x3] =	wrdreg s5  }
0xb9: {  	[dreg:$0x4] =	wrdreg $0xC0  }
0xba: {  	_ =	task [dreg:s22], $0x5FFFF  }
0xbb: {  	[dreg:$0x1] =	wrdreg $0xFFFFFFFF  }
0xbc: {  	[dreg:$0x0] =	wrdreg $0x60  }
0xbd: {  	[dreg:$0x2] =	wrdreg s24  }
0xbe: {  	[dreg:$0x3] =	wrdreg $0xA  }
0xbf: {  	_ =	task.clear_ibuf [dreg:s22], $0x4FFFF;
	_ =	strace $0x90000049  }
0xc0: {  	s29 =	simm.s32 $0xA;
	_ =	strace $0x8000004B  }
0xc1: {  	_ =	swait.ge [sflag:s29], $0x1  }
0xc2: {  	[sflag:s29] =	ssyncadd.s32 $0xFFFFFFFF  }
0xc3: {  	_ =	strace $0x9000004B  }
0xc4: {  	_ =	sfence  }
0xc5: {  	s30 =	sld [smem:$0x0];
	_ =	sdelay $0x2  }
0xc6: {  	s31 =	sshll.u32 s1, $0xD;
	s1 =	sshrl.u32 s1, $0x2  }
0xc7: {  	s4 =	sand.u32 $0x4000, s31;
	s1 =	sadd.s32 s1, s30  }
0xc8: {  	s0 =	sor.u32 s4, s0;
	s1 =	sshll.u32 s1, $0x11  }
0xc9: {  	s0 =	sor.u32 s1, s0  }
0xca: {  	s0 =	sadd.s32 $0x8F2B, s0  }
0xcb: {  	[sflag:s0] =	ssyncadd.remote.s32 $0x1  }
0xcc: {  	_ =	sfence.sel $0xFFFF  }
0xcd: {  	[dreg:$0x0] =	wrdreg $0xFFFFFFFF;
	(pc) =	sbr.abs _section_cstart, $3  }
0xce: {  	[dreg:$0x1] =	wrdreg $0xFFFFFFFF  }
0xcf: {  	_ =	task.clear_ibuf [dreg:s22], $0x2FFFF;
	_ =	strace $0x9FFFFFFF  }
0xd0: {  	(tm) =	ssettm $0x7FFFFFFF  }
0xd1: {  	_ =	shalt  }
tec
execute0_lowered:
.L_overlay_start_1:
0x0: {  	(tag) =	ssettag $0x1  }
0x1: {  	s1 =	srdreg.scid  }
0x2: {  	s0 =	stileid.u32;
	s28 =	sand.u32 $0x1, s1  }
0x3: {  	s31 =	sshll.u32 s0, $0xE;
	s2 =	sshll.u32 s28, $0xD  }
0x4: {  	s11 =	sor.u32 s2, s31  }
0x5: {  	s10 =	rddreg [dreg:$0x0];
	s2 =	simm.s32 $0x0;
	s3 =	sshrl.u32 s11, $0x3  }
0x6: {  	[smem:$0x7FF] =	sst s2;
	s25 =	sadd.s32 s3, s10  }
0x7: {  	s1 =	rddreg [dreg:$0x1];
	_ =	strace $0x8000004A;
	s3 =	sadd.s32 $0x10FE00, s25  }
0x8: {  	[tilespmem:s2], [sflag:$0x1] =	stream.linear.gather [hbm4b:s3+s2], $0x400, $0x38;
	[tilespmem:$0x10800] =	vst v63  }
0x9: {  	s5 =	simm.s32 $0x400;
	s6 =	simm.s32 $0x1;
	s4 =	sadd.s32 $0x10FE80, s25  }
0xa: {  	[tilespmem:s5], [sflag:$0x2] =	stream.linear.gather [hbm4b:s4+s2], $0x400, $0x38;
	[tilespmem:$0x10800] =	vst v63  }
0xb: {  	_ =	swait.ge [sflag:s6], $0x400  }
0xc: {  	s8 =	simm.s32 $0x800;
	[sflag:s6] =	ssyncset.done $0x0  }
0xd: {  	s9 =	simm.s32 $0x3;
	s7 =	sadd.s32 $0x187E00, s10;
	[sflag:s6] =	ssyncadd.s32 $0xFFFFFC00  }
0xe: {  	[tilespmem:s8], [sflag:$0x3] =	stream.indirect.gather [hbm4b:s7+s5], $0x20, s2, s5, $0xb8;
	[tilespmem:$0x10800] =	vst v63  }
0xf: {  	s11 =	sshll.u32 s11, $0x2;
	_ =	swait.ge [sflag:s9], $0x8000  }
0x10: {  	s29 =	sadd.s32 s11, s10;
	[sflag:s9] =	ssyncset.done $0x0  }
0x11: {  	s10 =	sadd.s32 $0x2A7E00, s29;
	[sflag:s9] =	ssyncadd.s32 $0xFFFF8000  }
0x12: {  	[hbm4b:s10+s2] =	stream.linear.scatter [tilespmem:s8], [sflag:$0x4], $0x8000, $0x38;
	[tilespmem:$0x10800] =	vst v63  }
0x13: {  	s12 =	simm.s32 $0x2;
	s11 =	sadd.s32 $0x10FF00, s25  }
0x14: {  	[tilespmem:s2], [sflag:$0x1] =	stream.linear.gather [hbm4b:s11+s2], $0x400, $0x38;
	[tilespmem:$0x10800] =	vst v63  }
0x15: {  	_ =	swait.ge [sflag:s12], $0x400  }
0x16: {  	[sflag:s12] =	ssyncset.done $0x0  }
0x17: {  	s13 =	simm.s32 $0x8800;
	[sflag:s12] =	ssyncadd.s32 $0xFFFFFC00  }
0x18: {  	[tilespmem:s13], [sflag:$0x3] =	stream.indirect.gather [hbm4b:s7+s5], $0x20, s5, s5, $0xb8;
	[tilespmem:$0x10800] =	vst v63  }
0x19: {  	_ =	swait.ge [sflag:s9], $0x8000  }
0x1a: {  	[sflag:s9] =	ssyncset.done $0x0  }
0x1b: {  	s14 =	sadd.s32 $0x2A8E00, s29;
	[sflag:s9] =	ssyncadd.s32 $0xFFFF8000  }
0x1c: {  	[hbm4b:s14+s2] =	stream.linear.scatter [tilespmem:s13], [sflag:$0x5], $0x8000, $0x38;
	[tilespmem:$0x10800] =	vst v63  }
0x1d: {  	s15 =	sadd.s32 $0x10FF80, s25  }
0x1e: {  	[tilespmem:s5], [sflag:$0x2] =	stream.linear.gather [hbm4b:s15+s2], $0x400, $0x38;
	[tilespmem:$0x10800] =	vst v63  }
0x1f: {  	_ =	swait.ge [sflag:s6], $0x400  }
0x20: {  	[sflag:s6] =	ssyncset.done $0x0  }
0x21: {  	s16 =	simm.s32 $0x4;
	[sflag:s6] =	ssyncadd.s32 $0xFFFFFC00  }
0x22: {  	_ =	swait.ge [sflag:s16], $0x8000  }
0x23: {  	[sflag:s16] =	ssyncset.done $0x0  }
0x24: {  	[sflag:s16] =	ssyncadd.s32 $0xFFFF8000  }
0x25: {  	[tilespmem:s8], [sflag:$0x3] =	stream.indirect.gather [hbm4b:s7+s5], $0x20, s2, s5, $0xb8;
	[tilespmem:$0x10800] =	vst v63  }
0x26: {  	_ =	swait.ge [sflag:s9], $0x8000  }
0x27: {  	[sflag:s9] =	ssyncset.done $0x0  }
0x28: {  	s17 =	sadd.s32 $0x2A9E00, s29;
	[sflag:s9] =	ssyncadd.s32 $0xFFFF8000  }
0x29: {  	[hbm4b:s17+s2] =	stream.linear.scatter [tilespmem:s8], [sflag:$0x4], $0x8000, $0x38;
	[tilespmem:$0x10800] =	vst v63  }
0x2a: {  	s18 =	sadd.s32 $0x110000, s25  }
0x2b: {  	[tilespmem:s2], [sflag:$0x1] =	stream.linear.gather [hbm4b:s18+s2], $0x400, $0x38;
	[tilespmem:$0x10800] =	vst v63  }
0x2c: {  	_ =	swait.ge [sflag:s12], $0x400  }
0x2d: {  	[sflag:s12] =	ssyncset.done $0x0  }
0x2e: {  	s19 =	simm.s32 $0x5;
	[sflag:s12] =	ssyncadd.s32 $0xFFFFFC00  }
0x2f: {  	_ =	swait.ge [sflag:s19], $0x8000  }
0x30: {  	[sflag:s19] =	ssyncset.done $0x0  }
0x31: {  	[sflag:s19] =	ssyncadd.s32 $0xFFFF8000  }
0x32: {  	[tilespmem:s13], [sflag:$0x3] =	stream.indirect.gather [hbm4b:s7+s5], $0x20, s5, s5, $0xb8;
	[tilespmem:$0x10800] =	vst v63  }
0x33: {  	_ =	swait.ge [sflag:s9], $0x8000  }
0x34: {  	[sflag:s9] =	ssyncset.done $0x0  }
0x35: {  	s20 =	sadd.s32 $0x2AAE00, s29;
	[sflag:s9] =	ssyncadd.s32 $0xFFFF8000  }
0x36: {  	[hbm4b:s20+s2] =	stream.linear.scatter [tilespmem:s13], [sflag:$0x5], $0x8000, $0x38;
	[tilespmem:$0x10800] =	vst v63  }
0x37: {  	s21 =	sadd.s32 $0x110080, s25  }
0x38: {  	[tilespmem:s5], [sflag:$0x2] =	stream.linear.gather [hbm4b:s21+s2], $0x400, $0x38;
	[tilespmem:$0x10800] =	vst v63  }
0x39: {  	_ =	swait.ge [sflag:s6], $0x400  }
0x3a: {  	[sflag:s6] =	ssyncset.done $0x0  }
0x3b: {  	[sflag:s6] =	ssyncadd.s32 $0xFFFFFC00  }
0x3c: {  	_ =	swait.ge [sflag:s16], $0x8000  }
0x3d: {  	[sflag:s16] =	ssyncset.done $0x0  }
0x3e: {  	[sflag:s16] =	ssyncadd.s32 $0xFFFF8000  }
0x3f: {  	[tilespmem:s8], [sflag:$0x3] =	stream.indirect.gather [hbm4b:s7+s5], $0x20, s2, s5, $0xb8;
	[tilespmem:$0x10800] =	vst v63  }
0x40: {  	_ =	swait.ge [sflag:s9], $0x8000  }
0x41: {  	[sflag:s9] =	ssyncset.done $0x0  }
0x42: {  	s22 =	sadd.s32 $0x2ABE00, s29;
	[sflag:s9] =	ssyncadd.s32 $0xFFFF8000  }
0x43: {  	[hbm4b:s22+s2] =	stream.linear.scatter [tilespmem:s8], [sflag:$0x4], $0x8000, $0x38;
	[tilespmem:$0x10800] =	vst v63  }
0x44: {  	s23 =	sadd.s32 $0x110100, s25  }
0x45: {  	[tilespmem:s2], [sflag:$0x1] =	stream.linear.gather [hbm4b:s23+s2], $0x400, $0x38;
	[tilespmem:$0x10800] =	vst v63  }
0x46: {  	_ =	swait.ge [sflag:s12], $0x400  }
0x47: {  	[sflag:s12] =	ssyncset.done $0x0  }
0x48: {  	[sflag:s12] =	ssyncadd.s32 $0xFFFFFC00  }
0x49: {  	_ =	swait.ge [sflag:s19], $0x8000  }
0x4a: {  	[sflag:s19] =	ssyncset.done $0x0  }
0x4b: {  	[sflag:s19] =	ssyncadd.s32 $0xFFFF8000  }
0x4c: {  	[tilespmem:s13], [sflag:$0x3] =	stream.indirect.gather [hbm4b:s7+s5], $0x20, s5, s5, $0xb8;
	[tilespmem:$0x10800] =	vst v63  }
0x4d: {  	_ =	swait.ge [sflag:s9], $0x8000  }
0x4e: {  	[sflag:s9] =	ssyncset.done $0x0  }
0x4f: {  	s24 =	sadd.s32 $0x2ACE00, s29;
	[sflag:s9] =	ssyncadd.s32 $0xFFFF8000  }
0x50: {  	[hbm4b:s24+s2] =	stream.linear.scatter [tilespmem:s13], [sflag:$0x5], $0x8000, $0x38;
	[tilespmem:$0x10800] =	vst v63  }
0x51: {  	s25 =	sadd.s32 $0x110180, s25  }
0x52: {  	[tilespmem:s5], [sflag:$0x2] =	stream.linear.gather [hbm4b:s25+s2], $0x400, $0x38;
	[tilespmem:$0x10800] =	vst v63  }
0x53: {  	_ =	swait.ge [sflag:s6], $0x400  }
0x54: {  	[sflag:s6] =	ssyncset.done $0x0  }
0x55: {  	[sflag:s6] =	ssyncadd.s32 $0xFFFFFC00  }
0x56: {  	_ =	swait.ge [sflag:s16], $0x8000  }
0x57: {  	[sflag:s16] =	ssyncset.done $0x0  }
0x58: {  	[sflag:s16] =	ssyncadd.s32 $0xFFFF8000  }
0x59: {  	[tilespmem:s8], [sflag:$0x3] =	stream.indirect.gather [hbm4b:s7+s5], $0x20, s2, s5, $0xb8;
	[tilespmem:$0x10800] =	vst v63  }
0x5a: {  	_ =	swait.ge [sflag:s9], $0x8000  }
0x5b: {  	[sflag:s9] =	ssyncset.done $0x0  }
0x5c: {  	s26 =	sadd.s32 $0x2ADE00, s29;
	[sflag:s9] =	ssyncadd.s32 $0xFFFF8000  }
0x5d: {  	[hbm4b:s26+s2] =	stream.linear.scatter [tilespmem:s8], [sflag:$0x4], $0x8000, $0x38;
	[tilespmem:$0x10800] =	vst v63  }
0x5e: {  	_ =	swait.ge [sflag:s12], $0x400  }
0x5f: {  	[sflag:s12] =	ssyncset.done $0x0  }
0x60: {  	[sflag:s12] =	ssyncadd.s32 $0xFFFFFC00  }
0x61: {  	_ =	swait.ge [sflag:s19], $0x8000  }
0x62: {  	s30 =	ssub.s32 $0x2, s28;
	[sflag:s19] =	ssyncset.done $0x0  }
0x63: {  	s28 =	sadd.s32 $0x2AEE00, s29;
	s29 =	sshrl.u32 s30, $0x1;
	[sflag:s19] =	ssyncadd.s32 $0xFFFF8000  }
0x64: {  	[tilespmem:s13], [sflag:$0x3] =	stream.indirect.gather [hbm4b:s7+s5], $0x20, s5, s5, $0xb8;
	[tilespmem:$0x10800] =	vst v63  }
0x65: {  	s29 =	ssub.s32 s30, s29;
	_ =	swait.ge [sflag:s9], $0x8000  }
0x66: {  	s29 =	smax.u32 s29, $0x1;
	[sflag:s9] =	ssyncset.done $0x0  }
0x67: {  	p0 =	sne.s32 s29, $0x1;
	[sflag:s9] =	ssyncadd.s32 $0xFFFF8000  }
0x68: {  	[hbm4b:s28+s2] =	stream.linear.scatter [tilespmem:s13], [sflag:$0x5], $0x8000, $0x38;
	[tilespmem:$0x10800] =	vst v63  }
.Ltmp0:
0x69: {  	_ =	swait.ge [sflag:s16], $0x8000;
	(pc) =	sbr.rel @!p0 .LBB2_2-.Ltmp0, $4  }
0x6a: {  	[sflag:s16] =	ssyncset.done $0x0  }
0x6b: {  	[sflag:s16] =	ssyncadd.s32 $0xFFFF8000  }
0x6c: {  	_ =	swait.ge [sflag:s19], $0x8000  }
0x6d: {  	s29 =	sadd.s32 $0xFFFFFFFF, s29;
	[sflag:s19] =	ssyncset.done $0x0  }
.LBB2_1:
0x6e: {  	p0 =	sne.s32 s29, $0x1;
	s29 =	sadd.s32 $0xFFFFFFFF, s29;
	[sflag:s19] =	ssyncadd.s32 $0xFFFF8000  }
0x6f: {  	[tilespmem:s2], [sflag:$0x1] =	stream.linear.gather [hbm4b:s3+s2], $0x400, $0x38;
	[tilespmem:$0x10800] =	vst v63  }
0x70: {  	_ = 	snop  }
0x71: {  	[tilespmem:s5], [sflag:$0x2] =	stream.linear.gather [hbm4b:s4+s2], $0x400, $0x38;
	[tilespmem:$0x10800] =	vst v63  }
0x72: {  	_ =	swait.ge [sflag:s6], $0x400  }
0x73: {  	[sflag:s6] =	ssyncset.done $0x0  }
0x74: {  	[sflag:s6] =	ssyncadd.s32 $0xFFFFFC00  }
0x75: {  	[tilespmem:s8], [sflag:$0x3] =	stream.indirect.gather [hbm4b:s7+s5], $0x20, s2, s5, $0xb8;
	[tilespmem:$0x10800] =	vst v63  }
0x76: {  	_ =	swait.ge [sflag:s9], $0x8000  }
0x77: {  	[sflag:s9] =	ssyncset.done $0x0  }
0x78: {  	[sflag:s9] =	ssyncadd.s32 $0xFFFF8000  }
0x79: {  	[hbm4b:s10+s2] =	stream.linear.scatter [tilespmem:s8], [sflag:$0x4], $0x8000, $0x38;
	[tilespmem:$0x10800] =	vst v63  }
0x7a: {  	_ = 	snop  }
0x7b: {  	[tilespmem:s2], [sflag:$0x1] =	stream.linear.gather [hbm4b:s11+s2], $0x400, $0x38;
	[tilespmem:$0x10800] =	vst v63  }
0x7c: {  	_ =	swait.ge [sflag:s12], $0x400  }
0x7d: {  	[sflag:s12] =	ssyncset.done $0x0  }
0x7e: {  	[sflag:s12] =	ssyncadd.s32 $0xFFFFFC00  }
0x7f: {  	[tilespmem:s13], [sflag:$0x3] =	stream.indirect.gather [hbm4b:s7+s5], $0x20, s5, s5, $0xb8;
	[tilespmem:$0x10800] =	vst v63  }
0x80: {  	_ =	swait.ge [sflag:s9], $0x8000  }
0x81: {  	[sflag:s9] =	ssyncset.done $0x0  }
0x82: {  	[sflag:s9] =	ssyncadd.s32 $0xFFFF8000  }
0x83: {  	[hbm4b:s14+s2] =	stream.linear.scatter [tilespmem:s13], [sflag:$0x5], $0x8000, $0x38;
	[tilespmem:$0x10800] =	vst v63  }
0x84: {  	_ = 	snop  }
0x85: {  	[tilespmem:s5], [sflag:$0x2] =	stream.linear.gather [hbm4b:s15+s2], $0x400, $0x38;
	[tilespmem:$0x10800] =	vst v63  }
0x86: {  	_ =	swait.ge [sflag:s6], $0x400  }
0x87: {  	[sflag:s6] =	ssyncset.done $0x0  }
0x88: {  	[sflag:s6] =	ssyncadd.s32 $0xFFFFFC00  }
0x89: {  	_ =	swait.ge [sflag:s16], $0x8000  }
0x8a: {  	[sflag:s16] =	ssyncset.done $0x0  }
0x8b: {  	[sflag:s16] =	ssyncadd.s32 $0xFFFF8000  }
0x8c: {  	[tilespmem:s8], [sflag:$0x3] =	stream.indirect.gather [hbm4b:s7+s5], $0x20, s2, s5, $0xb8;
	[tilespmem:$0x10800] =	vst v63  }
0x8d: {  	_ =	swait.ge [sflag:s9], $0x8000  }
0x8e: {  	[sflag:s9] =	ssyncset.done $0x0  }
0x8f: {  	[sflag:s9] =	ssyncadd.s32 $0xFFFF8000  }
0x90: {  	[hbm4b:s17+s2] =	stream.linear.scatter [tilespmem:s8], [sflag:$0x4], $0x8000, $0x38;
	[tilespmem:$0x10800] =	vst v63  }
0x91: {  	_ = 	snop  }
0x92: {  	[tilespmem:s2], [sflag:$0x1] =	stream.linear.gather [hbm4b:s18+s2], $0x400, $0x38;
	[tilespmem:$0x10800] =	vst v63  }
0x93: {  	_ =	swait.ge [sflag:s12], $0x400  }
0x94: {  	[sflag:s12] =	ssyncset.done $0x0  }
0x95: {  	[sflag:s12] =	ssyncadd.s32 $0xFFFFFC00  }
0x96: {  	_ =	swait.ge [sflag:s19], $0x8000  }
0x97: {  	[sflag:s19] =	ssyncset.done $0x0  }
0x98: {  	[sflag:s19] =	ssyncadd.s32 $0xFFFF8000  }
0x99: {  	[tilespmem:s13], [sflag:$0x3] =	stream.indirect.gather [hbm4b:s7+s5], $0x20, s5, s5, $0xb8;
	[tilespmem:$0x10800] =	vst v63  }
0x9a: {  	_ =	swait.ge [sflag:s9], $0x8000  }
0x9b: {  	[sflag:s9] =	ssyncset.done $0x0  }
0x9c: {  	[sflag:s9] =	ssyncadd.s32 $0xFFFF8000  }
0x9d: {  	[hbm4b:s20+s2] =	stream.linear.scatter [tilespmem:s13], [sflag:$0x5], $0x8000, $0x38;
	[tilespmem:$0x10800] =	vst v63  }
0x9e: {  	_ = 	snop  }
0x9f: {  	[tilespmem:s5], [sflag:$0x2] =	stream.linear.gather [hbm4b:s21+s2], $0x400, $0x38;
	[tilespmem:$0x10800] =	vst v63  }
0xa0: {  	_ =	swait.ge [sflag:s6], $0x400  }
0xa1: {  	[sflag:s6] =	ssyncset.done $0x0  }
0xa2: {  	[sflag:s6] =	ssyncadd.s32 $0xFFFFFC00  }
0xa3: {  	_ =	swait.ge [sflag:s16], $0x8000  }
0xa4: {  	[sflag:s16] =	ssyncset.done $0x0  }
0xa5: {  	[sflag:s16] =	ssyncadd.s32 $0xFFFF8000  }
0xa6: {  	[tilespmem:s8], [sflag:$0x3] =	stream.indirect.gather [hbm4b:s7+s5], $0x20, s2, s5, $0xb8;
	[tilespmem:$0x10800] =	vst v63  }
0xa7: {  	_ =	swait.ge [sflag:s9], $0x8000  }
0xa8: {  	[sflag:s9] =	ssyncset.done $0x0  }
0xa9: {  	[sflag:s9] =	ssyncadd.s32 $0xFFFF8000  }
0xaa: {  	[hbm4b:s22+s2] =	stream.linear.scatter [tilespmem:s8], [sflag:$0x4], $0x8000, $0x38;
	[tilespmem:$0x10800] =	vst v63  }
0xab: {  	_ = 	snop  }
0xac: {  	[tilespmem:s2], [sflag:$0x1] =	stream.linear.gather [hbm4b:s23+s2], $0x400, $0x38;
	[tilespmem:$0x10800] =	vst v63  }
0xad: {  	_ =	swait.ge [sflag:s12], $0x400  }
0xae: {  	[sflag:s12] =	ssyncset.done $0x0  }
0xaf: {  	[sflag:s12] =	ssyncadd.s32 $0xFFFFFC00  }
0xb0: {  	_ =	swait.ge [sflag:s19], $0x8000  }
0xb1: {  	[sflag:s19] =	ssyncset.done $0x0  }
0xb2: {  	[sflag:s19] =	ssyncadd.s32 $0xFFFF8000  }
0xb3: {  	[tilespmem:s13], [sflag:$0x3] =	stream.indirect.gather [hbm4b:s7+s5], $0x20, s5, s5, $0xb8;
	[tilespmem:$0x10800] =	vst v63  }
0xb4: {  	_ =	swait.ge [sflag:s9], $0x8000  }
0xb5: {  	[sflag:s9] =	ssyncset.done $0x0  }
0xb6: {  	[sflag:s9] =	ssyncadd.s32 $0xFFFF8000  }
0xb7: {  	[hbm4b:s24+s2] =	stream.linear.scatter [tilespmem:s13], [sflag:$0x5], $0x8000, $0x38;
	[tilespmem:$0x10800] =	vst v63  }
0xb8: {  	_ = 	snop  }
0xb9: {  	[tilespmem:s5], [sflag:$0x2] =	stream.linear.gather [hbm4b:s25+s2], $0x400, $0x38;
	[tilespmem:$0x10800] =	vst v63  }
0xba: {  	_ =	swait.ge [sflag:s6], $0x400  }
0xbb: {  	[sflag:s6] =	ssyncset.done $0x0  }
0xbc: {  	[sflag:s6] =	ssyncadd.s32 $0xFFFFFC00  }
0xbd: {  	_ =	swait.ge [sflag:s16], $0x8000  }
0xbe: {  	[sflag:s16] =	ssyncset.done $0x0  }
0xbf: {  	[sflag:s16] =	ssyncadd.s32 $0xFFFF8000  }
0xc0: {  	[tilespmem:s8], [sflag:$0x3] =	stream.indirect.gather [hbm4b:s7+s5], $0x20, s2, s5, $0xb8;
	[tilespmem:$0x10800] =	vst v63  }
0xc1: {  	_ =	swait.ge [sflag:s9], $0x8000  }
0xc2: {  	[sflag:s9] =	ssyncset.done $0x0  }
0xc3: {  	[sflag:s9] =	ssyncadd.s32 $0xFFFF8000  }
0xc4: {  	[hbm4b:s26+s2] =	stream.linear.scatter [tilespmem:s8], [sflag:$0x4], $0x8000, $0x38;
	[tilespmem:$0x10800] =	vst v63  }
0xc5: {  	_ =	swait.ge [sflag:s12], $0x400  }
0xc6: {  	[sflag:s12] =	ssyncset.done $0x0  }
0xc7: {  	[sflag:s12] =	ssyncadd.s32 $0xFFFFFC00  }
0xc8: {  	_ =	swait.ge [sflag:s19], $0x8000  }
0xc9: {  	[sflag:s19] =	ssyncset.done $0x0  }
0xca: {  	[sflag:s19] =	ssyncadd.s32 $0xFFFF8000  }
0xcb: {  	[tilespmem:s13], [sflag:$0x3] =	stream.indirect.gather [hbm4b:s7+s5], $0x20, s5, s5, $0xb8;
	[tilespmem:$0x10800] =	vst v63  }
0xcc: {  	_ =	swait.ge [sflag:s9], $0x8000  }
0xcd: {  	[sflag:s9] =	ssyncset.done $0x0  }
0xce: {  	[sflag:s9] =	ssyncadd.s32 $0xFFFF8000  }
0xcf: {  	[hbm4b:s28+s2] =	stream.linear.scatter [tilespmem:s13], [sflag:$0x5], $0x8000, $0x38;
	[tilespmem:$0x10800] =	vst v63  }
.Ltmp1:
0xd0: {  	_ =	swait.ge [sflag:s16], $0x8000;
	(pc) =	sbr.rel @p0 .LBB2_1-.Ltmp1, $4  }
0xd1: {  	[sflag:s16] =	ssyncset.done $0x0  }
0xd2: {  	[sflag:s16] =	ssyncadd.s32 $0xFFFF8000  }
0xd3: {  	_ =	swait.ge [sflag:s19], $0x8000  }
0xd4: {  	[sflag:s19] =	ssyncset.done $0x0  }
.LBB2_2:
0xd5: {  	[sflag:s19] =	ssyncadd.s32 $0xFFFF8000  }
0xd6: {  	_ =	sfence.sel $0x180000  }
0xd7: {  	[bflag:$0x0] =	sbarrier.arrive $0xFFFF  }
0xd8: {  	p0 =	sne.s32 s0, $0x0;
	_ =	strace $0x9000004A  }
0xd9: {  	s0 =	sadd.s32 @!p0 $0x100000, s1;
	[bflag:$0x2] =	sbarrier.arrive $0xFFFF  }
0xda: {  	[sflag:s0] =	ssyncadd.tile.s32 @!p0 $0x1;
	_ =	shalt  }
.Lfunc_end2:
_tile_overlayer_lowered:
.L_overlay_start_2:
0xdb: {  	(tag) =	ssettag $0x2  }
0xdc: {  	s0 =	rddreg [dreg:$0x0];
	s2 =	stileid.u32  }
0xdd: {  	s1 =	rddreg [dreg:$0x1];
	p0 =	sne.s32 s2, $0x0  }
0xde: {  	s3 =	rddreg [dreg:$0x2];
	[bflag:$0x3] =	sbarrier.arrive $0xFFFF;
	s2 =	simm.s32 @!p0 $0x1C06  }
0xdf: {  	[timem:s3], [sflag:s2] =	dma.local @!p0 [hbm:s0], s1  }
0xe0: {  	s0 =	simm.s32 @!p0 $0x6  }
0xe1: {  	_ =	swait.ge @!p0 [sflag:s0], s1  }
0xe2: {  	s1 =	ssub.s32 @!p0 $0x0, s1;
	[sflag:s0] =	ssyncset.done @!p0 $0x0  }
0xe3: {  	[sflag:s0] =	ssyncadd.s32 @!p0 s1  }
0xe4: {  	[bflag:$0x3] =	sbarrier.arrive $0xFFFF  }
0xe5: {  	_ =	shalt  }

// kernel: kernel.19.cloned.1.call-start
scs
__scs_entry_jumppad:
0x0: {  	(pc) =	sbr.rel $0x88, $3  }
0x1: {  	(tag) =	ssettag $0x0;
	lr =	simm.s32 $0x1  }
0x2: {  	[smem:$0x3F84] =	sst lr;
	_ =	strace $0xD0000000  }
0x3: {  	_ = 	snop  }
0x4: {  	_ = 	snop  }
0x5: {  	_ = 	snop  }
0x6: {  	_ = 	snop  }
0x7: {  	_ = 	snop  }
__scs_overlays_trampoline_lowered:
0x8: {  	[smem:$0x3F93] =	sst s0  }
0x9: {  	[smem:$0x3F94] =	sst s1  }
0xa: {  	[smem:$0x3F95] =	sst s2  }
0xb: {  	[smem:$0x3F96] =	sst s3  }
0xc: {  	[smem:$0x3F97] =	sst s4  }
0xd: {  	[smem:$0x3F98] =	sst s5  }
0xe: {  	[smem:$0x3F99] =	sst s6  }
0xf: {  	[smem:$0x3F9A] =	sst s7  }
0x10: {  	[smem:$0x3F9B] =	sst s8  }
0x11: {  	[smem:$0x3F9C] =	sst s9;
	s0 =	simm.s32 @!p0 $0x0  }
0x12: {  	s1 =	sld [smem:$0x3F82];
	s0 =	simm.s32 @p0 $0x1  }
0x13: {  	[smem:$0x3F9D] =	sst s0;
	s0 =	simm.s32 @!p1 $0x0  }
0x14: {  	s2 =	sld [smem:$0x3F81];
	s0 =	simm.s32 @p1 $0x1  }
0x15: {  	[smem:$0x3F9E] =	sst s0;
	s0 =	simm.s32 @!p2 $0x0  }
0x16: {  	s3 =	sld [smem:$0x3FDB];
	s0 =	simm.s32 @p2 $0x1  }
0x17: {  	s4 =	simm.s32 $0x1BF5;
	[smem:$0x3FA0] =	sst s0  }
0x18: {  	s0 =	sld [smem:$0x3F83];
	_ =	swait.ge [sflag:s4], $0x0  }
0x19: {  	s7 =	sld [smem:$0x3F84]  }
0x1a: {  	s8 =	sadd.s32 $0xFFFFE003, lr  }
0x1b: {  	s9 =	sadd.s32 $0xFFFFFEF7, lr;
	s5 =	simm.s32 $0xFFFFFFFF;
	p2 =	slt.u32 s8, $0xFFFFF086  }
0x1c: {  	p1 =	slt.u32 s9, $0xF7A;
	s5 =	simm.s32 @!p2 $0x0  }
0x1d: {  	s5 =	simm.s32 @p1 $0x1;
	p0 =	seq.s32 s7, s2  }
0x1e: {  	s7 =	smul.u32 @!p0 $0xF7A, s2;
	p2 =	seq.s32 @!p0 s5, $0x0  }
0x1f: {  	s9 =	smul.u32 $0xF7A, s1;
	s8 =	simm.s32 @!p0 $0x1BF5;
	p2 =	por !p2, p0  }
0x20: {  	[sflag:s8] =	ssyncset.s32 @!p0 $0xFFFFF086;
	s6 =	sadd.s32 @!p0 s3, s7;
	s7 =	simm.s32 @!p0 $0x108  }
0x21: {  	s3 =	sadd.s32 s3, s9;
	s6 =	sadd.s32 @!p0 $0x88, s6;
	s7 =	simm.s32 @p2 $0x1082  }
0x22: {  	[simem:s7], [sflag:s8] =	dma.local @!p0 [hbm:s6], $0xF7A  }
0x23: {  	s9 =	sor.u32 $0xD0000000, s2;
	s6 =	simm.s32 $0x108;
	_ =	swait.ge @!p0 [sflag:s8], $0x0  }
0x24: {  	s3 =	sadd.s32 $0x88, s3;
	s6 =	simm.s32 @!p1 $0x1082;
	[sflag:s4] =	ssyncset.s32 $0xFFFFF086  }
0x25: {  	[simem:s6], [sflag:s4] =	dma.local [hbm:s3], $0xF7A  }
0x26: {  	[smem:$0x3F84] =	sst s1;
	(tag) =	ssettag s2;
	_ =	strace s9  }
0x27: {  	s1 =	sld [smem:$0x3F94]  }
0x28: {  	s2 =	sld [smem:$0x3F95]  }
0x29: {  	s4 =	sld [smem:$0x3F97]  }
0x2a: {  	p0 =	seq.s32 s5, $0x0;
	s5 =	sld [smem:$0x3F98]  }
0x2b: {  	s6 =	sld [smem:$0x3F99]  }
0x2c: {  	s7 =	sld [smem:$0x3F9A]  }
0x2d: {  	s3 =	simm.s32 $0x108;
	s8 =	sld [smem:$0x3F9B]  }
0x2e: {  	s3 =	simm.s32 @!p0 $0x1082;
	s9 =	sld [smem:$0x3F9C]  }
0x2f: {  	lr =	sadd.s32 s0, s3;
	s0 =	sld [smem:$0x3F93]  }
0x30: {  	s3 =	sld [smem:$0x3F96]  }
0x31: {  	[smem:$0x3F9F] =	sst s10  }
0x32: {  	s10 =	sld [smem:$0x3F9D];
	_ =	sdelay $0x3  }
0x33: {  	p0 =	seq.s32 s10, $0x1;
	s10 =	sld [smem:$0x3F9F];
	_ =	sdelay $0x3  }
0x34: {  	[smem:$0x3F9F] =	sst s10  }
0x35: {  	s10 =	sld [smem:$0x3F9E];
	_ =	sdelay $0x3  }
0x36: {  	p1 =	seq.s32 s10, $0x1;
	s10 =	sld [smem:$0x3F9F];
	_ =	sdelay $0x3  }
0x37: {  	[smem:$0x3F9F] =	sst s10  }
0x38: {  	s10 =	sld [smem:$0x3FA0]  }
0x39: {  	_ = 	snop;
	(pc) =	sbr.ind lr, $3  }
0x3a: {  	_ = 	snop  }
0x3b: {  	_ = 	snop  }
0x3c: {  	p2 =	seq.s32 s10, $0x1;
	s10 =	sld [smem:$0x3F9F]  }
0x3d: {  	_ =	shalt  }
0x3e: {  	_ =	shalt  }
0x3f: {  	_ =	shalt  }
0x40: {  	_ =	shalt  }
0x41: {  	_ =	shalt  }
0x42: {  	_ =	shalt  }
0x43: {  	_ =	shalt  }
0x44: {  	_ =	shalt  }
0x45: {  	_ =	shalt  }
0x46: {  	_ =	shalt  }
0x47: {  	_ =	shalt  }
0x48: {  	_ =	shalt  }
0x49: {  	_ =	shalt  }
0x4a: {  	_ =	shalt  }
0x4b: {  	_ =	shalt  }
0x4c: {  	_ =	shalt  }
0x4d: {  	_ =	shalt  }
0x4e: {  	_ =	shalt  }
0x4f: {  	_ =	shalt  }
0x50: {  	_ =	shalt  }
0x51: {  	_ =	shalt  }
0x52: {  	_ =	shalt  }
0x53: {  	_ =	shalt  }
0x54: {  	_ =	shalt  }
0x55: {  	_ =	shalt  }
0x56: {  	_ =	shalt  }
0x57: {  	_ =	shalt  }
0x58: {  	_ =	shalt  }
0x59: {  	_ =	shalt  }
0x5a: {  	_ =	shalt  }
0x5b: {  	_ =	shalt  }
0x5c: {  	_ =	shalt  }
0x5d: {  	_ =	shalt  }
0x5e: {  	_ =	shalt  }
0x5f: {  	_ =	shalt  }
0x60: {  	_ =	shalt  }
0x61: {  	_ =	shalt  }
0x62: {  	_ =	shalt  }
0x63: {  	_ =	shalt  }
0x64: {  	_ =	shalt  }
0x65: {  	_ =	shalt  }
0x66: {  	_ =	shalt  }
0x67: {  	_ =	shalt  }
0x68: {  	_ =	shalt  }
0x69: {  	_ =	shalt  }
0x6a: {  	_ =	shalt  }
0x6b: {  	_ =	shalt  }
0x6c: {  	_ =	shalt  }
0x6d: {  	_ =	shalt  }
0x6e: {  	_ =	shalt  }
0x6f: {  	_ =	shalt  }
0x70: {  	_ =	shalt  }
0x71: {  	_ =	shalt  }
0x72: {  	_ =	shalt  }
0x73: {  	_ =	shalt  }
0x74: {  	_ =	shalt  }
0x75: {  	_ =	shalt  }
0x76: {  	_ =	shalt  }
0x77: {  	_ =	shalt  }
0x78: {  	_ =	shalt  }
0x79: {  	_ =	shalt  }
0x7a: {  	_ =	shalt  }
0x7b: {  	_ =	shalt  }
0x7c: {  	_ =	shalt  }
0x7d: {  	_ =	shalt  }
0x7e: {  	_ =	shalt  }
0x7f: {  	_ =	shalt  }
0x80: {  	_ =	shalt  }
0x81: {  	_ =	shalt  }
0x82: {  	_ =	shalt  }
0x83: {  	_ =	shalt  }
0x84: {  	_ =	shalt  }
0x85: {  	_ =	shalt  }
0x86: {  	_ =	shalt  }
0x87: {  	_ =	shalt  }
.Lfunc_end0:
.L_simem_size_0:
called_computation.2_lowered:
.L_overlay_start_0:
0x88: {  	s2 =	sld [smem:$0x3FD9]  }
0x89: {  	s3 =	sld [smem:$0x3FFE];
	_ =	sdelay $0x1  }
0x8a: {  	s1 =	srdreg.scid  }
0x8b: {  	s0 =	sand.u32 $0x1, s1  }
0x8c: {  	s16 =	sshll.u32 s0, $0xA;
	s2 =	sadd.s32 s3, s2  }
0x8d: {  	s2 =	sadd.s32 s2, s16  }
0x8e: {  	[smem:$0x3FAB] =	sst s2  }
0x8f: {  	_ = 	snop  }
0x90: {  	(tm) =	ssettm $0x1  }
0x91: {  	s17 =	sld [smem:$0x3FFB];
	_ =	sdelay $0x3  }
0x92: {  	_ =	strace s17  }
0x93: {  	s2 =	sld [smem:$0x3FFC];
	_ =	sdelay $0x3  }
0x94: {  	_ =	strace s2  }
0x95: {  	s2 =	sld [smem:$0x3FFD];
	_ =	sdelay $0x3  }
0x96: {  	_ =	strace s2  }
0x97: {  	_ =	strace $0x8FFFFFFF  }
0x98: {  	s18 =	sld [smem:$0x3FDB];
	_ =	sdelay $0x1  }
0x99: {  	s19 =	simm.s32 $_scs_section_size  }
0x9a: {  	s4 =	simm.s32 $_size__tile_overlayer_lowered;
	s5 =	simm.s32 $_tile_overlayer_lowered  }
0x9b: {  	s22 =	simm.s32 $0x1BFF;
	s21 =	sshll.u32 s5, $0x1;
	s2 =	sadd.s32 s19, s18  }
0x9c: {  	s6 =	simm.s32 $0x0;
	s20 =	sshll.u32 s4, $0x1;
	s4 =	sadd.s32 s21, s2  }
0x9d: {  	[timem:s6], [sflag:s22] =	dma.local [hbm:s4], s20  }
0x9e: {  	_ =	swait.ge [sflag:s22], s20  }
0x9f: {  	s3 =	ssub.s32 $0x0, s20;
	[sflag:s22] =	ssyncset.done $0x0  }
0xa0: {  	[sflag:s22] =	ssyncadd.s32 s3;
	_ =	sdelay $0x1  }
0xa1: {  	s23 =	simm.s32 $0x1B8B  }
0xa2: {  	_ =	swait.ge [sflag:s23], $0x1  }
0xa3: {  	[sflag:s23] =	ssyncset.done $0x0  }
0xa4: {  	s25 =	simm.s32 $0x1B8E;
	s24 =	sld [smem:$0x3FFE];
	[sflag:s23] =	ssyncadd.s32 $0xFFFFFFFF  }
0xa5: {  	s26 =	simm.s32 $execute0_lowered;
	[smem:$0x3FD2] =	sst s25  }
0xa6: {  	s4 =	sshll.u32 s26, $0x1;
	_ =	strace $0x8000004C;
	[dreg:$0x1] =	wrdreg $0xFFFFFFFF  }
0xa7: {  	s28 =	simm.s32 $_size_execute0_lowered;
	s2 =	sadd.s32 s2, s4;
	[dreg:$0x0] =	wrdreg $0x0  }
0xa8: {  	s4 =	sshll.u32 s28, $0x1;
	[dreg:$0x2] =	wrdreg s2  }
0xa9: {  	[dreg:$0x3] =	wrdreg s4  }
0xaa: {  	[dreg:$0x4] =	wrdreg $0xC0  }
0xab: {  	_ =	task [dreg:s6], $0x5FFFF  }
0xac: {  	[dreg:$0x1] =	wrdreg $0xFFFFFFFF  }
0xad: {  	[dreg:$0x0] =	wrdreg $0x60  }
0xae: {  	[dreg:$0x2] =	wrdreg s24  }
0xaf: {  	[dreg:$0x3] =	wrdreg $0x9  }
0xb0: {  	_ =	task.clear_ibuf [dreg:s6], $0x4FFFF;
	_ =	strace $0x9000004C  }
0xb1: {  	s29 =	simm.s32 $0x9;
	_ =	strace $0x8000004E  }
0xb2: {  	_ =	swait.ge [sflag:s29], $0x1  }
0xb3: {  	[sflag:s29] =	ssyncadd.s32 $0xFFFFFFFF  }
0xb4: {  	_ =	strace $0x9000004E  }
0xb5: {  	_ =	sfence  }
0xb6: {  	s30 =	sld [smem:$0x0];
	_ =	sdelay $0x2  }
0xb7: {  	s31 =	sshll.u32 s1, $0xD;
	s1 =	sshrl.u32 s1, $0x2  }
0xb8: {  	s3 =	sand.u32 $0x4000, s31;
	s1 =	sadd.s32 s1, s30  }
0xb9: {  	s0 =	sor.u32 s3, s0;
	s1 =	sshll.u32 s1, $0x11  }
0xba: {  	s0 =	sor.u32 s1, s0  }
0xbb: {  	s0 =	sadd.s32 $0x8F2B, s0  }
0xbc: {  	[sflag:s0] =	ssyncadd.remote.s32 $0x1  }
0xbd: {  	_ =	sfence.sel $0xFFFF  }
0xbe: {  	[dreg:$0x0] =	wrdreg $0xFFFFFFFF;
	(pc) =	sbr.abs _section_cstart, $3  }
0xbf: {  	[dreg:$0x1] =	wrdreg $0xFFFFFFFF  }
0xc0: {  	_ =	task.clear_ibuf [dreg:s6], $0x2FFFF;
	_ =	strace $0x9FFFFFFF  }
0xc1: {  	(tm) =	ssettm $0x7FFFFFFF  }
tec
execute0_lowered:
.L_overlay_start_1:
0x0: {  	(tag) =	ssettag $0x1  }
0x1: {  	s2 =	srdreg.scid  }
0x2: {  	s10 =	rddreg [dreg:$0x0];
	s1 =	stileid.u32;
	s19 =	sand.u32 $0x1, s2  }
0x3: {  	s0 =	rddreg [dreg:$0x1];
	s3 =	sshll.u32 s1, $0xD;
	s4 =	sshll.u32 s19, $0xC  }
0x4: {  	s2 =	simm.s32 $0x0;
	s15 =	sadd.s32 $0x117E00, s10;
	s14 =	sor.u32 s4, s3  }
0x5: {  	[smem:$0x7FF] =	sst s2;
	s3 =	sshrl.u32 s14, $0x3;
	s16 =	sor.u32 $0x400, s14  }
0x6: {  	_ =	strace $0x8000004D;
	s3 =	sadd.s32 s15, s3;
	s28 =	sshrl.u32 s16, $0x3  }
0x7: {  	[tilespmem:s2], [sflag:$0x1] =	stream.linear.gather [hbm4b:s3+s2], $0x400, $0x38;
	[tilespmem:$0x10800] =	vst v63  }
0x8: {  	s5 =	simm.s32 $0x400;
	s6 =	simm.s32 $0x1;
	s4 =	sadd.s32 s15, s28  }
0x9: {  	[tilespmem:s5], [sflag:$0x2] =	stream.linear.gather [hbm4b:s4+s2], $0x400, $0x38;
	[tilespmem:$0x10800] =	vst v63  }
0xa: {  	_ =	swait.ge [sflag:s6], $0x400  }
0xb: {  	s8 =	simm.s32 $0x800;
	[sflag:s6] =	ssyncset.done $0x0  }
0xc: {  	s9 =	simm.s32 $0x3;
	s7 =	sadd.s32 $0x227E00, s10;
	[sflag:s6] =	ssyncadd.s32 $0xFFFFFC00  }
0xd: {  	[tilespmem:s8], [sflag:$0x3] =	stream.indirect.gather [hbm4b:s7+s5], $0x20, s2, s5, $0xb8;
	[tilespmem:$0x10800] =	vst v63  }
0xe: {  	s20 =	sadd.s32 $0x87E00, s10;
	_ =	swait.ge [sflag:s9], $0x8000  }
0xf: {  	s29 =	sshll.u32 s14, $0x2;
	s17 =	sor.u32 $0x800, s14;
	[sflag:s9] =	ssyncset.done $0x0  }
0x10: {  	s10 =	sadd.s32 s20, s29;
	s11 =	sshrl.u32 s17, $0x3;
	[sflag:s9] =	ssyncadd.s32 $0xFFFF8000  }
0x11: {  	[hbm4b:s10+s2] =	stream.linear.scatter [tilespmem:s8], [sflag:$0x4], $0x8000, $0x38;
	[tilespmem:$0x10800] =	vst v63  }
0x12: {  	s12 =	simm.s32 $0x2;
	s11 =	sadd.s32 s15, s11  }
0x13: {  	[tilespmem:s2], [sflag:$0x1] =	stream.linear.gather [hbm4b:s11+s2], $0x400, $0x38;
	[tilespmem:$0x10800] =	vst v63  }
0x14: {  	_ =	swait.ge [sflag:s12], $0x400  }
0x15: {  	[sflag:s12] =	ssyncset.done $0x0  }
0x16: {  	s13 =	simm.s32 $0x8800;
	[sflag:s12] =	ssyncadd.s32 $0xFFFFFC00  }
0x17: {  	[tilespmem:s13], [sflag:$0x3] =	stream.indirect.gather [hbm4b:s7+s5], $0x20, s5, s5, $0xb8;
	[tilespmem:$0x10800] =	vst v63  }
0x18: {  	_ =	swait.ge [sflag:s9], $0x8000  }
0x19: {  	s21 =	sor.u32 $0xC00, s14;
	s16 =	sshll.u32 s16, $0x2;
	[sflag:s9] =	ssyncset.done $0x0  }
0x1a: {  	s30 =	sshrl.u32 s21, $0x3;
	s14 =	sadd.s32 s20, s16;
	[sflag:s9] =	ssyncadd.s32 $0xFFFF8000  }
0x1b: {  	[hbm4b:s14+s2] =	stream.linear.scatter [tilespmem:s13], [sflag:$0x5], $0x8000, $0x38;
	[tilespmem:$0x10800] =	vst v63  }
0x1c: {  	s15 =	sadd.s32 s15, s30  }
0x1d: {  	[tilespmem:s5], [sflag:$0x2] =	stream.linear.gather [hbm4b:s15+s2], $0x400, $0x38;
	[tilespmem:$0x10800] =	vst v63  }
0x1e: {  	_ =	swait.ge [sflag:s6], $0x400  }
0x1f: {  	[sflag:s6] =	ssyncset.done $0x0  }
0x20: {  	s16 =	simm.s32 $0x4;
	[sflag:s6] =	ssyncadd.s32 $0xFFFFFC00  }
0x21: {  	_ =	swait.ge [sflag:s16], $0x8000  }
0x22: {  	[sflag:s16] =	ssyncset.done $0x0  }
0x23: {  	[sflag:s16] =	ssyncadd.s32 $0xFFFF8000  }
0x24: {  	[tilespmem:s8], [sflag:$0x3] =	stream.indirect.gather [hbm4b:s7+s5], $0x20, s2, s5, $0xb8;
	[tilespmem:$0x10800] =	vst v63  }
0x25: {  	_ =	swait.ge [sflag:s9], $0x8000  }
0x26: {  	s17 =	sshll.u32 s17, $0x2;
	[sflag:s9] =	ssyncset.done $0x0  }
0x27: {  	s17 =	sadd.s32 s20, s17;
	[sflag:s9] =	ssyncadd.s32 $0xFFFF8000  }
0x28: {  	[hbm4b:s17+s2] =	stream.linear.scatter [tilespmem:s8], [sflag:$0x4], $0x8000, $0x38;
	[tilespmem:$0x10800] =	vst v63  }
0x29: {  	_ =	swait.ge [sflag:s12], $0x400  }
0x2a: {  	[sflag:s12] =	ssyncset.done $0x0  }
0x2b: {  	s18 =	simm.s32 $0x5;
	[sflag:s12] =	ssyncadd.s32 $0xFFFFFC00  }
0x2c: {  	_ =	swait.ge [sflag:s18], $0x8000  }
0x2d: {  	s22 =	ssub.s32 $0x2, s19;
	[sflag:s18] =	ssyncset.done $0x0  }
0x2e: {  	s31 =	sshrl.u32 s22, $0x1;
	s21 =	sshll.u32 s21, $0x2;
	[sflag:s18] =	ssyncadd.s32 $0xFFFF8000  }
0x2f: {  	[tilespmem:s13], [sflag:$0x3] =	stream.indirect.gather [hbm4b:s7+s5], $0x20, s5, s5, $0xb8;
	[tilespmem:$0x10800] =	vst v63  }
0x30: {  	s19 =	sadd.s32 s20, s21;
	s20 =	ssub.s32 s22, s31;
	_ =	swait.ge [sflag:s9], $0x8000  }
0x31: {  	s20 =	smax.u32 s20, $0x1;
	[sflag:s9] =	ssyncset.done $0x0  }
0x32: {  	p0 =	sne.s32 s20, $0x1;
	[sflag:s9] =	ssyncadd.s32 $0xFFFF8000  }
0x33: {  	[hbm4b:s19+s2] =	stream.linear.scatter [tilespmem:s13], [sflag:$0x5], $0x8000, $0x38;
	[tilespmem:$0x10800] =	vst v63  }
.Ltmp0:
0x34: {  	_ =	swait.ge [sflag:s16], $0x8000;
	(pc) =	sbr.rel @!p0 .LBB2_2-.Ltmp0, $4  }
0x35: {  	[sflag:s16] =	ssyncset.done $0x0  }
0x36: {  	[sflag:s16] =	ssyncadd.s32 $0xFFFF8000  }
0x37: {  	_ =	swait.ge [sflag:s18], $0x8000  }
0x38: {  	s20 =	sadd.s32 $0xFFFFFFFF, s20;
	[sflag:s18] =	ssyncset.done $0x0  }
.LBB2_1:
0x39: {  	p0 =	sne.s32 s20, $0x1;
	s20 =	sadd.s32 $0xFFFFFFFF, s20;
	[sflag:s18] =	ssyncadd.s32 $0xFFFF8000  }
0x3a: {  	[tilespmem:s2], [sflag:$0x1] =	stream.linear.gather [hbm4b:s3+s2], $0x400, $0x38;
	[tilespmem:$0x10800] =	vst v63  }
0x3b: {  	_ = 	snop  }
0x3c: {  	[tilespmem:s5], [sflag:$0x2] =	stream.linear.gather [hbm4b:s4+s2], $0x400, $0x38;
	[tilespmem:$0x10800] =	vst v63  }
0x3d: {  	_ =	swait.ge [sflag:s6], $0x400  }
0x3e: {  	[sflag:s6] =	ssyncset.done $0x0  }
0x3f: {  	[sflag:s6] =	ssyncadd.s32 $0xFFFFFC00  }
0x40: {  	[tilespmem:s8], [sflag:$0x3] =	stream.indirect.gather [hbm4b:s7+s5], $0x20, s2, s5, $0xb8;
	[tilespmem:$0x10800] =	vst v63  }
0x41: {  	_ =	swait.ge [sflag:s9], $0x8000  }
0x42: {  	[sflag:s9] =	ssyncset.done $0x0  }
0x43: {  	[sflag:s9] =	ssyncadd.s32 $0xFFFF8000  }
0x44: {  	[hbm4b:s10+s2] =	stream.linear.scatter [tilespmem:s8], [sflag:$0x4], $0x8000, $0x38;
	[tilespmem:$0x10800] =	vst v63  }
0x45: {  	_ = 	snop  }
0x46: {  	[tilespmem:s2], [sflag:$0x1] =	stream.linear.gather [hbm4b:s11+s2], $0x400, $0x38;
	[tilespmem:$0x10800] =	vst v63  }
0x47: {  	_ =	swait.ge [sflag:s12], $0x400  }
0x48: {  	[sflag:s12] =	ssyncset.done $0x0  }
0x49: {  	[sflag:s12] =	ssyncadd.s32 $0xFFFFFC00  }
0x4a: {  	[tilespmem:s13], [sflag:$0x3] =	stream.indirect.gather [hbm4b:s7+s5], $0x20, s5, s5, $0xb8;
	[tilespmem:$0x10800] =	vst v63  }
0x4b: {  	_ =	swait.ge [sflag:s9], $0x8000  }
0x4c: {  	[sflag:s9] =	ssyncset.done $0x0  }
0x4d: {  	[sflag:s9] =	ssyncadd.s32 $0xFFFF8000  }
0x4e: {  	[hbm4b:s14+s2] =	stream.linear.scatter [tilespmem:s13], [sflag:$0x5], $0x8000, $0x38;
	[tilespmem:$0x10800] =	vst v63  }
0x4f: {  	_ = 	snop  }
0x50: {  	[tilespmem:s5], [sflag:$0x2] =	stream.linear.gather [hbm4b:s15+s2], $0x400, $0x38;
	[tilespmem:$0x10800] =	vst v63  }
0x51: {  	_ =	swait.ge [sflag:s6], $0x400  }
0x52: {  	[sflag:s6] =	ssyncset.done $0x0  }
0x53: {  	[sflag:s6] =	ssyncadd.s32 $0xFFFFFC00  }
0x54: {  	_ =	swait.ge [sflag:s16], $0x8000  }
0x55: {  	[sflag:s16] =	ssyncset.done $0x0  }
0x56: {  	[sflag:s16] =	ssyncadd.s32 $0xFFFF8000  }
0x57: {  	[tilespmem:s8], [sflag:$0x3] =	stream.indirect.gather [hbm4b:s7+s5], $0x20, s2, s5, $0xb8;
	[tilespmem:$0x10800] =	vst v63  }
0x58: {  	_ =	swait.ge [sflag:s9], $0x8000  }
0x59: {  	[sflag:s9] =	ssyncset.done $0x0  }
0x5a: {  	[sflag:s9] =	ssyncadd.s32 $0xFFFF8000  }
0x5b: {  	[hbm4b:s17+s2] =	stream.linear.scatter [tilespmem:s8], [sflag:$0x4], $0x8000, $0x38;
	[tilespmem:$0x10800] =	vst v63  }
0x5c: {  	_ =	swait.ge [sflag:s12], $0x400  }
0x5d: {  	[sflag:s12] =	ssyncset.done $0x0  }
0x5e: {  	[sflag:s12] =	ssyncadd.s32 $0xFFFFFC00  }
0x5f: {  	_ =	swait.ge [sflag:s18], $0x8000  }
0x60: {  	[sflag:s18] =	ssyncset.done $0x0  }
0x61: {  	[sflag:s18] =	ssyncadd.s32 $0xFFFF8000  }
0x62: {  	[tilespmem:s13], [sflag:$0x3] =	stream.indirect.gather [hbm4b:s7+s5], $0x20, s5, s5, $0xb8;
	[tilespmem:$0x10800] =	vst v63  }
0x63: {  	_ =	swait.ge [sflag:s9], $0x8000  }
0x64: {  	[sflag:s9] =	ssyncset.done $0x0  }
0x65: {  	[sflag:s9] =	ssyncadd.s32 $0xFFFF8000  }
0x66: {  	[hbm4b:s19+s2] =	stream.linear.scatter [tilespmem:s13], [sflag:$0x5], $0x8000, $0x38;
	[tilespmem:$0x10800] =	vst v63  }
.Ltmp1:
0x67: {  	_ =	swait.ge [sflag:s16], $0x8000;
	(pc) =	sbr.rel @p0 .LBB2_1-.Ltmp1, $4  }
0x68: {  	[sflag:s16] =	ssyncset.done $0x0  }
0x69: {  	[sflag:s16] =	ssyncadd.s32 $0xFFFF8000  }
0x6a: {  	_ =	swait.ge [sflag:s18], $0x8000  }
0x6b: {  	[sflag:s18] =	ssyncset.done $0x0  }
.LBB2_2:
0x6c: {  	[sflag:s18] =	ssyncadd.s32 $0xFFFF8000  }
0x6d: {  	_ =	sfence.sel $0x180000  }
0x6e: {  	[bflag:$0x0] =	sbarrier.arrive $0xFFFF  }
0x6f: {  	p0 =	sne.s32 s1, $0x0;
	_ =	strace $0x9000004D  }
0x70: {  	s0 =	sadd.s32 @!p0 $0x100000, s0;
	[bflag:$0x2] =	sbarrier.arrive $0xFFFF  }
0x71: {  	[sflag:s0] =	ssyncadd.tile.s32 @!p0 $0x1;
	_ =	shalt  }
.Lfunc_end2:
_tile_overlayer_lowered:
.L_overlay_start_2:
0x72: {  	(tag) =	ssettag $0x2  }
0x73: {  	s0 =	rddreg [dreg:$0x0];
	s2 =	stileid.u32  }
0x74: {  	s1 =	rddreg [dreg:$0x1];
	p0 =	sne.s32 s2, $0x0  }
0x75: {  	s3 =	rddreg [dreg:$0x2];
	[bflag:$0x3] =	sbarrier.arrive $0xFFFF;
	s2 =	simm.s32 @!p0 $0x1C06  }
0x76: {  	[timem:s3], [sflag:s2] =	dma.local @!p0 [hbm:s0], s1  }
0x77: {  	s0 =	simm.s32 @!p0 $0x6  }
0x78: {  	_ =	swait.ge @!p0 [sflag:s0], s1  }
0x79: {  	s1 =	ssub.s32 @!p0 $0x0, s1;
	[sflag:s0] =	ssyncset.done @!p0 $0x0  }
0x7a: {  	[sflag:s0] =	ssyncadd.s32 @!p0 s1  }
0x7b: {  	[bflag:$0x3] =	sbarrier.arrive $0xFFFF  }
0x7c: {  	_ =	shalt  }

// kernel: kernel.22.cloned.1.call-start
scs
__scs_entry_jumppad:
0x0: {  	(pc) =	sbr.rel $0x88, $3  }
0x1: {  	(tag) =	ssettag $0x0;
	lr =	simm.s32 $0x1  }
0x2: {  	[smem:$0x3F84] =	sst lr;
	_ =	strace $0xD0000000  }
0x3: {  	_ = 	snop  }
0x4: {  	_ = 	snop  }
0x5: {  	_ = 	snop  }
0x6: {  	_ = 	snop  }
0x7: {  	_ = 	snop  }
__scs_overlays_trampoline_lowered:
0x8: {  	[smem:$0x3F93] =	sst s0  }
0x9: {  	[smem:$0x3F94] =	sst s1  }
0xa: {  	[smem:$0x3F95] =	sst s2  }
0xb: {  	[smem:$0x3F96] =	sst s3  }
0xc: {  	[smem:$0x3F97] =	sst s4  }
0xd: {  	[smem:$0x3F98] =	sst s5  }
0xe: {  	[smem:$0x3F99] =	sst s6  }
0xf: {  	[smem:$0x3F9A] =	sst s7  }
0x10: {  	[smem:$0x3F9B] =	sst s8  }
0x11: {  	[smem:$0x3F9C] =	sst s9;
	s0 =	simm.s32 @!p0 $0x0  }
0x12: {  	s1 =	sld [smem:$0x3F82];
	s0 =	simm.s32 @p0 $0x1  }
0x13: {  	[smem:$0x3F9D] =	sst s0;
	s0 =	simm.s32 @!p1 $0x0  }
0x14: {  	s2 =	sld [smem:$0x3F81];
	s0 =	simm.s32 @p1 $0x1  }
0x15: {  	[smem:$0x3F9E] =	sst s0;
	s0 =	simm.s32 @!p2 $0x0  }
0x16: {  	s3 =	sld [smem:$0x3FDB];
	s0 =	simm.s32 @p2 $0x1  }
0x17: {  	s4 =	simm.s32 $0x1BF5;
	[smem:$0x3FA0] =	sst s0  }
0x18: {  	s0 =	sld [smem:$0x3F83];
	_ =	swait.ge [sflag:s4], $0x0  }
0x19: {  	s7 =	sld [smem:$0x3F84]  }
0x1a: {  	s8 =	sadd.s32 $0xFFFFE003, lr  }
0x1b: {  	s9 =	sadd.s32 $0xFFFFFEF7, lr;
	s5 =	simm.s32 $0xFFFFFFFF;
	p2 =	slt.u32 s8, $0xFFFFF086  }
0x1c: {  	p1 =	slt.u32 s9, $0xF7A;
	s5 =	simm.s32 @!p2 $0x0  }
0x1d: {  	s5 =	simm.s32 @p1 $0x1;
	p0 =	seq.s32 s7, s2  }
0x1e: {  	s7 =	smul.u32 @!p0 $0xF7A, s2;
	p2 =	seq.s32 @!p0 s5, $0x0  }
0x1f: {  	s9 =	smul.u32 $0xF7A, s1;
	s8 =	simm.s32 @!p0 $0x1BF5;
	p2 =	por !p2, p0  }
0x20: {  	[sflag:s8] =	ssyncset.s32 @!p0 $0xFFFFF086;
	s6 =	sadd.s32 @!p0 s3, s7;
	s7 =	simm.s32 @!p0 $0x108  }
0x21: {  	s3 =	sadd.s32 s3, s9;
	s6 =	sadd.s32 @!p0 $0x88, s6;
	s7 =	simm.s32 @p2 $0x1082  }
0x22: {  	[simem:s7], [sflag:s8] =	dma.local @!p0 [hbm:s6], $0xF7A  }
0x23: {  	s9 =	sor.u32 $0xD0000000, s2;
	s6 =	simm.s32 $0x108;
	_ =	swait.ge @!p0 [sflag:s8], $0x0  }
0x24: {  	s3 =	sadd.s32 $0x88, s3;
	s6 =	simm.s32 @!p1 $0x1082;
	[sflag:s4] =	ssyncset.s32 $0xFFFFF086  }
0x25: {  	[simem:s6], [sflag:s4] =	dma.local [hbm:s3], $0xF7A  }
0x26: {  	[smem:$0x3F84] =	sst s1;
	(tag) =	ssettag s2;
	_ =	strace s9  }
0x27: {  	s1 =	sld [smem:$0x3F94]  }
0x28: {  	s2 =	sld [smem:$0x3F95]  }
0x29: {  	s4 =	sld [smem:$0x3F97]  }
0x2a: {  	p0 =	seq.s32 s5, $0x0;
	s5 =	sld [smem:$0x3F98]  }
0x2b: {  	s6 =	sld [smem:$0x3F99]  }
0x2c: {  	s7 =	sld [smem:$0x3F9A]  }
0x2d: {  	s3 =	simm.s32 $0x108;
	s8 =	sld [smem:$0x3F9B]  }
0x2e: {  	s3 =	simm.s32 @!p0 $0x1082;
	s9 =	sld [smem:$0x3F9C]  }
0x2f: {  	lr =	sadd.s32 s0, s3;
	s0 =	sld [smem:$0x3F93]  }
0x30: {  	s3 =	sld [smem:$0x3F96]  }
0x31: {  	[smem:$0x3F9F] =	sst s10  }
0x32: {  	s10 =	sld [smem:$0x3F9D];
	_ =	sdelay $0x3  }
0x33: {  	p0 =	seq.s32 s10, $0x1;
	s10 =	sld [smem:$0x3F9F];
	_ =	sdelay $0x3  }
0x34: {  	[smem:$0x3F9F] =	sst s10  }
0x35: {  	s10 =	sld [smem:$0x3F9E];
	_ =	sdelay $0x3  }
0x36: {  	p1 =	seq.s32 s10, $0x1;
	s10 =	sld [smem:$0x3F9F];
	_ =	sdelay $0x3  }
0x37: {  	[smem:$0x3F9F] =	sst s10  }
0x38: {  	s10 =	sld [smem:$0x3FA0]  }
0x39: {  	_ = 	snop;
	(pc) =	sbr.ind lr, $3  }
0x3a: {  	_ = 	snop  }
0x3b: {  	_ = 	snop  }
0x3c: {  	p2 =	seq.s32 s10, $0x1;
	s10 =	sld [smem:$0x3F9F]  }
0x3d: {  	_ =	shalt  }
0x3e: {  	_ =	shalt  }
0x3f: {  	_ =	shalt  }
0x40: {  	_ =	shalt  }
0x41: {  	_ =	shalt  }
0x42: {  	_ =	shalt  }
0x43: {  	_ =	shalt  }
0x44: {  	_ =	shalt  }
0x45: {  	_ =	shalt  }
0x46: {  	_ =	shalt  }
0x47: {  	_ =	shalt  }
0x48: {  	_ =	shalt  }
0x49: {  	_ =	shalt  }
0x4a: {  	_ =	shalt  }
0x4b: {  	_ =	shalt  }
0x4c: {  	_ =	shalt  }
0x4d: {  	_ =	shalt  }
0x4e: {  	_ =	shalt  }
0x4f: {  	_ =	shalt  }
0x50: {  	_ =	shalt  }
0x51: {  	_ =	shalt  }
0x52: {  	_ =	shalt  }
0x53: {  	_ =	shalt  }
0x54: {  	_ =	shalt  }
0x55: {  	_ =	shalt  }
0x56: {  	_ =	shalt  }
0x57: {  	_ =	shalt  }
0x58: {  	_ =	shalt  }
0x59: {  	_ =	shalt  }
0x5a: {  	_ =	shalt  }
0x5b: {  	_ =	shalt  }
0x5c: {  	_ =	shalt  }
0x5d: {  	_ =	shalt  }
0x5e: {  	_ =	shalt  }
0x5f: {  	_ =	shalt  }
0x60: {  	_ =	shalt  }
0x61: {  	_ =	shalt  }
0x62: {  	_ =	shalt  }
0x63: {  	_ =	shalt  }
0x64: {  	_ =	shalt  }
0x65: {  	_ =	shalt  }
0x66: {  	_ =	shalt  }
0x67: {  	_ =	shalt  }
0x68: {  	_ =	shalt  }
0x69: {  	_ =	shalt  }
0x6a: {  	_ =	shalt  }
0x6b: {  	_ =	shalt  }
0x6c: {  	_ =	shalt  }
0x6d: {  	_ =	shalt  }
0x6e: {  	_ =	shalt  }
0x6f: {  	_ =	shalt  }
0x70: {  	_ =	shalt  }
0x71: {  	_ =	shalt  }
0x72: {  	_ =	shalt  }
0x73: {  	_ =	shalt  }
0x74: {  	_ =	shalt  }
0x75: {  	_ =	shalt  }
0x76: {  	_ =	shalt  }
0x77: {  	_ =	shalt  }
0x78: {  	_ =	shalt  }
0x79: {  	_ =	shalt  }
0x7a: {  	_ =	shalt  }
0x7b: {  	_ =	shalt  }
0x7c: {  	_ =	shalt  }
0x7d: {  	_ =	shalt  }
0x7e: {  	_ =	shalt  }
0x7f: {  	_ =	shalt  }
0x80: {  	_ =	shalt  }
0x81: {  	_ =	shalt  }
0x82: {  	_ =	shalt  }
0x83: {  	_ =	shalt  }
0x84: {  	_ =	shalt  }
0x85: {  	_ =	shalt  }
0x86: {  	_ =	shalt  }
0x87: {  	_ =	shalt  }
.Lfunc_end0:
.L_simem_size_0:
called_computation.3_lowered:
.L_overlay_start_0:
0x88: {  	s2 =	sld [smem:$0x3FD9]  }
0x89: {  	s3 =	sld [smem:$0x3FFE];
	_ =	sdelay $0x1  }
0x8a: {  	s1 =	srdreg.scid  }
0x8b: {  	s0 =	sand.u32 $0x1, s1  }
0x8c: {  	s17 =	sshll.u32 s0, $0xA;
	s2 =	sadd.s32 s3, s2  }
0x8d: {  	s2 =	sadd.s32 s2, s17  }
0x8e: {  	[smem:$0x3FAB] =	sst s2  }
0x8f: {  	_ = 	snop  }
0x90: {  	(tm) =	ssettm $0x1  }
0x91: {  	s18 =	sld [smem:$0x3FFB];
	_ =	sdelay $0x3  }
0x92: {  	_ =	strace s18  }
0x93: {  	s2 =	sld [smem:$0x3FFC];
	_ =	sdelay $0x3  }
0x94: {  	_ =	strace s2  }
0x95: {  	s2 =	sld [smem:$0x3FFD];
	_ =	sdelay $0x3  }
0x96: {  	_ =	strace s2  }
0x97: {  	_ =	strace $0x8FFFFFFF  }
0x98: {  	s19 =	sld [smem:$0x3FDB];
	_ =	sdelay $0x1  }
0x99: {  	s20 =	simm.s32 $_scs_section_size  }
0x9a: {  	s4 =	simm.s32 $_size__tile_overlayer_lowered;
	s5 =	simm.s32 $_tile_overlayer_lowered  }
0x9b: {  	s6 =	simm.s32 $0x1BFF;
	s21 =	sshll.u32 s5, $0x1;
	s3 =	sadd.s32 s20, s19  }
0x9c: {  	s22 =	simm.s32 $0x0;
	s4 =	sshll.u32 s4, $0x1;
	s5 =	sadd.s32 s21, s3  }
0x9d: {  	[timem:s22], [sflag:s6] =	dma.local [hbm:s5], s4  }
0x9e: {  	_ =	swait.ge [sflag:s6], s4  }
0x9f: {  	s4 =	ssub.s32 $0x0, s4;
	[sflag:s6] =	ssyncset.done $0x0  }
0xa0: {  	[sflag:s6] =	ssyncadd.s32 s4;
	_ =	sdelay $0x1  }
0xa1: {  	s23 =	simm.s32 $0x1B8B  }
0xa2: {  	_ =	swait.ge [sflag:s23], $0x1  }
0xa3: {  	[sflag:s23] =	ssyncset.done $0x0  }
0xa4: {  	[sflag:s23] =	ssyncadd.s32 $0xFFFFFFFF  }
0xa5: {  	s4 =	sld [smem:$0x0]  }
0xa6: {  	s5 =	sand.u32 $0xFFFFFFFE, s1  }
0xa7: {  	p0 =	sne.s32 s1, s5  }
0xa8: {  	s5 =	sshll.u32 @p0 s5, $0xE  }
0xa9: {  	s5 =	sadd.s32 @p0 $0x11B8D, s5;
	s6 =	sshll.u32 @p0 s4, $0x11  }
0xaa: {  	s5 =	sor.u32 @p0 s6, s5  }
0xab: {  	[sflag:s5] =	ssyncadd.remote.s32 @p0 $0x1;
	_ =	sdelay $0x1  }
0xac: {  	s5 =	simm.s32 @p0 $0x1B8D  }
0xad: {  	_ =	swait.eq @p0 [sflag:s5], $0x1  }
0xae: {  	[sflag:s5] =	ssyncadd.s32 @p0 $0xFFFFFFFF  }
0xaf: {  	s6 =	sshll.u32 @!p0 s1, $0xE  }
0xb0: {  	s6 =	sor.u32 @!p0 $0x4000, s6;
	s5 =	simm.s32 @!p0 $0x1B8D  }
0xb1: {  	s4 =	sshll.u32 @!p0 s4, $0x11;
	s6 =	sadd.s32 @!p0 $0x11B8D, s6;
	_ =	swait.eq @!p0 [sflag:s5], $0x1  }
0xb2: {  	s4 =	sor.u32 @!p0 s4, s6;
	[sflag:s5] =	ssyncadd.s32 @!p0 $0xFFFFFFFF  }
0xb3: {  	s25 =	simm.s32 $0x1B8E;
	s24 =	sld [smem:$0x3FFE];
	[sflag:s4] =	ssyncadd.remote.s32 @!p0 $0x1  }
0xb4: {  	s26 =	simm.s32 $execute0_lowered;
	[smem:$0x3FD2] =	sst s25  }
0xb5: {  	s5 =	sshll.u32 s26, $0x1;
	_ =	strace $0x8000004F;
	[dreg:$0x1] =	wrdreg $0xFFFFFFFF  }
0xb6: {  	s28 =	simm.s32 $_size_execute0_lowered;
	s3 =	sadd.s32 s3, s5;
	[dreg:$0x0] =	wrdreg $0x0  }
0xb7: {  	s5 =	sshll.u32 s28, $0x1;
	[dreg:$0x2] =	wrdreg s3  }
0xb8: {  	[dreg:$0x3] =	wrdreg s5  }
0xb9: {  	[dreg:$0x4] =	wrdreg $0xC0  }
0xba: {  	_ =	task [dreg:s22], $0x5FFFF  }
0xbb: {  	[dreg:$0x1] =	wrdreg $0xFFFFFFFF  }
0xbc: {  	[dreg:$0x0] =	wrdreg $0x60  }
0xbd: {  	[dreg:$0x2] =	wrdreg s24  }
0xbe: {  	[dreg:$0x3] =	wrdreg $0xA  }
0xbf: {  	_ =	task.clear_ibuf [dreg:s22], $0x4FFFF;
	_ =	strace $0x9000004F  }
0xc0: {  	s29 =	simm.s32 $0xA;
	_ =	strace $0x80000051  }
0xc1: {  	_ =	swait.ge [sflag:s29], $0x1  }
0xc2: {  	[sflag:s29] =	ssyncadd.s32 $0xFFFFFFFF  }
0xc3: {  	_ =	strace $0x90000051  }
0xc4: {  	_ =	sfence  }
0xc5: {  	s30 =	sld [smem:$0x0];
	_ =	sdelay $0x2  }
0xc6: {  	s31 =	sshll.u32 s1, $0xD;
	s1 =	sshrl.u32 s1, $0x2  }
0xc7: {  	s4 =	sand.u32 $0x4000, s31;
	s1 =	sadd.s32 s1, s30  }
0xc8: {  	s0 =	sor.u32 s4, s0;
	s1 =	sshll.u32 s1, $0x11  }
0xc9: {  	s0 =	sor.u32 s1, s0  }
0xca: {  	s0 =	sadd.s32 $0x8F2B, s0  }
0xcb: {  	[sflag:s0] =	ssyncadd.remote.s32 $0x1  }
0xcc: {  	_ =	sfence.sel $0xFFFF  }
0xcd: {  	[dreg:$0x0] =	wrdreg $0xFFFFFFFF;
	(pc) =	sbr.abs _section_cstart, $3  }
0xce: {  	[dreg:$0x1] =	wrdreg $0xFFFFFFFF  }
0xcf: {  	_ =	task.clear_ibuf [dreg:s22], $0x2FFFF;
	_ =	strace $0x9FFFFFFF  }
0xd0: {  	(tm) =	ssettm $0x7FFFFFFF  }
0xd1: {  	_ =	shalt  }
tec
execute0_lowered:
.L_overlay_start_1:
0x0: {  	(tag) =	ssettag $0x1  }
0x1: {  	s1 =	srdreg.scid  }
0x2: {  	s0 =	stileid.u32;
	s19 =	sand.u32 $0x1, s1  }
0x3: {  	s30 =	sshll.u32 s0, $0xD;
	s2 =	sshll.u32 s19, $0xC  }
0x4: {  	s11 =	sor.u32 s2, s30  }
0x5: {  	s10 =	rddreg [dreg:$0x0];
	s2 =	simm.s32 $0x0;
	s3 =	sshrl.u32 s11, $0x3  }
0x6: {  	[smem:$0x7FF] =	sst s2;
	s15 =	sadd.s32 s3, s10  }
0x7: {  	s1 =	rddreg [dreg:$0x1];
	_ =	strace $0x80000050;
	s3 =	sadd.s32 $0x11BE00, s15  }
0x8: {  	[tilespmem:s2], [sflag:$0x1] =	stream.linear.gather [hbm4b:s3+s2], $0x400, $0x38;
	[tilespmem:$0x10800] =	vst v63  }
0x9: {  	s5 =	simm.s32 $0x400;
	s6 =	simm.s32 $0x1;
	s4 =	sadd.s32 $0x11BE80, s15  }
0xa: {  	[tilespmem:s5], [sflag:$0x2] =	stream.linear.gather [hbm4b:s4+s2], $0x400, $0x38;
	[tilespmem:$0x10800] =	vst v63  }
0xb: {  	_ =	swait.ge [sflag:s6], $0x400  }
0xc: {  	s8 =	simm.s32 $0x800;
	[sflag:s6] =	ssyncset.done $0x0  }
0xd: {  	s9 =	simm.s32 $0x3;
	s7 =	sadd.s32 $0x227E00, s10;
	[sflag:s6] =	ssyncadd.s32 $0xFFFFFC00  }
0xe: {  	[tilespmem:s8], [sflag:$0x3] =	stream.indirect.gather [hbm4b:s7+s5], $0x20, s2, s5, $0xb8;
	[tilespmem:$0x10800] =	vst v63  }
0xf: {  	s11 =	sshll.u32 s11, $0x2;
	_ =	swait.ge [sflag:s9], $0x8000  }
0x10: {  	s20 =	sadd.s32 s11, s10;
	[sflag:s9] =	ssyncset.done $0x0  }
0x11: {  	s10 =	sadd.s32 $0x247E00, s20;
	[sflag:s9] =	ssyncadd.s32 $0xFFFF8000  }
0x12: {  	[hbm4b:s10+s2] =	stream.linear.scatter [tilespmem:s8], [sflag:$0x4], $0x8000, $0x38;
	[tilespmem:$0x10800] =	vst v63  }
0x13: {  	s12 =	simm.s32 $0x2;
	s11 =	sadd.s32 $0x11BF00, s15  }
0x14: {  	[tilespmem:s2], [sflag:$0x1] =	stream.linear.gather [hbm4b:s11+s2], $0x400, $0x38;
	[tilespmem:$0x10800] =	vst v63  }
0x15: {  	_ =	swait.ge [sflag:s12], $0x400  }
0x16: {  	[sflag:s12] =	ssyncset.done $0x0  }
0x17: {  	s13 =	simm.s32 $0x8800;
	[sflag:s12] =	ssyncadd.s32 $0xFFFFFC00  }
0x18: {  	[tilespmem:s13], [sflag:$0x3] =	stream.indirect.gather [hbm4b:s7+s5], $0x20, s5, s5, $0xb8;
	[tilespmem:$0x10800] =	vst v63  }
0x19: {  	_ =	swait.ge [sflag:s9], $0x8000  }
0x1a: {  	[sflag:s9] =	ssyncset.done $0x0  }
0x1b: {  	s14 =	sadd.s32 $0x248E00, s20;
	[sflag:s9] =	ssyncadd.s32 $0xFFFF8000  }
0x1c: {  	[hbm4b:s14+s2] =	stream.linear.scatter [tilespmem:s13], [sflag:$0x5], $0x8000, $0x38;
	[tilespmem:$0x10800] =	vst v63  }
0x1d: {  	s15 =	sadd.s32 $0x11BF80, s15  }
0x1e: {  	[tilespmem:s5], [sflag:$0x2] =	stream.linear.gather [hbm4b:s15+s2], $0x400, $0x38;
	[tilespmem:$0x10800] =	vst v63  }
0x1f: {  	_ =	swait.ge [sflag:s6], $0x400  }
0x20: {  	[sflag:s6] =	ssyncset.done $0x0  }
0x21: {  	s16 =	simm.s32 $0x4;
	[sflag:s6] =	ssyncadd.s32 $0xFFFFFC00  }
0x22: {  	_ =	swait.ge [sflag:s16], $0x8000  }
0x23: {  	[sflag:s16] =	ssyncset.done $0x0  }
0x24: {  	[sflag:s16] =	ssyncadd.s32 $0xFFFF8000  }
0x25: {  	[tilespmem:s8], [sflag:$0x3] =	stream.indirect.gather [hbm4b:s7+s5], $0x20, s2, s5, $0xb8;
	[tilespmem:$0x10800] =	vst v63  }
0x26: {  	_ =	swait.ge [sflag:s9], $0x8000  }
0x27: {  	[sflag:s9] =	ssyncset.done $0x0  }
0x28: {  	s17 =	sadd.s32 $0x249E00, s20;
	[sflag:s9] =	ssyncadd.s32 $0xFFFF8000  }
0x29: {  	[hbm4b:s17+s2] =	stream.linear.scatter [tilespmem:s8], [sflag:$0x4], $0x8000, $0x38;
	[tilespmem:$0x10800] =	vst v63  }
0x2a: {  	_ =	swait.ge [sflag:s12], $0x400  }
0x2b: {  	[sflag:s12] =	ssyncset.done $0x0  }
0x2c: {  	s18 =	simm.s32 $0x5;
	[sflag:s12] =	ssyncadd.s32 $0xFFFFFC00  }
0x2d: {  	_ =	swait.ge [sflag:s18], $0x8000  }
0x2e: {  	s21 =	ssub.s32 $0x2, s19;
	[sflag:s18] =	ssyncset.done $0x0  }
0x2f: {  	s31 =	sshrl.u32 s21, $0x1;
	[sflag:s18] =	ssyncadd.s32 $0xFFFF8000  }
0x30: {  	[tilespmem:s13], [sflag:$0x3] =	stream.indirect.gather [hbm4b:s7+s5], $0x20, s5, s5, $0xb8;
	[tilespmem:$0x10800] =	vst v63  }
0x31: {  	s19 =	sadd.s32 $0x24AE00, s20;
	s20 =	ssub.s32 s21, s31;
	_ =	swait.ge [sflag:s9], $0x8000  }
0x32: {  	s20 =	smax.u32 s20, $0x1;
	[sflag:s9] =	ssyncset.done $0x0  }
0x33: {  	p0 =	sne.s32 s20, $0x1;
	[sflag:s9] =	ssyncadd.s32 $0xFFFF8000  }
0x34: {  	[hbm4b:s19+s2] =	stream.linear.scatter [tilespmem:s13], [sflag:$0x5], $0x8000, $0x38;
	[tilespmem:$0x10800] =	vst v63  }
.Ltmp0:
0x35: {  	_ =	swait.ge [sflag:s16], $0x8000;
	(pc) =	sbr.rel @!p0 .LBB2_2-.Ltmp0, $4  }
0x36: {  	[sflag:s16] =	ssyncset.done $0x0  }
0x37: {  	[sflag:s16] =	ssyncadd.s32 $0xFFFF8000  }
0x38: {  	_ =	swait.ge [sflag:s18], $0x8000  }
0x39: {  	s20 =	sadd.s32 $0xFFFFFFFF, s20;
	[sflag:s18] =	ssyncset.done $0x0  }
.LBB2_1:
0x3a: {  	p0 =	sne.s32 s20, $0x1;
	s20 =	sadd.s32 $0xFFFFFFFF, s20;
	[sflag:s18] =	ssyncadd.s32 $0xFFFF8000  }
0x3b: {  	[tilespmem:s2], [sflag:$0x1] =	stream.linear.gather [hbm4b:s3+s2], $0x400, $0x38;
	[tilespmem:$0x10800] =	vst v63  }
0x3c: {  	_ = 	snop  }
0x3d: {  	[tilespmem:s5], [sflag:$0x2] =	stream.linear.gather [hbm4b:s4+s2], $0x400, $0x38;
	[tilespmem:$0x10800] =	vst v63  }
0x3e: {  	_ =	swait.ge [sflag:s6], $0x400  }
0x3f: {  	[sflag:s6] =	ssyncset.done $0x0  }
0x40: {  	[sflag:s6] =	ssyncadd.s32 $0xFFFFFC00  }
0x41: {  	[tilespmem:s8], [sflag:$0x3] =	stream.indirect.gather [hbm4b:s7+s5], $0x20, s2, s5, $0xb8;
	[tilespmem:$0x10800] =	vst v63  }
0x42: {  	_ =	swait.ge [sflag:s9], $0x8000  }
0x43: {  	[sflag:s9] =	ssyncset.done $0x0  }
0x44: {  	[sflag:s9] =	ssyncadd.s32 $0xFFFF8000  }
0x45: {  	[hbm4b:s10+s2] =	stream.linear.scatter [tilespmem:s8], [sflag:$0x4], $0x8000, $0x38;
	[tilespmem:$0x10800] =	vst v63  }
0x46: {  	_ = 	snop  }
0x47: {  	[tilespmem:s2], [sflag:$0x1] =	stream.linear.gather [hbm4b:s11+s2], $0x400, $0x38;
	[tilespmem:$0x10800] =	vst v63  }
0x48: {  	_ =	swait.ge [sflag:s12], $0x400  }
0x49: {  	[sflag:s12] =	ssyncset.done $0x0  }
0x4a: {  	[sflag:s12] =	ssyncadd.s32 $0xFFFFFC00  }
0x4b: {  	[tilespmem:s13], [sflag:$0x3] =	stream.indirect.gather [hbm4b:s7+s5], $0x20, s5, s5, $0xb8;
	[tilespmem:$0x10800] =	vst v63  }
0x4c: {  	_ =	swait.ge [sflag:s9], $0x8000  }
0x4d: {  	[sflag:s9] =	ssyncset.done $0x0  }
0x4e: {  	[sflag:s9] =	ssyncadd.s32 $0xFFFF8000  }
0x4f: {  	[hbm4b:s14+s2] =	stream.linear.scatter [tilespmem:s13], [sflag:$0x5], $0x8000, $0x38;
	[tilespmem:$0x10800] =	vst v63  }
0x50: {  	_ = 	snop  }
0x51: {  	[tilespmem:s5], [sflag:$0x2] =	stream.linear.gather [hbm4b:s15+s2], $0x400, $0x38;
	[tilespmem:$0x10800] =	vst v63  }
0x52: {  	_ =	swait.ge [sflag:s6], $0x400  }
0x53: {  	[sflag:s6] =	ssyncset.done $0x0  }
0x54: {  	[sflag:s6] =	ssyncadd.s32 $0xFFFFFC00  }
0x55: {  	_ =	swait.ge [sflag:s16], $0x8000  }
0x56: {  	[sflag:s16] =	ssyncset.done $0x0  }
0x57: {  	[sflag:s16] =	ssyncadd.s32 $0xFFFF8000  }
0x58: {  	[tilespmem:s8], [sflag:$0x3] =	stream.indirect.gather [hbm4b:s7+s5], $0x20, s2, s5, $0xb8;
	[tilespmem:$0x10800] =	vst v63  }
0x59: {  	_ =	swait.ge [sflag:s9], $0x8000  }
0x5a: {  	[sflag:s9] =	ssyncset.done $0x0  }
0x5b: {  	[sflag:s9] =	ssyncadd.s32 $0xFFFF8000  }
0x5c: {  	[hbm4b:s17+s2] =	stream.linear.scatter [tilespmem:s8], [sflag:$0x4], $0x8000, $0x38;
	[tilespmem:$0x10800] =	vst v63  }
0x5d: {  	_ =	swait.ge [sflag:s12], $0x400  }
0x5e: {  	[sflag:s12] =	ssyncset.done $0x0  }
0x5f: {  	[sflag:s12] =	ssyncadd.s32 $0xFFFFFC00  }
0x60: {  	_ =	swait.ge [sflag:s18], $0x8000  }
0x61: {  	[sflag:s18] =	ssyncset.done $0x0  }
0x62: {  	[sflag:s18] =	ssyncadd.s32 $0xFFFF8000  }
0x63: {  	[tilespmem:s13], [sflag:$0x3] =	stream.indirect.gather [hbm4b:s7+s5], $0x20, s5, s5, $0xb8;
	[tilespmem:$0x10800] =	vst v63  }
0x64: {  	_ =	swait.ge [sflag:s9], $0x8000  }
0x65: {  	[sflag:s9] =	ssyncset.done $0x0  }
0x66: {  	[sflag:s9] =	ssyncadd.s32 $0xFFFF8000  }
0x67: {  	[hbm4b:s19+s2] =	stream.linear.scatter [tilespmem:s13], [sflag:$0x5], $0x8000, $0x38;
	[tilespmem:$0x10800] =	vst v63  }
.Ltmp1:
0x68: {  	_ =	swait.ge [sflag:s16], $0x8000;
	(pc) =	sbr.rel @p0 .LBB2_1-.Ltmp1, $4  }
0x69: {  	[sflag:s16] =	ssyncset.done $0x0  }
0x6a: {  	[sflag:s16] =	ssyncadd.s32 $0xFFFF8000  }
0x6b: {  	_ =	swait.ge [sflag:s18], $0x8000  }
0x6c: {  	[sflag:s18] =	ssyncset.done $0x0  }
.LBB2_2:
0x6d: {  	[sflag:s18] =	ssyncadd.s32 $0xFFFF8000  }
0x6e: {  	_ =	sfence.sel $0x180000  }
0x6f: {  	[bflag:$0x0] =	sbarrier.arrive $0xFFFF  }
0x70: {  	p0 =	sne.s32 s0, $0x0;
	_ =	strace $0x90000050  }
0x71: {  	s0 =	sadd.s32 @!p0 $0x100000, s1;
	[bflag:$0x2] =	sbarrier.arrive $0xFFFF  }
0x72: {  	[sflag:s0] =	ssyncadd.tile.s32 @!p0 $0x1;
	_ =	shalt  }
.Lfunc_end2:
_tile_overlayer_lowered:
.L_overlay_start_2:
0x73: {  	(tag) =	ssettag $0x2  }
0x74: {  	s0 =	rddreg [dreg:$0x0];
	s2 =	stileid.u32  }
0x75: {  	s1 =	rddreg [dreg:$0x1];
	p0 =	sne.s32 s2, $0x0  }
0x76: {  	s3 =	rddreg [dreg:$0x2];
	[bflag:$0x3] =	sbarrier.arrive $0xFFFF;
	s2 =	simm.s32 @!p0 $0x1C06  }
0x77: {  	[timem:s3], [sflag:s2] =	dma.local @!p0 [hbm:s0], s1  }
0x78: {  	s0 =	simm.s32 @!p0 $0x6  }
0x79: {  	_ =	swait.ge @!p0 [sflag:s0], s1  }
0x7a: {  	s1 =	ssub.s32 @!p0 $0x0, s1;
	[sflag:s0] =	ssyncset.done @!p0 $0x0  }
0x7b: {  	[sflag:s0] =	ssyncadd.s32 @!p0 s1  }
0x7c: {  	[bflag:$0x3] =	sbarrier.arrive $0xFFFF  }
0x7d: {  	_ =	shalt  }

// kernel: kernel.25.cloned.1.call-start
scs
__scs_entry_jumppad:
0x0: {  	(pc) =	sbr.rel $0x88, $3  }
0x1: {  	(tag) =	ssettag $0x0;
	lr =	simm.s32 $0x1  }
0x2: {  	[smem:$0x3F84] =	sst lr;
	_ =	strace $0xD0000000  }
0x3: {  	_ = 	snop  }
0x4: {  	_ = 	snop  }
0x5: {  	_ = 	snop  }
0x6: {  	_ = 	snop  }
0x7: {  	_ = 	snop  }
__scs_overlays_trampoline_lowered:
0x8: {  	[smem:$0x3F93] =	sst s0  }
0x9: {  	[smem:$0x3F94] =	sst s1  }
0xa: {  	[smem:$0x3F95] =	sst s2  }
0xb: {  	[smem:$0x3F96] =	sst s3  }
0xc: {  	[smem:$0x3F97] =	sst s4  }
0xd: {  	[smem:$0x3F98] =	sst s5  }
0xe: {  	[smem:$0x3F99] =	sst s6  }
0xf: {  	[smem:$0x3F9A] =	sst s7  }
0x10: {  	[smem:$0x3F9B] =	sst s8  }
0x11: {  	[smem:$0x3F9C] =	sst s9;
	s0 =	simm.s32 @!p0 $0x0  }
0x12: {  	s1 =	sld [smem:$0x3F82];
	s0 =	simm.s32 @p0 $0x1  }
0x13: {  	[smem:$0x3F9D] =	sst s0;
	s0 =	simm.s32 @!p1 $0x0  }
0x14: {  	s2 =	sld [smem:$0x3F81];
	s0 =	simm.s32 @p1 $0x1  }
0x15: {  	[smem:$0x3F9E] =	sst s0;
	s0 =	simm.s32 @!p2 $0x0  }
0x16: {  	s3 =	sld [smem:$0x3FDB];
	s0 =	simm.s32 @p2 $0x1  }
0x17: {  	s4 =	simm.s32 $0x1BF5;
	[smem:$0x3FA0] =	sst s0  }
0x18: {  	s0 =	sld [smem:$0x3F83];
	_ =	swait.ge [sflag:s4], $0x0  }
0x19: {  	s7 =	sld [smem:$0x3F84]  }
0x1a: {  	s8 =	sadd.s32 $0xFFFFE003, lr  }
0x1b: {  	s9 =	sadd.s32 $0xFFFFFEF7, lr;
	s5 =	simm.s32 $0xFFFFFFFF;
	p2 =	slt.u32 s8, $0xFFFFF086  }
0x1c: {  	p1 =	slt.u32 s9, $0xF7A;
	s5 =	simm.s32 @!p2 $0x0  }
0x1d: {  	s5 =	simm.s32 @p1 $0x1;
	p0 =	seq.s32 s7, s2  }
0x1e: {  	s7 =	smul.u32 @!p0 $0xF7A, s2;
	p2 =	seq.s32 @!p0 s5, $0x0  }
0x1f: {  	s9 =	smul.u32 $0xF7A, s1;
	s8 =	simm.s32 @!p0 $0x1BF5;
	p2 =	por !p2, p0  }
0x20: {  	[sflag:s8] =	ssyncset.s32 @!p0 $0xFFFFF086;
	s6 =	sadd.s32 @!p0 s3, s7;
	s7 =	simm.s32 @!p0 $0x108  }
0x21: {  	s3 =	sadd.s32 s3, s9;
	s6 =	sadd.s32 @!p0 $0x88, s6;
	s7 =	simm.s32 @p2 $0x1082  }
0x22: {  	[simem:s7], [sflag:s8] =	dma.local @!p0 [hbm:s6], $0xF7A  }
0x23: {  	s9 =	sor.u32 $0xD0000000, s2;
	s6 =	simm.s32 $0x108;
	_ =	swait.ge @!p0 [sflag:s8], $0x0  }
0x24: {  	s3 =	sadd.s32 $0x88, s3;
	s6 =	simm.s32 @!p1 $0x1082;
	[sflag:s4] =	ssyncset.s32 $0xFFFFF086  }
0x25: {  	[simem:s6], [sflag:s4] =	dma.local [hbm:s3], $0xF7A  }
0x26: {  	[smem:$0x3F84] =	sst s1;
	(tag) =	ssettag s2;
	_ =	strace s9  }
0x27: {  	s1 =	sld [smem:$0x3F94]  }
0x28: {  	s2 =	sld [smem:$0x3F95]  }
0x29: {  	s4 =	sld [smem:$0x3F97]  }
0x2a: {  	p0 =	seq.s32 s5, $0x0;
	s5 =	sld [smem:$0x3F98]  }
0x2b: {  	s6 =	sld [smem:$0x3F99]  }
0x2c: {  	s7 =	sld [smem:$0x3F9A]  }
0x2d: {  	s3 =	simm.s32 $0x108;
	s8 =	sld [smem:$0x3F9B]  }
0x2e: {  	s3 =	simm.s32 @!p0 $0x1082;
	s9 =	sld [smem:$0x3F9C]  }
0x2f: {  	lr =	sadd.s32 s0, s3;
	s0 =	sld [smem:$0x3F93]  }
0x30: {  	s3 =	sld [smem:$0x3F96]  }
0x31: {  	[smem:$0x3F9F] =	sst s10  }
0x32: {  	s10 =	sld [smem:$0x3F9D];
	_ =	sdelay $0x3  }
0x33: {  	p0 =	seq.s32 s10, $0x1;
	s10 =	sld [smem:$0x3F9F];
	_ =	sdelay $0x3  }
0x34: {  	[smem:$0x3F9F] =	sst s10  }
0x35: {  	s10 =	sld [smem:$0x3F9E];
	_ =	sdelay $0x3  }
0x36: {  	p1 =	seq.s32 s10, $0x1;
	s10 =	sld [smem:$0x3F9F];
	_ =	sdelay $0x3  }
0x37: {  	[smem:$0x3F9F] =	sst s10  }
0x38: {  	s10 =	sld [smem:$0x3FA0]  }
0x39: {  	_ = 	snop;
	(pc) =	sbr.ind lr, $3  }
0x3a: {  	_ = 	snop  }
0x3b: {  	_ = 	snop  }
0x3c: {  	p2 =	seq.s32 s10, $0x1;
	s10 =	sld [smem:$0x3F9F]  }
0x3d: {  	_ =	shalt  }
0x3e: {  	_ =	shalt  }
0x3f: {  	_ =	shalt  }
0x40: {  	_ =	shalt  }
0x41: {  	_ =	shalt  }
0x42: {  	_ =	shalt  }
0x43: {  	_ =	shalt  }
0x44: {  	_ =	shalt  }
0x45: {  	_ =	shalt  }
0x46: {  	_ =	shalt  }
0x47: {  	_ =	shalt  }
0x48: {  	_ =	shalt  }
0x49: {  	_ =	shalt  }
0x4a: {  	_ =	shalt  }
0x4b: {  	_ =	shalt  }
0x4c: {  	_ =	shalt  }
0x4d: {  	_ =	shalt  }
0x4e: {  	_ =	shalt  }
0x4f: {  	_ =	shalt  }
0x50: {  	_ =	shalt  }
0x51: {  	_ =	shalt  }
0x52: {  	_ =	shalt  }
0x53: {  	_ =	shalt  }
0x54: {  	_ =	shalt  }
0x55: {  	_ =	shalt  }
0x56: {  	_ =	shalt  }
0x57: {  	_ =	shalt  }
0x58: {  	_ =	shalt  }
0x59: {  	_ =	shalt  }
0x5a: {  	_ =	shalt  }
0x5b: {  	_ =	shalt  }
0x5c: {  	_ =	shalt  }
0x5d: {  	_ =	shalt  }
0x5e: {  	_ =	shalt  }
0x5f: {  	_ =	shalt  }
0x60: {  	_ =	shalt  }
0x61: {  	_ =	shalt  }
0x62: {  	_ =	shalt  }
0x63: {  	_ =	shalt  }
0x64: {  	_ =	shalt  }
0x65: {  	_ =	shalt  }
0x66: {  	_ =	shalt  }
0x67: {  	_ =	shalt  }
0x68: {  	_ =	shalt  }
0x69: {  	_ =	shalt  }
0x6a: {  	_ =	shalt  }
0x6b: {  	_ =	shalt  }
0x6c: {  	_ =	shalt  }
0x6d: {  	_ =	shalt  }
0x6e: {  	_ =	shalt  }
0x6f: {  	_ =	shalt  }
0x70: {  	_ =	shalt  }
0x71: {  	_ =	shalt  }
0x72: {  	_ =	shalt  }
0x73: {  	_ =	shalt  }
0x74: {  	_ =	shalt  }
0x75: {  	_ =	shalt  }
0x76: {  	_ =	shalt  }
0x77: {  	_ =	shalt  }
0x78: {  	_ =	shalt  }
0x79: {  	_ =	shalt  }
0x7a: {  	_ =	shalt  }
0x7b: {  	_ =	shalt  }
0x7c: {  	_ =	shalt  }
0x7d: {  	_ =	shalt  }
0x7e: {  	_ =	shalt  }
0x7f: {  	_ =	shalt  }
0x80: {  	_ =	shalt  }
0x81: {  	_ =	shalt  }
0x82: {  	_ =	shalt  }
0x83: {  	_ =	shalt  }
0x84: {  	_ =	shalt  }
0x85: {  	_ =	shalt  }
0x86: {  	_ =	shalt  }
0x87: {  	_ =	shalt  }
.Lfunc_end0:
.L_simem_size_0:
called_computation.4_lowered:
.L_overlay_start_0:
0x88: {  	s2 =	sld [smem:$0x3FD9]  }
0x89: {  	s3 =	sld [smem:$0x3FFE];
	_ =	sdelay $0x1  }
0x8a: {  	s1 =	srdreg.scid  }
0x8b: {  	s0 =	sand.u32 $0x1, s1  }
0x8c: {  	s17 =	sshll.u32 s0, $0xA;
	s2 =	sadd.s32 s3, s2  }
0x8d: {  	s2 =	sadd.s32 s2, s17  }
0x8e: {  	[smem:$0x3FAB] =	sst s2  }
0x8f: {  	_ = 	snop  }
0x90: {  	s2 =	sld [smem:$0x3FD0];
	(tm) =	ssettm $0x1  }
0x91: {  	s18 =	sld [smem:$0x3FFB];
	_ =	sdelay $0x3  }
0x92: {  	_ =	strace s18  }
0x93: {  	s3 =	sld [smem:$0x3FFC];
	_ =	sdelay $0x3  }
0x94: {  	_ =	strace s3  }
0x95: {  	s3 =	sld [smem:$0x3FFD];
	_ =	sdelay $0x3  }
0x96: {  	_ =	strace s3  }
0x97: {  	_ =	strace $0x8FFFFFFF  }
0x98: {  	s19 =	sld [smem:$0x3FDB];
	_ =	sdelay $0x1  }
0x99: {  	s4 =	simm.s32 $_scs_section_size  }
0x9a: {  	s5 =	simm.s32 $_size__tile_overlayer_lowered;
	s6 =	simm.s32 $_tile_overlayer_lowered  }
0x9b: {  	s22 =	simm.s32 $0x1BFF;
	s21 =	sshll.u32 s6, $0x1;
	s3 =	sadd.s32 s4, s19  }
0x9c: {  	s7 =	simm.s32 $0x0;
	s20 =	sshll.u32 s5, $0x1;
	s5 =	sadd.s32 s21, s3  }
0x9d: {  	[timem:s7], [sflag:s22] =	dma.local [hbm:s5], s20  }
0x9e: {  	_ =	swait.ge [sflag:s22], s20  }
0x9f: {  	s4 =	ssub.s32 $0x0, s20;
	[sflag:s22] =	ssyncset.done $0x0  }
0xa0: {  	[sflag:s22] =	ssyncadd.s32 s4;
	_ =	sdelay $0x1  }
0xa1: {  	s23 =	simm.s32 $0x1B8B  }
0xa2: {  	_ =	swait.ge [sflag:s23], $0x1  }
0xa3: {  	[sflag:s23] =	ssyncset.done $0x0  }
0xa4: {  	s25 =	simm.s32 $0x1B8E;
	s24 =	sld [smem:$0x3FFE];
	[sflag:s23] =	ssyncadd.s32 $0xFFFFFFFF  }
0xa5: {  	s26 =	simm.s32 $execute0_lowered;
	[smem:$0x3FD2] =	sst s25  }
0xa6: {  	s5 =	sshll.u32 s26, $0x1;
	_ =	strace $0x80000052;
	[dreg:$0x1] =	wrdreg $0xFFFFFFFF  }
0xa7: {  	s28 =	simm.s32 $_size_execute0_lowered;
	s3 =	sadd.s32 s3, s5;
	[dreg:$0x0] =	wrdreg $0x0  }
0xa8: {  	s5 =	sshll.u32 s28, $0x1;
	[dreg:$0x2] =	wrdreg s3  }
0xa9: {  	[dreg:$0x3] =	wrdreg s5  }
0xaa: {  	[dreg:$0x4] =	wrdreg $0xC0  }
0xab: {  	_ =	task [dreg:s7], $0x5FFFF  }
0xac: {  	[dreg:$0x1] =	wrdreg $0xFFFFFFFF  }
0xad: {  	[dreg:$0x0] =	wrdreg $0x60  }
0xae: {  	[dreg:$0x2] =	wrdreg s2  }
0xaf: {  	[dreg:$0x3] =	wrdreg s24  }
0xb0: {  	[dreg:$0x4] =	wrdreg $0x9  }
0xb1: {  	_ =	task.clear_ibuf [dreg:s7], $0x5FFFF;
	_ =	strace $0x90000052  }
0xb2: {  	s29 =	simm.s32 $0x9;
	_ =	strace $0x80000054  }
0xb3: {  	_ =	swait.ge [sflag:s29], $0x1  }
0xb4: {  	[sflag:s29] =	ssyncadd.s32 $0xFFFFFFFF  }
0xb5: {  	_ =	strace $0x90000054  }
0xb6: {  	_ =	sfence  }
0xb7: {  	s30 =	sld [smem:$0x0];
	_ =	sdelay $0x2  }
0xb8: {  	s31 =	sshll.u32 s1, $0xD;
	s1 =	sshrl.u32 s1, $0x2  }
0xb9: {  	s3 =	sand.u32 $0x4000, s31;
	s1 =	sadd.s32 s1, s30  }
0xba: {  	s0 =	sor.u32 s3, s0;
	s1 =	sshll.u32 s1, $0x11  }
0xbb: {  	s0 =	sor.u32 s1, s0  }
0xbc: {  	s0 =	sadd.s32 $0x8F2B, s0  }
0xbd: {  	[sflag:s0] =	ssyncadd.remote.s32 $0x1  }
0xbe: {  	_ =	sfence.sel $0xFFFF  }
0xbf: {  	[dreg:$0x0] =	wrdreg $0xFFFFFFFF;
	(pc) =	sbr.abs _section_cstart, $3  }
0xc0: {  	[dreg:$0x1] =	wrdreg $0xFFFFFFFF  }
0xc1: {  	_ =	task.clear_ibuf [dreg:s7], $0x2FFFF;
	_ =	strace $0x9FFFFFFF  }
0xc2: {  	(tm) =	ssettm $0x7FFFFFFF  }
0xc3: {  	_ =	shalt  }
tec
execute0_lowered:
.L_overlay_start_1:
0x0: {  	(tag) =	ssettag $0x1  }
0x1: {  	s1 =	srdreg.scid  }
0x2: {  	s4 =	rddreg [dreg:$0x0];
	s0 =	stileid.u32;
	s13 =	sand.u32 $0x1, s1  }
0x3: {  	s10 =	rddreg [dreg:$0x1];
	s3 =	sshll.u32 s0, $0xB;
	s5 =	sshll.u32 s13, $0xA  }
0x4: {  	s2 =	simm.s32 $0x0;
	s1 =	rddreg [dreg:$0x2];
	s11 =	sor.u32 s5, s3  }
0x5: {  	[smem:$0x7FF] =	sst s2;
	s3 =	sshrl.u32 s11, $0x3;
	s14 =	sor.u32 $0x200, s11  }
0x6: {  	_ =	strace $0x80000053;
	s3 =	sadd.s32 s4, s3;
	s28 =	sshrl.u32 s14, $0x3  }
0x7: {  	[tilespmem:s2], [sflag:$0x1] =	stream.linear.gather [hbm4b:s3+s2], $0x200, $0x38;
	[tilespmem:$0x10400] =	vst v63  }
0x8: {  	s6 =	simm.s32 $0x1;
	s5 =	simm.s32 $0x200;
	s4 =	sadd.s32 s4, s28  }
0x9: {  	[tilespmem:s5], [sflag:$0x2] =	stream.linear.gather [hbm4b:s4+s2], $0x200, $0x38;
	[tilespmem:$0x10400] =	vst v63  }
0xa: {  	_ =	swait.ge [sflag:s6], $0x200  }
0xb: {  	s8 =	simm.s32 $0x400;
	[sflag:s6] =	ssyncset.done $0x0  }
0xc: {  	s9 =	simm.s32 $0x3;
	s7 =	sadd.s32 $0x87E00, s10;
	[sflag:s6] =	ssyncadd.s32 $0xFFFFFE00  }
0xd: {  	[tilespmem:s8], [sflag:$0x3] =	stream.indirect.gather [hbm4b:s7+s5], $0x40, s2, s5, $0xb8;
	[tilespmem:$0x10400] =	vst v63  }
0xe: {  	_ =	swait.ge [sflag:s9], $0x8000  }
0xf: {  	s15 =	sadd.s32 $0x7E00, s10;
	s29 =	sshll.u32 s11, $0x3;
	[sflag:s9] =	ssyncset.done $0x0  }
0x10: {  	s11 =	simm.s32 $0x2;
	s10 =	sadd.s32 s15, s29;
	[sflag:s9] =	ssyncadd.s32 $0xFFFF8000  }
0x11: {  	[hbm4b:s10+s2] =	stream.linear.scatter [tilespmem:s8], [sflag:$0x4], $0x8000, $0x38;
	[tilespmem:$0x10400] =	vst v63  }
0x12: {  	_ =	swait.ge [sflag:s11], $0x200  }
0x13: {  	s12 =	simm.s32 $0x8400;
	s16 =	ssub.s32 $0x2, s13;
	[sflag:s11] =	ssyncset.done $0x0  }
0x14: {  	s31 =	sshrl.u32 s16, $0x1;
	s30 =	sshll.u32 s14, $0x3;
	[sflag:s11] =	ssyncadd.s32 $0xFFFFFE00  }
0x15: {  	[tilespmem:s12], [sflag:$0x3] =	stream.indirect.gather [hbm4b:s7+s5], $0x40, s5, s5, $0xb8;
	[tilespmem:$0x10400] =	vst v63  }
0x16: {  	s13 =	sadd.s32 s15, s30;
	s15 =	ssub.s32 s16, s31;
	_ =	swait.ge [sflag:s9], $0x8000  }
0x17: {  	s16 =	smax.u32 s15, $0x1;
	[sflag:s9] =	ssyncset.done $0x0  }
0x18: {  	s14 =	simm.s32 $0x4;
	p0 =	sne.s32 s16, $0x1;
	[sflag:s9] =	ssyncadd.s32 $0xFFFF8000  }
0x19: {  	[hbm4b:s13+s2] =	stream.linear.scatter [tilespmem:s12], [sflag:$0x5], $0x8000, $0x38;
	[tilespmem:$0x10400] =	vst v63  }
.Ltmp0:
0x1a: {  	_ =	swait.ge [sflag:s14], $0x8000;
	(pc) =	sbr.rel @!p0 .LBB2_2-.Ltmp0, $4  }
0x1b: {  	[sflag:s14] =	ssyncset.done $0x0  }
0x1c: {  	s15 =	simm.s32 $0x5;
	[sflag:s14] =	ssyncadd.s32 $0xFFFF8000  }
0x1d: {  	_ =	swait.ge [sflag:s15], $0x8000  }
0x1e: {  	s16 =	sadd.s32 $0xFFFFFFFF, s16;
	[sflag:s15] =	ssyncset.done $0x0  }
.LBB2_1:
0x1f: {  	p0 =	sne.s32 s16, $0x1;
	s16 =	sadd.s32 $0xFFFFFFFF, s16;
	[sflag:s15] =	ssyncadd.s32 $0xFFFF8000  }
0x20: {  	[tilespmem:s2], [sflag:$0x1] =	stream.linear.gather [hbm4b:s3+s2], $0x200, $0x38;
	[tilespmem:$0x10400] =	vst v63  }
0x21: {  	_ = 	snop  }
0x22: {  	[tilespmem:s5], [sflag:$0x2] =	stream.linear.gather [hbm4b:s4+s2], $0x200, $0x38;
	[tilespmem:$0x10400] =	vst v63  }
0x23: {  	_ =	swait.ge [sflag:s6], $0x200  }
0x24: {  	[sflag:s6] =	ssyncset.done $0x0  }
0x25: {  	[sflag:s6] =	ssyncadd.s32 $0xFFFFFE00  }
0x26: {  	[tilespmem:s8], [sflag:$0x3] =	stream.indirect.gather [hbm4b:s7+s5], $0x40, s2, s5, $0xb8;
	[tilespmem:$0x10400] =	vst v63  }
0x27: {  	_ =	swait.ge [sflag:s9], $0x8000  }
0x28: {  	[sflag:s9] =	ssyncset.done $0x0  }
0x29: {  	[sflag:s9] =	ssyncadd.s32 $0xFFFF8000  }
0x2a: {  	[hbm4b:s10+s2] =	stream.linear.scatter [tilespmem:s8], [sflag:$0x4], $0x8000, $0x38;
	[tilespmem:$0x10400] =	vst v63  }
0x2b: {  	_ =	swait.ge [sflag:s11], $0x200  }
0x2c: {  	[sflag:s11] =	ssyncset.done $0x0  }
0x2d: {  	[sflag:s11] =	ssyncadd.s32 $0xFFFFFE00  }
0x2e: {  	[tilespmem:s12], [sflag:$0x3] =	stream.indirect.gather [hbm4b:s7+s5], $0x40, s5, s5, $0xb8;
	[tilespmem:$0x10400] =	vst v63  }
0x2f: {  	_ =	swait.ge [sflag:s9], $0x8000  }
0x30: {  	[sflag:s9] =	ssyncset.done $0x0  }
0x31: {  	[sflag:s9] =	ssyncadd.s32 $0xFFFF8000  }
0x32: {  	[hbm4b:s13+s2] =	stream.linear.scatter [tilespmem:s12], [sflag:$0x5], $0x8000, $0x38;
	[tilespmem:$0x10400] =	vst v63  }
.Ltmp1:
0x33: {  	_ =	swait.ge [sflag:s14], $0x8000;
	(pc) =	sbr.rel @p0 .LBB2_1-.Ltmp1, $4  }
0x34: {  	[sflag:s14] =	ssyncset.done $0x0  }
0x35: {  	[sflag:s14] =	ssyncadd.s32 $0xFFFF8000  }
0x36: {  	_ =	swait.ge [sflag:s15], $0x8000  }
0x37: {  	[sflag:s15] =	ssyncset.done $0x0  }
.LBB2_2:
0x38: {  	[sflag:s15] =	ssyncadd.s32 $0xFFFF8000  }
0x39: {  	_ =	sfence.sel $0x180000  }
0x3a: {  	[bflag:$0x0] =	sbarrier.arrive $0xFFFF  }
0x3b: {  	p0 =	sne.s32 s0, $0x0;
	_ =	strace $0x90000053  }
0x3c: {  	s0 =	sadd.s32 @!p0 $0x100000, s1;
	[bflag:$0x2] =	sbarrier.arrive $0xFFFF  }
0x3d: {  	[sflag:s0] =	ssyncadd.tile.s32 @!p0 $0x1;
	_ =	shalt  }
.Lfunc_end2:
_tile_overlayer_lowered:
.L_overlay_start_2:
0x3e: {  	(tag) =	ssettag $0x2  }
0x3f: {  	s0 =	rddreg [dreg:$0x0];
	s2 =	stileid.u32  }
0x40: {  	s1 =	rddreg [dreg:$0x1];
	p0 =	sne.s32 s2, $0x0  }
0x41: {  	s3 =	rddreg [dreg:$0x2];
	[bflag:$0x3] =	sbarrier.arrive $0xFFFF;
	s2 =	simm.s32 @!p0 $0x1C06  }
0x42: {  	[timem:s3], [sflag:s2] =	dma.local @!p0 [hbm:s0], s1  }
0x43: {  	s0 =	simm.s32 @!p0 $0x6  }
0x44: {  	_ =	swait.ge @!p0 [sflag:s0], s1  }
0x45: {  	s1 =	ssub.s32 @!p0 $0x0, s1;
	[sflag:s0] =	ssyncset.done @!p0 $0x0  }
0x46: {  	[sflag:s0] =	ssyncadd.s32 @!p0 s1  }
0x47: {  	[bflag:$0x3] =	sbarrier.arrive $0xFFFF  }
0x48: {  	_ =	shalt  }

</sc_bundles>
